<compile_context>
chip_gen: v7x
topology: tpu7x:2x2x1
jax: 0.10.2.dev20260603
libtpu: 0.0.44.dev20260713+nightly
codegen_flags: <defaults>
</compile_context>

<pallas_src>
import functools

import jax
import jax.numpy as jnp
from jax import lax
from jax.experimental import pallas as pl
from jax.experimental.pallas import tpu as pltpu
from jax.experimental.pallas import tpu_sc as plsc

_MASKING_RATIO = 0.75


def _lex_lt(av, ai, bv, bi):
    return (av < bv) | ((av == bv) & (ai < bi))


def _substage(val, key_i, pos, j, k):
    low = (pos & j) == 0
    pval = jnp.where(low, jnp.roll(val, -j, axis=1), jnp.roll(val, j, axis=1))
    pidx = jnp.where(low, jnp.roll(key_i, -j, axis=1),
                     jnp.roll(key_i, j, axis=1))
    lt = _lex_lt(val, key_i, pval, pidx)
    up = (pos & k) == 0
    take_self = lt == (low == up)
    return jnp.where(take_self, val, pval), jnp.where(take_self, key_i, pidx)


def _sort_mask_body(noise_ref, gids_ref, mask_ref):
    n, l = noise_ref.shape
    keep = gids_ref.shape[1]
    orig = noise_ref[...]
    pos = lax.broadcasted_iota(jnp.int32, (n, l), 1)
    val = lax.bitcast_convert_type(orig, jnp.int32)
    key_i = pos
    k = 2
    while k <= keep:
        j = k // 2
        while j >= 1:
            val, key_i = _substage(val, key_i, pos, j, k)
            j //= 2
        k *= 2
    disc_vs, disc_is = [], []
    width = l
    while width > keep:
        half = width // 2
        nb = half // keep
        lo_v = jnp.concatenate(
            [val[:, 2 * b * keep:(2 * b + 1) * keep] for b in range(nb)], axis=1)
        hi_v = jnp.concatenate(
            [val[:, (2 * b + 1) * keep:(2 * b + 2) * keep] for b in range(nb)], axis=1)
        lo_i = jnp.concatenate(
            [key_i[:, 2 * b * keep:(2 * b + 1) * keep] for b in range(nb)], axis=1)
        hi_i = jnp.concatenate(
            [key_i[:, (2 * b + 1) * keep:(2 * b + 2) * keep] for b in range(nb)], axis=1)
        swap = _lex_lt(hi_v, hi_i, lo_v, lo_i)
        val = jnp.where(swap, hi_v, lo_v)
        key_i = jnp.where(swap, hi_i, lo_i)
        disc_vs.append(jnp.where(swap, lo_v, hi_v))
        disc_is.append(jnp.where(swap, lo_i, hi_i))
        width = half
        if width > keep:
            pos_w = lax.broadcasted_iota(jnp.int32, (n, width), 1)
            j = keep // 2
            while j >= 1:
                val, key_i = _substage(val, key_i, pos_w, j, keep)
                j //= 2
    pos_k = lax.broadcasted_iota(jnp.int32, (n, keep), 1)
    j = keep // 2
    while j >= 1:
        val, key_i = _substage(val, key_i, pos_k, j, 2 * keep)
        j //= 2
    disc_v, disc_i = None, None
    for dv, di in zip(disc_vs, disc_is):
        w = dv.shape[1]
        while w > 1:
            h = w // 2
            a_v, b_v = dv[:, :h], dv[:, h:w]
            a_i, b_i = di[:, :h], di[:, h:w]
            t = _lex_lt(b_v, b_i, a_v, a_i)
            dv = jnp.where(t, b_v, a_v)
            di = jnp.where(t, b_i, a_i)
            w = h
        if disc_v is None:
            disc_v, disc_i = dv, di
        else:
            t = _lex_lt(dv, di, disc_v, disc_i)
            disc_v = jnp.where(t, dv, disc_v)
            disc_i = jnp.where(t, di, disc_i)
    row = lax.broadcasted_iota(jnp.int32, (n, keep), 0)
    gids_ref[...] = key_i + row * l
    tv = disc_v[:, :1]
    ti = disc_i[:, :1]
    bits = lax.bitcast_convert_type(orig, jnp.int32)
    mask = (bits > tv) | ((bits == tv) & (pos >= ti))
    mask_ref[...] = mask.astype(mask_ref.dtype)


def _sort_mask(noise, keep):
    n, l = noise.shape
    return pl.pallas_call(
        _sort_mask_body,
        out_shape=(
            jax.ShapeDtypeStruct((n, keep), jnp.int32),
            jax.ShapeDtypeStruct((n, l), jnp.float32),
        ),
    )(noise)


def _make_sc_gather(n, keep, d, chunk):
    rows = n * keep
    info = plsc.get_sparse_core_info()
    nc, ns = info.num_cores, info.num_subcores
    nw = nc * ns
    per_w = rows // nw
    rows_per_w = per_w // keep
    assert per_w % chunk == 0 and per_w % 8 == 0 and chunk % 8 == 0
    assert per_w % keep == 0 and keep % chunk == 0
    n_chunks = per_w // chunk
    mesh = plsc.VectorSubcoreMesh(core_axis_name="c", subcore_axis_name="s")

    @functools.partial(
        pl.kernel,
        mesh=mesh,
        out_type=jax.ShapeDtypeStruct((rows, d), jnp.float32),
        scratch_types=(
            [pltpu.VMEM((per_w,), jnp.int32)]
            + [pltpu.VMEM((chunk, d), jnp.float32) for _ in range(5)]
            + [pltpu.SemaphoreType.DMA for _ in range(10)]
        ),
    )
    def gather(table_hbm, gids_hbm, out_hbm, idx_all, *bufsem):
        nbuf = 5
        bufs = bufsem[:nbuf]
        gsem = bufsem[nbuf:2 * nbuf]
        wsem = bufsem[2 * nbuf:3 * nbuf]
        wid = lax.axis_index("s") * nc + lax.axis_index("c")
        base = wid * per_w

        def load_ids(r):
            pltpu.sync_copy(gids_hbm.at[wid * rows_per_w + r],
                            idx_all.at[pl.ds(r * keep, keep)])

        load_ids(0)

        def start(c):
            return pltpu.async_copy(
                table_hbm.at[idx_all.at[pl.ds(c * chunk, chunk)]],
                bufs[c % nbuf], gsem[c % nbuf])

        def wback(c):
            return pltpu.async_copy(
                bufs[c % nbuf], out_hbm.at[pl.ds(base + c * chunk, chunk)],
                wsem[c % nbuf])

        gcp = [None] * n_chunks
        wcp = [None] * n_chunks
        waited = set()
        for c in range(min(nbuf, n_chunks)):
            gcp[c] = start(c)
        for r in range(1, rows_per_w):
            load_ids(r)
        for c in range(n_chunks):
            gcp[c].wait()
            wcp[c] = wback(c)
            if c + nbuf < n_chunks:
                wcp[c].wait()
                waited.add(c)
                gcp[c + nbuf] = start(c + nbuf)
        for c in range(n_chunks):
            if c not in waited:
                wcp[c].wait()

    return gather


def kernel(x, noise):
    n, l, d = x.shape
    keep = int(l * (1 - _MASKING_RATIO))
    gids, mask = _sort_mask(noise, keep)
    table = x.reshape(n * l, d)
    gather = _make_sc_gather(n, keep, d, chunk=32)
    x_masked = gather(table, gids)
    return x_masked.reshape(n, keep, d), mask

# --- scband reference (transcript-rebuilt; emitter-appended) ---
"""Pipeline reference for scband-random-masking-20057497272635 (READ-ONLY COPY).

The authoritative reference and input builder live on the scoring server;
editing this copy changes nothing except your own understanding.
"""

import jax, jax.numpy as jnp
import numpy as np

MASKING_RATIO = 0.75


def setup_inputs(seed: int = 0) -> dict:
    key = jax.random.key(seed)
    k1, k2 = jax.random.split(key)
    N, L, D = 64, 1024, 768
    x = jax.random.normal(k1, (N, L, D), dtype=jnp.float32)
    # The torch module draws noise internally via torch.rand; we materialize it
    # here as an explicit input so the computation is deterministic.
    noise = jax.random.uniform(k2, (N, L), dtype=jnp.float32)
    return {"x": x, "noise": noise}


def reference(x, noise):
    N, L, D = x.shape
    len_keep = int(L * (1 - MASKING_RATIO))
    # sort noise for each sample: ascend -> small noise is kept
    ids_shuffle = jnp.argsort(noise, axis=1)          # [N, L]
    ids_restore = jnp.argsort(ids_shuffle, axis=1)    # [N, L]
    # keep the first subset
    ids_keep = ids_shuffle[:, :len_keep]              # [N, len_keep]
    x_masked = jnp.take_along_axis(x, ids_keep[:, :, None], axis=1)  # [N, len_keep, D]
    # generate the binary mask: 0 is keep, 1 is remove
    mask = jnp.ones((N, L), dtype=x.dtype)
    mask = mask.at[:, :len_keep].set(0.0)
    mask = jnp.take_along_axis(mask, ids_restore, axis=1)
    return (x_masked, mask)

if __name__ == "__main__":
    import jax
    _d = setup_inputs()
    print(jax.jit(kernel)(*tuple(_d.values())))

</pallas_src>

<mosaic_0001>
#map = affine_map<(d0, d1) -> (0, 0)>
module attributes {stable_mosaic.version = 14 : i64} {
  func.func @gather(%arg0: i32, %arg1: i32, %arg2: memref<65536x768xf32, #tpu.memory_space<hbm>>, %arg3: memref<64x256xi32, #tpu.memory_space<hbm>>, %arg4: memref<16384x768xf32, #tpu.memory_space<hbm>>, %arg5: memref<512xi32, #tpu.memory_space<vmem>>, %arg6: memref<32x768xf32, #tpu.memory_space<vmem>>, %arg7: memref<32x768xf32, #tpu.memory_space<vmem>>, %arg8: memref<32x768xf32, #tpu.memory_space<vmem>>, %arg9: memref<32x768xf32, #tpu.memory_space<vmem>>, %arg10: memref<32x768xf32, #tpu.memory_space<vmem>>, %arg11: memref<!tpu.dma_semaphore, #tpu.memory_space<semaphore_mem>>, %arg12: memref<!tpu.dma_semaphore, #tpu.memory_space<semaphore_mem>>, %arg13: memref<!tpu.dma_semaphore, #tpu.memory_space<semaphore_mem>>, %arg14: memref<!tpu.dma_semaphore, #tpu.memory_space<semaphore_mem>>, %arg15: memref<!tpu.dma_semaphore, #tpu.memory_space<semaphore_mem>>, %arg16: memref<!tpu.dma_semaphore, #tpu.memory_space<semaphore_mem>>, %arg17: memref<!tpu.dma_semaphore, #tpu.memory_space<semaphore_mem>>, %arg18: memref<!tpu.dma_semaphore, #tpu.memory_space<semaphore_mem>>, %arg19: memref<!tpu.dma_semaphore, #tpu.memory_space<semaphore_mem>>, %arg20: memref<!tpu.dma_semaphore, #tpu.memory_space<semaphore_mem>>) attributes {dimension_semantics = [#tpu.dimension_semantics<core_parallel>, #tpu.dimension_semantics<subcore_parallel>], iteration_bounds = array<i64: 2, 16>, scalar_prefetch = 0 : i64, scratch_operands = 16 : i64, tpu.core_type = #tpu.core_type<sc_vector_subcore>, window_params = [{transform_indices = #map}, {transform_indices = #map}, {transform_indices = #map}]} {
    %mul3A = arith.constant 2 : i32
    %mul3A_0 = arith.muli %arg1, %mul3A : i32
    %add3A = arith.addi %mul3A_0, %arg0 : i32
    %mul3A_1 = arith.constant 512 : i32
    %mul3A_2 = arith.muli %add3A, %mul3A_1 : i32
    %mul3A_3 = arith.constant 2 : i32
    %mul3A_4 = arith.muli %add3A, %mul3A_3 : i32
    %add3A_5 = arith.constant 0 : i32
    %add3A_6 = arith.addi %mul3A_4, %add3A_5 : i32
    "tpu.region"() ({
      %run_scoped3A = tpu.sem_alloc : memref<!tpu.dma_semaphore, #tpu.memory_space<semaphore_mem>>
      %dma_start3A_329 = arith.constant 0 : i32
      %dma_start3A_330 = tpu.memref_slice %arg5[%dma_start3A_329] : memref<512xi32, #tpu.memory_space<vmem>> -> memref<256xi32, #tpu.memory_space<vmem>>
      %dma_start3A_331 = arith.constant 0 : i32
      %dma_start3A_332 = tpu.memref_slice %arg3[%add3A_6, %dma_start3A_331] : memref<64x256xi32, #tpu.memory_space<hbm>> -> memref<1x256xi32, #tpu.memory_space<hbm>>
      %dma_start3A_333 = tpu.memref_squeeze %dma_start3A_332 : memref<1x256xi32, #tpu.memory_space<hbm>> -> memref<256xi32, #tpu.memory_space<hbm>>
      %dma_start3A_334 = arith.constant 0 : i32
      %dma_start3A_335 = tpu.memref_slice %arg5[%dma_start3A_334] : memref<512xi32, #tpu.memory_space<vmem>> -> memref<256xi32, #tpu.memory_space<vmem>>
      %dma_start3A_336 = arith.constant 0 : i32
      %dma_start3A_337 = tpu.memref_slice %arg3[%add3A_6, %dma_start3A_336] : memref<64x256xi32, #tpu.memory_space<hbm>> -> memref<1x256xi32, #tpu.memory_space<hbm>>
      %dma_start3A_338 = tpu.memref_squeeze %dma_start3A_337 : memref<1x256xi32, #tpu.memory_space<hbm>> -> memref<256xi32, #tpu.memory_space<hbm>>
      tpu.enqueue_dma source(%dma_start3A_338 : memref<256xi32, #tpu.memory_space<hbm>>) target(%dma_start3A_335 : memref<256xi32, #tpu.memory_space<vmem>>) target_semaphore(%run_scoped3A : memref<!tpu.dma_semaphore, #tpu.memory_space<semaphore_mem>>)
      %dma_wait3A_339 = arith.constant 0 : i32
      %dma_wait3A_340 = tpu.memref_slice %arg5[%dma_wait3A_339] : memref<512xi32, #tpu.memory_space<vmem>> -> memref<256xi32, #tpu.memory_space<vmem>>
      %dma_wait3A_341 = arith.constant 0 : i32
      %dma_wait3A_342 = tpu.memref_slice %arg3[%add3A_6, %dma_wait3A_341] : memref<64x256xi32, #tpu.memory_space<hbm>> -> memref<1x256xi32, #tpu.memory_space<hbm>>
      %dma_wait3A_343 = tpu.memref_squeeze %dma_wait3A_342 : memref<1x256xi32, #tpu.memory_space<hbm>> -> memref<256xi32, #tpu.memory_space<hbm>>
      %dma_wait3A_344 = arith.constant 0 : i32
      %dma_wait3A_345 = tpu.memref_slice %arg5[%dma_wait3A_344] : memref<512xi32, #tpu.memory_space<vmem>> -> memref<256xi32, #tpu.memory_space<vmem>>
      %dma_wait3A_346 = arith.constant 0 : i32
      %dma_wait3A_347 = tpu.memref_slice %arg3[%add3A_6, %dma_wait3A_346] : memref<64x256xi32, #tpu.memory_space<hbm>> -> memref<1x256xi32, #tpu.memory_space<hbm>>
      %dma_wait3A_348 = tpu.memref_squeeze %dma_wait3A_347 : memref<1x256xi32, #tpu.memory_space<hbm>> -> memref<256xi32, #tpu.memory_space<hbm>>
      tpu.wait_dma2 semaphore(%run_scoped3A : memref<!tpu.dma_semaphore, #tpu.memory_space<semaphore_mem>>) src(%dma_wait3A_348 : memref<256xi32, #tpu.memory_space<hbm>>) dst(%dma_wait3A_345 : memref<256xi32, #tpu.memory_space<vmem>>)
      tpu.yield
    }) : () -> ()
    %dma_start3A = arith.constant 0 : i32
    %dma_start3A_7 = tpu.memref_slice %arg5[%dma_start3A] : memref<512xi32, #tpu.memory_space<vmem>> -> memref<32xi32, #tpu.memory_space<vmem>>
    %dma_start3A_8 = arith.constant 0 : i32
    %dma_start3A_9 = arith.constant 0 : i32
    %dma_start3A_10 = tpu.memref_slice %arg2[%dma_start3A_8, %dma_start3A_9] : memref<65536x768xf32, #tpu.memory_space<hbm>> -> memref<65536x768xf32, #tpu.memory_space<hbm>>
    tpu.enqueue_indirect_dma source(%dma_start3A_10 : memref<65536x768xf32, #tpu.memory_space<hbm>>) target(%arg6 : memref<32x768xf32, #tpu.memory_space<vmem>>) offsets(%dma_start3A_7 : memref<32xi32, #tpu.memory_space<vmem>>) semaphore(%arg11 : memref<!tpu.dma_semaphore, #tpu.memory_space<semaphore_mem>>)
    %dma_start3A_11 = arith.constant 32 : i32
    %dma_start3A_12 = tpu.memref_slice %arg5[%dma_start3A_11] : memref<512xi32, #tpu.memory_space<vmem>> -> memref<32xi32, #tpu.memory_space<vmem>>
    %dma_start3A_13 = arith.constant 0 : i32
    %dma_start3A_14 = arith.constant 0 : i32
    %dma_start3A_15 = tpu.memref_slice %arg2[%dma_start3A_13, %dma_start3A_14] : memref<65536x768xf32, #tpu.memory_space<hbm>> -> memref<65536x768xf32, #tpu.memory_space<hbm>>
    tpu.enqueue_indirect_dma source(%dma_start3A_15 : memref<65536x768xf32, #tpu.memory_space<hbm>>) target(%arg7 : memref<32x768xf32, #tpu.memory_space<vmem>>) offsets(%dma_start3A_12 : memref<32xi32, #tpu.memory_space<vmem>>) semaphore(%arg12 : memref<!tpu.dma_semaphore, #tpu.memory_space<semaphore_mem>>)
    %dma_start3A_16 = arith.constant 64 : i32
    %dma_start3A_17 = tpu.memref_slice %arg5[%dma_start3A_16] : memref<512xi32, #tpu.memory_space<vmem>> -> memref<32xi32, #tpu.memory_space<vmem>>
    %dma_start3A_18 = arith.constant 0 : i32
    %dma_start3A_19 = arith.constant 0 : i32
    %dma_start3A_20 = tpu.memref_slice %arg2[%dma_start3A_18, %dma_start3A_19] : memref<65536x768xf32, #tpu.memory_space<hbm>> -> memref<65536x768xf32, #tpu.memory_space<hbm>>
    tpu.enqueue_indirect_dma source(%dma_start3A_20 : memref<65536x768xf32, #tpu.memory_space<hbm>>) target(%arg8 : memref<32x768xf32, #tpu.memory_space<vmem>>) offsets(%dma_start3A_17 : memref<32xi32, #tpu.memory_space<vmem>>) semaphore(%arg13 : memref<!tpu.dma_semaphore, #tpu.memory_space<semaphore_mem>>)
    %dma_start3A_21 = arith.constant 96 : i32
    %dma_start3A_22 = tpu.memref_slice %arg5[%dma_start3A_21] : memref<512xi32, #tpu.memory_space<vmem>> -> memref<32xi32, #tpu.memory_space<vmem>>
    %dma_start3A_23 = arith.constant 0 : i32
    %dma_start3A_24 = arith.constant 0 : i32
    %dma_start3A_25 = tpu.memref_slice %arg2[%dma_start3A_23, %dma_start3A_24] : memref<65536x768xf32, #tpu.memory_space<hbm>> -> memref<65536x768xf32, #tpu.memory_space<hbm>>
    tpu.enqueue_indirect_dma source(%dma_start3A_25 : memref<65536x768xf32, #tpu.memory_space<hbm>>) target(%arg9 : memref<32x768xf32, #tpu.memory_space<vmem>>) offsets(%dma_start3A_22 : memref<32xi32, #tpu.memory_space<vmem>>) semaphore(%arg14 : memref<!tpu.dma_semaphore, #tpu.memory_space<semaphore_mem>>)
    %dma_start3A_26 = arith.constant 128 : i32
    %dma_start3A_27 = tpu.memref_slice %arg5[%dma_start3A_26] : memref<512xi32, #tpu.memory_space<vmem>> -> memref<32xi32, #tpu.memory_space<vmem>>
    %dma_start3A_28 = arith.constant 0 : i32
    %dma_start3A_29 = arith.constant 0 : i32
    %dma_start3A_30 = tpu.memref_slice %arg2[%dma_start3A_28, %dma_start3A_29] : memref<65536x768xf32, #tpu.memory_space<hbm>> -> memref<65536x768xf32, #tpu.memory_space<hbm>>
    tpu.enqueue_indirect_dma source(%dma_start3A_30 : memref<65536x768xf32, #tpu.memory_space<hbm>>) target(%arg10 : memref<32x768xf32, #tpu.memory_space<vmem>>) offsets(%dma_start3A_27 : memref<32xi32, #tpu.memory_space<vmem>>) semaphore(%arg15 : memref<!tpu.dma_semaphore, #tpu.memory_space<semaphore_mem>>)
    %mul3A_31 = arith.constant 2 : i32
    %mul3A_32 = arith.muli %add3A, %mul3A_31 : i32
    %add3A_33 = arith.constant 1 : i32
    %add3A_34 = arith.addi %mul3A_32, %add3A_33 : i32
    "tpu.region"() ({
      %run_scoped3A = tpu.sem_alloc : memref<!tpu.dma_semaphore, #tpu.memory_space<semaphore_mem>>
      %dma_start3A_329 = arith.constant 256 : i32
      %dma_start3A_330 = tpu.memref_slice %arg5[%dma_start3A_329] : memref<512xi32, #tpu.memory_space<vmem>> -> memref<256xi32, #tpu.memory_space<vmem>>
      %dma_start3A_331 = arith.constant 0 : i32
      %dma_start3A_332 = tpu.memref_slice %arg3[%add3A_34, %dma_start3A_331] : memref<64x256xi32, #tpu.memory_space<hbm>> -> memref<1x256xi32, #tpu.memory_space<hbm>>
      %dma_start3A_333 = tpu.memref_squeeze %dma_start3A_332 : memref<1x256xi32, #tpu.memory_space<hbm>> -> memref<256xi32, #tpu.memory_space<hbm>>
      %dma_start3A_334 = arith.constant 256 : i32
      %dma_start3A_335 = tpu.memref_slice %arg5[%dma_start3A_334] : memref<512xi32, #tpu.memory_space<vmem>> -> memref<256xi32, #tpu.memory_space<vmem>>
      %dma_start3A_336 = arith.constant 0 : i32
      %dma_start3A_337 = tpu.memref_slice %arg3[%add3A_34, %dma_start3A_336] : memref<64x256xi32, #tpu.memory_space<hbm>> -> memref<1x256xi32, #tpu.memory_space<hbm>>
      %dma_start3A_338 = tpu.memref_squeeze %dma_start3A_337 : memref<1x256xi32, #tpu.memory_space<hbm>> -> memref<256xi32, #tpu.memory_space<hbm>>
      tpu.enqueue_dma source(%dma_start3A_338 : memref<256xi32, #tpu.memory_space<hbm>>) target(%dma_start3A_335 : memref<256xi32, #tpu.memory_space<vmem>>) target_semaphore(%run_scoped3A : memref<!tpu.dma_semaphore, #tpu.memory_space<semaphore_mem>>)
      %dma_wait3A_339 = arith.constant 256 : i32
      %dma_wait3A_340 = tpu.memref_slice %arg5[%dma_wait3A_339] : memref<512xi32, #tpu.memory_space<vmem>> -> memref<256xi32, #tpu.memory_space<vmem>>
      %dma_wait3A_341 = arith.constant 0 : i32
      %dma_wait3A_342 = tpu.memref_slice %arg3[%add3A_34, %dma_wait3A_341] : memref<64x256xi32, #tpu.memory_space<hbm>> -> memref<1x256xi32, #tpu.memory_space<hbm>>
      %dma_wait3A_343 = tpu.memref_squeeze %dma_wait3A_342 : memref<1x256xi32, #tpu.memory_space<hbm>> -> memref<256xi32, #tpu.memory_space<hbm>>
      %dma_wait3A_344 = arith.constant 256 : i32
      %dma_wait3A_345 = tpu.memref_slice %arg5[%dma_wait3A_344] : memref<512xi32, #tpu.memory_space<vmem>> -> memref<256xi32, #tpu.memory_space<vmem>>
      %dma_wait3A_346 = arith.constant 0 : i32
      %dma_wait3A_347 = tpu.memref_slice %arg3[%add3A_34, %dma_wait3A_346] : memref<64x256xi32, #tpu.memory_space<hbm>> -> memref<1x256xi32, #tpu.memory_space<hbm>>
      %dma_wait3A_348 = tpu.memref_squeeze %dma_wait3A_347 : memref<1x256xi32, #tpu.memory_space<hbm>> -> memref<256xi32, #tpu.memory_space<hbm>>
      tpu.wait_dma2 semaphore(%run_scoped3A : memref<!tpu.dma_semaphore, #tpu.memory_space<semaphore_mem>>) src(%dma_wait3A_348 : memref<256xi32, #tpu.memory_space<hbm>>) dst(%dma_wait3A_345 : memref<256xi32, #tpu.memory_space<vmem>>)
      tpu.yield
    }) : () -> ()
    %dma_wait3A = arith.constant 0 : i32
    %dma_wait3A_35 = tpu.memref_slice %arg5[%dma_wait3A] : memref<512xi32, #tpu.memory_space<vmem>> -> memref<32xi32, #tpu.memory_space<vmem>>
    %dma_wait3A_36 = arith.constant 0 : i32
    %dma_wait3A_37 = arith.constant 0 : i32
    %dma_wait3A_38 = tpu.memref_slice %arg2[%dma_wait3A_36, %dma_wait3A_37] : memref<65536x768xf32, #tpu.memory_space<hbm>> -> memref<65536x768xf32, #tpu.memory_space<hbm>>
    tpu.wait_indirect_dma semaphore(%arg11 : memref<!tpu.dma_semaphore, #tpu.memory_space<semaphore_mem>>) src(%dma_wait3A_38 : memref<65536x768xf32, #tpu.memory_space<hbm>>) dst(%arg6 : memref<32x768xf32, #tpu.memory_space<vmem>>)
    %add3A_39 = arith.constant 0 : i32
    %add3A_40 = arith.addi %mul3A_2, %add3A_39 : i32
    %dma_start3A_41 = arith.constant 0 : i32
    %dma_start3A_42 = tpu.memref_slice %arg4[%add3A_40, %dma_start3A_41] : memref<16384x768xf32, #tpu.memory_space<hbm>> -> memref<32x768xf32, #tpu.memory_space<hbm>>
    %dma_start3A_43 = arith.constant 0 : i32
    %dma_start3A_44 = tpu.memref_slice %arg4[%add3A_40, %dma_start3A_43] : memref<16384x768xf32, #tpu.memory_space<hbm>> -> memref<32x768xf32, #tpu.memory_space<hbm>>
    tpu.enqueue_dma source(%arg6 : memref<32x768xf32, #tpu.memory_space<vmem>>) target(%dma_start3A_44 : memref<32x768xf32, #tpu.memory_space<hbm>>) target_semaphore(%arg16 : memref<!tpu.dma_semaphore, #tpu.memory_space<semaphore_mem>>)
    %dma_wait3A_45 = arith.constant 0 : i32
    %dma_wait3A_46 = tpu.memref_slice %arg4[%add3A_40, %dma_wait3A_45] : memref<16384x768xf32, #tpu.memory_space<hbm>> -> memref<32x768xf32, #tpu.memory_space<hbm>>
    %dma_wait3A_47 = arith.constant 0 : i32
    %dma_wait3A_48 = tpu.memref_slice %arg4[%add3A_40, %dma_wait3A_47] : memref<16384x768xf32, #tpu.memory_space<hbm>> -> memref<32x768xf32, #tpu.memory_space<hbm>>
    tpu.wait_dma2 semaphore(%arg16 : memref<!tpu.dma_semaphore, #tpu.memory_space<semaphore_mem>>) src(%arg6 : memref<32x768xf32, #tpu.memory_space<vmem>>) dst(%dma_wait3A_48 : memref<32x768xf32, #tpu.memory_space<hbm>>)
    %dma_start3A_49 = arith.constant 160 : i32
    %dma_start3A_50 = tpu.memref_slice %arg5[%dma_start3A_49] : memref<512xi32, #tpu.memory_space<vmem>> -> memref<32xi32, #tpu.memory_space<vmem>>
    %dma_start3A_51 = arith.constant 0 : i32
    %dma_start3A_52 = arith.constant 0 : i32
    %dma_start3A_53 = tpu.memref_slice %arg2[%dma_start3A_51, %dma_start3A_52] : memref<65536x768xf32, #tpu.memory_space<hbm>> -> memref<65536x768xf32, #tpu.memory_space<hbm>>
    tpu.enqueue_indirect_dma source(%dma_start3A_53 : memref<65536x768xf32, #tpu.memory_space<hbm>>) target(%arg6 : memref<32x768xf32, #tpu.memory_space<vmem>>) offsets(%dma_start3A_50 : memref<32xi32, #tpu.memory_space<vmem>>) semaphore(%arg11 : memref<!tpu.dma_semaphore, #tpu.memory_space<semaphore_mem>>)
    %dma_wait3A_54 = arith.constant 32 : i32
    %dma_wait3A_55 = tpu.memref_slice %arg5[%dma_wait3A_54] : memref<512xi32, #tpu.memory_space<vmem>> -> memref<32xi32, #tpu.memory_space<vmem>>
    %dma_wait3A_56 = arith.constant 0 : i32
    %dma_wait3A_57 = arith.constant 0 : i32
    %dma_wait3A_58 = tpu.memref_slice %arg2[%dma_wait3A_56, %dma_wait3A_57] : memref<65536x768xf32, #tpu.memory_space<hbm>> -> memref<65536x768xf32, #tpu.memory_space<hbm>>
    tpu.wait_indirect_dma semaphore(%arg12 : memref<!tpu.dma_semaphore, #tpu.memory_space<semaphore_mem>>) src(%dma_wait3A_58 : memref<65536x768xf32, #tpu.memory_space<hbm>>) dst(%arg7 : memref<32x768xf32, #tpu.memory_space<vmem>>)
    %add3A_59 = arith.constant 32 : i32
    %add3A_60 = arith.addi %mul3A_2, %add3A_59 : i32
    %dma_start3A_61 = arith.constant 0 : i32
    %dma_start3A_62 = tpu.memref_slice %arg4[%add3A_60, %dma_start3A_61] : memref<16384x768xf32, #tpu.memory_space<hbm>> -> memref<32x768xf32, #tpu.memory_space<hbm>>
    %dma_start3A_63 = arith.constant 0 : i32
    %dma_start3A_64 = tpu.memref_slice %arg4[%add3A_60, %dma_start3A_63] : memref<16384x768xf32, #tpu.memory_space<hbm>> -> memref<32x768xf32, #tpu.memory_space<hbm>>
    tpu.enqueue_dma source(%arg7 : memref<32x768xf32, #tpu.memory_space<vmem>>) target(%dma_start3A_64 : memref<32x768xf32, #tpu.memory_space<hbm>>) target_semaphore(%arg17 : memref<!tpu.dma_semaphore, #tpu.memory_space<semaphore_mem>>)
    %dma_wait3A_65 = arith.constant 0 : i32
    %dma_wait3A_66 = tpu.memref_slice %arg4[%add3A_60, %dma_wait3A_65] : memref<16384x768xf32, #tpu.memory_space<hbm>> -> memref<32x768xf32, #tpu.memory_space<hbm>>
    %dma_wait3A_67 = arith.constant 0 : i32
    %dma_wait3A_68 = tpu.memref_slice %arg4[%add3A_60, %dma_wait3A_67] : memref<16384x768xf32, #tpu.memory_space<hbm>> -> memref<32x768xf32, #tpu.memory_space<hbm>>
    tpu.wait_dma2 semaphore(%arg17 : memref<!tpu.dma_semaphore, #tpu.memory_space<semaphore_mem>>) src(%arg7 : memref<32x768xf32, #tpu.memory_space<vmem>>) dst(%dma_wait3A_68 : memref<32x768xf32, #tpu.memory_space<hbm>>)
    %dma_start3A_69 = arith.constant 192 : i32
    %dma_start3A_70 = tpu.memref_slice %arg5[%dma_start3A_69] : memref<512xi32, #tpu.memory_space<vmem>> -> memref<32xi32, #tpu.memory_space<vmem>>
    %dma_start3A_71 = arith.constant 0 : i32
    %dma_start3A_72 = arith.constant 0 : i32
    %dma_start3A_73 = tpu.memref_slice %arg2[%dma_start3A_71, %dma_start3A_72] : memref<65536x768xf32, #tpu.memory_space<hbm>> -> memref<65536x768xf32, #tpu.memory_space<hbm>>
    tpu.enqueue_indirect_dma source(%dma_start3A_73 : memref<65536x768xf32, #tpu.memory_space<hbm>>) target(%arg7 : memref<32x768xf32, #tpu.memory_space<vmem>>) offsets(%dma_start3A_70 : memref<32xi32, #tpu.memory_space<vmem>>) semaphore(%arg12 : memref<!tpu.dma_semaphore, #tpu.memory_space<semaphore_mem>>)
    %dma_wait3A_74 = arith.constant 64 : i32
    %dma_wait3A_75 = tpu.memref_slice %arg5[%dma_wait3A_74] : memref<512xi32, #tpu.memory_space<vmem>> -> memref<32xi32, #tpu.memory_space<vmem>>
    %dma_wait3A_76 = arith.constant 0 : i32
    %dma_wait3A_77 = arith.constant 0 : i32
    %dma_wait3A_78 = tpu.memref_slice %arg2[%dma_wait3A_76, %dma_wait3A_77] : memref<65536x768xf32, #tpu.memory_space<hbm>> -> memref<65536x768xf32, #tpu.memory_space<hbm>>
    tpu.wait_indirect_dma semaphore(%arg13 : memref<!tpu.dma_semaphore, #tpu.memory_space<semaphore_mem>>) src(%dma_wait3A_78 : memref<65536x768xf32, #tpu.memory_space<hbm>>) dst(%arg8 : memref<32x768xf32, #tpu.memory_space<vmem>>)
    %add3A_79 = arith.constant 64 : i32
    %add3A_80 = arith.addi %mul3A_2, %add3A_79 : i32
    %dma_start3A_81 = arith.constant 0 : i32
    %dma_start3A_82 = tpu.memref_slice %arg4[%add3A_80, %dma_start3A_81] : memref<16384x768xf32, #tpu.memory_space<hbm>> -> memref<32x768xf32, #tpu.memory_space<hbm>>
    %dma_start3A_83 = arith.constant 0 : i32
    %dma_start3A_84 = tpu.memref_slice %arg4[%add3A_80, %dma_start3A_83] : memref<16384x768xf32, #tpu.memory_space<hbm>> -> memref<32x768xf32, #tpu.memory_space<hbm>>
    tpu.enqueue_dma source(%arg8 : memref<32x768xf32, #tpu.memory_space<vmem>>) target(%dma_start3A_84 : memref<32x768xf32, #tpu.memory_space<hbm>>) target_semaphore(%arg18 : memref<!tpu.dma_semaphore, #tpu.memory_space<semaphore_mem>>)
    %dma_wait3A_85 = arith.constant 0 : i32
    %dma_wait3A_86 = tpu.memref_slice %arg4[%add3A_80, %dma_wait3A_85] : memref<16384x768xf32, #tpu.memory_space<hbm>> -> memref<32x768xf32, #tpu.memory_space<hbm>>
    %dma_wait3A_87 = arith.constant 0 : i32
    %dma_wait3A_88 = tpu.memref_slice %arg4[%add3A_80, %dma_wait3A_87] : memref<16384x768xf32, #tpu.memory_space<hbm>> -> memref<32x768xf32, #tpu.memory_space<hbm>>
    tpu.wait_dma2 semaphore(%arg18 : memref<!tpu.dma_semaphore, #tpu.memory_space<semaphore_mem>>) src(%arg8 : memref<32x768xf32, #tpu.memory_space<vmem>>) dst(%dma_wait3A_88 : memref<32x768xf32, #tpu.memory_space<hbm>>)
    %dma_start3A_89 = arith.constant 224 : i32
    %dma_start3A_90 = tpu.memref_slice %arg5[%dma_start3A_89] : memref<512xi32, #tpu.memory_space<vmem>> -> memref<32xi32, #tpu.memory_space<vmem>>
    %dma_start3A_91 = arith.constant 0 : i32
    %dma_start3A_92 = arith.constant 0 : i32
    %dma_start3A_93 = tpu.memref_slice %arg2[%dma_start3A_91, %dma_start3A_92] : memref<65536x768xf32, #tpu.memory_space<hbm>> -> memref<65536x768xf32, #tpu.memory_space<hbm>>
    tpu.enqueue_indirect_dma source(%dma_start3A_93 : memref<65536x768xf32, #tpu.memory_space<hbm>>) target(%arg8 : memref<32x768xf32, #tpu.memory_space<vmem>>) offsets(%dma_start3A_90 : memref<32xi32, #tpu.memory_space<vmem>>) semaphore(%arg13 : memref<!tpu.dma_semaphore, #tpu.memory_space<semaphore_mem>>)
    %dma_wait3A_94 = arith.constant 96 : i32
    %dma_wait3A_95 = tpu.memref_slice %arg5[%dma_wait3A_94] : memref<512xi32, #tpu.memory_space<vmem>> -> memref<32xi32, #tpu.memory_space<vmem>>
    %dma_wait3A_96 = arith.constant 0 : i32
    %dma_wait3A_97 = arith.constant 0 : i32
    %dma_wait3A_98 = tpu.memref_slice %arg2[%dma_wait3A_96, %dma_wait3A_97] : memref<65536x768xf32, #tpu.memory_space<hbm>> -> memref<65536x768xf32, #tpu.memory_space<hbm>>
    tpu.wait_indirect_dma semaphore(%arg14 : memref<!tpu.dma_semaphore, #tpu.memory_space<semaphore_mem>>) src(%dma_wait3A_98 : memref<65536x768xf32, #tpu.memory_space<hbm>>) dst(%arg9 : memref<32x768xf32, #tpu.memory_space<vmem>>)
    %add3A_99 = arith.constant 96 : i32
    %add3A_100 = arith.addi %mul3A_2, %add3A_99 : i32
    %dma_start3A_101 = arith.constant 0 : i32
    %dma_start3A_102 = tpu.memref_slice %arg4[%add3A_100, %dma_start3A_101] : memref<16384x768xf32, #tpu.memory_space<hbm>> -> memref<32x768xf32, #tpu.memory_space<hbm>>
    %dma_start3A_103 = arith.constant 0 : i32
    %dma_start3A_104 = tpu.memref_slice %arg4[%add3A_100, %dma_start3A_103] : memref<16384x768xf32, #tpu.memory_space<hbm>> -> memref<32x768xf32, #tpu.memory_space<hbm>>
    tpu.enqueue_dma source(%arg9 : memref<32x768xf32, #tpu.memory_space<vmem>>) target(%dma_start3A_104 : memref<32x768xf32, #tpu.memory_space<hbm>>) target_semaphore(%arg19 : memref<!tpu.dma_semaphore, #tpu.memory_space<semaphore_mem>>)
    %dma_wait3A_105 = arith.constant 0 : i32
    %dma_wait3A_106 = tpu.memref_slice %arg4[%add3A_100, %dma_wait3A_105] : memref<16384x768xf32, #tpu.memory_space<hbm>> -> memref<32x768xf32, #tpu.memory_space<hbm>>
    %dma_wait3A_107 = arith.constant 0 : i32
    %dma_wait3A_108 = tpu.memref_slice %arg4[%add3A_100, %dma_wait3A_107] : memref<16384x768xf32, #tpu.memory_space<hbm>> -> memref<32x768xf32, #tpu.memory_space<hbm>>
    tpu.wait_dma2 semaphore(%arg19 : memref<!tpu.dma_semaphore, #tpu.memory_space<semaphore_mem>>) src(%arg9 : memref<32x768xf32, #tpu.memory_space<vmem>>) dst(%dma_wait3A_108 : memref<32x768xf32, #tpu.memory_space<hbm>>)
    %dma_start3A_109 = arith.constant 256 : i32
    %dma_start3A_110 = tpu.memref_slice %arg5[%dma_start3A_109] : memref<512xi32, #tpu.memory_space<vmem>> -> memref<32xi32, #tpu.memory_space<vmem>>
    %dma_start3A_111 = arith.constant 0 : i32
    %dma_start3A_112 = arith.constant 0 : i32
    %dma_start3A_113 = tpu.memref_slice %arg2[%dma_start3A_111, %dma_start3A_112] : memref<65536x768xf32, #tpu.memory_space<hbm>> -> memref<65536x768xf32, #tpu.memory_space<hbm>>
    tpu.enqueue_indirect_dma source(%dma_start3A_113 : memref<65536x768xf32, #tpu.memory_space<hbm>>) target(%arg9 : memref<32x768xf32, #tpu.memory_space<vmem>>) offsets(%dma_start3A_110 : memref<32xi32, #tpu.memory_space<vmem>>) semaphore(%arg14 : memref<!tpu.dma_semaphore, #tpu.memory_space<semaphore_mem>>)
    %dma_wait3A_114 = arith.constant 128 : i32
    %dma_wait3A_115 = tpu.memref_slice %arg5[%dma_wait3A_114] : memref<512xi32, #tpu.memory_space<vmem>> -> memref<32xi32, #tpu.memory_space<vmem>>
    %dma_wait3A_116 = arith.constant 0 : i32
    %dma_wait3A_117 = arith.constant 0 : i32
    %dma_wait3A_118 = tpu.memref_slice %arg2[%dma_wait3A_116, %dma_wait3A_117] : memref<65536x768xf32, #tpu.memory_space<hbm>> -> memref<65536x768xf32, #tpu.memory_space<hbm>>
    tpu.wait_indirect_dma semaphore(%arg15 : memref<!tpu.dma_semaphore, #tpu.memory_space<semaphore_mem>>) src(%dma_wait3A_118 : memref<65536x768xf32, #tpu.memory_space<hbm>>) dst(%arg10 : memref<32x768xf32, #tpu.memory_space<vmem>>)
    %add3A_119 = arith.constant 128 : i32
    %add3A_120 = arith.addi %mul3A_2, %add3A_119 : i32
    %dma_start3A_121 = arith.constant 0 : i32
    %dma_start3A_122 = tpu.memref_slice %arg4[%add3A_120, %dma_start3A_121] : memref<16384x768xf32, #tpu.memory_space<hbm>> -> memref<32x768xf32, #tpu.memory_space<hbm>>
    %dma_start3A_123 = arith.constant 0 : i32
    %dma_start3A_124 = tpu.memref_slice %arg4[%add3A_120, %dma_start3A_123] : memref<16384x768xf32, #tpu.memory_space<hbm>> -> memref<32x768xf32, #tpu.memory_space<hbm>>
    tpu.enqueue_dma source(%arg10 : memref<32x768xf32, #tpu.memory_space<vmem>>) target(%dma_start3A_124 : memref<32x768xf32, #tpu.memory_space<hbm>>) target_semaphore(%arg20 : memref<!tpu.dma_semaphore, #tpu.memory_space<semaphore_mem>>)
    %dma_wait3A_125 = arith.constant 0 : i32
    %dma_wait3A_126 = tpu.memref_slice %arg4[%add3A_120, %dma_wait3A_125] : memref<16384x768xf32, #tpu.memory_space<hbm>> -> memref<32x768xf32, #tpu.memory_space<hbm>>
    %dma_wait3A_127 = arith.constant 0 : i32
    %dma_wait3A_128 = tpu.memref_slice %arg4[%add3A_120, %dma_wait3A_127] : memref<16384x768xf32, #tpu.memory_space<hbm>> -> memref<32x768xf32, #tpu.memory_space<hbm>>
    tpu.wait_dma2 semaphore(%arg20 : memref<!tpu.dma_semaphore, #tpu.memory_space<semaphore_mem>>) src(%arg10 : memref<32x768xf32, #tpu.memory_space<vmem>>) dst(%dma_wait3A_128 : memref<32x768xf32, #tpu.memory_space<hbm>>)
    %dma_start3A_129 = arith.constant 288 : i32
    %dma_start3A_130 = tpu.memref_slice %arg5[%dma_start3A_129] : memref<512xi32, #tpu.memory_space<vmem>> -> memref<32xi32, #tpu.memory_space<vmem>>
    %dma_start3A_131 = arith.constant 0 : i32
    %dma_start3A_132 = arith.constant 0 : i32
    %dma_start3A_133 = tpu.memref_slice %arg2[%dma_start3A_131, %dma_start3A_132] : memref<65536x768xf32, #tpu.memory_space<hbm>> -> memref<65536x768xf32, #tpu.memory_space<hbm>>
    tpu.enqueue_indirect_dma source(%dma_start3A_133 : memref<65536x768xf32, #tpu.memory_space<hbm>>) target(%arg10 : memref<32x768xf32, #tpu.memory_space<vmem>>) offsets(%dma_start3A_130 : memref<32xi32, #tpu.memory_space<vmem>>) semaphore(%arg15 : memref<!tpu.dma_semaphore, #tpu.memory_space<semaphore_mem>>)
    %dma_wait3A_134 = arith.constant 160 : i32
    %dma_wait3A_135 = tpu.memref_slice %arg5[%dma_wait3A_134] : memref<512xi32, #tpu.memory_space<vmem>> -> memref<32xi32, #tpu.memory_space<vmem>>
    %dma_wait3A_136 = arith.constant 0 : i32
    %dma_wait3A_137 = arith.constant 0 : i32
    %dma_wait3A_138 = tpu.memref_slice %arg2[%dma_wait3A_136, %dma_wait3A_137] : memref<65536x768xf32, #tpu.memory_space<hbm>> -> memref<65536x768xf32, #tpu.memory_space<hbm>>
    tpu.wait_indirect_dma semaphore(%arg11 : memref<!tpu.dma_semaphore, #tpu.memory_space<semaphore_mem>>) src(%dma_wait3A_138 : memref<65536x768xf32, #tpu.memory_space<hbm>>) dst(%arg6 : memref<32x768xf32, #tpu.memory_space<vmem>>)
    %add3A_139 = arith.constant 160 : i32
    %add3A_140 = arith.addi %mul3A_2, %add3A_139 : i32
    %dma_start3A_141 = arith.constant 0 : i32
    %dma_start3A_142 = tpu.memref_slice %arg4[%add3A_140, %dma_start3A_141] : memref<16384x768xf32, #tpu.memory_space<hbm>> -> memref<32x768xf32, #tpu.memory_space<hbm>>
    %dma_start3A_143 = arith.constant 0 : i32
    %dma_start3A_144 = tpu.memref_slice %arg4[%add3A_140, %dma_start3A_143] : memref<16384x768xf32, #tpu.memory_space<hbm>> -> memref<32x768xf32, #tpu.memory_space<hbm>>
    tpu.enqueue_dma source(%arg6 : memref<32x768xf32, #tpu.memory_space<vmem>>) target(%dma_start3A_144 : memref<32x768xf32, #tpu.memory_space<hbm>>) target_semaphore(%arg16 : memref<!tpu.dma_semaphore, #tpu.memory_space<semaphore_mem>>)
    %dma_wait3A_145 = arith.constant 0 : i32
    %dma_wait3A_146 = tpu.memref_slice %arg4[%add3A_140, %dma_wait3A_145] : memref<16384x768xf32, #tpu.memory_space<hbm>> -> memref<32x768xf32, #tpu.memory_space<hbm>>
    %dma_wait3A_147 = arith.constant 0 : i32
    %dma_wait3A_148 = tpu.memref_slice %arg4[%add3A_140, %dma_wait3A_147] : memref<16384x768xf32, #tpu.memory_space<hbm>> -> memref<32x768xf32, #tpu.memory_space<hbm>>
    tpu.wait_dma2 semaphore(%arg16 : memref<!tpu.dma_semaphore, #tpu.memory_space<semaphore_mem>>) src(%arg6 : memref<32x768xf32, #tpu.memory_space<vmem>>) dst(%dma_wait3A_148 : memref<32x768xf32, #tpu.memory_space<hbm>>)
    %dma_start3A_149 = arith.constant 320 : i32
    %dma_start3A_150 = tpu.memref_slice %arg5[%dma_start3A_149] : memref<512xi32, #tpu.memory_space<vmem>> -> memref<32xi32, #tpu.memory_space<vmem>>
    %dma_start3A_151 = arith.constant 0 : i32
    %dma_start3A_152 = arith.constant 0 : i32
    %dma_start3A_153 = tpu.memref_slice %arg2[%dma_start3A_151, %dma_start3A_152] : memref<65536x768xf32, #tpu.memory_space<hbm>> -> memref<65536x768xf32, #tpu.memory_space<hbm>>
    tpu.enqueue_indirect_dma source(%dma_start3A_153 : memref<65536x768xf32, #tpu.memory_space<hbm>>) target(%arg6 : memref<32x768xf32, #tpu.memory_space<vmem>>) offsets(%dma_start3A_150 : memref<32xi32, #tpu.memory_space<vmem>>) semaphore(%arg11 : memref<!tpu.dma_semaphore, #tpu.memory_space<semaphore_mem>>)
    %dma_wait3A_154 = arith.constant 192 : i32
    %dma_wait3A_155 = tpu.memref_slice %arg5[%dma_wait3A_154] : memref<512xi32, #tpu.memory_space<vmem>> -> memref<32xi32, #tpu.memory_space<vmem>>
    %dma_wait3A_156 = arith.constant 0 : i32
    %dma_wait3A_157 = arith.constant 0 : i32
    %dma_wait3A_158 = tpu.memref_slice %arg2[%dma_wait3A_156, %dma_wait3A_157] : memref<65536x768xf32, #tpu.memory_space<hbm>> -> memref<65536x768xf32, #tpu.memory_space<hbm>>
    tpu.wait_indirect_dma semaphore(%arg12 : memref<!tpu.dma_semaphore, #tpu.memory_space<semaphore_mem>>) src(%dma_wait3A_158 : memref<65536x768xf32, #tpu.memory_space<hbm>>) dst(%arg7 : memref<32x768xf32, #tpu.memory_space<vmem>>)
    %add3A_159 = arith.constant 192 : i32
    %add3A_160 = arith.addi %mul3A_2, %add3A_159 : i32
    %dma_start3A_161 = arith.constant 0 : i32
    %dma_start3A_162 = tpu.memref_slice %arg4[%add3A_160, %dma_start3A_161] : memref<16384x768xf32, #tpu.memory_space<hbm>> -> memref<32x768xf32, #tpu.memory_space<hbm>>
    %dma_start3A_163 = arith.constant 0 : i32
    %dma_start3A_164 = tpu.memref_slice %arg4[%add3A_160, %dma_start3A_163] : memref<16384x768xf32, #tpu.memory_space<hbm>> -> memref<32x768xf32, #tpu.memory_space<hbm>>
    tpu.enqueue_dma source(%arg7 : memref<32x768xf32, #tpu.memory_space<vmem>>) target(%dma_start3A_164 : memref<32x768xf32, #tpu.memory_space<hbm>>) target_semaphore(%arg17 : memref<!tpu.dma_semaphore, #tpu.memory_space<semaphore_mem>>)
    %dma_wait3A_165 = arith.constant 0 : i32
    %dma_wait3A_166 = tpu.memref_slice %arg4[%add3A_160, %dma_wait3A_165] : memref<16384x768xf32, #tpu.memory_space<hbm>> -> memref<32x768xf32, #tpu.memory_space<hbm>>
    %dma_wait3A_167 = arith.constant 0 : i32
    %dma_wait3A_168 = tpu.memref_slice %arg4[%add3A_160, %dma_wait3A_167] : memref<16384x768xf32, #tpu.memory_space<hbm>> -> memref<32x768xf32, #tpu.memory_space<hbm>>
    tpu.wait_dma2 semaphore(%arg17 : memref<!tpu.dma_semaphore, #tpu.memory_space<semaphore_mem>>) src(%arg7 : memref<32x768xf32, #tpu.memory_space<vmem>>) dst(%dma_wait3A_168 : memref<32x768xf32, #tpu.memory_space<hbm>>)
    %dma_start3A_169 = arith.constant 352 : i32
    %dma_start3A_170 = tpu.memref_slice %arg5[%dma_start3A_169] : memref<512xi32, #tpu.memory_space<vmem>> -> memref<32xi32, #tpu.memory_space<vmem>>
    %dma_start3A_171 = arith.constant 0 : i32
    %dma_start3A_172 = arith.constant 0 : i32
    %dma_start3A_173 = tpu.memref_slice %arg2[%dma_start3A_171, %dma_start3A_172] : memref<65536x768xf32, #tpu.memory_space<hbm>> -> memref<65536x768xf32, #tpu.memory_space<hbm>>
    tpu.enqueue_indirect_dma source(%dma_start3A_173 : memref<65536x768xf32, #tpu.memory_space<hbm>>) target(%arg7 : memref<32x768xf32, #tpu.memory_space<vmem>>) offsets(%dma_start3A_170 : memref<32xi32, #tpu.memory_space<vmem>>) semaphore(%arg12 : memref<!tpu.dma_semaphore, #tpu.memory_space<semaphore_mem>>)
    %dma_wait3A_174 = arith.constant 224 : i32
    %dma_wait3A_175 = tpu.memref_slice %arg5[%dma_wait3A_174] : memref<512xi32, #tpu.memory_space<vmem>> -> memref<32xi32, #tpu.memory_space<vmem>>
    %dma_wait3A_176 = arith.constant 0 : i32
    %dma_wait3A_177 = arith.constant 0 : i32
    %dma_wait3A_178 = tpu.memref_slice %arg2[%dma_wait3A_176, %dma_wait3A_177] : memref<65536x768xf32, #tpu.memory_space<hbm>> -> memref<65536x768xf32, #tpu.memory_space<hbm>>
    tpu.wait_indirect_dma semaphore(%arg13 : memref<!tpu.dma_semaphore, #tpu.memory_space<semaphore_mem>>) src(%dma_wait3A_178 : memref<65536x768xf32, #tpu.memory_space<hbm>>) dst(%arg8 : memref<32x768xf32, #tpu.memory_space<vmem>>)
    %add3A_179 = arith.constant 224 : i32
    %add3A_180 = arith.addi %mul3A_2, %add3A_179 : i32
    %dma_start3A_181 = arith.constant 0 : i32
    %dma_start3A_182 = tpu.memref_slice %arg4[%add3A_180, %dma_start3A_181] : memref<16384x768xf32, #tpu.memory_space<hbm>> -> memref<32x768xf32, #tpu.memory_space<hbm>>
    %dma_start3A_183 = arith.constant 0 : i32
    %dma_start3A_184 = tpu.memref_slice %arg4[%add3A_180, %dma_start3A_183] : memref<16384x768xf32, #tpu.memory_space<hbm>> -> memref<32x768xf32, #tpu.memory_space<hbm>>
    tpu.enqueue_dma source(%arg8 : memref<32x768xf32, #tpu.memory_space<vmem>>) target(%dma_start3A_184 : memref<32x768xf32, #tpu.memory_space<hbm>>) target_semaphore(%arg18 : memref<!tpu.dma_semaphore, #tpu.memory_space<semaphore_mem>>)
    %dma_wait3A_185 = arith.constant 0 : i32
    %dma_wait3A_186 = tpu.memref_slice %arg4[%add3A_180, %dma_wait3A_185] : memref<16384x768xf32, #tpu.memory_space<hbm>> -> memref<32x768xf32, #tpu.memory_space<hbm>>
    %dma_wait3A_187 = arith.constant 0 : i32
    %dma_wait3A_188 = tpu.memref_slice %arg4[%add3A_180, %dma_wait3A_187] : memref<16384x768xf32, #tpu.memory_space<hbm>> -> memref<32x768xf32, #tpu.memory_space<hbm>>
    tpu.wait_dma2 semaphore(%arg18 : memref<!tpu.dma_semaphore, #tpu.memory_space<semaphore_mem>>) src(%arg8 : memref<32x768xf32, #tpu.memory_space<vmem>>) dst(%dma_wait3A_188 : memref<32x768xf32, #tpu.memory_space<hbm>>)
    %dma_start3A_189 = arith.constant 384 : i32
    %dma_start3A_190 = tpu.memref_slice %arg5[%dma_start3A_189] : memref<512xi32, #tpu.memory_space<vmem>> -> memref<32xi32, #tpu.memory_space<vmem>>
    %dma_start3A_191 = arith.constant 0 : i32
    %dma_start3A_192 = arith.constant 0 : i32
    %dma_start3A_193 = tpu.memref_slice %arg2[%dma_start3A_191, %dma_start3A_192] : memref<65536x768xf32, #tpu.memory_space<hbm>> -> memref<65536x768xf32, #tpu.memory_space<hbm>>
    tpu.enqueue_indirect_dma source(%dma_start3A_193 : memref<65536x768xf32, #tpu.memory_space<hbm>>) target(%arg8 : memref<32x768xf32, #tpu.memory_space<vmem>>) offsets(%dma_start3A_190 : memref<32xi32, #tpu.memory_space<vmem>>) semaphore(%arg13 : memref<!tpu.dma_semaphore, #tpu.memory_space<semaphore_mem>>)
    %dma_wait3A_194 = arith.constant 256 : i32
    %dma_wait3A_195 = tpu.memref_slice %arg5[%dma_wait3A_194] : memref<512xi32, #tpu.memory_space<vmem>> -> memref<32xi32, #tpu.memory_space<vmem>>
    %dma_wait3A_196 = arith.constant 0 : i32
    %dma_wait3A_197 = arith.constant 0 : i32
    %dma_wait3A_198 = tpu.memref_slice %arg2[%dma_wait3A_196, %dma_wait3A_197] : memref<65536x768xf32, #tpu.memory_space<hbm>> -> memref<65536x768xf32, #tpu.memory_space<hbm>>
    tpu.wait_indirect_dma semaphore(%arg14 : memref<!tpu.dma_semaphore, #tpu.memory_space<semaphore_mem>>) src(%dma_wait3A_198 : memref<65536x768xf32, #tpu.memory_space<hbm>>) dst(%arg9 : memref<32x768xf32, #tpu.memory_space<vmem>>)
    %add3A_199 = arith.constant 256 : i32
    %add3A_200 = arith.addi %mul3A_2, %add3A_199 : i32
    %dma_start3A_201 = arith.constant 0 : i32
    %dma_start3A_202 = tpu.memref_slice %arg4[%add3A_200, %dma_start3A_201] : memref<16384x768xf32, #tpu.memory_space<hbm>> -> memref<32x768xf32, #tpu.memory_space<hbm>>
    %dma_start3A_203 = arith.constant 0 : i32
    %dma_start3A_204 = tpu.memref_slice %arg4[%add3A_200, %dma_start3A_203] : memref<16384x768xf32, #tpu.memory_space<hbm>> -> memref<32x768xf32, #tpu.memory_space<hbm>>
    tpu.enqueue_dma source(%arg9 : memref<32x768xf32, #tpu.memory_space<vmem>>) target(%dma_start3A_204 : memref<32x768xf32, #tpu.memory_space<hbm>>) target_semaphore(%arg19 : memref<!tpu.dma_semaphore, #tpu.memory_space<semaphore_mem>>)
    %dma_wait3A_205 = arith.constant 0 : i32
    %dma_wait3A_206 = tpu.memref_slice %arg4[%add3A_200, %dma_wait3A_205] : memref<16384x768xf32, #tpu.memory_space<hbm>> -> memref<32x768xf32, #tpu.memory_space<hbm>>
    %dma_wait3A_207 = arith.constant 0 : i32
    %dma_wait3A_208 = tpu.memref_slice %arg4[%add3A_200, %dma_wait3A_207] : memref<16384x768xf32, #tpu.memory_space<hbm>> -> memref<32x768xf32, #tpu.memory_space<hbm>>
    tpu.wait_dma2 semaphore(%arg19 : memref<!tpu.dma_semaphore, #tpu.memory_space<semaphore_mem>>) src(%arg9 : memref<32x768xf32, #tpu.memory_space<vmem>>) dst(%dma_wait3A_208 : memref<32x768xf32, #tpu.memory_space<hbm>>)
    %dma_start3A_209 = arith.constant 416 : i32
    %dma_start3A_210 = tpu.memref_slice %arg5[%dma_start3A_209] : memref<512xi32, #tpu.memory_space<vmem>> -> memref<32xi32, #tpu.memory_space<vmem>>
    %dma_start3A_211 = arith.constant 0 : i32
    %dma_start3A_212 = arith.constant 0 : i32
    %dma_start3A_213 = tpu.memref_slice %arg2[%dma_start3A_211, %dma_start3A_212] : memref<65536x768xf32, #tpu.memory_space<hbm>> -> memref<65536x768xf32, #tpu.memory_space<hbm>>
    tpu.enqueue_indirect_dma source(%dma_start3A_213 : memref<65536x768xf32, #tpu.memory_space<hbm>>) target(%arg9 : memref<32x768xf32, #tpu.memory_space<vmem>>) offsets(%dma_start3A_210 : memref<32xi32, #tpu.memory_space<vmem>>) semaphore(%arg14 : memref<!tpu.dma_semaphore, #tpu.memory_space<semaphore_mem>>)
    %dma_wait3A_214 = arith.constant 288 : i32
    %dma_wait3A_215 = tpu.memref_slice %arg5[%dma_wait3A_214] : memref<512xi32, #tpu.memory_space<vmem>> -> memref<32xi32, #tpu.memory_space<vmem>>
    %dma_wait3A_216 = arith.constant 0 : i32
    %dma_wait3A_217 = arith.constant 0 : i32
    %dma_wait3A_218 = tpu.memref_slice %arg2[%dma_wait3A_216, %dma_wait3A_217] : memref<65536x768xf32, #tpu.memory_space<hbm>> -> memref<65536x768xf32, #tpu.memory_space<hbm>>
    tpu.wait_indirect_dma semaphore(%arg15 : memref<!tpu.dma_semaphore, #tpu.memory_space<semaphore_mem>>) src(%dma_wait3A_218 : memref<65536x768xf32, #tpu.memory_space<hbm>>) dst(%arg10 : memref<32x768xf32, #tpu.memory_space<vmem>>)
    %add3A_219 = arith.constant 288 : i32
    %add3A_220 = arith.addi %mul3A_2, %add3A_219 : i32
    %dma_start3A_221 = arith.constant 0 : i32
    %dma_start3A_222 = tpu.memref_slice %arg4[%add3A_220, %dma_start3A_221] : memref<16384x768xf32, #tpu.memory_space<hbm>> -> memref<32x768xf32, #tpu.memory_space<hbm>>
    %dma_start3A_223 = arith.constant 0 : i32
    %dma_start3A_224 = tpu.memref_slice %arg4[%add3A_220, %dma_start3A_223] : memref<16384x768xf32, #tpu.memory_space<hbm>> -> memref<32x768xf32, #tpu.memory_space<hbm>>
    tpu.enqueue_dma source(%arg10 : memref<32x768xf32, #tpu.memory_space<vmem>>) target(%dma_start3A_224 : memref<32x768xf32, #tpu.memory_space<hbm>>) target_semaphore(%arg20 : memref<!tpu.dma_semaphore, #tpu.memory_space<semaphore_mem>>)
    %dma_wait3A_225 = arith.constant 0 : i32
    %dma_wait3A_226 = tpu.memref_slice %arg4[%add3A_220, %dma_wait3A_225] : memref<16384x768xf32, #tpu.memory_space<hbm>> -> memref<32x768xf32, #tpu.memory_space<hbm>>
    %dma_wait3A_227 = arith.constant 0 : i32
    %dma_wait3A_228 = tpu.memref_slice %arg4[%add3A_220, %dma_wait3A_227] : memref<16384x768xf32, #tpu.memory_space<hbm>> -> memref<32x768xf32, #tpu.memory_space<hbm>>
    tpu.wait_dma2 semaphore(%arg20 : memref<!tpu.dma_semaphore, #tpu.memory_space<semaphore_mem>>) src(%arg10 : memref<32x768xf32, #tpu.memory_space<vmem>>) dst(%dma_wait3A_228 : memref<32x768xf32, #tpu.memory_space<hbm>>)
    %dma_start3A_229 = arith.constant 448 : i32
    %dma_start3A_230 = tpu.memref_slice %arg5[%dma_start3A_229] : memref<512xi32, #tpu.memory_space<vmem>> -> memref<32xi32, #tpu.memory_space<vmem>>
    %dma_start3A_231 = arith.constant 0 : i32
    %dma_start3A_232 = arith.constant 0 : i32
    %dma_start3A_233 = tpu.memref_slice %arg2[%dma_start3A_231, %dma_start3A_232] : memref<65536x768xf32, #tpu.memory_space<hbm>> -> memref<65536x768xf32, #tpu.memory_space<hbm>>
    tpu.enqueue_indirect_dma source(%dma_start3A_233 : memref<65536x768xf32, #tpu.memory_space<hbm>>) target(%arg10 : memref<32x768xf32, #tpu.memory_space<vmem>>) offsets(%dma_start3A_230 : memref<32xi32, #tpu.memory_space<vmem>>) semaphore(%arg15 : memref<!tpu.dma_semaphore, #tpu.memory_space<semaphore_mem>>)
    %dma_wait3A_234 = arith.constant 320 : i32
    %dma_wait3A_235 = tpu.memref_slice %arg5[%dma_wait3A_234] : memref<512xi32, #tpu.memory_space<vmem>> -> memref<32xi32, #tpu.memory_space<vmem>>
    %dma_wait3A_236 = arith.constant 0 : i32
    %dma_wait3A_237 = arith.constant 0 : i32
    %dma_wait3A_238 = tpu.memref_slice %arg2[%dma_wait3A_236, %dma_wait3A_237] : memref<65536x768xf32, #tpu.memory_space<hbm>> -> memref<65536x768xf32, #tpu.memory_space<hbm>>
    tpu.wait_indirect_dma semaphore(%arg11 : memref<!tpu.dma_semaphore, #tpu.memory_space<semaphore_mem>>) src(%dma_wait3A_238 : memref<65536x768xf32, #tpu.memory_space<hbm>>) dst(%arg6 : memref<32x768xf32, #tpu.memory_space<vmem>>)
    %add3A_239 = arith.constant 320 : i32
    %add3A_240 = arith.addi %mul3A_2, %add3A_239 : i32
    %dma_start3A_241 = arith.constant 0 : i32
    %dma_start3A_242 = tpu.memref_slice %arg4[%add3A_240, %dma_start3A_241] : memref<16384x768xf32, #tpu.memory_space<hbm>> -> memref<32x768xf32, #tpu.memory_space<hbm>>
    %dma_start3A_243 = arith.constant 0 : i32
    %dma_start3A_244 = tpu.memref_slice %arg4[%add3A_240, %dma_start3A_243] : memref<16384x768xf32, #tpu.memory_space<hbm>> -> memref<32x768xf32, #tpu.memory_space<hbm>>
    tpu.enqueue_dma source(%arg6 : memref<32x768xf32, #tpu.memory_space<vmem>>) target(%dma_start3A_244 : memref<32x768xf32, #tpu.memory_space<hbm>>) target_semaphore(%arg16 : memref<!tpu.dma_semaphore, #tpu.memory_space<semaphore_mem>>)
    %dma_wait3A_245 = arith.constant 0 : i32
    %dma_wait3A_246 = tpu.memref_slice %arg4[%add3A_240, %dma_wait3A_245] : memref<16384x768xf32, #tpu.memory_space<hbm>> -> memref<32x768xf32, #tpu.memory_space<hbm>>
    %dma_wait3A_247 = arith.constant 0 : i32
    %dma_wait3A_248 = tpu.memref_slice %arg4[%add3A_240, %dma_wait3A_247] : memref<16384x768xf32, #tpu.memory_space<hbm>> -> memref<32x768xf32, #tpu.memory_space<hbm>>
    tpu.wait_dma2 semaphore(%arg16 : memref<!tpu.dma_semaphore, #tpu.memory_space<semaphore_mem>>) src(%arg6 : memref<32x768xf32, #tpu.memory_space<vmem>>) dst(%dma_wait3A_248 : memref<32x768xf32, #tpu.memory_space<hbm>>)
    %dma_start3A_249 = arith.constant 480 : i32
    %dma_start3A_250 = tpu.memref_slice %arg5[%dma_start3A_249] : memref<512xi32, #tpu.memory_space<vmem>> -> memref<32xi32, #tpu.memory_space<vmem>>
    %dma_start3A_251 = arith.constant 0 : i32
    %dma_start3A_252 = arith.constant 0 : i32
    %dma_start3A_253 = tpu.memref_slice %arg2[%dma_start3A_251, %dma_start3A_252] : memref<65536x768xf32, #tpu.memory_space<hbm>> -> memref<65536x768xf32, #tpu.memory_space<hbm>>
    tpu.enqueue_indirect_dma source(%dma_start3A_253 : memref<65536x768xf32, #tpu.memory_space<hbm>>) target(%arg6 : memref<32x768xf32, #tpu.memory_space<vmem>>) offsets(%dma_start3A_250 : memref<32xi32, #tpu.memory_space<vmem>>) semaphore(%arg11 : memref<!tpu.dma_semaphore, #tpu.memory_space<semaphore_mem>>)
    %dma_wait3A_254 = arith.constant 352 : i32
    %dma_wait3A_255 = tpu.memref_slice %arg5[%dma_wait3A_254] : memref<512xi32, #tpu.memory_space<vmem>> -> memref<32xi32, #tpu.memory_space<vmem>>
    %dma_wait3A_256 = arith.constant 0 : i32
    %dma_wait3A_257 = arith.constant 0 : i32
    %dma_wait3A_258 = tpu.memref_slice %arg2[%dma_wait3A_256, %dma_wait3A_257] : memref<65536x768xf32, #tpu.memory_space<hbm>> -> memref<65536x768xf32, #tpu.memory_space<hbm>>
    tpu.wait_indirect_dma semaphore(%arg12 : memref<!tpu.dma_semaphore, #tpu.memory_space<semaphore_mem>>) src(%dma_wait3A_258 : memref<65536x768xf32, #tpu.memory_space<hbm>>) dst(%arg7 : memref<32x768xf32, #tpu.memory_space<vmem>>)
    %add3A_259 = arith.constant 352 : i32
    %add3A_260 = arith.addi %mul3A_2, %add3A_259 : i32
    %dma_start3A_261 = arith.constant 0 : i32
    %dma_start3A_262 = tpu.memref_slice %arg4[%add3A_260, %dma_start3A_261] : memref<16384x768xf32, #tpu.memory_space<hbm>> -> memref<32x768xf32, #tpu.memory_space<hbm>>
    %dma_start3A_263 = arith.constant 0 : i32
    %dma_start3A_264 = tpu.memref_slice %arg4[%add3A_260, %dma_start3A_263] : memref<16384x768xf32, #tpu.memory_space<hbm>> -> memref<32x768xf32, #tpu.memory_space<hbm>>
    tpu.enqueue_dma source(%arg7 : memref<32x768xf32, #tpu.memory_space<vmem>>) target(%dma_start3A_264 : memref<32x768xf32, #tpu.memory_space<hbm>>) target_semaphore(%arg17 : memref<!tpu.dma_semaphore, #tpu.memory_space<semaphore_mem>>)
    %dma_wait3A_265 = arith.constant 384 : i32
    %dma_wait3A_266 = tpu.memref_slice %arg5[%dma_wait3A_265] : memref<512xi32, #tpu.memory_space<vmem>> -> memref<32xi32, #tpu.memory_space<vmem>>
    %dma_wait3A_267 = arith.constant 0 : i32
    %dma_wait3A_268 = arith.constant 0 : i32
    %dma_wait3A_269 = tpu.memref_slice %arg2[%dma_wait3A_267, %dma_wait3A_268] : memref<65536x768xf32, #tpu.memory_space<hbm>> -> memref<65536x768xf32, #tpu.memory_space<hbm>>
    tpu.wait_indirect_dma semaphore(%arg13 : memref<!tpu.dma_semaphore, #tpu.memory_space<semaphore_mem>>) src(%dma_wait3A_269 : memref<65536x768xf32, #tpu.memory_space<hbm>>) dst(%arg8 : memref<32x768xf32, #tpu.memory_space<vmem>>)
    %add3A_270 = arith.constant 384 : i32
    %add3A_271 = arith.addi %mul3A_2, %add3A_270 : i32
    %dma_start3A_272 = arith.constant 0 : i32
    %dma_start3A_273 = tpu.memref_slice %arg4[%add3A_271, %dma_start3A_272] : memref<16384x768xf32, #tpu.memory_space<hbm>> -> memref<32x768xf32, #tpu.memory_space<hbm>>
    %dma_start3A_274 = arith.constant 0 : i32
    %dma_start3A_275 = tpu.memref_slice %arg4[%add3A_271, %dma_start3A_274] : memref<16384x768xf32, #tpu.memory_space<hbm>> -> memref<32x768xf32, #tpu.memory_space<hbm>>
    tpu.enqueue_dma source(%arg8 : memref<32x768xf32, #tpu.memory_space<vmem>>) target(%dma_start3A_275 : memref<32x768xf32, #tpu.memory_space<hbm>>) target_semaphore(%arg18 : memref<!tpu.dma_semaphore, #tpu.memory_space<semaphore_mem>>)
    %dma_wait3A_276 = arith.constant 416 : i32
    %dma_wait3A_277 = tpu.memref_slice %arg5[%dma_wait3A_276] : memref<512xi32, #tpu.memory_space<vmem>> -> memref<32xi32, #tpu.memory_space<vmem>>
    %dma_wait3A_278 = arith.constant 0 : i32
    %dma_wait3A_279 = arith.constant 0 : i32
    %dma_wait3A_280 = tpu.memref_slice %arg2[%dma_wait3A_278, %dma_wait3A_279] : memref<65536x768xf32, #tpu.memory_space<hbm>> -> memref<65536x768xf32, #tpu.memory_space<hbm>>
    tpu.wait_indirect_dma semaphore(%arg14 : memref<!tpu.dma_semaphore, #tpu.memory_space<semaphore_mem>>) src(%dma_wait3A_280 : memref<65536x768xf32, #tpu.memory_space<hbm>>) dst(%arg9 : memref<32x768xf32, #tpu.memory_space<vmem>>)
    %add3A_281 = arith.constant 416 : i32
    %add3A_282 = arith.addi %mul3A_2, %add3A_281 : i32
    %dma_start3A_283 = arith.constant 0 : i32
    %dma_start3A_284 = tpu.memref_slice %arg4[%add3A_282, %dma_start3A_283] : memref<16384x768xf32, #tpu.memory_space<hbm>> -> memref<32x768xf32, #tpu.memory_space<hbm>>
    %dma_start3A_285 = arith.constant 0 : i32
    %dma_start3A_286 = tpu.memref_slice %arg4[%add3A_282, %dma_start3A_285] : memref<16384x768xf32, #tpu.memory_space<hbm>> -> memref<32x768xf32, #tpu.memory_space<hbm>>
    tpu.enqueue_dma source(%arg9 : memref<32x768xf32, #tpu.memory_space<vmem>>) target(%dma_start3A_286 : memref<32x768xf32, #tpu.memory_space<hbm>>) target_semaphore(%arg19 : memref<!tpu.dma_semaphore, #tpu.memory_space<semaphore_mem>>)
    %dma_wait3A_287 = arith.constant 448 : i32
    %dma_wait3A_288 = tpu.memref_slice %arg5[%dma_wait3A_287] : memref<512xi32, #tpu.memory_space<vmem>> -> memref<32xi32, #tpu.memory_space<vmem>>
    %dma_wait3A_289 = arith.constant 0 : i32
    %dma_wait3A_290 = arith.constant 0 : i32
    %dma_wait3A_291 = tpu.memref_slice %arg2[%dma_wait3A_289, %dma_wait3A_290] : memref<65536x768xf32, #tpu.memory_space<hbm>> -> memref<65536x768xf32, #tpu.memory_space<hbm>>
    tpu.wait_indirect_dma semaphore(%arg15 : memref<!tpu.dma_semaphore, #tpu.memory_space<semaphore_mem>>) src(%dma_wait3A_291 : memref<65536x768xf32, #tpu.memory_space<hbm>>) dst(%arg10 : memref<32x768xf32, #tpu.memory_space<vmem>>)
    %add3A_292 = arith.constant 448 : i32
    %add3A_293 = arith.addi %mul3A_2, %add3A_292 : i32
    %dma_start3A_294 = arith.constant 0 : i32
    %dma_start3A_295 = tpu.memref_slice %arg4[%add3A_293, %dma_start3A_294] : memref<16384x768xf32, #tpu.memory_space<hbm>> -> memref<32x768xf32, #tpu.memory_space<hbm>>
    %dma_start3A_296 = arith.constant 0 : i32
    %dma_start3A_297 = tpu.memref_slice %arg4[%add3A_293, %dma_start3A_296] : memref<16384x768xf32, #tpu.memory_space<hbm>> -> memref<32x768xf32, #tpu.memory_space<hbm>>
    tpu.enqueue_dma source(%arg10 : memref<32x768xf32, #tpu.memory_space<vmem>>) target(%dma_start3A_297 : memref<32x768xf32, #tpu.memory_space<hbm>>) target_semaphore(%arg20 : memref<!tpu.dma_semaphore, #tpu.memory_space<semaphore_mem>>)
    %dma_wait3A_298 = arith.constant 480 : i32
    %dma_wait3A_299 = tpu.memref_slice %arg5[%dma_wait3A_298] : memref<512xi32, #tpu.memory_space<vmem>> -> memref<32xi32, #tpu.memory_space<vmem>>
    %dma_wait3A_300 = arith.constant 0 : i32
    %dma_wait3A_301 = arith.constant 0 : i32
    %dma_wait3A_302 = tpu.memref_slice %arg2[%dma_wait3A_300, %dma_wait3A_301] : memref<65536x768xf32, #tpu.memory_space<hbm>> -> memref<65536x768xf32, #tpu.memory_space<hbm>>
    tpu.wait_indirect_dma semaphore(%arg11 : memref<!tpu.dma_semaphore, #tpu.memory_space<semaphore_mem>>) src(%dma_wait3A_302 : memref<65536x768xf32, #tpu.memory_space<hbm>>) dst(%arg6 : memref<32x768xf32, #tpu.memory_space<vmem>>)
    %add3A_303 = arith.constant 480 : i32
    %add3A_304 = arith.addi %mul3A_2, %add3A_303 : i32
    %dma_start3A_305 = arith.constant 0 : i32
    %dma_start3A_306 = tpu.memref_slice %arg4[%add3A_304, %dma_start3A_305] : memref<16384x768xf32, #tpu.memory_space<hbm>> -> memref<32x768xf32, #tpu.memory_space<hbm>>
    %dma_start3A_307 = arith.constant 0 : i32
    %dma_start3A_308 = tpu.memref_slice %arg4[%add3A_304, %dma_start3A_307] : memref<16384x768xf32, #tpu.memory_space<hbm>> -> memref<32x768xf32, #tpu.memory_space<hbm>>
    tpu.enqueue_dma source(%arg6 : memref<32x768xf32, #tpu.memory_space<vmem>>) target(%dma_start3A_308 : memref<32x768xf32, #tpu.memory_space<hbm>>) target_semaphore(%arg16 : memref<!tpu.dma_semaphore, #tpu.memory_space<semaphore_mem>>)
    %dma_wait3A_309 = arith.constant 0 : i32
    %dma_wait3A_310 = tpu.memref_slice %arg4[%add3A_260, %dma_wait3A_309] : memref<16384x768xf32, #tpu.memory_space<hbm>> -> memref<32x768xf32, #tpu.memory_space<hbm>>
    %dma_wait3A_311 = arith.constant 0 : i32
    %dma_wait3A_312 = tpu.memref_slice %arg4[%add3A_260, %dma_wait3A_311] : memref<16384x768xf32, #tpu.memory_space<hbm>> -> memref<32x768xf32, #tpu.memory_space<hbm>>
    tpu.wait_dma2 semaphore(%arg17 : memref<!tpu.dma_semaphore, #tpu.memory_space<semaphore_mem>>) src(%arg7 : memref<32x768xf32, #tpu.memory_space<vmem>>) dst(%dma_wait3A_312 : memref<32x768xf32, #tpu.memory_space<hbm>>)
    %dma_wait3A_313 = arith.constant 0 : i32
    %dma_wait3A_314 = tpu.memref_slice %arg4[%add3A_271, %dma_wait3A_313] : memref<16384x768xf32, #tpu.memory_space<hbm>> -> memref<32x768xf32, #tpu.memory_space<hbm>>
    %dma_wait3A_315 = arith.constant 0 : i32
    %dma_wait3A_316 = tpu.memref_slice %arg4[%add3A_271, %dma_wait3A_315] : memref<16384x768xf32, #tpu.memory_space<hbm>> -> memref<32x768xf32, #tpu.memory_space<hbm>>
    tpu.wait_dma2 semaphore(%arg18 : memref<!tpu.dma_semaphore, #tpu.memory_space<semaphore_mem>>) src(%arg8 : memref<32x768xf32, #tpu.memory_space<vmem>>) dst(%dma_wait3A_316 : memref<32x768xf32, #tpu.memory_space<hbm>>)
    %dma_wait3A_317 = arith.constant 0 : i32
    %dma_wait3A_318 = tpu.memref_slice %arg4[%add3A_282, %dma_wait3A_317] : memref<16384x768xf32, #tpu.memory_space<hbm>> -> memref<32x768xf32, #tpu.memory_space<hbm>>
    %dma_wait3A_319 = arith.constant 0 : i32
    %dma_wait3A_320 = tpu.memref_slice %arg4[%add3A_282, %dma_wait3A_319] : memref<16384x768xf32, #tpu.memory_space<hbm>> -> memref<32x768xf32, #tpu.memory_space<hbm>>
    tpu.wait_dma2 semaphore(%arg19 : memref<!tpu.dma_semaphore, #tpu.memory_space<semaphore_mem>>) src(%arg9 : memref<32x768xf32, #tpu.memory_space<vmem>>) dst(%dma_wait3A_320 : memref<32x768xf32, #tpu.memory_space<hbm>>)
    %dma_wait3A_321 = arith.constant 0 : i32
    %dma_wait3A_322 = tpu.memref_slice %arg4[%add3A_293, %dma_wait3A_321] : memref<16384x768xf32, #tpu.memory_space<hbm>> -> memref<32x768xf32, #tpu.memory_space<hbm>>
    %dma_wait3A_323 = arith.constant 0 : i32
    %dma_wait3A_324 = tpu.memref_slice %arg4[%add3A_293, %dma_wait3A_323] : memref<16384x768xf32, #tpu.memory_space<hbm>> -> memref<32x768xf32, #tpu.memory_space<hbm>>
    tpu.wait_dma2 semaphore(%arg20 : memref<!tpu.dma_semaphore, #tpu.memory_space<semaphore_mem>>) src(%arg10 : memref<32x768xf32, #tpu.memory_space<vmem>>) dst(%dma_wait3A_324 : memref<32x768xf32, #tpu.memory_space<hbm>>)
    %dma_wait3A_325 = arith.constant 0 : i32
    %dma_wait3A_326 = tpu.memref_slice %arg4[%add3A_304, %dma_wait3A_325] : memref<16384x768xf32, #tpu.memory_space<hbm>> -> memref<32x768xf32, #tpu.memory_space<hbm>>
    %dma_wait3A_327 = arith.constant 0 : i32
    %dma_wait3A_328 = tpu.memref_slice %arg4[%add3A_304, %dma_wait3A_327] : memref<16384x768xf32, #tpu.memory_space<hbm>> -> memref<32x768xf32, #tpu.memory_space<hbm>>
    tpu.wait_dma2 semaphore(%arg16 : memref<!tpu.dma_semaphore, #tpu.memory_space<semaphore_mem>>) src(%arg6 : memref<32x768xf32, #tpu.memory_space<vmem>>) dst(%dma_wait3A_328 : memref<32x768xf32, #tpu.memory_space<hbm>>)
    return
  }
}

module attributes {stable_mosaic.version = 14 : i64} {
  func.func @_sort_mask_body(%arg0: memref<64x1024xf32, #tpu.memory_space<vmem>>, %arg1: memref<64x256xi32, #tpu.memory_space<vmem>>, %arg2: memref<64x1024xf32, #tpu.memory_space<vmem>>) attributes {dimension_semantics = [], scalar_prefetch = 0 : i64, scratch_operands = 0 : i64, tpu.core_type = #tpu.core_type<tc>} {
    %get3A = arith.constant 0 : index
    %get3A_0 = arith.constant 0 : index
    %get3A_1 = vector.load %arg0[%get3A, %get3A_0] : memref<64x1024xf32, #tpu.memory_space<vmem>>, vector<64x1024xf32>
    %iota3A = tpu.iota {dimensions = array<i32: 1>} : vector<64x1024xi32>
    %bitcast_convert_type3A = tpu.bitcast %get3A_1 : vector<64x1024xf32> -> vector<64x1024xi32>
    %and3A = arith.constant 1 : i32
    %and3A_2 = vector.broadcast %and3A : i32 to vector<64x1024xi32>
    %and3A_3 = arith.andi %iota3A, %and3A_2 : vector<64x1024xi32>
    %eq3A = arith.constant 0 : i32
    %eq3A_4 = vector.broadcast %eq3A : i32 to vector<64x1024xi32>
    %eq3A_5 = arith.cmpi eq, %and3A_3, %eq3A_4 : vector<64x1024xi32>
    %slice3A = vector.extract_strided_slice %bitcast_convert_type3A {offsets = [0, 1], sizes = [64, 1023], strides = [1, 1]} : vector<64x1024xi32> to vector<64x1023xi32>
    %slice3A_6 = vector.extract_strided_slice %bitcast_convert_type3A {offsets = [0, 0], sizes = [64, 1], strides = [1, 1]} : vector<64x1024xi32> to vector<64x1xi32>
    %concatenate3A = tpu.concatenate %slice3A, %slice3A_6 in 1 : vector<64x1023xi32>, vector<64x1xi32> -> vector<64x1024xi32>
    %slice3A_7 = vector.extract_strided_slice %bitcast_convert_type3A {offsets = [0, 1023], sizes = [64, 1], strides = [1, 1]} : vector<64x1024xi32> to vector<64x1xi32>
    %slice3A_8 = vector.extract_strided_slice %bitcast_convert_type3A {offsets = [0, 0], sizes = [64, 1023], strides = [1, 1]} : vector<64x1024xi32> to vector<64x1023xi32>
    %concatenate3A_9 = tpu.concatenate %slice3A_7, %slice3A_8 in 1 : vector<64x1xi32>, vector<64x1023xi32> -> vector<64x1024xi32>
    %select_n3A = arith.select %eq3A_5, %concatenate3A, %concatenate3A_9 : vector<64x1024xi1>, vector<64x1024xi32>
    %slice3A_10 = vector.extract_strided_slice %iota3A {offsets = [0, 1], sizes = [64, 1023], strides = [1, 1]} : vector<64x1024xi32> to vector<64x1023xi32>
    %slice3A_11 = vector.extract_strided_slice %iota3A {offsets = [0, 0], sizes = [64, 1], strides = [1, 1]} : vector<64x1024xi32> to vector<64x1xi32>
    %concatenate3A_12 = tpu.concatenate %slice3A_10, %slice3A_11 in 1 : vector<64x1023xi32>, vector<64x1xi32> -> vector<64x1024xi32>
    %slice3A_13 = vector.extract_strided_slice %iota3A {offsets = [0, 1023], sizes = [64, 1], strides = [1, 1]} : vector<64x1024xi32> to vector<64x1xi32>
    %slice3A_14 = vector.extract_strided_slice %iota3A {offsets = [0, 0], sizes = [64, 1023], strides = [1, 1]} : vector<64x1024xi32> to vector<64x1023xi32>
    %concatenate3A_15 = tpu.concatenate %slice3A_13, %slice3A_14 in 1 : vector<64x1xi32>, vector<64x1023xi32> -> vector<64x1024xi32>
    %select_n3A_16 = arith.select %eq3A_5, %concatenate3A_12, %concatenate3A_15 : vector<64x1024xi1>, vector<64x1024xi32>
    %lt3A = arith.cmpi slt, %bitcast_convert_type3A, %select_n3A : vector<64x1024xi32>
    %eq3A_17 = arith.cmpi eq, %bitcast_convert_type3A, %select_n3A : vector<64x1024xi32>
    %lt3A_18 = arith.cmpi slt, %iota3A, %select_n3A_16 : vector<64x1024xi32>
    %and3A_19 = arith.andi %eq3A_17, %lt3A_18 : vector<64x1024xi1>
    %or3A = arith.ori %lt3A, %and3A_19 : vector<64x1024xi1>
    %and3A_20 = arith.constant 2 : i32
    %and3A_21 = vector.broadcast %and3A_20 : i32 to vector<64x1024xi32>
    %and3A_22 = arith.andi %iota3A, %and3A_21 : vector<64x1024xi32>
    %eq3A_23 = arith.constant 0 : i32
    %eq3A_24 = vector.broadcast %eq3A_23 : i32 to vector<64x1024xi32>
    %eq3A_25 = arith.cmpi eq, %and3A_22, %eq3A_24 : vector<64x1024xi32>
    %eq3A_26 = arith.xori %eq3A_5, %eq3A_25 : vector<64x1024xi1>
    %eq3A_27 = arith.constant dense<true> : vector<64x1024xi1>
    %eq3A_28 = arith.xori %eq3A_26, %eq3A_27 : vector<64x1024xi1>
    %eq3A_29 = arith.xori %or3A, %eq3A_28 : vector<64x1024xi1>
    %eq3A_30 = arith.constant dense<true> : vector<64x1024xi1>
    %eq3A_31 = arith.xori %eq3A_29, %eq3A_30 : vector<64x1024xi1>
    %select_n3A_32 = arith.select %eq3A_31, %bitcast_convert_type3A, %select_n3A : vector<64x1024xi1>, vector<64x1024xi32>
    %select_n3A_33 = arith.select %eq3A_31, %iota3A, %select_n3A_16 : vector<64x1024xi1>, vector<64x1024xi32>
    %and3A_34 = arith.constant 2 : i32
    %and3A_35 = vector.broadcast %and3A_34 : i32 to vector<64x1024xi32>
    %and3A_36 = arith.andi %iota3A, %and3A_35 : vector<64x1024xi32>
    %eq3A_37 = arith.constant 0 : i32
    %eq3A_38 = vector.broadcast %eq3A_37 : i32 to vector<64x1024xi32>
    %eq3A_39 = arith.cmpi eq, %and3A_36, %eq3A_38 : vector<64x1024xi32>
    %slice3A_40 = vector.extract_strided_slice %select_n3A_32 {offsets = [0, 2], sizes = [64, 1022], strides = [1, 1]} : vector<64x1024xi32> to vector<64x1022xi32>
    %slice3A_41 = vector.extract_strided_slice %select_n3A_32 {offsets = [0, 0], sizes = [64, 2], strides = [1, 1]} : vector<64x1024xi32> to vector<64x2xi32>
    %concatenate3A_42 = tpu.concatenate %slice3A_40, %slice3A_41 in 1 : vector<64x1022xi32>, vector<64x2xi32> -> vector<64x1024xi32>
    %slice3A_43 = vector.extract_strided_slice %select_n3A_32 {offsets = [0, 1022], sizes = [64, 2], strides = [1, 1]} : vector<64x1024xi32> to vector<64x2xi32>
    %slice3A_44 = vector.extract_strided_slice %select_n3A_32 {offsets = [0, 0], sizes = [64, 1022], strides = [1, 1]} : vector<64x1024xi32> to vector<64x1022xi32>
    %concatenate3A_45 = tpu.concatenate %slice3A_43, %slice3A_44 in 1 : vector<64x2xi32>, vector<64x1022xi32> -> vector<64x1024xi32>
    %select_n3A_46 = arith.select %eq3A_39, %concatenate3A_42, %concatenate3A_45 : vector<64x1024xi1>, vector<64x1024xi32>
    %slice3A_47 = vector.extract_strided_slice %select_n3A_33 {offsets = [0, 2], sizes = [64, 1022], strides = [1, 1]} : vector<64x1024xi32> to vector<64x1022xi32>
    %slice3A_48 = vector.extract_strided_slice %select_n3A_33 {offsets = [0, 0], sizes = [64, 2], strides = [1, 1]} : vector<64x1024xi32> to vector<64x2xi32>
    %concatenate3A_49 = tpu.concatenate %slice3A_47, %slice3A_48 in 1 : vector<64x1022xi32>, vector<64x2xi32> -> vector<64x1024xi32>
    %slice3A_50 = vector.extract_strided_slice %select_n3A_33 {offsets = [0, 1022], sizes = [64, 2], strides = [1, 1]} : vector<64x1024xi32> to vector<64x2xi32>
    %slice3A_51 = vector.extract_strided_slice %select_n3A_33 {offsets = [0, 0], sizes = [64, 1022], strides = [1, 1]} : vector<64x1024xi32> to vector<64x1022xi32>
    %concatenate3A_52 = tpu.concatenate %slice3A_50, %slice3A_51 in 1 : vector<64x2xi32>, vector<64x1022xi32> -> vector<64x1024xi32>
    %select_n3A_53 = arith.select %eq3A_39, %concatenate3A_49, %concatenate3A_52 : vector<64x1024xi1>, vector<64x1024xi32>
    %lt3A_54 = arith.cmpi slt, %select_n3A_32, %select_n3A_46 : vector<64x1024xi32>
    %eq3A_55 = arith.cmpi eq, %select_n3A_32, %select_n3A_46 : vector<64x1024xi32>
    %lt3A_56 = arith.cmpi slt, %select_n3A_33, %select_n3A_53 : vector<64x1024xi32>
    %and3A_57 = arith.andi %eq3A_55, %lt3A_56 : vector<64x1024xi1>
    %or3A_58 = arith.ori %lt3A_54, %and3A_57 : vector<64x1024xi1>
    %and3A_59 = arith.constant 4 : i32
    %and3A_60 = vector.broadcast %and3A_59 : i32 to vector<64x1024xi32>
    %and3A_61 = arith.andi %iota3A, %and3A_60 : vector<64x1024xi32>
    %eq3A_62 = arith.constant 0 : i32
    %eq3A_63 = vector.broadcast %eq3A_62 : i32 to vector<64x1024xi32>
    %eq3A_64 = arith.cmpi eq, %and3A_61, %eq3A_63 : vector<64x1024xi32>
    %eq3A_65 = arith.xori %eq3A_39, %eq3A_64 : vector<64x1024xi1>
    %eq3A_66 = arith.constant dense<true> : vector<64x1024xi1>
    %eq3A_67 = arith.xori %eq3A_65, %eq3A_66 : vector<64x1024xi1>
    %eq3A_68 = arith.xori %or3A_58, %eq3A_67 : vector<64x1024xi1>
    %eq3A_69 = arith.constant dense<true> : vector<64x1024xi1>
    %eq3A_70 = arith.xori %eq3A_68, %eq3A_69 : vector<64x1024xi1>
    %select_n3A_71 = arith.select %eq3A_70, %select_n3A_32, %select_n3A_46 : vector<64x1024xi1>, vector<64x1024xi32>
    %select_n3A_72 = arith.select %eq3A_70, %select_n3A_33, %select_n3A_53 : vector<64x1024xi1>, vector<64x1024xi32>
    %and3A_73 = arith.constant 1 : i32
    %and3A_74 = vector.broadcast %and3A_73 : i32 to vector<64x1024xi32>
    %and3A_75 = arith.andi %iota3A, %and3A_74 : vector<64x1024xi32>
    %eq3A_76 = arith.constant 0 : i32
    %eq3A_77 = vector.broadcast %eq3A_76 : i32 to vector<64x1024xi32>
    %eq3A_78 = arith.cmpi eq, %and3A_75, %eq3A_77 : vector<64x1024xi32>
    %slice3A_79 = vector.extract_strided_slice %select_n3A_71 {offsets = [0, 1], sizes = [64, 1023], strides = [1, 1]} : vector<64x1024xi32> to vector<64x1023xi32>
    %slice3A_80 = vector.extract_strided_slice %select_n3A_71 {offsets = [0, 0], sizes = [64, 1], strides = [1, 1]} : vector<64x1024xi32> to vector<64x1xi32>
    %concatenate3A_81 = tpu.concatenate %slice3A_79, %slice3A_80 in 1 : vector<64x1023xi32>, vector<64x1xi32> -> vector<64x1024xi32>
    %slice3A_82 = vector.extract_strided_slice %select_n3A_71 {offsets = [0, 1023], sizes = [64, 1], strides = [1, 1]} : vector<64x1024xi32> to vector<64x1xi32>
    %slice3A_83 = vector.extract_strided_slice %select_n3A_71 {offsets = [0, 0], sizes = [64, 1023], strides = [1, 1]} : vector<64x1024xi32> to vector<64x1023xi32>
    %concatenate3A_84 = tpu.concatenate %slice3A_82, %slice3A_83 in 1 : vector<64x1xi32>, vector<64x1023xi32> -> vector<64x1024xi32>
    %select_n3A_85 = arith.select %eq3A_78, %concatenate3A_81, %concatenate3A_84 : vector<64x1024xi1>, vector<64x1024xi32>
    %slice3A_86 = vector.extract_strided_slice %select_n3A_72 {offsets = [0, 1], sizes = [64, 1023], strides = [1, 1]} : vector<64x1024xi32> to vector<64x1023xi32>
    %slice3A_87 = vector.extract_strided_slice %select_n3A_72 {offsets = [0, 0], sizes = [64, 1], strides = [1, 1]} : vector<64x1024xi32> to vector<64x1xi32>
    %concatenate3A_88 = tpu.concatenate %slice3A_86, %slice3A_87 in 1 : vector<64x1023xi32>, vector<64x1xi32> -> vector<64x1024xi32>
    %slice3A_89 = vector.extract_strided_slice %select_n3A_72 {offsets = [0, 1023], sizes = [64, 1], strides = [1, 1]} : vector<64x1024xi32> to vector<64x1xi32>
    %slice3A_90 = vector.extract_strided_slice %select_n3A_72 {offsets = [0, 0], sizes = [64, 1023], strides = [1, 1]} : vector<64x1024xi32> to vector<64x1023xi32>
    %concatenate3A_91 = tpu.concatenate %slice3A_89, %slice3A_90 in 1 : vector<64x1xi32>, vector<64x1023xi32> -> vector<64x1024xi32>
    %select_n3A_92 = arith.select %eq3A_78, %concatenate3A_88, %concatenate3A_91 : vector<64x1024xi1>, vector<64x1024xi32>
    %lt3A_93 = arith.cmpi slt, %select_n3A_71, %select_n3A_85 : vector<64x1024xi32>
    %eq3A_94 = arith.cmpi eq, %select_n3A_71, %select_n3A_85 : vector<64x1024xi32>
    %lt3A_95 = arith.cmpi slt, %select_n3A_72, %select_n3A_92 : vector<64x1024xi32>
    %and3A_96 = arith.andi %eq3A_94, %lt3A_95 : vector<64x1024xi1>
    %or3A_97 = arith.ori %lt3A_93, %and3A_96 : vector<64x1024xi1>
    %and3A_98 = arith.constant 4 : i32
    %and3A_99 = vector.broadcast %and3A_98 : i32 to vector<64x1024xi32>
    %and3A_100 = arith.andi %iota3A, %and3A_99 : vector<64x1024xi32>
    %eq3A_101 = arith.constant 0 : i32
    %eq3A_102 = vector.broadcast %eq3A_101 : i32 to vector<64x1024xi32>
    %eq3A_103 = arith.cmpi eq, %and3A_100, %eq3A_102 : vector<64x1024xi32>
    %eq3A_104 = arith.xori %eq3A_78, %eq3A_103 : vector<64x1024xi1>
    %eq3A_105 = arith.constant dense<true> : vector<64x1024xi1>
    %eq3A_106 = arith.xori %eq3A_104, %eq3A_105 : vector<64x1024xi1>
    %eq3A_107 = arith.xori %or3A_97, %eq3A_106 : vector<64x1024xi1>
    %eq3A_108 = arith.constant dense<true> : vector<64x1024xi1>
    %eq3A_109 = arith.xori %eq3A_107, %eq3A_108 : vector<64x1024xi1>
    %select_n3A_110 = arith.select %eq3A_109, %select_n3A_71, %select_n3A_85 : vector<64x1024xi1>, vector<64x1024xi32>
    %select_n3A_111 = arith.select %eq3A_109, %select_n3A_72, %select_n3A_92 : vector<64x1024xi1>, vector<64x1024xi32>
    %and3A_112 = arith.constant 4 : i32
    %and3A_113 = vector.broadcast %and3A_112 : i32 to vector<64x1024xi32>
    %and3A_114 = arith.andi %iota3A, %and3A_113 : vector<64x1024xi32>
    %eq3A_115 = arith.constant 0 : i32
    %eq3A_116 = vector.broadcast %eq3A_115 : i32 to vector<64x1024xi32>
    %eq3A_117 = arith.cmpi eq, %and3A_114, %eq3A_116 : vector<64x1024xi32>
    %slice3A_118 = vector.extract_strided_slice %select_n3A_110 {offsets = [0, 4], sizes = [64, 1020], strides = [1, 1]} : vector<64x1024xi32> to vector<64x1020xi32>
    %slice3A_119 = vector.extract_strided_slice %select_n3A_110 {offsets = [0, 0], sizes = [64, 4], strides = [1, 1]} : vector<64x1024xi32> to vector<64x4xi32>
    %concatenate3A_120 = tpu.concatenate %slice3A_118, %slice3A_119 in 1 : vector<64x1020xi32>, vector<64x4xi32> -> vector<64x1024xi32>
    %slice3A_121 = vector.extract_strided_slice %select_n3A_110 {offsets = [0, 1020], sizes = [64, 4], strides = [1, 1]} : vector<64x1024xi32> to vector<64x4xi32>
    %slice3A_122 = vector.extract_strided_slice %select_n3A_110 {offsets = [0, 0], sizes = [64, 1020], strides = [1, 1]} : vector<64x1024xi32> to vector<64x1020xi32>
    %concatenate3A_123 = tpu.concatenate %slice3A_121, %slice3A_122 in 1 : vector<64x4xi32>, vector<64x1020xi32> -> vector<64x1024xi32>
    %select_n3A_124 = arith.select %eq3A_117, %concatenate3A_120, %concatenate3A_123 : vector<64x1024xi1>, vector<64x1024xi32>
    %slice3A_125 = vector.extract_strided_slice %select_n3A_111 {offsets = [0, 4], sizes = [64, 1020], strides = [1, 1]} : vector<64x1024xi32> to vector<64x1020xi32>
    %slice3A_126 = vector.extract_strided_slice %select_n3A_111 {offsets = [0, 0], sizes = [64, 4], strides = [1, 1]} : vector<64x1024xi32> to vector<64x4xi32>
    %concatenate3A_127 = tpu.concatenate %slice3A_125, %slice3A_126 in 1 : vector<64x1020xi32>, vector<64x4xi32> -> vector<64x1024xi32>
    %slice3A_128 = vector.extract_strided_slice %select_n3A_111 {offsets = [0, 1020], sizes = [64, 4], strides = [1, 1]} : vector<64x1024xi32> to vector<64x4xi32>
    %slice3A_129 = vector.extract_strided_slice %select_n3A_111 {offsets = [0, 0], sizes = [64, 1020], strides = [1, 1]} : vector<64x1024xi32> to vector<64x1020xi32>
    %concatenate3A_130 = tpu.concatenate %slice3A_128, %slice3A_129 in 1 : vector<64x4xi32>, vector<64x1020xi32> -> vector<64x1024xi32>
    %select_n3A_131 = arith.select %eq3A_117, %concatenate3A_127, %concatenate3A_130 : vector<64x1024xi1>, vector<64x1024xi32>
    %lt3A_132 = arith.cmpi slt, %select_n3A_110, %select_n3A_124 : vector<64x1024xi32>
    %eq3A_133 = arith.cmpi eq, %select_n3A_110, %select_n3A_124 : vector<64x1024xi32>
    %lt3A_134 = arith.cmpi slt, %select_n3A_111, %select_n3A_131 : vector<64x1024xi32>
    %and3A_135 = arith.andi %eq3A_133, %lt3A_134 : vector<64x1024xi1>
    %or3A_136 = arith.ori %lt3A_132, %and3A_135 : vector<64x1024xi1>
    %and3A_137 = arith.constant 8 : i32
    %and3A_138 = vector.broadcast %and3A_137 : i32 to vector<64x1024xi32>
    %and3A_139 = arith.andi %iota3A, %and3A_138 : vector<64x1024xi32>
    %eq3A_140 = arith.constant 0 : i32
    %eq3A_141 = vector.broadcast %eq3A_140 : i32 to vector<64x1024xi32>
    %eq3A_142 = arith.cmpi eq, %and3A_139, %eq3A_141 : vector<64x1024xi32>
    %eq3A_143 = arith.xori %eq3A_117, %eq3A_142 : vector<64x1024xi1>
    %eq3A_144 = arith.constant dense<true> : vector<64x1024xi1>
    %eq3A_145 = arith.xori %eq3A_143, %eq3A_144 : vector<64x1024xi1>
    %eq3A_146 = arith.xori %or3A_136, %eq3A_145 : vector<64x1024xi1>
    %eq3A_147 = arith.constant dense<true> : vector<64x1024xi1>
    %eq3A_148 = arith.xori %eq3A_146, %eq3A_147 : vector<64x1024xi1>
    %select_n3A_149 = arith.select %eq3A_148, %select_n3A_110, %select_n3A_124 : vector<64x1024xi1>, vector<64x1024xi32>
    %select_n3A_150 = arith.select %eq3A_148, %select_n3A_111, %select_n3A_131 : vector<64x1024xi1>, vector<64x1024xi32>
    %and3A_151 = arith.constant 2 : i32
    %and3A_152 = vector.broadcast %and3A_151 : i32 to vector<64x1024xi32>
    %and3A_153 = arith.andi %iota3A, %and3A_152 : vector<64x1024xi32>
    %eq3A_154 = arith.constant 0 : i32
    %eq3A_155 = vector.broadcast %eq3A_154 : i32 to vector<64x1024xi32>
    %eq3A_156 = arith.cmpi eq, %and3A_153, %eq3A_155 : vector<64x1024xi32>
    %slice3A_157 = vector.extract_strided_slice %select_n3A_149 {offsets = [0, 2], sizes = [64, 1022], strides = [1, 1]} : vector<64x1024xi32> to vector<64x1022xi32>
    %slice3A_158 = vector.extract_strided_slice %select_n3A_149 {offsets = [0, 0], sizes = [64, 2], strides = [1, 1]} : vector<64x1024xi32> to vector<64x2xi32>
    %concatenate3A_159 = tpu.concatenate %slice3A_157, %slice3A_158 in 1 : vector<64x1022xi32>, vector<64x2xi32> -> vector<64x1024xi32>
    %slice3A_160 = vector.extract_strided_slice %select_n3A_149 {offsets = [0, 1022], sizes = [64, 2], strides = [1, 1]} : vector<64x1024xi32> to vector<64x2xi32>
    %slice3A_161 = vector.extract_strided_slice %select_n3A_149 {offsets = [0, 0], sizes = [64, 1022], strides = [1, 1]} : vector<64x1024xi32> to vector<64x1022xi32>
    %concatenate3A_162 = tpu.concatenate %slice3A_160, %slice3A_161 in 1 : vector<64x2xi32>, vector<64x1022xi32> -> vector<64x1024xi32>
    %select_n3A_163 = arith.select %eq3A_156, %concatenate3A_159, %concatenate3A_162 : vector<64x1024xi1>, vector<64x1024xi32>
    %slice3A_164 = vector.extract_strided_slice %select_n3A_150 {offsets = [0, 2], sizes = [64, 1022], strides = [1, 1]} : vector<64x1024xi32> to vector<64x1022xi32>
    %slice3A_165 = vector.extract_strided_slice %select_n3A_150 {offsets = [0, 0], sizes = [64, 2], strides = [1, 1]} : vector<64x1024xi32> to vector<64x2xi32>
    %concatenate3A_166 = tpu.concatenate %slice3A_164, %slice3A_165 in 1 : vector<64x1022xi32>, vector<64x2xi32> -> vector<64x1024xi32>
    %slice3A_167 = vector.extract_strided_slice %select_n3A_150 {offsets = [0, 1022], sizes = [64, 2], strides = [1, 1]} : vector<64x1024xi32> to vector<64x2xi32>
    %slice3A_168 = vector.extract_strided_slice %select_n3A_150 {offsets = [0, 0], sizes = [64, 1022], strides = [1, 1]} : vector<64x1024xi32> to vector<64x1022xi32>
    %concatenate3A_169 = tpu.concatenate %slice3A_167, %slice3A_168 in 1 : vector<64x2xi32>, vector<64x1022xi32> -> vector<64x1024xi32>
    %select_n3A_170 = arith.select %eq3A_156, %concatenate3A_166, %concatenate3A_169 : vector<64x1024xi1>, vector<64x1024xi32>
    %lt3A_171 = arith.cmpi slt, %select_n3A_149, %select_n3A_163 : vector<64x1024xi32>
    %eq3A_172 = arith.cmpi eq, %select_n3A_149, %select_n3A_163 : vector<64x1024xi32>
    %lt3A_173 = arith.cmpi slt, %select_n3A_150, %select_n3A_170 : vector<64x1024xi32>
    %and3A_174 = arith.andi %eq3A_172, %lt3A_173 : vector<64x1024xi1>
    %or3A_175 = arith.ori %lt3A_171, %and3A_174 : vector<64x1024xi1>
    %and3A_176 = arith.constant 8 : i32
    %and3A_177 = vector.broadcast %and3A_176 : i32 to vector<64x1024xi32>
    %and3A_178 = arith.andi %iota3A, %and3A_177 : vector<64x1024xi32>
    %eq3A_179 = arith.constant 0 : i32
    %eq3A_180 = vector.broadcast %eq3A_179 : i32 to vector<64x1024xi32>
    %eq3A_181 = arith.cmpi eq, %and3A_178, %eq3A_180 : vector<64x1024xi32>
    %eq3A_182 = arith.xori %eq3A_156, %eq3A_181 : vector<64x1024xi1>
    %eq3A_183 = arith.constant dense<true> : vector<64x1024xi1>
    %eq3A_184 = arith.xori %eq3A_182, %eq3A_183 : vector<64x1024xi1>
    %eq3A_185 = arith.xori %or3A_175, %eq3A_184 : vector<64x1024xi1>
    %eq3A_186 = arith.constant dense<true> : vector<64x1024xi1>
    %eq3A_187 = arith.xori %eq3A_185, %eq3A_186 : vector<64x1024xi1>
    %select_n3A_188 = arith.select %eq3A_187, %select_n3A_149, %select_n3A_163 : vector<64x1024xi1>, vector<64x1024xi32>
    %select_n3A_189 = arith.select %eq3A_187, %select_n3A_150, %select_n3A_170 : vector<64x1024xi1>, vector<64x1024xi32>
    %and3A_190 = arith.constant 1 : i32
    %and3A_191 = vector.broadcast %and3A_190 : i32 to vector<64x1024xi32>
    %and3A_192 = arith.andi %iota3A, %and3A_191 : vector<64x1024xi32>
    %eq3A_193 = arith.constant 0 : i32
    %eq3A_194 = vector.broadcast %eq3A_193 : i32 to vector<64x1024xi32>
    %eq3A_195 = arith.cmpi eq, %and3A_192, %eq3A_194 : vector<64x1024xi32>
    %slice3A_196 = vector.extract_strided_slice %select_n3A_188 {offsets = [0, 1], sizes = [64, 1023], strides = [1, 1]} : vector<64x1024xi32> to vector<64x1023xi32>
    %slice3A_197 = vector.extract_strided_slice %select_n3A_188 {offsets = [0, 0], sizes = [64, 1], strides = [1, 1]} : vector<64x1024xi32> to vector<64x1xi32>
    %concatenate3A_198 = tpu.concatenate %slice3A_196, %slice3A_197 in 1 : vector<64x1023xi32>, vector<64x1xi32> -> vector<64x1024xi32>
    %slice3A_199 = vector.extract_strided_slice %select_n3A_188 {offsets = [0, 1023], sizes = [64, 1], strides = [1, 1]} : vector<64x1024xi32> to vector<64x1xi32>
    %slice3A_200 = vector.extract_strided_slice %select_n3A_188 {offsets = [0, 0], sizes = [64, 1023], strides = [1, 1]} : vector<64x1024xi32> to vector<64x1023xi32>
    %concatenate3A_201 = tpu.concatenate %slice3A_199, %slice3A_200 in 1 : vector<64x1xi32>, vector<64x1023xi32> -> vector<64x1024xi32>
    %select_n3A_202 = arith.select %eq3A_195, %concatenate3A_198, %concatenate3A_201 : vector<64x1024xi1>, vector<64x1024xi32>
    %slice3A_203 = vector.extract_strided_slice %select_n3A_189 {offsets = [0, 1], sizes = [64, 1023], strides = [1, 1]} : vector<64x1024xi32> to vector<64x1023xi32>
    %slice3A_204 = vector.extract_strided_slice %select_n3A_189 {offsets = [0, 0], sizes = [64, 1], strides = [1, 1]} : vector<64x1024xi32> to vector<64x1xi32>
    %concatenate3A_205 = tpu.concatenate %slice3A_203, %slice3A_204 in 1 : vector<64x1023xi32>, vector<64x1xi32> -> vector<64x1024xi32>
    %slice3A_206 = vector.extract_strided_slice %select_n3A_189 {offsets = [0, 1023], sizes = [64, 1], strides = [1, 1]} : vector<64x1024xi32> to vector<64x1xi32>
    %slice3A_207 = vector.extract_strided_slice %select_n3A_189 {offsets = [0, 0], sizes = [64, 1023], strides = [1, 1]} : vector<64x1024xi32> to vector<64x1023xi32>
    %concatenate3A_208 = tpu.concatenate %slice3A_206, %slice3A_207 in 1 : vector<64x1xi32>, vector<64x1023xi32> -> vector<64x1024xi32>
    %select_n3A_209 = arith.select %eq3A_195, %concatenate3A_205, %concatenate3A_208 : vector<64x1024xi1>, vector<64x1024xi32>
    %lt3A_210 = arith.cmpi slt, %select_n3A_188, %select_n3A_202 : vector<64x1024xi32>
    %eq3A_211 = arith.cmpi eq, %select_n3A_188, %select_n3A_202 : vector<64x1024xi32>
    %lt3A_212 = arith.cmpi slt, %select_n3A_189, %select_n3A_209 : vector<64x1024xi32>
    %and3A_213 = arith.andi %eq3A_211, %lt3A_212 : vector<64x1024xi1>
    %or3A_214 = arith.ori %lt3A_210, %and3A_213 : vector<64x1024xi1>
    %and3A_215 = arith.constant 8 : i32
    %and3A_216 = vector.broadcast %and3A_215 : i32 to vector<64x1024xi32>
    %and3A_217 = arith.andi %iota3A, %and3A_216 : vector<64x1024xi32>
    %eq3A_218 = arith.constant 0 : i32
    %eq3A_219 = vector.broadcast %eq3A_218 : i32 to vector<64x1024xi32>
    %eq3A_220 = arith.cmpi eq, %and3A_217, %eq3A_219 : vector<64x1024xi32>
    %eq3A_221 = arith.xori %eq3A_195, %eq3A_220 : vector<64x1024xi1>
    %eq3A_222 = arith.constant dense<true> : vector<64x1024xi1>
    %eq3A_223 = arith.xori %eq3A_221, %eq3A_222 : vector<64x1024xi1>
    %eq3A_224 = arith.xori %or3A_214, %eq3A_223 : vector<64x1024xi1>
    %eq3A_225 = arith.constant dense<true> : vector<64x1024xi1>
    %eq3A_226 = arith.xori %eq3A_224, %eq3A_225 : vector<64x1024xi1>
    %select_n3A_227 = arith.select %eq3A_226, %select_n3A_188, %select_n3A_202 : vector<64x1024xi1>, vector<64x1024xi32>
    %select_n3A_228 = arith.select %eq3A_226, %select_n3A_189, %select_n3A_209 : vector<64x1024xi1>, vector<64x1024xi32>
    %and3A_229 = arith.constant 8 : i32
    %and3A_230 = vector.broadcast %and3A_229 : i32 to vector<64x1024xi32>
    %and3A_231 = arith.andi %iota3A, %and3A_230 : vector<64x1024xi32>
    %eq3A_232 = arith.constant 0 : i32
    %eq3A_233 = vector.broadcast %eq3A_232 : i32 to vector<64x1024xi32>
    %eq3A_234 = arith.cmpi eq, %and3A_231, %eq3A_233 : vector<64x1024xi32>
    %slice3A_235 = vector.extract_strided_slice %select_n3A_227 {offsets = [0, 8], sizes = [64, 1016], strides = [1, 1]} : vector<64x1024xi32> to vector<64x1016xi32>
    %slice3A_236 = vector.extract_strided_slice %select_n3A_227 {offsets = [0, 0], sizes = [64, 8], strides = [1, 1]} : vector<64x1024xi32> to vector<64x8xi32>
    %concatenate3A_237 = tpu.concatenate %slice3A_235, %slice3A_236 in 1 : vector<64x1016xi32>, vector<64x8xi32> -> vector<64x1024xi32>
    %slice3A_238 = vector.extract_strided_slice %select_n3A_227 {offsets = [0, 1016], sizes = [64, 8], strides = [1, 1]} : vector<64x1024xi32> to vector<64x8xi32>
    %slice3A_239 = vector.extract_strided_slice %select_n3A_227 {offsets = [0, 0], sizes = [64, 1016], strides = [1, 1]} : vector<64x1024xi32> to vector<64x1016xi32>
    %concatenate3A_240 = tpu.concatenate %slice3A_238, %slice3A_239 in 1 : vector<64x8xi32>, vector<64x1016xi32> -> vector<64x1024xi32>
    %select_n3A_241 = arith.select %eq3A_234, %concatenate3A_237, %concatenate3A_240 : vector<64x1024xi1>, vector<64x1024xi32>
    %slice3A_242 = vector.extract_strided_slice %select_n3A_228 {offsets = [0, 8], sizes = [64, 1016], strides = [1, 1]} : vector<64x1024xi32> to vector<64x1016xi32>
    %slice3A_243 = vector.extract_strided_slice %select_n3A_228 {offsets = [0, 0], sizes = [64, 8], strides = [1, 1]} : vector<64x1024xi32> to vector<64x8xi32>
    %concatenate3A_244 = tpu.concatenate %slice3A_242, %slice3A_243 in 1 : vector<64x1016xi32>, vector<64x8xi32> -> vector<64x1024xi32>
    %slice3A_245 = vector.extract_strided_slice %select_n3A_228 {offsets = [0, 1016], sizes = [64, 8], strides = [1, 1]} : vector<64x1024xi32> to vector<64x8xi32>
    %slice3A_246 = vector.extract_strided_slice %select_n3A_228 {offsets = [0, 0], sizes = [64, 1016], strides = [1, 1]} : vector<64x1024xi32> to vector<64x1016xi32>
    %concatenate3A_247 = tpu.concatenate %slice3A_245, %slice3A_246 in 1 : vector<64x8xi32>, vector<64x1016xi32> -> vector<64x1024xi32>
    %select_n3A_248 = arith.select %eq3A_234, %concatenate3A_244, %concatenate3A_247 : vector<64x1024xi1>, vector<64x1024xi32>
    %lt3A_249 = arith.cmpi slt, %select_n3A_227, %select_n3A_241 : vector<64x1024xi32>
    %eq3A_250 = arith.cmpi eq, %select_n3A_227, %select_n3A_241 : vector<64x1024xi32>
    %lt3A_251 = arith.cmpi slt, %select_n3A_228, %select_n3A_248 : vector<64x1024xi32>
    %and3A_252 = arith.andi %eq3A_250, %lt3A_251 : vector<64x1024xi1>
    %or3A_253 = arith.ori %lt3A_249, %and3A_252 : vector<64x1024xi1>
    %and3A_254 = arith.constant 16 : i32
    %and3A_255 = vector.broadcast %and3A_254 : i32 to vector<64x1024xi32>
    %and3A_256 = arith.andi %iota3A, %and3A_255 : vector<64x1024xi32>
    %eq3A_257 = arith.constant 0 : i32
    %eq3A_258 = vector.broadcast %eq3A_257 : i32 to vector<64x1024xi32>
    %eq3A_259 = arith.cmpi eq, %and3A_256, %eq3A_258 : vector<64x1024xi32>
    %eq3A_260 = arith.xori %eq3A_234, %eq3A_259 : vector<64x1024xi1>
    %eq3A_261 = arith.constant dense<true> : vector<64x1024xi1>
    %eq3A_262 = arith.xori %eq3A_260, %eq3A_261 : vector<64x1024xi1>
    %eq3A_263 = arith.xori %or3A_253, %eq3A_262 : vector<64x1024xi1>
    %eq3A_264 = arith.constant dense<true> : vector<64x1024xi1>
    %eq3A_265 = arith.xori %eq3A_263, %eq3A_264 : vector<64x1024xi1>
    %select_n3A_266 = arith.select %eq3A_265, %select_n3A_227, %select_n3A_241 : vector<64x1024xi1>, vector<64x1024xi32>
    %select_n3A_267 = arith.select %eq3A_265, %select_n3A_228, %select_n3A_248 : vector<64x1024xi1>, vector<64x1024xi32>
    %and3A_268 = arith.constant 4 : i32
    %and3A_269 = vector.broadcast %and3A_268 : i32 to vector<64x1024xi32>
    %and3A_270 = arith.andi %iota3A, %and3A_269 : vector<64x1024xi32>
    %eq3A_271 = arith.constant 0 : i32
    %eq3A_272 = vector.broadcast %eq3A_271 : i32 to vector<64x1024xi32>
    %eq3A_273 = arith.cmpi eq, %and3A_270, %eq3A_272 : vector<64x1024xi32>
    %slice3A_274 = vector.extract_strided_slice %select_n3A_266 {offsets = [0, 4], sizes = [64, 1020], strides = [1, 1]} : vector<64x1024xi32> to vector<64x1020xi32>
    %slice3A_275 = vector.extract_strided_slice %select_n3A_266 {offsets = [0, 0], sizes = [64, 4], strides = [1, 1]} : vector<64x1024xi32> to vector<64x4xi32>
    %concatenate3A_276 = tpu.concatenate %slice3A_274, %slice3A_275 in 1 : vector<64x1020xi32>, vector<64x4xi32> -> vector<64x1024xi32>
    %slice3A_277 = vector.extract_strided_slice %select_n3A_266 {offsets = [0, 1020], sizes = [64, 4], strides = [1, 1]} : vector<64x1024xi32> to vector<64x4xi32>
    %slice3A_278 = vector.extract_strided_slice %select_n3A_266 {offsets = [0, 0], sizes = [64, 1020], strides = [1, 1]} : vector<64x1024xi32> to vector<64x1020xi32>
    %concatenate3A_279 = tpu.concatenate %slice3A_277, %slice3A_278 in 1 : vector<64x4xi32>, vector<64x1020xi32> -> vector<64x1024xi32>
    %select_n3A_280 = arith.select %eq3A_273, %concatenate3A_276, %concatenate3A_279 : vector<64x1024xi1>, vector<64x1024xi32>
    %slice3A_281 = vector.extract_strided_slice %select_n3A_267 {offsets = [0, 4], sizes = [64, 1020], strides = [1, 1]} : vector<64x1024xi32> to vector<64x1020xi32>
    %slice3A_282 = vector.extract_strided_slice %select_n3A_267 {offsets = [0, 0], sizes = [64, 4], strides = [1, 1]} : vector<64x1024xi32> to vector<64x4xi32>
    %concatenate3A_283 = tpu.concatenate %slice3A_281, %slice3A_282 in 1 : vector<64x1020xi32>, vector<64x4xi32> -> vector<64x1024xi32>
    %slice3A_284 = vector.extract_strided_slice %select_n3A_267 {offsets = [0, 1020], sizes = [64, 4], strides = [1, 1]} : vector<64x1024xi32> to vector<64x4xi32>
    %slice3A_285 = vector.extract_strided_slice %select_n3A_267 {offsets = [0, 0], sizes = [64, 1020], strides = [1, 1]} : vector<64x1024xi32> to vector<64x1020xi32>
    %concatenate3A_286 = tpu.concatenate %slice3A_284, %slice3A_285 in 1 : vector<64x4xi32>, vector<64x1020xi32> -> vector<64x1024xi32>
    %select_n3A_287 = arith.select %eq3A_273, %concatenate3A_283, %concatenate3A_286 : vector<64x1024xi1>, vector<64x1024xi32>
    %lt3A_288 = arith.cmpi slt, %select_n3A_266, %select_n3A_280 : vector<64x1024xi32>
    %eq3A_289 = arith.cmpi eq, %select_n3A_266, %select_n3A_280 : vector<64x1024xi32>
    %lt3A_290 = arith.cmpi slt, %select_n3A_267, %select_n3A_287 : vector<64x1024xi32>
    %and3A_291 = arith.andi %eq3A_289, %lt3A_290 : vector<64x1024xi1>
    %or3A_292 = arith.ori %lt3A_288, %and3A_291 : vector<64x1024xi1>
    %and3A_293 = arith.constant 16 : i32
    %and3A_294 = vector.broadcast %and3A_293 : i32 to vector<64x1024xi32>
    %and3A_295 = arith.andi %iota3A, %and3A_294 : vector<64x1024xi32>
    %eq3A_296 = arith.constant 0 : i32
    %eq3A_297 = vector.broadcast %eq3A_296 : i32 to vector<64x1024xi32>
    %eq3A_298 = arith.cmpi eq, %and3A_295, %eq3A_297 : vector<64x1024xi32>
    %eq3A_299 = arith.xori %eq3A_273, %eq3A_298 : vector<64x1024xi1>
    %eq3A_300 = arith.constant dense<true> : vector<64x1024xi1>
    %eq3A_301 = arith.xori %eq3A_299, %eq3A_300 : vector<64x1024xi1>
    %eq3A_302 = arith.xori %or3A_292, %eq3A_301 : vector<64x1024xi1>
    %eq3A_303 = arith.constant dense<true> : vector<64x1024xi1>
    %eq3A_304 = arith.xori %eq3A_302, %eq3A_303 : vector<64x1024xi1>
    %select_n3A_305 = arith.select %eq3A_304, %select_n3A_266, %select_n3A_280 : vector<64x1024xi1>, vector<64x1024xi32>
    %select_n3A_306 = arith.select %eq3A_304, %select_n3A_267, %select_n3A_287 : vector<64x1024xi1>, vector<64x1024xi32>
    %and3A_307 = arith.constant 2 : i32
    %and3A_308 = vector.broadcast %and3A_307 : i32 to vector<64x1024xi32>
    %and3A_309 = arith.andi %iota3A, %and3A_308 : vector<64x1024xi32>
    %eq3A_310 = arith.constant 0 : i32
    %eq3A_311 = vector.broadcast %eq3A_310 : i32 to vector<64x1024xi32>
    %eq3A_312 = arith.cmpi eq, %and3A_309, %eq3A_311 : vector<64x1024xi32>
    %slice3A_313 = vector.extract_strided_slice %select_n3A_305 {offsets = [0, 2], sizes = [64, 1022], strides = [1, 1]} : vector<64x1024xi32> to vector<64x1022xi32>
    %slice3A_314 = vector.extract_strided_slice %select_n3A_305 {offsets = [0, 0], sizes = [64, 2], strides = [1, 1]} : vector<64x1024xi32> to vector<64x2xi32>
    %concatenate3A_315 = tpu.concatenate %slice3A_313, %slice3A_314 in 1 : vector<64x1022xi32>, vector<64x2xi32> -> vector<64x1024xi32>
    %slice3A_316 = vector.extract_strided_slice %select_n3A_305 {offsets = [0, 1022], sizes = [64, 2], strides = [1, 1]} : vector<64x1024xi32> to vector<64x2xi32>
    %slice3A_317 = vector.extract_strided_slice %select_n3A_305 {offsets = [0, 0], sizes = [64, 1022], strides = [1, 1]} : vector<64x1024xi32> to vector<64x1022xi32>
    %concatenate3A_318 = tpu.concatenate %slice3A_316, %slice3A_317 in 1 : vector<64x2xi32>, vector<64x1022xi32> -> vector<64x1024xi32>
    %select_n3A_319 = arith.select %eq3A_312, %concatenate3A_315, %concatenate3A_318 : vector<64x1024xi1>, vector<64x1024xi32>
    %slice3A_320 = vector.extract_strided_slice %select_n3A_306 {offsets = [0, 2], sizes = [64, 1022], strides = [1, 1]} : vector<64x1024xi32> to vector<64x1022xi32>
    %slice3A_321 = vector.extract_strided_slice %select_n3A_306 {offsets = [0, 0], sizes = [64, 2], strides = [1, 1]} : vector<64x1024xi32> to vector<64x2xi32>
    %concatenate3A_322 = tpu.concatenate %slice3A_320, %slice3A_321 in 1 : vector<64x1022xi32>, vector<64x2xi32> -> vector<64x1024xi32>
    %slice3A_323 = vector.extract_strided_slice %select_n3A_306 {offsets = [0, 1022], sizes = [64, 2], strides = [1, 1]} : vector<64x1024xi32> to vector<64x2xi32>
    %slice3A_324 = vector.extract_strided_slice %select_n3A_306 {offsets = [0, 0], sizes = [64, 1022], strides = [1, 1]} : vector<64x1024xi32> to vector<64x1022xi32>
    %concatenate3A_325 = tpu.concatenate %slice3A_323, %slice3A_324 in 1 : vector<64x2xi32>, vector<64x1022xi32> -> vector<64x1024xi32>
    %select_n3A_326 = arith.select %eq3A_312, %concatenate3A_322, %concatenate3A_325 : vector<64x1024xi1>, vector<64x1024xi32>
    %lt3A_327 = arith.cmpi slt, %select_n3A_305, %select_n3A_319 : vector<64x1024xi32>
    %eq3A_328 = arith.cmpi eq, %select_n3A_305, %select_n3A_319 : vector<64x1024xi32>
    %lt3A_329 = arith.cmpi slt, %select_n3A_306, %select_n3A_326 : vector<64x1024xi32>
    %and3A_330 = arith.andi %eq3A_328, %lt3A_329 : vector<64x1024xi1>
    %or3A_331 = arith.ori %lt3A_327, %and3A_330 : vector<64x1024xi1>
    %and3A_332 = arith.constant 16 : i32
    %and3A_333 = vector.broadcast %and3A_332 : i32 to vector<64x1024xi32>
    %and3A_334 = arith.andi %iota3A, %and3A_333 : vector<64x1024xi32>
    %eq3A_335 = arith.constant 0 : i32
    %eq3A_336 = vector.broadcast %eq3A_335 : i32 to vector<64x1024xi32>
    %eq3A_337 = arith.cmpi eq, %and3A_334, %eq3A_336 : vector<64x1024xi32>
    %eq3A_338 = arith.xori %eq3A_312, %eq3A_337 : vector<64x1024xi1>
    %eq3A_339 = arith.constant dense<true> : vector<64x1024xi1>
    %eq3A_340 = arith.xori %eq3A_338, %eq3A_339 : vector<64x1024xi1>
    %eq3A_341 = arith.xori %or3A_331, %eq3A_340 : vector<64x1024xi1>
    %eq3A_342 = arith.constant dense<true> : vector<64x1024xi1>
    %eq3A_343 = arith.xori %eq3A_341, %eq3A_342 : vector<64x1024xi1>
    %select_n3A_344 = arith.select %eq3A_343, %select_n3A_305, %select_n3A_319 : vector<64x1024xi1>, vector<64x1024xi32>
    %select_n3A_345 = arith.select %eq3A_343, %select_n3A_306, %select_n3A_326 : vector<64x1024xi1>, vector<64x1024xi32>
    %and3A_346 = arith.constant 1 : i32
    %and3A_347 = vector.broadcast %and3A_346 : i32 to vector<64x1024xi32>
    %and3A_348 = arith.andi %iota3A, %and3A_347 : vector<64x1024xi32>
    %eq3A_349 = arith.constant 0 : i32
    %eq3A_350 = vector.broadcast %eq3A_349 : i32 to vector<64x1024xi32>
    %eq3A_351 = arith.cmpi eq, %and3A_348, %eq3A_350 : vector<64x1024xi32>
    %slice3A_352 = vector.extract_strided_slice %select_n3A_344 {offsets = [0, 1], sizes = [64, 1023], strides = [1, 1]} : vector<64x1024xi32> to vector<64x1023xi32>
    %slice3A_353 = vector.extract_strided_slice %select_n3A_344 {offsets = [0, 0], sizes = [64, 1], strides = [1, 1]} : vector<64x1024xi32> to vector<64x1xi32>
    %concatenate3A_354 = tpu.concatenate %slice3A_352, %slice3A_353 in 1 : vector<64x1023xi32>, vector<64x1xi32> -> vector<64x1024xi32>
    %slice3A_355 = vector.extract_strided_slice %select_n3A_344 {offsets = [0, 1023], sizes = [64, 1], strides = [1, 1]} : vector<64x1024xi32> to vector<64x1xi32>
    %slice3A_356 = vector.extract_strided_slice %select_n3A_344 {offsets = [0, 0], sizes = [64, 1023], strides = [1, 1]} : vector<64x1024xi32> to vector<64x1023xi32>
    %concatenate3A_357 = tpu.concatenate %slice3A_355, %slice3A_356 in 1 : vector<64x1xi32>, vector<64x1023xi32> -> vector<64x1024xi32>
    %select_n3A_358 = arith.select %eq3A_351, %concatenate3A_354, %concatenate3A_357 : vector<64x1024xi1>, vector<64x1024xi32>
    %slice3A_359 = vector.extract_strided_slice %select_n3A_345 {offsets = [0, 1], sizes = [64, 1023], strides = [1, 1]} : vector<64x1024xi32> to vector<64x1023xi32>
    %slice3A_360 = vector.extract_strided_slice %select_n3A_345 {offsets = [0, 0], sizes = [64, 1], strides = [1, 1]} : vector<64x1024xi32> to vector<64x1xi32>
    %concatenate3A_361 = tpu.concatenate %slice3A_359, %slice3A_360 in 1 : vector<64x1023xi32>, vector<64x1xi32> -> vector<64x1024xi32>
    %slice3A_362 = vector.extract_strided_slice %select_n3A_345 {offsets = [0, 1023], sizes = [64, 1], strides = [1, 1]} : vector<64x1024xi32> to vector<64x1xi32>
    %slice3A_363 = vector.extract_strided_slice %select_n3A_345 {offsets = [0, 0], sizes = [64, 1023], strides = [1, 1]} : vector<64x1024xi32> to vector<64x1023xi32>
    %concatenate3A_364 = tpu.concatenate %slice3A_362, %slice3A_363 in 1 : vector<64x1xi32>, vector<64x1023xi32> -> vector<64x1024xi32>
    %select_n3A_365 = arith.select %eq3A_351, %concatenate3A_361, %concatenate3A_364 : vector<64x1024xi1>, vector<64x1024xi32>
    %lt3A_366 = arith.cmpi slt, %select_n3A_344, %select_n3A_358 : vector<64x1024xi32>
    %eq3A_367 = arith.cmpi eq, %select_n3A_344, %select_n3A_358 : vector<64x1024xi32>
    %lt3A_368 = arith.cmpi slt, %select_n3A_345, %select_n3A_365 : vector<64x1024xi32>
    %and3A_369 = arith.andi %eq3A_367, %lt3A_368 : vector<64x1024xi1>
    %or3A_370 = arith.ori %lt3A_366, %and3A_369 : vector<64x1024xi1>
    %and3A_371 = arith.constant 16 : i32
    %and3A_372 = vector.broadcast %and3A_371 : i32 to vector<64x1024xi32>
    %and3A_373 = arith.andi %iota3A, %and3A_372 : vector<64x1024xi32>
    %eq3A_374 = arith.constant 0 : i32
    %eq3A_375 = vector.broadcast %eq3A_374 : i32 to vector<64x1024xi32>
    %eq3A_376 = arith.cmpi eq, %and3A_373, %eq3A_375 : vector<64x1024xi32>
    %eq3A_377 = arith.xori %eq3A_351, %eq3A_376 : vector<64x1024xi1>
    %eq3A_378 = arith.constant dense<true> : vector<64x1024xi1>
    %eq3A_379 = arith.xori %eq3A_377, %eq3A_378 : vector<64x1024xi1>
    %eq3A_380 = arith.xori %or3A_370, %eq3A_379 : vector<64x1024xi1>
    %eq3A_381 = arith.constant dense<true> : vector<64x1024xi1>
    %eq3A_382 = arith.xori %eq3A_380, %eq3A_381 : vector<64x1024xi1>
    %select_n3A_383 = arith.select %eq3A_382, %select_n3A_344, %select_n3A_358 : vector<64x1024xi1>, vector<64x1024xi32>
    %select_n3A_384 = arith.select %eq3A_382, %select_n3A_345, %select_n3A_365 : vector<64x1024xi1>, vector<64x1024xi32>
    %and3A_385 = arith.constant 16 : i32
    %and3A_386 = vector.broadcast %and3A_385 : i32 to vector<64x1024xi32>
    %and3A_387 = arith.andi %iota3A, %and3A_386 : vector<64x1024xi32>
    %eq3A_388 = arith.constant 0 : i32
    %eq3A_389 = vector.broadcast %eq3A_388 : i32 to vector<64x1024xi32>
    %eq3A_390 = arith.cmpi eq, %and3A_387, %eq3A_389 : vector<64x1024xi32>
    %slice3A_391 = vector.extract_strided_slice %select_n3A_383 {offsets = [0, 16], sizes = [64, 1008], strides = [1, 1]} : vector<64x1024xi32> to vector<64x1008xi32>
    %slice3A_392 = vector.extract_strided_slice %select_n3A_383 {offsets = [0, 0], sizes = [64, 16], strides = [1, 1]} : vector<64x1024xi32> to vector<64x16xi32>
    %concatenate3A_393 = tpu.concatenate %slice3A_391, %slice3A_392 in 1 : vector<64x1008xi32>, vector<64x16xi32> -> vector<64x1024xi32>
    %slice3A_394 = vector.extract_strided_slice %select_n3A_383 {offsets = [0, 1008], sizes = [64, 16], strides = [1, 1]} : vector<64x1024xi32> to vector<64x16xi32>
    %slice3A_395 = vector.extract_strided_slice %select_n3A_383 {offsets = [0, 0], sizes = [64, 1008], strides = [1, 1]} : vector<64x1024xi32> to vector<64x1008xi32>
    %concatenate3A_396 = tpu.concatenate %slice3A_394, %slice3A_395 in 1 : vector<64x16xi32>, vector<64x1008xi32> -> vector<64x1024xi32>
    %select_n3A_397 = arith.select %eq3A_390, %concatenate3A_393, %concatenate3A_396 : vector<64x1024xi1>, vector<64x1024xi32>
    %slice3A_398 = vector.extract_strided_slice %select_n3A_384 {offsets = [0, 16], sizes = [64, 1008], strides = [1, 1]} : vector<64x1024xi32> to vector<64x1008xi32>
    %slice3A_399 = vector.extract_strided_slice %select_n3A_384 {offsets = [0, 0], sizes = [64, 16], strides = [1, 1]} : vector<64x1024xi32> to vector<64x16xi32>
    %concatenate3A_400 = tpu.concatenate %slice3A_398, %slice3A_399 in 1 : vector<64x1008xi32>, vector<64x16xi32> -> vector<64x1024xi32>
    %slice3A_401 = vector.extract_strided_slice %select_n3A_384 {offsets = [0, 1008], sizes = [64, 16], strides = [1, 1]} : vector<64x1024xi32> to vector<64x16xi32>
    %slice3A_402 = vector.extract_strided_slice %select_n3A_384 {offsets = [0, 0], sizes = [64, 1008], strides = [1, 1]} : vector<64x1024xi32> to vector<64x1008xi32>
    %concatenate3A_403 = tpu.concatenate %slice3A_401, %slice3A_402 in 1 : vector<64x16xi32>, vector<64x1008xi32> -> vector<64x1024xi32>
    %select_n3A_404 = arith.select %eq3A_390, %concatenate3A_400, %concatenate3A_403 : vector<64x1024xi1>, vector<64x1024xi32>
    %lt3A_405 = arith.cmpi slt, %select_n3A_383, %select_n3A_397 : vector<64x1024xi32>
    %eq3A_406 = arith.cmpi eq, %select_n3A_383, %select_n3A_397 : vector<64x1024xi32>
    %lt3A_407 = arith.cmpi slt, %select_n3A_384, %select_n3A_404 : vector<64x1024xi32>
    %and3A_408 = arith.andi %eq3A_406, %lt3A_407 : vector<64x1024xi1>
    %or3A_409 = arith.ori %lt3A_405, %and3A_408 : vector<64x1024xi1>
    %and3A_410 = arith.constant 32 : i32
    %and3A_411 = vector.broadcast %and3A_410 : i32 to vector<64x1024xi32>
    %and3A_412 = arith.andi %iota3A, %and3A_411 : vector<64x1024xi32>
    %eq3A_413 = arith.constant 0 : i32
    %eq3A_414 = vector.broadcast %eq3A_413 : i32 to vector<64x1024xi32>
    %eq3A_415 = arith.cmpi eq, %and3A_412, %eq3A_414 : vector<64x1024xi32>
    %eq3A_416 = arith.xori %eq3A_390, %eq3A_415 : vector<64x1024xi1>
    %eq3A_417 = arith.constant dense<true> : vector<64x1024xi1>
    %eq3A_418 = arith.xori %eq3A_416, %eq3A_417 : vector<64x1024xi1>
    %eq3A_419 = arith.xori %or3A_409, %eq3A_418 : vector<64x1024xi1>
    %eq3A_420 = arith.constant dense<true> : vector<64x1024xi1>
    %eq3A_421 = arith.xori %eq3A_419, %eq3A_420 : vector<64x1024xi1>
    %select_n3A_422 = arith.select %eq3A_421, %select_n3A_383, %select_n3A_397 : vector<64x1024xi1>, vector<64x1024xi32>
    %select_n3A_423 = arith.select %eq3A_421, %select_n3A_384, %select_n3A_404 : vector<64x1024xi1>, vector<64x1024xi32>
    %and3A_424 = arith.constant 8 : i32
    %and3A_425 = vector.broadcast %and3A_424 : i32 to vector<64x1024xi32>
    %and3A_426 = arith.andi %iota3A, %and3A_425 : vector<64x1024xi32>
    %eq3A_427 = arith.constant 0 : i32
    %eq3A_428 = vector.broadcast %eq3A_427 : i32 to vector<64x1024xi32>
    %eq3A_429 = arith.cmpi eq, %and3A_426, %eq3A_428 : vector<64x1024xi32>
    %slice3A_430 = vector.extract_strided_slice %select_n3A_422 {offsets = [0, 8], sizes = [64, 1016], strides = [1, 1]} : vector<64x1024xi32> to vector<64x1016xi32>
    %slice3A_431 = vector.extract_strided_slice %select_n3A_422 {offsets = [0, 0], sizes = [64, 8], strides = [1, 1]} : vector<64x1024xi32> to vector<64x8xi32>
    %concatenate3A_432 = tpu.concatenate %slice3A_430, %slice3A_431 in 1 : vector<64x1016xi32>, vector<64x8xi32> -> vector<64x1024xi32>
    %slice3A_433 = vector.extract_strided_slice %select_n3A_422 {offsets = [0, 1016], sizes = [64, 8], strides = [1, 1]} : vector<64x1024xi32> to vector<64x8xi32>
    %slice3A_434 = vector.extract_strided_slice %select_n3A_422 {offsets = [0, 0], sizes = [64, 1016], strides = [1, 1]} : vector<64x1024xi32> to vector<64x1016xi32>
    %concatenate3A_435 = tpu.concatenate %slice3A_433, %slice3A_434 in 1 : vector<64x8xi32>, vector<64x1016xi32> -> vector<64x1024xi32>
    %select_n3A_436 = arith.select %eq3A_429, %concatenate3A_432, %concatenate3A_435 : vector<64x1024xi1>, vector<64x1024xi32>
    %slice3A_437 = vector.extract_strided_slice %select_n3A_423 {offsets = [0, 8], sizes = [64, 1016], strides = [1, 1]} : vector<64x1024xi32> to vector<64x1016xi32>
    %slice3A_438 = vector.extract_strided_slice %select_n3A_423 {offsets = [0, 0], sizes = [64, 8], strides = [1, 1]} : vector<64x1024xi32> to vector<64x8xi32>
    %concatenate3A_439 = tpu.concatenate %slice3A_437, %slice3A_438 in 1 : vector<64x1016xi32>, vector<64x8xi32> -> vector<64x1024xi32>
    %slice3A_440 = vector.extract_strided_slice %select_n3A_423 {offsets = [0, 1016], sizes = [64, 8], strides = [1, 1]} : vector<64x1024xi32> to vector<64x8xi32>
    %slice3A_441 = vector.extract_strided_slice %select_n3A_423 {offsets = [0, 0], sizes = [64, 1016], strides = [1, 1]} : vector<64x1024xi32> to vector<64x1016xi32>
    %concatenate3A_442 = tpu.concatenate %slice3A_440, %slice3A_441 in 1 : vector<64x8xi32>, vector<64x1016xi32> -> vector<64x1024xi32>
    %select_n3A_443 = arith.select %eq3A_429, %concatenate3A_439, %concatenate3A_442 : vector<64x1024xi1>, vector<64x1024xi32>
    %lt3A_444 = arith.cmpi slt, %select_n3A_422, %select_n3A_436 : vector<64x1024xi32>
    %eq3A_445 = arith.cmpi eq, %select_n3A_422, %select_n3A_436 : vector<64x1024xi32>
    %lt3A_446 = arith.cmpi slt, %select_n3A_423, %select_n3A_443 : vector<64x1024xi32>
    %and3A_447 = arith.andi %eq3A_445, %lt3A_446 : vector<64x1024xi1>
    %or3A_448 = arith.ori %lt3A_444, %and3A_447 : vector<64x1024xi1>
    %and3A_449 = arith.constant 32 : i32
    %and3A_450 = vector.broadcast %and3A_449 : i32 to vector<64x1024xi32>
    %and3A_451 = arith.andi %iota3A, %and3A_450 : vector<64x1024xi32>
    %eq3A_452 = arith.constant 0 : i32
    %eq3A_453 = vector.broadcast %eq3A_452 : i32 to vector<64x1024xi32>
    %eq3A_454 = arith.cmpi eq, %and3A_451, %eq3A_453 : vector<64x1024xi32>
    %eq3A_455 = arith.xori %eq3A_429, %eq3A_454 : vector<64x1024xi1>
    %eq3A_456 = arith.constant dense<true> : vector<64x1024xi1>
    %eq3A_457 = arith.xori %eq3A_455, %eq3A_456 : vector<64x1024xi1>
    %eq3A_458 = arith.xori %or3A_448, %eq3A_457 : vector<64x1024xi1>
    %eq3A_459 = arith.constant dense<true> : vector<64x1024xi1>
    %eq3A_460 = arith.xori %eq3A_458, %eq3A_459 : vector<64x1024xi1>
    %select_n3A_461 = arith.select %eq3A_460, %select_n3A_422, %select_n3A_436 : vector<64x1024xi1>, vector<64x1024xi32>
    %select_n3A_462 = arith.select %eq3A_460, %select_n3A_423, %select_n3A_443 : vector<64x1024xi1>, vector<64x1024xi32>
    %and3A_463 = arith.constant 4 : i32
    %and3A_464 = vector.broadcast %and3A_463 : i32 to vector<64x1024xi32>
    %and3A_465 = arith.andi %iota3A, %and3A_464 : vector<64x1024xi32>
    %eq3A_466 = arith.constant 0 : i32
    %eq3A_467 = vector.broadcast %eq3A_466 : i32 to vector<64x1024xi32>
    %eq3A_468 = arith.cmpi eq, %and3A_465, %eq3A_467 : vector<64x1024xi32>
    %slice3A_469 = vector.extract_strided_slice %select_n3A_461 {offsets = [0, 4], sizes = [64, 1020], strides = [1, 1]} : vector<64x1024xi32> to vector<64x1020xi32>
    %slice3A_470 = vector.extract_strided_slice %select_n3A_461 {offsets = [0, 0], sizes = [64, 4], strides = [1, 1]} : vector<64x1024xi32> to vector<64x4xi32>
    %concatenate3A_471 = tpu.concatenate %slice3A_469, %slice3A_470 in 1 : vector<64x1020xi32>, vector<64x4xi32> -> vector<64x1024xi32>
    %slice3A_472 = vector.extract_strided_slice %select_n3A_461 {offsets = [0, 1020], sizes = [64, 4], strides = [1, 1]} : vector<64x1024xi32> to vector<64x4xi32>
    %slice3A_473 = vector.extract_strided_slice %select_n3A_461 {offsets = [0, 0], sizes = [64, 1020], strides = [1, 1]} : vector<64x1024xi32> to vector<64x1020xi32>
    %concatenate3A_474 = tpu.concatenate %slice3A_472, %slice3A_473 in 1 : vector<64x4xi32>, vector<64x1020xi32> -> vector<64x1024xi32>
    %select_n3A_475 = arith.select %eq3A_468, %concatenate3A_471, %concatenate3A_474 : vector<64x1024xi1>, vector<64x1024xi32>
    %slice3A_476 = vector.extract_strided_slice %select_n3A_462 {offsets = [0, 4], sizes = [64, 1020], strides = [1, 1]} : vector<64x1024xi32> to vector<64x1020xi32>
    %slice3A_477 = vector.extract_strided_slice %select_n3A_462 {offsets = [0, 0], sizes = [64, 4], strides = [1, 1]} : vector<64x1024xi32> to vector<64x4xi32>
    %concatenate3A_478 = tpu.concatenate %slice3A_476, %slice3A_477 in 1 : vector<64x1020xi32>, vector<64x4xi32> -> vector<64x1024xi32>
    %slice3A_479 = vector.extract_strided_slice %select_n3A_462 {offsets = [0, 1020], sizes = [64, 4], strides = [1, 1]} : vector<64x1024xi32> to vector<64x4xi32>
    %slice3A_480 = vector.extract_strided_slice %select_n3A_462 {offsets = [0, 0], sizes = [64, 1020], strides = [1, 1]} : vector<64x1024xi32> to vector<64x1020xi32>
    %concatenate3A_481 = tpu.concatenate %slice3A_479, %slice3A_480 in 1 : vector<64x4xi32>, vector<64x1020xi32> -> vector<64x1024xi32>
    %select_n3A_482 = arith.select %eq3A_468, %concatenate3A_478, %concatenate3A_481 : vector<64x1024xi1>, vector<64x1024xi32>
    %lt3A_483 = arith.cmpi slt, %select_n3A_461, %select_n3A_475 : vector<64x1024xi32>
    %eq3A_484 = arith.cmpi eq, %select_n3A_461, %select_n3A_475 : vector<64x1024xi32>
    %lt3A_485 = arith.cmpi slt, %select_n3A_462, %select_n3A_482 : vector<64x1024xi32>
    %and3A_486 = arith.andi %eq3A_484, %lt3A_485 : vector<64x1024xi1>
    %or3A_487 = arith.ori %lt3A_483, %and3A_486 : vector<64x1024xi1>
    %and3A_488 = arith.constant 32 : i32
    %and3A_489 = vector.broadcast %and3A_488 : i32 to vector<64x1024xi32>
    %and3A_490 = arith.andi %iota3A, %and3A_489 : vector<64x1024xi32>
    %eq3A_491 = arith.constant 0 : i32
    %eq3A_492 = vector.broadcast %eq3A_491 : i32 to vector<64x1024xi32>
    %eq3A_493 = arith.cmpi eq, %and3A_490, %eq3A_492 : vector<64x1024xi32>
    %eq3A_494 = arith.xori %eq3A_468, %eq3A_493 : vector<64x1024xi1>
    %eq3A_495 = arith.constant dense<true> : vector<64x1024xi1>
    %eq3A_496 = arith.xori %eq3A_494, %eq3A_495 : vector<64x1024xi1>
    %eq3A_497 = arith.xori %or3A_487, %eq3A_496 : vector<64x1024xi1>
    %eq3A_498 = arith.constant dense<true> : vector<64x1024xi1>
    %eq3A_499 = arith.xori %eq3A_497, %eq3A_498 : vector<64x1024xi1>
    %select_n3A_500 = arith.select %eq3A_499, %select_n3A_461, %select_n3A_475 : vector<64x1024xi1>, vector<64x1024xi32>
    %select_n3A_501 = arith.select %eq3A_499, %select_n3A_462, %select_n3A_482 : vector<64x1024xi1>, vector<64x1024xi32>
    %and3A_502 = arith.constant 2 : i32
    %and3A_503 = vector.broadcast %and3A_502 : i32 to vector<64x1024xi32>
    %and3A_504 = arith.andi %iota3A, %and3A_503 : vector<64x1024xi32>
    %eq3A_505 = arith.constant 0 : i32
    %eq3A_506 = vector.broadcast %eq3A_505 : i32 to vector<64x1024xi32>
    %eq3A_507 = arith.cmpi eq, %and3A_504, %eq3A_506 : vector<64x1024xi32>
    %slice3A_508 = vector.extract_strided_slice %select_n3A_500 {offsets = [0, 2], sizes = [64, 1022], strides = [1, 1]} : vector<64x1024xi32> to vector<64x1022xi32>
    %slice3A_509 = vector.extract_strided_slice %select_n3A_500 {offsets = [0, 0], sizes = [64, 2], strides = [1, 1]} : vector<64x1024xi32> to vector<64x2xi32>
    %concatenate3A_510 = tpu.concatenate %slice3A_508, %slice3A_509 in 1 : vector<64x1022xi32>, vector<64x2xi32> -> vector<64x1024xi32>
    %slice3A_511 = vector.extract_strided_slice %select_n3A_500 {offsets = [0, 1022], sizes = [64, 2], strides = [1, 1]} : vector<64x1024xi32> to vector<64x2xi32>
    %slice3A_512 = vector.extract_strided_slice %select_n3A_500 {offsets = [0, 0], sizes = [64, 1022], strides = [1, 1]} : vector<64x1024xi32> to vector<64x1022xi32>
    %concatenate3A_513 = tpu.concatenate %slice3A_511, %slice3A_512 in 1 : vector<64x2xi32>, vector<64x1022xi32> -> vector<64x1024xi32>
    %select_n3A_514 = arith.select %eq3A_507, %concatenate3A_510, %concatenate3A_513 : vector<64x1024xi1>, vector<64x1024xi32>
    %slice3A_515 = vector.extract_strided_slice %select_n3A_501 {offsets = [0, 2], sizes = [64, 1022], strides = [1, 1]} : vector<64x1024xi32> to vector<64x1022xi32>
    %slice3A_516 = vector.extract_strided_slice %select_n3A_501 {offsets = [0, 0], sizes = [64, 2], strides = [1, 1]} : vector<64x1024xi32> to vector<64x2xi32>
    %concatenate3A_517 = tpu.concatenate %slice3A_515, %slice3A_516 in 1 : vector<64x1022xi32>, vector<64x2xi32> -> vector<64x1024xi32>
    %slice3A_518 = vector.extract_strided_slice %select_n3A_501 {offsets = [0, 1022], sizes = [64, 2], strides = [1, 1]} : vector<64x1024xi32> to vector<64x2xi32>
    %slice3A_519 = vector.extract_strided_slice %select_n3A_501 {offsets = [0, 0], sizes = [64, 1022], strides = [1, 1]} : vector<64x1024xi32> to vector<64x1022xi32>
    %concatenate3A_520 = tpu.concatenate %slice3A_518, %slice3A_519 in 1 : vector<64x2xi32>, vector<64x1022xi32> -> vector<64x1024xi32>
    %select_n3A_521 = arith.select %eq3A_507, %concatenate3A_517, %concatenate3A_520 : vector<64x1024xi1>, vector<64x1024xi32>
    %lt3A_522 = arith.cmpi slt, %select_n3A_500, %select_n3A_514 : vector<64x1024xi32>
    %eq3A_523 = arith.cmpi eq, %select_n3A_500, %select_n3A_514 : vector<64x1024xi32>
    %lt3A_524 = arith.cmpi slt, %select_n3A_501, %select_n3A_521 : vector<64x1024xi32>
    %and3A_525 = arith.andi %eq3A_523, %lt3A_524 : vector<64x1024xi1>
    %or3A_526 = arith.ori %lt3A_522, %and3A_525 : vector<64x1024xi1>
    %and3A_527 = arith.constant 32 : i32
    %and3A_528 = vector.broadcast %and3A_527 : i32 to vector<64x1024xi32>
    %and3A_529 = arith.andi %iota3A, %and3A_528 : vector<64x1024xi32>
    %eq3A_530 = arith.constant 0 : i32
    %eq3A_531 = vector.broadcast %eq3A_530 : i32 to vector<64x1024xi32>
    %eq3A_532 = arith.cmpi eq, %and3A_529, %eq3A_531 : vector<64x1024xi32>
    %eq3A_533 = arith.xori %eq3A_507, %eq3A_532 : vector<64x1024xi1>
    %eq3A_534 = arith.constant dense<true> : vector<64x1024xi1>
    %eq3A_535 = arith.xori %eq3A_533, %eq3A_534 : vector<64x1024xi1>
    %eq3A_536 = arith.xori %or3A_526, %eq3A_535 : vector<64x1024xi1>
    %eq3A_537 = arith.constant dense<true> : vector<64x1024xi1>
    %eq3A_538 = arith.xori %eq3A_536, %eq3A_537 : vector<64x1024xi1>
    %select_n3A_539 = arith.select %eq3A_538, %select_n3A_500, %select_n3A_514 : vector<64x1024xi1>, vector<64x1024xi32>
    %select_n3A_540 = arith.select %eq3A_538, %select_n3A_501, %select_n3A_521 : vector<64x1024xi1>, vector<64x1024xi32>
    %and3A_541 = arith.constant 1 : i32
    %and3A_542 = vector.broadcast %and3A_541 : i32 to vector<64x1024xi32>
    %and3A_543 = arith.andi %iota3A, %and3A_542 : vector<64x1024xi32>
    %eq3A_544 = arith.constant 0 : i32
    %eq3A_545 = vector.broadcast %eq3A_544 : i32 to vector<64x1024xi32>
    %eq3A_546 = arith.cmpi eq, %and3A_543, %eq3A_545 : vector<64x1024xi32>
    %slice3A_547 = vector.extract_strided_slice %select_n3A_539 {offsets = [0, 1], sizes = [64, 1023], strides = [1, 1]} : vector<64x1024xi32> to vector<64x1023xi32>
    %slice3A_548 = vector.extract_strided_slice %select_n3A_539 {offsets = [0, 0], sizes = [64, 1], strides = [1, 1]} : vector<64x1024xi32> to vector<64x1xi32>
    %concatenate3A_549 = tpu.concatenate %slice3A_547, %slice3A_548 in 1 : vector<64x1023xi32>, vector<64x1xi32> -> vector<64x1024xi32>
    %slice3A_550 = vector.extract_strided_slice %select_n3A_539 {offsets = [0, 1023], sizes = [64, 1], strides = [1, 1]} : vector<64x1024xi32> to vector<64x1xi32>
    %slice3A_551 = vector.extract_strided_slice %select_n3A_539 {offsets = [0, 0], sizes = [64, 1023], strides = [1, 1]} : vector<64x1024xi32> to vector<64x1023xi32>
    %concatenate3A_552 = tpu.concatenate %slice3A_550, %slice3A_551 in 1 : vector<64x1xi32>, vector<64x1023xi32> -> vector<64x1024xi32>
    %select_n3A_553 = arith.select %eq3A_546, %concatenate3A_549, %concatenate3A_552 : vector<64x1024xi1>, vector<64x1024xi32>
    %slice3A_554 = vector.extract_strided_slice %select_n3A_540 {offsets = [0, 1], sizes = [64, 1023], strides = [1, 1]} : vector<64x1024xi32> to vector<64x1023xi32>
    %slice3A_555 = vector.extract_strided_slice %select_n3A_540 {offsets = [0, 0], sizes = [64, 1], strides = [1, 1]} : vector<64x1024xi32> to vector<64x1xi32>
    %concatenate3A_556 = tpu.concatenate %slice3A_554, %slice3A_555 in 1 : vector<64x1023xi32>, vector<64x1xi32> -> vector<64x1024xi32>
    %slice3A_557 = vector.extract_strided_slice %select_n3A_540 {offsets = [0, 1023], sizes = [64, 1], strides = [1, 1]} : vector<64x1024xi32> to vector<64x1xi32>
    %slice3A_558 = vector.extract_strided_slice %select_n3A_540 {offsets = [0, 0], sizes = [64, 1023], strides = [1, 1]} : vector<64x1024xi32> to vector<64x1023xi32>
    %concatenate3A_559 = tpu.concatenate %slice3A_557, %slice3A_558 in 1 : vector<64x1xi32>, vector<64x1023xi32> -> vector<64x1024xi32>
    %select_n3A_560 = arith.select %eq3A_546, %concatenate3A_556, %concatenate3A_559 : vector<64x1024xi1>, vector<64x1024xi32>
    %lt3A_561 = arith.cmpi slt, %select_n3A_539, %select_n3A_553 : vector<64x1024xi32>
    %eq3A_562 = arith.cmpi eq, %select_n3A_539, %select_n3A_553 : vector<64x1024xi32>
    %lt3A_563 = arith.cmpi slt, %select_n3A_540, %select_n3A_560 : vector<64x1024xi32>
    %and3A_564 = arith.andi %eq3A_562, %lt3A_563 : vector<64x1024xi1>
    %or3A_565 = arith.ori %lt3A_561, %and3A_564 : vector<64x1024xi1>
    %and3A_566 = arith.constant 32 : i32
    %and3A_567 = vector.broadcast %and3A_566 : i32 to vector<64x1024xi32>
    %and3A_568 = arith.andi %iota3A, %and3A_567 : vector<64x1024xi32>
    %eq3A_569 = arith.constant 0 : i32
    %eq3A_570 = vector.broadcast %eq3A_569 : i32 to vector<64x1024xi32>
    %eq3A_571 = arith.cmpi eq, %and3A_568, %eq3A_570 : vector<64x1024xi32>
    %eq3A_572 = arith.xori %eq3A_546, %eq3A_571 : vector<64x1024xi1>
    %eq3A_573 = arith.constant dense<true> : vector<64x1024xi1>
    %eq3A_574 = arith.xori %eq3A_572, %eq3A_573 : vector<64x1024xi1>
    %eq3A_575 = arith.xori %or3A_565, %eq3A_574 : vector<64x1024xi1>
    %eq3A_576 = arith.constant dense<true> : vector<64x1024xi1>
    %eq3A_577 = arith.xori %eq3A_575, %eq3A_576 : vector<64x1024xi1>
    %select_n3A_578 = arith.select %eq3A_577, %select_n3A_539, %select_n3A_553 : vector<64x1024xi1>, vector<64x1024xi32>
    %select_n3A_579 = arith.select %eq3A_577, %select_n3A_540, %select_n3A_560 : vector<64x1024xi1>, vector<64x1024xi32>
    %and3A_580 = arith.constant 32 : i32
    %and3A_581 = vector.broadcast %and3A_580 : i32 to vector<64x1024xi32>
    %and3A_582 = arith.andi %iota3A, %and3A_581 : vector<64x1024xi32>
    %eq3A_583 = arith.constant 0 : i32
    %eq3A_584 = vector.broadcast %eq3A_583 : i32 to vector<64x1024xi32>
    %eq3A_585 = arith.cmpi eq, %and3A_582, %eq3A_584 : vector<64x1024xi32>
    %slice3A_586 = vector.extract_strided_slice %select_n3A_578 {offsets = [0, 32], sizes = [64, 992], strides = [1, 1]} : vector<64x1024xi32> to vector<64x992xi32>
    %slice3A_587 = vector.extract_strided_slice %select_n3A_578 {offsets = [0, 0], sizes = [64, 32], strides = [1, 1]} : vector<64x1024xi32> to vector<64x32xi32>
    %concatenate3A_588 = tpu.concatenate %slice3A_586, %slice3A_587 in 1 : vector<64x992xi32>, vector<64x32xi32> -> vector<64x1024xi32>
    %slice3A_589 = vector.extract_strided_slice %select_n3A_578 {offsets = [0, 992], sizes = [64, 32], strides = [1, 1]} : vector<64x1024xi32> to vector<64x32xi32>
    %slice3A_590 = vector.extract_strided_slice %select_n3A_578 {offsets = [0, 0], sizes = [64, 992], strides = [1, 1]} : vector<64x1024xi32> to vector<64x992xi32>
    %concatenate3A_591 = tpu.concatenate %slice3A_589, %slice3A_590 in 1 : vector<64x32xi32>, vector<64x992xi32> -> vector<64x1024xi32>
    %select_n3A_592 = arith.select %eq3A_585, %concatenate3A_588, %concatenate3A_591 : vector<64x1024xi1>, vector<64x1024xi32>
    %slice3A_593 = vector.extract_strided_slice %select_n3A_579 {offsets = [0, 32], sizes = [64, 992], strides = [1, 1]} : vector<64x1024xi32> to vector<64x992xi32>
    %slice3A_594 = vector.extract_strided_slice %select_n3A_579 {offsets = [0, 0], sizes = [64, 32], strides = [1, 1]} : vector<64x1024xi32> to vector<64x32xi32>
    %concatenate3A_595 = tpu.concatenate %slice3A_593, %slice3A_594 in 1 : vector<64x992xi32>, vector<64x32xi32> -> vector<64x1024xi32>
    %slice3A_596 = vector.extract_strided_slice %select_n3A_579 {offsets = [0, 992], sizes = [64, 32], strides = [1, 1]} : vector<64x1024xi32> to vector<64x32xi32>
    %slice3A_597 = vector.extract_strided_slice %select_n3A_579 {offsets = [0, 0], sizes = [64, 992], strides = [1, 1]} : vector<64x1024xi32> to vector<64x992xi32>
    %concatenate3A_598 = tpu.concatenate %slice3A_596, %slice3A_597 in 1 : vector<64x32xi32>, vector<64x992xi32> -> vector<64x1024xi32>
    %select_n3A_599 = arith.select %eq3A_585, %concatenate3A_595, %concatenate3A_598 : vector<64x1024xi1>, vector<64x1024xi32>
    %lt3A_600 = arith.cmpi slt, %select_n3A_578, %select_n3A_592 : vector<64x1024xi32>
    %eq3A_601 = arith.cmpi eq, %select_n3A_578, %select_n3A_592 : vector<64x1024xi32>
    %lt3A_602 = arith.cmpi slt, %select_n3A_579, %select_n3A_599 : vector<64x1024xi32>
    %and3A_603 = arith.andi %eq3A_601, %lt3A_602 : vector<64x1024xi1>
    %or3A_604 = arith.ori %lt3A_600, %and3A_603 : vector<64x1024xi1>
    %and3A_605 = arith.constant 64 : i32
    %and3A_606 = vector.broadcast %and3A_605 : i32 to vector<64x1024xi32>
    %and3A_607 = arith.andi %iota3A, %and3A_606 : vector<64x1024xi32>
    %eq3A_608 = arith.constant 0 : i32
    %eq3A_609 = vector.broadcast %eq3A_608 : i32 to vector<64x1024xi32>
    %eq3A_610 = arith.cmpi eq, %and3A_607, %eq3A_609 : vector<64x1024xi32>
    %eq3A_611 = arith.xori %eq3A_585, %eq3A_610 : vector<64x1024xi1>
    %eq3A_612 = arith.constant dense<true> : vector<64x1024xi1>
    %eq3A_613 = arith.xori %eq3A_611, %eq3A_612 : vector<64x1024xi1>
    %eq3A_614 = arith.xori %or3A_604, %eq3A_613 : vector<64x1024xi1>
    %eq3A_615 = arith.constant dense<true> : vector<64x1024xi1>
    %eq3A_616 = arith.xori %eq3A_614, %eq3A_615 : vector<64x1024xi1>
    %select_n3A_617 = arith.select %eq3A_616, %select_n3A_578, %select_n3A_592 : vector<64x1024xi1>, vector<64x1024xi32>
    %select_n3A_618 = arith.select %eq3A_616, %select_n3A_579, %select_n3A_599 : vector<64x1024xi1>, vector<64x1024xi32>
    %and3A_619 = arith.constant 16 : i32
    %and3A_620 = vector.broadcast %and3A_619 : i32 to vector<64x1024xi32>
    %and3A_621 = arith.andi %iota3A, %and3A_620 : vector<64x1024xi32>
    %eq3A_622 = arith.constant 0 : i32
    %eq3A_623 = vector.broadcast %eq3A_622 : i32 to vector<64x1024xi32>
    %eq3A_624 = arith.cmpi eq, %and3A_621, %eq3A_623 : vector<64x1024xi32>
    %slice3A_625 = vector.extract_strided_slice %select_n3A_617 {offsets = [0, 16], sizes = [64, 1008], strides = [1, 1]} : vector<64x1024xi32> to vector<64x1008xi32>
    %slice3A_626 = vector.extract_strided_slice %select_n3A_617 {offsets = [0, 0], sizes = [64, 16], strides = [1, 1]} : vector<64x1024xi32> to vector<64x16xi32>
    %concatenate3A_627 = tpu.concatenate %slice3A_625, %slice3A_626 in 1 : vector<64x1008xi32>, vector<64x16xi32> -> vector<64x1024xi32>
    %slice3A_628 = vector.extract_strided_slice %select_n3A_617 {offsets = [0, 1008], sizes = [64, 16], strides = [1, 1]} : vector<64x1024xi32> to vector<64x16xi32>
    %slice3A_629 = vector.extract_strided_slice %select_n3A_617 {offsets = [0, 0], sizes = [64, 1008], strides = [1, 1]} : vector<64x1024xi32> to vector<64x1008xi32>
    %concatenate3A_630 = tpu.concatenate %slice3A_628, %slice3A_629 in 1 : vector<64x16xi32>, vector<64x1008xi32> -> vector<64x1024xi32>
    %select_n3A_631 = arith.select %eq3A_624, %concatenate3A_627, %concatenate3A_630 : vector<64x1024xi1>, vector<64x1024xi32>
    %slice3A_632 = vector.extract_strided_slice %select_n3A_618 {offsets = [0, 16], sizes = [64, 1008], strides = [1, 1]} : vector<64x1024xi32> to vector<64x1008xi32>
    %slice3A_633 = vector.extract_strided_slice %select_n3A_618 {offsets = [0, 0], sizes = [64, 16], strides = [1, 1]} : vector<64x1024xi32> to vector<64x16xi32>
    %concatenate3A_634 = tpu.concatenate %slice3A_632, %slice3A_633 in 1 : vector<64x1008xi32>, vector<64x16xi32> -> vector<64x1024xi32>
    %slice3A_635 = vector.extract_strided_slice %select_n3A_618 {offsets = [0, 1008], sizes = [64, 16], strides = [1, 1]} : vector<64x1024xi32> to vector<64x16xi32>
    %slice3A_636 = vector.extract_strided_slice %select_n3A_618 {offsets = [0, 0], sizes = [64, 1008], strides = [1, 1]} : vector<64x1024xi32> to vector<64x1008xi32>
    %concatenate3A_637 = tpu.concatenate %slice3A_635, %slice3A_636 in 1 : vector<64x16xi32>, vector<64x1008xi32> -> vector<64x1024xi32>
    %select_n3A_638 = arith.select %eq3A_624, %concatenate3A_634, %concatenate3A_637 : vector<64x1024xi1>, vector<64x1024xi32>
    %lt3A_639 = arith.cmpi slt, %select_n3A_617, %select_n3A_631 : vector<64x1024xi32>
    %eq3A_640 = arith.cmpi eq, %select_n3A_617, %select_n3A_631 : vector<64x1024xi32>
    %lt3A_641 = arith.cmpi slt, %select_n3A_618, %select_n3A_638 : vector<64x1024xi32>
    %and3A_642 = arith.andi %eq3A_640, %lt3A_641 : vector<64x1024xi1>
    %or3A_643 = arith.ori %lt3A_639, %and3A_642 : vector<64x1024xi1>
    %and3A_644 = arith.constant 64 : i32
    %and3A_645 = vector.broadcast %and3A_644 : i32 to vector<64x1024xi32>
    %and3A_646 = arith.andi %iota3A, %and3A_645 : vector<64x1024xi32>
    %eq3A_647 = arith.constant 0 : i32
    %eq3A_648 = vector.broadcast %eq3A_647 : i32 to vector<64x1024xi32>
    %eq3A_649 = arith.cmpi eq, %and3A_646, %eq3A_648 : vector<64x1024xi32>
    %eq3A_650 = arith.xori %eq3A_624, %eq3A_649 : vector<64x1024xi1>
    %eq3A_651 = arith.constant dense<true> : vector<64x1024xi1>
    %eq3A_652 = arith.xori %eq3A_650, %eq3A_651 : vector<64x1024xi1>
    %eq3A_653 = arith.xori %or3A_643, %eq3A_652 : vector<64x1024xi1>
    %eq3A_654 = arith.constant dense<true> : vector<64x1024xi1>
    %eq3A_655 = arith.xori %eq3A_653, %eq3A_654 : vector<64x1024xi1>
    %select_n3A_656 = arith.select %eq3A_655, %select_n3A_617, %select_n3A_631 : vector<64x1024xi1>, vector<64x1024xi32>
    %select_n3A_657 = arith.select %eq3A_655, %select_n3A_618, %select_n3A_638 : vector<64x1024xi1>, vector<64x1024xi32>
    %and3A_658 = arith.constant 8 : i32
    %and3A_659 = vector.broadcast %and3A_658 : i32 to vector<64x1024xi32>
    %and3A_660 = arith.andi %iota3A, %and3A_659 : vector<64x1024xi32>
    %eq3A_661 = arith.constant 0 : i32
    %eq3A_662 = vector.broadcast %eq3A_661 : i32 to vector<64x1024xi32>
    %eq3A_663 = arith.cmpi eq, %and3A_660, %eq3A_662 : vector<64x1024xi32>
    %slice3A_664 = vector.extract_strided_slice %select_n3A_656 {offsets = [0, 8], sizes = [64, 1016], strides = [1, 1]} : vector<64x1024xi32> to vector<64x1016xi32>
    %slice3A_665 = vector.extract_strided_slice %select_n3A_656 {offsets = [0, 0], sizes = [64, 8], strides = [1, 1]} : vector<64x1024xi32> to vector<64x8xi32>
    %concatenate3A_666 = tpu.concatenate %slice3A_664, %slice3A_665 in 1 : vector<64x1016xi32>, vector<64x8xi32> -> vector<64x1024xi32>
    %slice3A_667 = vector.extract_strided_slice %select_n3A_656 {offsets = [0, 1016], sizes = [64, 8], strides = [1, 1]} : vector<64x1024xi32> to vector<64x8xi32>
    %slice3A_668 = vector.extract_strided_slice %select_n3A_656 {offsets = [0, 0], sizes = [64, 1016], strides = [1, 1]} : vector<64x1024xi32> to vector<64x1016xi32>
    %concatenate3A_669 = tpu.concatenate %slice3A_667, %slice3A_668 in 1 : vector<64x8xi32>, vector<64x1016xi32> -> vector<64x1024xi32>
    %select_n3A_670 = arith.select %eq3A_663, %concatenate3A_666, %concatenate3A_669 : vector<64x1024xi1>, vector<64x1024xi32>
    %slice3A_671 = vector.extract_strided_slice %select_n3A_657 {offsets = [0, 8], sizes = [64, 1016], strides = [1, 1]} : vector<64x1024xi32> to vector<64x1016xi32>
    %slice3A_672 = vector.extract_strided_slice %select_n3A_657 {offsets = [0, 0], sizes = [64, 8], strides = [1, 1]} : vector<64x1024xi32> to vector<64x8xi32>
    %concatenate3A_673 = tpu.concatenate %slice3A_671, %slice3A_672 in 1 : vector<64x1016xi32>, vector<64x8xi32> -> vector<64x1024xi32>
    %slice3A_674 = vector.extract_strided_slice %select_n3A_657 {offsets = [0, 1016], sizes = [64, 8], strides = [1, 1]} : vector<64x1024xi32> to vector<64x8xi32>
    %slice3A_675 = vector.extract_strided_slice %select_n3A_657 {offsets = [0, 0], sizes = [64, 1016], strides = [1, 1]} : vector<64x1024xi32> to vector<64x1016xi32>
    %concatenate3A_676 = tpu.concatenate %slice3A_674, %slice3A_675 in 1 : vector<64x8xi32>, vector<64x1016xi32> -> vector<64x1024xi32>
    %select_n3A_677 = arith.select %eq3A_663, %concatenate3A_673, %concatenate3A_676 : vector<64x1024xi1>, vector<64x1024xi32>
    %lt3A_678 = arith.cmpi slt, %select_n3A_656, %select_n3A_670 : vector<64x1024xi32>
    %eq3A_679 = arith.cmpi eq, %select_n3A_656, %select_n3A_670 : vector<64x1024xi32>
    %lt3A_680 = arith.cmpi slt, %select_n3A_657, %select_n3A_677 : vector<64x1024xi32>
    %and3A_681 = arith.andi %eq3A_679, %lt3A_680 : vector<64x1024xi1>
    %or3A_682 = arith.ori %lt3A_678, %and3A_681 : vector<64x1024xi1>
    %and3A_683 = arith.constant 64 : i32
    %and3A_684 = vector.broadcast %and3A_683 : i32 to vector<64x1024xi32>
    %and3A_685 = arith.andi %iota3A, %and3A_684 : vector<64x1024xi32>
    %eq3A_686 = arith.constant 0 : i32
    %eq3A_687 = vector.broadcast %eq3A_686 : i32 to vector<64x1024xi32>
    %eq3A_688 = arith.cmpi eq, %and3A_685, %eq3A_687 : vector<64x1024xi32>
    %eq3A_689 = arith.xori %eq3A_663, %eq3A_688 : vector<64x1024xi1>
    %eq3A_690 = arith.constant dense<true> : vector<64x1024xi1>
    %eq3A_691 = arith.xori %eq3A_689, %eq3A_690 : vector<64x1024xi1>
    %eq3A_692 = arith.xori %or3A_682, %eq3A_691 : vector<64x1024xi1>
    %eq3A_693 = arith.constant dense<true> : vector<64x1024xi1>
    %eq3A_694 = arith.xori %eq3A_692, %eq3A_693 : vector<64x1024xi1>
    %select_n3A_695 = arith.select %eq3A_694, %select_n3A_656, %select_n3A_670 : vector<64x1024xi1>, vector<64x1024xi32>
    %select_n3A_696 = arith.select %eq3A_694, %select_n3A_657, %select_n3A_677 : vector<64x1024xi1>, vector<64x1024xi32>
    %and3A_697 = arith.constant 4 : i32
    %and3A_698 = vector.broadcast %and3A_697 : i32 to vector<64x1024xi32>
    %and3A_699 = arith.andi %iota3A, %and3A_698 : vector<64x1024xi32>
    %eq3A_700 = arith.constant 0 : i32
    %eq3A_701 = vector.broadcast %eq3A_700 : i32 to vector<64x1024xi32>
    %eq3A_702 = arith.cmpi eq, %and3A_699, %eq3A_701 : vector<64x1024xi32>
    %slice3A_703 = vector.extract_strided_slice %select_n3A_695 {offsets = [0, 4], sizes = [64, 1020], strides = [1, 1]} : vector<64x1024xi32> to vector<64x1020xi32>
    %slice3A_704 = vector.extract_strided_slice %select_n3A_695 {offsets = [0, 0], sizes = [64, 4], strides = [1, 1]} : vector<64x1024xi32> to vector<64x4xi32>
    %concatenate3A_705 = tpu.concatenate %slice3A_703, %slice3A_704 in 1 : vector<64x1020xi32>, vector<64x4xi32> -> vector<64x1024xi32>
    %slice3A_706 = vector.extract_strided_slice %select_n3A_695 {offsets = [0, 1020], sizes = [64, 4], strides = [1, 1]} : vector<64x1024xi32> to vector<64x4xi32>
    %slice3A_707 = vector.extract_strided_slice %select_n3A_695 {offsets = [0, 0], sizes = [64, 1020], strides = [1, 1]} : vector<64x1024xi32> to vector<64x1020xi32>
    %concatenate3A_708 = tpu.concatenate %slice3A_706, %slice3A_707 in 1 : vector<64x4xi32>, vector<64x1020xi32> -> vector<64x1024xi32>
    %select_n3A_709 = arith.select %eq3A_702, %concatenate3A_705, %concatenate3A_708 : vector<64x1024xi1>, vector<64x1024xi32>
    %slice3A_710 = vector.extract_strided_slice %select_n3A_696 {offsets = [0, 4], sizes = [64, 1020], strides = [1, 1]} : vector<64x1024xi32> to vector<64x1020xi32>
    %slice3A_711 = vector.extract_strided_slice %select_n3A_696 {offsets = [0, 0], sizes = [64, 4], strides = [1, 1]} : vector<64x1024xi32> to vector<64x4xi32>
    %concatenate3A_712 = tpu.concatenate %slice3A_710, %slice3A_711 in 1 : vector<64x1020xi32>, vector<64x4xi32> -> vector<64x1024xi32>
    %slice3A_713 = vector.extract_strided_slice %select_n3A_696 {offsets = [0, 1020], sizes = [64, 4], strides = [1, 1]} : vector<64x1024xi32> to vector<64x4xi32>
    %slice3A_714 = vector.extract_strided_slice %select_n3A_696 {offsets = [0, 0], sizes = [64, 1020], strides = [1, 1]} : vector<64x1024xi32> to vector<64x1020xi32>
    %concatenate3A_715 = tpu.concatenate %slice3A_713, %slice3A_714 in 1 : vector<64x4xi32>, vector<64x1020xi32> -> vector<64x1024xi32>
    %select_n3A_716 = arith.select %eq3A_702, %concatenate3A_712, %concatenate3A_715 : vector<64x1024xi1>, vector<64x1024xi32>
    %lt3A_717 = arith.cmpi slt, %select_n3A_695, %select_n3A_709 : vector<64x1024xi32>
    %eq3A_718 = arith.cmpi eq, %select_n3A_695, %select_n3A_709 : vector<64x1024xi32>
    %lt3A_719 = arith.cmpi slt, %select_n3A_696, %select_n3A_716 : vector<64x1024xi32>
    %and3A_720 = arith.andi %eq3A_718, %lt3A_719 : vector<64x1024xi1>
    %or3A_721 = arith.ori %lt3A_717, %and3A_720 : vector<64x1024xi1>
    %and3A_722 = arith.constant 64 : i32
    %and3A_723 = vector.broadcast %and3A_722 : i32 to vector<64x1024xi32>
    %and3A_724 = arith.andi %iota3A, %and3A_723 : vector<64x1024xi32>
    %eq3A_725 = arith.constant 0 : i32
    %eq3A_726 = vector.broadcast %eq3A_725 : i32 to vector<64x1024xi32>
    %eq3A_727 = arith.cmpi eq, %and3A_724, %eq3A_726 : vector<64x1024xi32>
    %eq3A_728 = arith.xori %eq3A_702, %eq3A_727 : vector<64x1024xi1>
    %eq3A_729 = arith.constant dense<true> : vector<64x1024xi1>
    %eq3A_730 = arith.xori %eq3A_728, %eq3A_729 : vector<64x1024xi1>
    %eq3A_731 = arith.xori %or3A_721, %eq3A_730 : vector<64x1024xi1>
    %eq3A_732 = arith.constant dense<true> : vector<64x1024xi1>
    %eq3A_733 = arith.xori %eq3A_731, %eq3A_732 : vector<64x1024xi1>
    %select_n3A_734 = arith.select %eq3A_733, %select_n3A_695, %select_n3A_709 : vector<64x1024xi1>, vector<64x1024xi32>
    %select_n3A_735 = arith.select %eq3A_733, %select_n3A_696, %select_n3A_716 : vector<64x1024xi1>, vector<64x1024xi32>
    %and3A_736 = arith.constant 2 : i32
    %and3A_737 = vector.broadcast %and3A_736 : i32 to vector<64x1024xi32>
    %and3A_738 = arith.andi %iota3A, %and3A_737 : vector<64x1024xi32>
    %eq3A_739 = arith.constant 0 : i32
    %eq3A_740 = vector.broadcast %eq3A_739 : i32 to vector<64x1024xi32>
    %eq3A_741 = arith.cmpi eq, %and3A_738, %eq3A_740 : vector<64x1024xi32>
    %slice3A_742 = vector.extract_strided_slice %select_n3A_734 {offsets = [0, 2], sizes = [64, 1022], strides = [1, 1]} : vector<64x1024xi32> to vector<64x1022xi32>
    %slice3A_743 = vector.extract_strided_slice %select_n3A_734 {offsets = [0, 0], sizes = [64, 2], strides = [1, 1]} : vector<64x1024xi32> to vector<64x2xi32>
    %concatenate3A_744 = tpu.concatenate %slice3A_742, %slice3A_743 in 1 : vector<64x1022xi32>, vector<64x2xi32> -> vector<64x1024xi32>
    %slice3A_745 = vector.extract_strided_slice %select_n3A_734 {offsets = [0, 1022], sizes = [64, 2], strides = [1, 1]} : vector<64x1024xi32> to vector<64x2xi32>
    %slice3A_746 = vector.extract_strided_slice %select_n3A_734 {offsets = [0, 0], sizes = [64, 1022], strides = [1, 1]} : vector<64x1024xi32> to vector<64x1022xi32>
    %concatenate3A_747 = tpu.concatenate %slice3A_745, %slice3A_746 in 1 : vector<64x2xi32>, vector<64x1022xi32> -> vector<64x1024xi32>
    %select_n3A_748 = arith.select %eq3A_741, %concatenate3A_744, %concatenate3A_747 : vector<64x1024xi1>, vector<64x1024xi32>
    %slice3A_749 = vector.extract_strided_slice %select_n3A_735 {offsets = [0, 2], sizes = [64, 1022], strides = [1, 1]} : vector<64x1024xi32> to vector<64x1022xi32>
    %slice3A_750 = vector.extract_strided_slice %select_n3A_735 {offsets = [0, 0], sizes = [64, 2], strides = [1, 1]} : vector<64x1024xi32> to vector<64x2xi32>
    %concatenate3A_751 = tpu.concatenate %slice3A_749, %slice3A_750 in 1 : vector<64x1022xi32>, vector<64x2xi32> -> vector<64x1024xi32>
    %slice3A_752 = vector.extract_strided_slice %select_n3A_735 {offsets = [0, 1022], sizes = [64, 2], strides = [1, 1]} : vector<64x1024xi32> to vector<64x2xi32>
    %slice3A_753 = vector.extract_strided_slice %select_n3A_735 {offsets = [0, 0], sizes = [64, 1022], strides = [1, 1]} : vector<64x1024xi32> to vector<64x1022xi32>
    %concatenate3A_754 = tpu.concatenate %slice3A_752, %slice3A_753 in 1 : vector<64x2xi32>, vector<64x1022xi32> -> vector<64x1024xi32>
    %select_n3A_755 = arith.select %eq3A_741, %concatenate3A_751, %concatenate3A_754 : vector<64x1024xi1>, vector<64x1024xi32>
    %lt3A_756 = arith.cmpi slt, %select_n3A_734, %select_n3A_748 : vector<64x1024xi32>
    %eq3A_757 = arith.cmpi eq, %select_n3A_734, %select_n3A_748 : vector<64x1024xi32>
    %lt3A_758 = arith.cmpi slt, %select_n3A_735, %select_n3A_755 : vector<64x1024xi32>
    %and3A_759 = arith.andi %eq3A_757, %lt3A_758 : vector<64x1024xi1>
    %or3A_760 = arith.ori %lt3A_756, %and3A_759 : vector<64x1024xi1>
    %and3A_761 = arith.constant 64 : i32
    %and3A_762 = vector.broadcast %and3A_761 : i32 to vector<64x1024xi32>
    %and3A_763 = arith.andi %iota3A, %and3A_762 : vector<64x1024xi32>
    %eq3A_764 = arith.constant 0 : i32
    %eq3A_765 = vector.broadcast %eq3A_764 : i32 to vector<64x1024xi32>
    %eq3A_766 = arith.cmpi eq, %and3A_763, %eq3A_765 : vector<64x1024xi32>
    %eq3A_767 = arith.xori %eq3A_741, %eq3A_766 : vector<64x1024xi1>
    %eq3A_768 = arith.constant dense<true> : vector<64x1024xi1>
    %eq3A_769 = arith.xori %eq3A_767, %eq3A_768 : vector<64x1024xi1>
    %eq3A_770 = arith.xori %or3A_760, %eq3A_769 : vector<64x1024xi1>
    %eq3A_771 = arith.constant dense<true> : vector<64x1024xi1>
    %eq3A_772 = arith.xori %eq3A_770, %eq3A_771 : vector<64x1024xi1>
    %select_n3A_773 = arith.select %eq3A_772, %select_n3A_734, %select_n3A_748 : vector<64x1024xi1>, vector<64x1024xi32>
    %select_n3A_774 = arith.select %eq3A_772, %select_n3A_735, %select_n3A_755 : vector<64x1024xi1>, vector<64x1024xi32>
    %and3A_775 = arith.constant 1 : i32
    %and3A_776 = vector.broadcast %and3A_775 : i32 to vector<64x1024xi32>
    %and3A_777 = arith.andi %iota3A, %and3A_776 : vector<64x1024xi32>
    %eq3A_778 = arith.constant 0 : i32
    %eq3A_779 = vector.broadcast %eq3A_778 : i32 to vector<64x1024xi32>
    %eq3A_780 = arith.cmpi eq, %and3A_777, %eq3A_779 : vector<64x1024xi32>
    %slice3A_781 = vector.extract_strided_slice %select_n3A_773 {offsets = [0, 1], sizes = [64, 1023], strides = [1, 1]} : vector<64x1024xi32> to vector<64x1023xi32>
    %slice3A_782 = vector.extract_strided_slice %select_n3A_773 {offsets = [0, 0], sizes = [64, 1], strides = [1, 1]} : vector<64x1024xi32> to vector<64x1xi32>
    %concatenate3A_783 = tpu.concatenate %slice3A_781, %slice3A_782 in 1 : vector<64x1023xi32>, vector<64x1xi32> -> vector<64x1024xi32>
    %slice3A_784 = vector.extract_strided_slice %select_n3A_773 {offsets = [0, 1023], sizes = [64, 1], strides = [1, 1]} : vector<64x1024xi32> to vector<64x1xi32>
    %slice3A_785 = vector.extract_strided_slice %select_n3A_773 {offsets = [0, 0], sizes = [64, 1023], strides = [1, 1]} : vector<64x1024xi32> to vector<64x1023xi32>
    %concatenate3A_786 = tpu.concatenate %slice3A_784, %slice3A_785 in 1 : vector<64x1xi32>, vector<64x1023xi32> -> vector<64x1024xi32>
    %select_n3A_787 = arith.select %eq3A_780, %concatenate3A_783, %concatenate3A_786 : vector<64x1024xi1>, vector<64x1024xi32>
    %slice3A_788 = vector.extract_strided_slice %select_n3A_774 {offsets = [0, 1], sizes = [64, 1023], strides = [1, 1]} : vector<64x1024xi32> to vector<64x1023xi32>
    %slice3A_789 = vector.extract_strided_slice %select_n3A_774 {offsets = [0, 0], sizes = [64, 1], strides = [1, 1]} : vector<64x1024xi32> to vector<64x1xi32>
    %concatenate3A_790 = tpu.concatenate %slice3A_788, %slice3A_789 in 1 : vector<64x1023xi32>, vector<64x1xi32> -> vector<64x1024xi32>
    %slice3A_791 = vector.extract_strided_slice %select_n3A_774 {offsets = [0, 1023], sizes = [64, 1], strides = [1, 1]} : vector<64x1024xi32> to vector<64x1xi32>
    %slice3A_792 = vector.extract_strided_slice %select_n3A_774 {offsets = [0, 0], sizes = [64, 1023], strides = [1, 1]} : vector<64x1024xi32> to vector<64x1023xi32>
    %concatenate3A_793 = tpu.concatenate %slice3A_791, %slice3A_792 in 1 : vector<64x1xi32>, vector<64x1023xi32> -> vector<64x1024xi32>
    %select_n3A_794 = arith.select %eq3A_780, %concatenate3A_790, %concatenate3A_793 : vector<64x1024xi1>, vector<64x1024xi32>
    %lt3A_795 = arith.cmpi slt, %select_n3A_773, %select_n3A_787 : vector<64x1024xi32>
    %eq3A_796 = arith.cmpi eq, %select_n3A_773, %select_n3A_787 : vector<64x1024xi32>
    %lt3A_797 = arith.cmpi slt, %select_n3A_774, %select_n3A_794 : vector<64x1024xi32>
    %and3A_798 = arith.andi %eq3A_796, %lt3A_797 : vector<64x1024xi1>
    %or3A_799 = arith.ori %lt3A_795, %and3A_798 : vector<64x1024xi1>
    %and3A_800 = arith.constant 64 : i32
    %and3A_801 = vector.broadcast %and3A_800 : i32 to vector<64x1024xi32>
    %and3A_802 = arith.andi %iota3A, %and3A_801 : vector<64x1024xi32>
    %eq3A_803 = arith.constant 0 : i32
    %eq3A_804 = vector.broadcast %eq3A_803 : i32 to vector<64x1024xi32>
    %eq3A_805 = arith.cmpi eq, %and3A_802, %eq3A_804 : vector<64x1024xi32>
    %eq3A_806 = arith.xori %eq3A_780, %eq3A_805 : vector<64x1024xi1>
    %eq3A_807 = arith.constant dense<true> : vector<64x1024xi1>
    %eq3A_808 = arith.xori %eq3A_806, %eq3A_807 : vector<64x1024xi1>
    %eq3A_809 = arith.xori %or3A_799, %eq3A_808 : vector<64x1024xi1>
    %eq3A_810 = arith.constant dense<true> : vector<64x1024xi1>
    %eq3A_811 = arith.xori %eq3A_809, %eq3A_810 : vector<64x1024xi1>
    %select_n3A_812 = arith.select %eq3A_811, %select_n3A_773, %select_n3A_787 : vector<64x1024xi1>, vector<64x1024xi32>
    %select_n3A_813 = arith.select %eq3A_811, %select_n3A_774, %select_n3A_794 : vector<64x1024xi1>, vector<64x1024xi32>
    %and3A_814 = arith.constant 64 : i32
    %and3A_815 = vector.broadcast %and3A_814 : i32 to vector<64x1024xi32>
    %and3A_816 = arith.andi %iota3A, %and3A_815 : vector<64x1024xi32>
    %eq3A_817 = arith.constant 0 : i32
    %eq3A_818 = vector.broadcast %eq3A_817 : i32 to vector<64x1024xi32>
    %eq3A_819 = arith.cmpi eq, %and3A_816, %eq3A_818 : vector<64x1024xi32>
    %slice3A_820 = vector.extract_strided_slice %select_n3A_812 {offsets = [0, 64], sizes = [64, 960], strides = [1, 1]} : vector<64x1024xi32> to vector<64x960xi32>
    %slice3A_821 = vector.extract_strided_slice %select_n3A_812 {offsets = [0, 0], sizes = [64, 64], strides = [1, 1]} : vector<64x1024xi32> to vector<64x64xi32>
    %concatenate3A_822 = tpu.concatenate %slice3A_820, %slice3A_821 in 1 : vector<64x960xi32>, vector<64x64xi32> -> vector<64x1024xi32>
    %slice3A_823 = vector.extract_strided_slice %select_n3A_812 {offsets = [0, 960], sizes = [64, 64], strides = [1, 1]} : vector<64x1024xi32> to vector<64x64xi32>
    %slice3A_824 = vector.extract_strided_slice %select_n3A_812 {offsets = [0, 0], sizes = [64, 960], strides = [1, 1]} : vector<64x1024xi32> to vector<64x960xi32>
    %concatenate3A_825 = tpu.concatenate %slice3A_823, %slice3A_824 in 1 : vector<64x64xi32>, vector<64x960xi32> -> vector<64x1024xi32>
    %select_n3A_826 = arith.select %eq3A_819, %concatenate3A_822, %concatenate3A_825 : vector<64x1024xi1>, vector<64x1024xi32>
    %slice3A_827 = vector.extract_strided_slice %select_n3A_813 {offsets = [0, 64], sizes = [64, 960], strides = [1, 1]} : vector<64x1024xi32> to vector<64x960xi32>
    %slice3A_828 = vector.extract_strided_slice %select_n3A_813 {offsets = [0, 0], sizes = [64, 64], strides = [1, 1]} : vector<64x1024xi32> to vector<64x64xi32>
    %concatenate3A_829 = tpu.concatenate %slice3A_827, %slice3A_828 in 1 : vector<64x960xi32>, vector<64x64xi32> -> vector<64x1024xi32>
    %slice3A_830 = vector.extract_strided_slice %select_n3A_813 {offsets = [0, 960], sizes = [64, 64], strides = [1, 1]} : vector<64x1024xi32> to vector<64x64xi32>
    %slice3A_831 = vector.extract_strided_slice %select_n3A_813 {offsets = [0, 0], sizes = [64, 960], strides = [1, 1]} : vector<64x1024xi32> to vector<64x960xi32>
    %concatenate3A_832 = tpu.concatenate %slice3A_830, %slice3A_831 in 1 : vector<64x64xi32>, vector<64x960xi32> -> vector<64x1024xi32>
    %select_n3A_833 = arith.select %eq3A_819, %concatenate3A_829, %concatenate3A_832 : vector<64x1024xi1>, vector<64x1024xi32>
    %lt3A_834 = arith.cmpi slt, %select_n3A_812, %select_n3A_826 : vector<64x1024xi32>
    %eq3A_835 = arith.cmpi eq, %select_n3A_812, %select_n3A_826 : vector<64x1024xi32>
    %lt3A_836 = arith.cmpi slt, %select_n3A_813, %select_n3A_833 : vector<64x1024xi32>
    %and3A_837 = arith.andi %eq3A_835, %lt3A_836 : vector<64x1024xi1>
    %or3A_838 = arith.ori %lt3A_834, %and3A_837 : vector<64x1024xi1>
    %and3A_839 = arith.constant 128 : i32
    %and3A_840 = vector.broadcast %and3A_839 : i32 to vector<64x1024xi32>
    %and3A_841 = arith.andi %iota3A, %and3A_840 : vector<64x1024xi32>
    %eq3A_842 = arith.constant 0 : i32
    %eq3A_843 = vector.broadcast %eq3A_842 : i32 to vector<64x1024xi32>
    %eq3A_844 = arith.cmpi eq, %and3A_841, %eq3A_843 : vector<64x1024xi32>
    %eq3A_845 = arith.xori %eq3A_819, %eq3A_844 : vector<64x1024xi1>
    %eq3A_846 = arith.constant dense<true> : vector<64x1024xi1>
    %eq3A_847 = arith.xori %eq3A_845, %eq3A_846 : vector<64x1024xi1>
    %eq3A_848 = arith.xori %or3A_838, %eq3A_847 : vector<64x1024xi1>
    %eq3A_849 = arith.constant dense<true> : vector<64x1024xi1>
    %eq3A_850 = arith.xori %eq3A_848, %eq3A_849 : vector<64x1024xi1>
    %select_n3A_851 = arith.select %eq3A_850, %select_n3A_812, %select_n3A_826 : vector<64x1024xi1>, vector<64x1024xi32>
    %select_n3A_852 = arith.select %eq3A_850, %select_n3A_813, %select_n3A_833 : vector<64x1024xi1>, vector<64x1024xi32>
    %and3A_853 = arith.constant 32 : i32
    %and3A_854 = vector.broadcast %and3A_853 : i32 to vector<64x1024xi32>
    %and3A_855 = arith.andi %iota3A, %and3A_854 : vector<64x1024xi32>
    %eq3A_856 = arith.constant 0 : i32
    %eq3A_857 = vector.broadcast %eq3A_856 : i32 to vector<64x1024xi32>
    %eq3A_858 = arith.cmpi eq, %and3A_855, %eq3A_857 : vector<64x1024xi32>
    %slice3A_859 = vector.extract_strided_slice %select_n3A_851 {offsets = [0, 32], sizes = [64, 992], strides = [1, 1]} : vector<64x1024xi32> to vector<64x992xi32>
    %slice3A_860 = vector.extract_strided_slice %select_n3A_851 {offsets = [0, 0], sizes = [64, 32], strides = [1, 1]} : vector<64x1024xi32> to vector<64x32xi32>
    %concatenate3A_861 = tpu.concatenate %slice3A_859, %slice3A_860 in 1 : vector<64x992xi32>, vector<64x32xi32> -> vector<64x1024xi32>
    %slice3A_862 = vector.extract_strided_slice %select_n3A_851 {offsets = [0, 992], sizes = [64, 32], strides = [1, 1]} : vector<64x1024xi32> to vector<64x32xi32>
    %slice3A_863 = vector.extract_strided_slice %select_n3A_851 {offsets = [0, 0], sizes = [64, 992], strides = [1, 1]} : vector<64x1024xi32> to vector<64x992xi32>
    %concatenate3A_864 = tpu.concatenate %slice3A_862, %slice3A_863 in 1 : vector<64x32xi32>, vector<64x992xi32> -> vector<64x1024xi32>
    %select_n3A_865 = arith.select %eq3A_858, %concatenate3A_861, %concatenate3A_864 : vector<64x1024xi1>, vector<64x1024xi32>
    %slice3A_866 = vector.extract_strided_slice %select_n3A_852 {offsets = [0, 32], sizes = [64, 992], strides = [1, 1]} : vector<64x1024xi32> to vector<64x992xi32>
    %slice3A_867 = vector.extract_strided_slice %select_n3A_852 {offsets = [0, 0], sizes = [64, 32], strides = [1, 1]} : vector<64x1024xi32> to vector<64x32xi32>
    %concatenate3A_868 = tpu.concatenate %slice3A_866, %slice3A_867 in 1 : vector<64x992xi32>, vector<64x32xi32> -> vector<64x1024xi32>
    %slice3A_869 = vector.extract_strided_slice %select_n3A_852 {offsets = [0, 992], sizes = [64, 32], strides = [1, 1]} : vector<64x1024xi32> to vector<64x32xi32>
    %slice3A_870 = vector.extract_strided_slice %select_n3A_852 {offsets = [0, 0], sizes = [64, 992], strides = [1, 1]} : vector<64x1024xi32> to vector<64x992xi32>
    %concatenate3A_871 = tpu.concatenate %slice3A_869, %slice3A_870 in 1 : vector<64x32xi32>, vector<64x992xi32> -> vector<64x1024xi32>
    %select_n3A_872 = arith.select %eq3A_858, %concatenate3A_868, %concatenate3A_871 : vector<64x1024xi1>, vector<64x1024xi32>
    %lt3A_873 = arith.cmpi slt, %select_n3A_851, %select_n3A_865 : vector<64x1024xi32>
    %eq3A_874 = arith.cmpi eq, %select_n3A_851, %select_n3A_865 : vector<64x1024xi32>
    %lt3A_875 = arith.cmpi slt, %select_n3A_852, %select_n3A_872 : vector<64x1024xi32>
    %and3A_876 = arith.andi %eq3A_874, %lt3A_875 : vector<64x1024xi1>
    %or3A_877 = arith.ori %lt3A_873, %and3A_876 : vector<64x1024xi1>
    %and3A_878 = arith.constant 128 : i32
    %and3A_879 = vector.broadcast %and3A_878 : i32 to vector<64x1024xi32>
    %and3A_880 = arith.andi %iota3A, %and3A_879 : vector<64x1024xi32>
    %eq3A_881 = arith.constant 0 : i32
    %eq3A_882 = vector.broadcast %eq3A_881 : i32 to vector<64x1024xi32>
    %eq3A_883 = arith.cmpi eq, %and3A_880, %eq3A_882 : vector<64x1024xi32>
    %eq3A_884 = arith.xori %eq3A_858, %eq3A_883 : vector<64x1024xi1>
    %eq3A_885 = arith.constant dense<true> : vector<64x1024xi1>
    %eq3A_886 = arith.xori %eq3A_884, %eq3A_885 : vector<64x1024xi1>
    %eq3A_887 = arith.xori %or3A_877, %eq3A_886 : vector<64x1024xi1>
    %eq3A_888 = arith.constant dense<true> : vector<64x1024xi1>
    %eq3A_889 = arith.xori %eq3A_887, %eq3A_888 : vector<64x1024xi1>
    %select_n3A_890 = arith.select %eq3A_889, %select_n3A_851, %select_n3A_865 : vector<64x1024xi1>, vector<64x1024xi32>
    %select_n3A_891 = arith.select %eq3A_889, %select_n3A_852, %select_n3A_872 : vector<64x1024xi1>, vector<64x1024xi32>
    %and3A_892 = arith.constant 16 : i32
    %and3A_893 = vector.broadcast %and3A_892 : i32 to vector<64x1024xi32>
    %and3A_894 = arith.andi %iota3A, %and3A_893 : vector<64x1024xi32>
    %eq3A_895 = arith.constant 0 : i32
    %eq3A_896 = vector.broadcast %eq3A_895 : i32 to vector<64x1024xi32>
    %eq3A_897 = arith.cmpi eq, %and3A_894, %eq3A_896 : vector<64x1024xi32>
    %slice3A_898 = vector.extract_strided_slice %select_n3A_890 {offsets = [0, 16], sizes = [64, 1008], strides = [1, 1]} : vector<64x1024xi32> to vector<64x1008xi32>
    %slice3A_899 = vector.extract_strided_slice %select_n3A_890 {offsets = [0, 0], sizes = [64, 16], strides = [1, 1]} : vector<64x1024xi32> to vector<64x16xi32>
    %concatenate3A_900 = tpu.concatenate %slice3A_898, %slice3A_899 in 1 : vector<64x1008xi32>, vector<64x16xi32> -> vector<64x1024xi32>
    %slice3A_901 = vector.extract_strided_slice %select_n3A_890 {offsets = [0, 1008], sizes = [64, 16], strides = [1, 1]} : vector<64x1024xi32> to vector<64x16xi32>
    %slice3A_902 = vector.extract_strided_slice %select_n3A_890 {offsets = [0, 0], sizes = [64, 1008], strides = [1, 1]} : vector<64x1024xi32> to vector<64x1008xi32>
    %concatenate3A_903 = tpu.concatenate %slice3A_901, %slice3A_902 in 1 : vector<64x16xi32>, vector<64x1008xi32> -> vector<64x1024xi32>
    %select_n3A_904 = arith.select %eq3A_897, %concatenate3A_900, %concatenate3A_903 : vector<64x1024xi1>, vector<64x1024xi32>
    %slice3A_905 = vector.extract_strided_slice %select_n3A_891 {offsets = [0, 16], sizes = [64, 1008], strides = [1, 1]} : vector<64x1024xi32> to vector<64x1008xi32>
    %slice3A_906 = vector.extract_strided_slice %select_n3A_891 {offsets = [0, 0], sizes = [64, 16], strides = [1, 1]} : vector<64x1024xi32> to vector<64x16xi32>
    %concatenate3A_907 = tpu.concatenate %slice3A_905, %slice3A_906 in 1 : vector<64x1008xi32>, vector<64x16xi32> -> vector<64x1024xi32>
    %slice3A_908 = vector.extract_strided_slice %select_n3A_891 {offsets = [0, 1008], sizes = [64, 16], strides = [1, 1]} : vector<64x1024xi32> to vector<64x16xi32>
    %slice3A_909 = vector.extract_strided_slice %select_n3A_891 {offsets = [0, 0], sizes = [64, 1008], strides = [1, 1]} : vector<64x1024xi32> to vector<64x1008xi32>
    %concatenate3A_910 = tpu.concatenate %slice3A_908, %slice3A_909 in 1 : vector<64x16xi32>, vector<64x1008xi32> -> vector<64x1024xi32>
    %select_n3A_911 = arith.select %eq3A_897, %concatenate3A_907, %concatenate3A_910 : vector<64x1024xi1>, vector<64x1024xi32>
    %lt3A_912 = arith.cmpi slt, %select_n3A_890, %select_n3A_904 : vector<64x1024xi32>
    %eq3A_913 = arith.cmpi eq, %select_n3A_890, %select_n3A_904 : vector<64x1024xi32>
    %lt3A_914 = arith.cmpi slt, %select_n3A_891, %select_n3A_911 : vector<64x1024xi32>
    %and3A_915 = arith.andi %eq3A_913, %lt3A_914 : vector<64x1024xi1>
    %or3A_916 = arith.ori %lt3A_912, %and3A_915 : vector<64x1024xi1>
    %and3A_917 = arith.constant 128 : i32
    %and3A_918 = vector.broadcast %and3A_917 : i32 to vector<64x1024xi32>
    %and3A_919 = arith.andi %iota3A, %and3A_918 : vector<64x1024xi32>
    %eq3A_920 = arith.constant 0 : i32
    %eq3A_921 = vector.broadcast %eq3A_920 : i32 to vector<64x1024xi32>
    %eq3A_922 = arith.cmpi eq, %and3A_919, %eq3A_921 : vector<64x1024xi32>
    %eq3A_923 = arith.xori %eq3A_897, %eq3A_922 : vector<64x1024xi1>
    %eq3A_924 = arith.constant dense<true> : vector<64x1024xi1>
    %eq3A_925 = arith.xori %eq3A_923, %eq3A_924 : vector<64x1024xi1>
    %eq3A_926 = arith.xori %or3A_916, %eq3A_925 : vector<64x1024xi1>
    %eq3A_927 = arith.constant dense<true> : vector<64x1024xi1>
    %eq3A_928 = arith.xori %eq3A_926, %eq3A_927 : vector<64x1024xi1>
    %select_n3A_929 = arith.select %eq3A_928, %select_n3A_890, %select_n3A_904 : vector<64x1024xi1>, vector<64x1024xi32>
    %select_n3A_930 = arith.select %eq3A_928, %select_n3A_891, %select_n3A_911 : vector<64x1024xi1>, vector<64x1024xi32>
    %and3A_931 = arith.constant 8 : i32
    %and3A_932 = vector.broadcast %and3A_931 : i32 to vector<64x1024xi32>
    %and3A_933 = arith.andi %iota3A, %and3A_932 : vector<64x1024xi32>
    %eq3A_934 = arith.constant 0 : i32
    %eq3A_935 = vector.broadcast %eq3A_934 : i32 to vector<64x1024xi32>
    %eq3A_936 = arith.cmpi eq, %and3A_933, %eq3A_935 : vector<64x1024xi32>
    %slice3A_937 = vector.extract_strided_slice %select_n3A_929 {offsets = [0, 8], sizes = [64, 1016], strides = [1, 1]} : vector<64x1024xi32> to vector<64x1016xi32>
    %slice3A_938 = vector.extract_strided_slice %select_n3A_929 {offsets = [0, 0], sizes = [64, 8], strides = [1, 1]} : vector<64x1024xi32> to vector<64x8xi32>
    %concatenate3A_939 = tpu.concatenate %slice3A_937, %slice3A_938 in 1 : vector<64x1016xi32>, vector<64x8xi32> -> vector<64x1024xi32>
    %slice3A_940 = vector.extract_strided_slice %select_n3A_929 {offsets = [0, 1016], sizes = [64, 8], strides = [1, 1]} : vector<64x1024xi32> to vector<64x8xi32>
    %slice3A_941 = vector.extract_strided_slice %select_n3A_929 {offsets = [0, 0], sizes = [64, 1016], strides = [1, 1]} : vector<64x1024xi32> to vector<64x1016xi32>
    %concatenate3A_942 = tpu.concatenate %slice3A_940, %slice3A_941 in 1 : vector<64x8xi32>, vector<64x1016xi32> -> vector<64x1024xi32>
    %select_n3A_943 = arith.select %eq3A_936, %concatenate3A_939, %concatenate3A_942 : vector<64x1024xi1>, vector<64x1024xi32>
    %slice3A_944 = vector.extract_strided_slice %select_n3A_930 {offsets = [0, 8], sizes = [64, 1016], strides = [1, 1]} : vector<64x1024xi32> to vector<64x1016xi32>
    %slice3A_945 = vector.extract_strided_slice %select_n3A_930 {offsets = [0, 0], sizes = [64, 8], strides = [1, 1]} : vector<64x1024xi32> to vector<64x8xi32>
    %concatenate3A_946 = tpu.concatenate %slice3A_944, %slice3A_945 in 1 : vector<64x1016xi32>, vector<64x8xi32> -> vector<64x1024xi32>
    %slice3A_947 = vector.extract_strided_slice %select_n3A_930 {offsets = [0, 1016], sizes = [64, 8], strides = [1, 1]} : vector<64x1024xi32> to vector<64x8xi32>
    %slice3A_948 = vector.extract_strided_slice %select_n3A_930 {offsets = [0, 0], sizes = [64, 1016], strides = [1, 1]} : vector<64x1024xi32> to vector<64x1016xi32>
    %concatenate3A_949 = tpu.concatenate %slice3A_947, %slice3A_948 in 1 : vector<64x8xi32>, vector<64x1016xi32> -> vector<64x1024xi32>
    %select_n3A_950 = arith.select %eq3A_936, %concatenate3A_946, %concatenate3A_949 : vector<64x1024xi1>, vector<64x1024xi32>
    %lt3A_951 = arith.cmpi slt, %select_n3A_929, %select_n3A_943 : vector<64x1024xi32>
    %eq3A_952 = arith.cmpi eq, %select_n3A_929, %select_n3A_943 : vector<64x1024xi32>
    %lt3A_953 = arith.cmpi slt, %select_n3A_930, %select_n3A_950 : vector<64x1024xi32>
    %and3A_954 = arith.andi %eq3A_952, %lt3A_953 : vector<64x1024xi1>
    %or3A_955 = arith.ori %lt3A_951, %and3A_954 : vector<64x1024xi1>
    %and3A_956 = arith.constant 128 : i32
    %and3A_957 = vector.broadcast %and3A_956 : i32 to vector<64x1024xi32>
    %and3A_958 = arith.andi %iota3A, %and3A_957 : vector<64x1024xi32>
    %eq3A_959 = arith.constant 0 : i32
    %eq3A_960 = vector.broadcast %eq3A_959 : i32 to vector<64x1024xi32>
    %eq3A_961 = arith.cmpi eq, %and3A_958, %eq3A_960 : vector<64x1024xi32>
    %eq3A_962 = arith.xori %eq3A_936, %eq3A_961 : vector<64x1024xi1>
    %eq3A_963 = arith.constant dense<true> : vector<64x1024xi1>
    %eq3A_964 = arith.xori %eq3A_962, %eq3A_963 : vector<64x1024xi1>
    %eq3A_965 = arith.xori %or3A_955, %eq3A_964 : vector<64x1024xi1>
    %eq3A_966 = arith.constant dense<true> : vector<64x1024xi1>
    %eq3A_967 = arith.xori %eq3A_965, %eq3A_966 : vector<64x1024xi1>
    %select_n3A_968 = arith.select %eq3A_967, %select_n3A_929, %select_n3A_943 : vector<64x1024xi1>, vector<64x1024xi32>
    %select_n3A_969 = arith.select %eq3A_967, %select_n3A_930, %select_n3A_950 : vector<64x1024xi1>, vector<64x1024xi32>
    %and3A_970 = arith.constant 4 : i32
    %and3A_971 = vector.broadcast %and3A_970 : i32 to vector<64x1024xi32>
    %and3A_972 = arith.andi %iota3A, %and3A_971 : vector<64x1024xi32>
    %eq3A_973 = arith.constant 0 : i32
    %eq3A_974 = vector.broadcast %eq3A_973 : i32 to vector<64x1024xi32>
    %eq3A_975 = arith.cmpi eq, %and3A_972, %eq3A_974 : vector<64x1024xi32>
    %slice3A_976 = vector.extract_strided_slice %select_n3A_968 {offsets = [0, 4], sizes = [64, 1020], strides = [1, 1]} : vector<64x1024xi32> to vector<64x1020xi32>
    %slice3A_977 = vector.extract_strided_slice %select_n3A_968 {offsets = [0, 0], sizes = [64, 4], strides = [1, 1]} : vector<64x1024xi32> to vector<64x4xi32>
    %concatenate3A_978 = tpu.concatenate %slice3A_976, %slice3A_977 in 1 : vector<64x1020xi32>, vector<64x4xi32> -> vector<64x1024xi32>
    %slice3A_979 = vector.extract_strided_slice %select_n3A_968 {offsets = [0, 1020], sizes = [64, 4], strides = [1, 1]} : vector<64x1024xi32> to vector<64x4xi32>
    %slice3A_980 = vector.extract_strided_slice %select_n3A_968 {offsets = [0, 0], sizes = [64, 1020], strides = [1, 1]} : vector<64x1024xi32> to vector<64x1020xi32>
    %concatenate3A_981 = tpu.concatenate %slice3A_979, %slice3A_980 in 1 : vector<64x4xi32>, vector<64x1020xi32> -> vector<64x1024xi32>
    %select_n3A_982 = arith.select %eq3A_975, %concatenate3A_978, %concatenate3A_981 : vector<64x1024xi1>, vector<64x1024xi32>
    %slice3A_983 = vector.extract_strided_slice %select_n3A_969 {offsets = [0, 4], sizes = [64, 1020], strides = [1, 1]} : vector<64x1024xi32> to vector<64x1020xi32>
    %slice3A_984 = vector.extract_strided_slice %select_n3A_969 {offsets = [0, 0], sizes = [64, 4], strides = [1, 1]} : vector<64x1024xi32> to vector<64x4xi32>
    %concatenate3A_985 = tpu.concatenate %slice3A_983, %slice3A_984 in 1 : vector<64x1020xi32>, vector<64x4xi32> -> vector<64x1024xi32>
    %slice3A_986 = vector.extract_strided_slice %select_n3A_969 {offsets = [0, 1020], sizes = [64, 4], strides = [1, 1]} : vector<64x1024xi32> to vector<64x4xi32>
    %slice3A_987 = vector.extract_strided_slice %select_n3A_969 {offsets = [0, 0], sizes = [64, 1020], strides = [1, 1]} : vector<64x1024xi32> to vector<64x1020xi32>
    %concatenate3A_988 = tpu.concatenate %slice3A_986, %slice3A_987 in 1 : vector<64x4xi32>, vector<64x1020xi32> -> vector<64x1024xi32>
    %select_n3A_989 = arith.select %eq3A_975, %concatenate3A_985, %concatenate3A_988 : vector<64x1024xi1>, vector<64x1024xi32>
    %lt3A_990 = arith.cmpi slt, %select_n3A_968, %select_n3A_982 : vector<64x1024xi32>
    %eq3A_991 = arith.cmpi eq, %select_n3A_968, %select_n3A_982 : vector<64x1024xi32>
    %lt3A_992 = arith.cmpi slt, %select_n3A_969, %select_n3A_989 : vector<64x1024xi32>
    %and3A_993 = arith.andi %eq3A_991, %lt3A_992 : vector<64x1024xi1>
    %or3A_994 = arith.ori %lt3A_990, %and3A_993 : vector<64x1024xi1>
    %and3A_995 = arith.constant 128 : i32
    %and3A_996 = vector.broadcast %and3A_995 : i32 to vector<64x1024xi32>
    %and3A_997 = arith.andi %iota3A, %and3A_996 : vector<64x1024xi32>
    %eq3A_998 = arith.constant 0 : i32
    %eq3A_999 = vector.broadcast %eq3A_998 : i32 to vector<64x1024xi32>
    %eq3A_1000 = arith.cmpi eq, %and3A_997, %eq3A_999 : vector<64x1024xi32>
    %eq3A_1001 = arith.xori %eq3A_975, %eq3A_1000 : vector<64x1024xi1>
    %eq3A_1002 = arith.constant dense<true> : vector<64x1024xi1>
    %eq3A_1003 = arith.xori %eq3A_1001, %eq3A_1002 : vector<64x1024xi1>
    %eq3A_1004 = arith.xori %or3A_994, %eq3A_1003 : vector<64x1024xi1>
    %eq3A_1005 = arith.constant dense<true> : vector<64x1024xi1>
    %eq3A_1006 = arith.xori %eq3A_1004, %eq3A_1005 : vector<64x1024xi1>
    %select_n3A_1007 = arith.select %eq3A_1006, %select_n3A_968, %select_n3A_982 : vector<64x1024xi1>, vector<64x1024xi32>
    %select_n3A_1008 = arith.select %eq3A_1006, %select_n3A_969, %select_n3A_989 : vector<64x1024xi1>, vector<64x1024xi32>
    %and3A_1009 = arith.constant 2 : i32
    %and3A_1010 = vector.broadcast %and3A_1009 : i32 to vector<64x1024xi32>
    %and3A_1011 = arith.andi %iota3A, %and3A_1010 : vector<64x1024xi32>
    %eq3A_1012 = arith.constant 0 : i32
    %eq3A_1013 = vector.broadcast %eq3A_1012 : i32 to vector<64x1024xi32>
    %eq3A_1014 = arith.cmpi eq, %and3A_1011, %eq3A_1013 : vector<64x1024xi32>
    %slice3A_1015 = vector.extract_strided_slice %select_n3A_1007 {offsets = [0, 2], sizes = [64, 1022], strides = [1, 1]} : vector<64x1024xi32> to vector<64x1022xi32>
    %slice3A_1016 = vector.extract_strided_slice %select_n3A_1007 {offsets = [0, 0], sizes = [64, 2], strides = [1, 1]} : vector<64x1024xi32> to vector<64x2xi32>
    %concatenate3A_1017 = tpu.concatenate %slice3A_1015, %slice3A_1016 in 1 : vector<64x1022xi32>, vector<64x2xi32> -> vector<64x1024xi32>
    %slice3A_1018 = vector.extract_strided_slice %select_n3A_1007 {offsets = [0, 1022], sizes = [64, 2], strides = [1, 1]} : vector<64x1024xi32> to vector<64x2xi32>
    %slice3A_1019 = vector.extract_strided_slice %select_n3A_1007 {offsets = [0, 0], sizes = [64, 1022], strides = [1, 1]} : vector<64x1024xi32> to vector<64x1022xi32>
    %concatenate3A_1020 = tpu.concatenate %slice3A_1018, %slice3A_1019 in 1 : vector<64x2xi32>, vector<64x1022xi32> -> vector<64x1024xi32>
    %select_n3A_1021 = arith.select %eq3A_1014, %concatenate3A_1017, %concatenate3A_1020 : vector<64x1024xi1>, vector<64x1024xi32>
    %slice3A_1022 = vector.extract_strided_slice %select_n3A_1008 {offsets = [0, 2], sizes = [64, 1022], strides = [1, 1]} : vector<64x1024xi32> to vector<64x1022xi32>
    %slice3A_1023 = vector.extract_strided_slice %select_n3A_1008 {offsets = [0, 0], sizes = [64, 2], strides = [1, 1]} : vector<64x1024xi32> to vector<64x2xi32>
    %concatenate3A_1024 = tpu.concatenate %slice3A_1022, %slice3A_1023 in 1 : vector<64x1022xi32>, vector<64x2xi32> -> vector<64x1024xi32>
    %slice3A_1025 = vector.extract_strided_slice %select_n3A_1008 {offsets = [0, 1022], sizes = [64, 2], strides = [1, 1]} : vector<64x1024xi32> to vector<64x2xi32>
    %slice3A_1026 = vector.extract_strided_slice %select_n3A_1008 {offsets = [0, 0], sizes = [64, 1022], strides = [1, 1]} : vector<64x1024xi32> to vector<64x1022xi32>
    %concatenate3A_1027 = tpu.concatenate %slice3A_1025, %slice3A_1026 in 1 : vector<64x2xi32>, vector<64x1022xi32> -> vector<64x1024xi32>
    %select_n3A_1028 = arith.select %eq3A_1014, %concatenate3A_1024, %concatenate3A_1027 : vector<64x1024xi1>, vector<64x1024xi32>
    %lt3A_1029 = arith.cmpi slt, %select_n3A_1007, %select_n3A_1021 : vector<64x1024xi32>
    %eq3A_1030 = arith.cmpi eq, %select_n3A_1007, %select_n3A_1021 : vector<64x1024xi32>
    %lt3A_1031 = arith.cmpi slt, %select_n3A_1008, %select_n3A_1028 : vector<64x1024xi32>
    %and3A_1032 = arith.andi %eq3A_1030, %lt3A_1031 : vector<64x1024xi1>
    %or3A_1033 = arith.ori %lt3A_1029, %and3A_1032 : vector<64x1024xi1>
    %and3A_1034 = arith.constant 128 : i32
    %and3A_1035 = vector.broadcast %and3A_1034 : i32 to vector<64x1024xi32>
    %and3A_1036 = arith.andi %iota3A, %and3A_1035 : vector<64x1024xi32>
    %eq3A_1037 = arith.constant 0 : i32
    %eq3A_1038 = vector.broadcast %eq3A_1037 : i32 to vector<64x1024xi32>
    %eq3A_1039 = arith.cmpi eq, %and3A_1036, %eq3A_1038 : vector<64x1024xi32>
    %eq3A_1040 = arith.xori %eq3A_1014, %eq3A_1039 : vector<64x1024xi1>
    %eq3A_1041 = arith.constant dense<true> : vector<64x1024xi1>
    %eq3A_1042 = arith.xori %eq3A_1040, %eq3A_1041 : vector<64x1024xi1>
    %eq3A_1043 = arith.xori %or3A_1033, %eq3A_1042 : vector<64x1024xi1>
    %eq3A_1044 = arith.constant dense<true> : vector<64x1024xi1>
    %eq3A_1045 = arith.xori %eq3A_1043, %eq3A_1044 : vector<64x1024xi1>
    %select_n3A_1046 = arith.select %eq3A_1045, %select_n3A_1007, %select_n3A_1021 : vector<64x1024xi1>, vector<64x1024xi32>
    %select_n3A_1047 = arith.select %eq3A_1045, %select_n3A_1008, %select_n3A_1028 : vector<64x1024xi1>, vector<64x1024xi32>
    %and3A_1048 = arith.constant 1 : i32
    %and3A_1049 = vector.broadcast %and3A_1048 : i32 to vector<64x1024xi32>
    %and3A_1050 = arith.andi %iota3A, %and3A_1049 : vector<64x1024xi32>
    %eq3A_1051 = arith.constant 0 : i32
    %eq3A_1052 = vector.broadcast %eq3A_1051 : i32 to vector<64x1024xi32>
    %eq3A_1053 = arith.cmpi eq, %and3A_1050, %eq3A_1052 : vector<64x1024xi32>
    %slice3A_1054 = vector.extract_strided_slice %select_n3A_1046 {offsets = [0, 1], sizes = [64, 1023], strides = [1, 1]} : vector<64x1024xi32> to vector<64x1023xi32>
    %slice3A_1055 = vector.extract_strided_slice %select_n3A_1046 {offsets = [0, 0], sizes = [64, 1], strides = [1, 1]} : vector<64x1024xi32> to vector<64x1xi32>
    %concatenate3A_1056 = tpu.concatenate %slice3A_1054, %slice3A_1055 in 1 : vector<64x1023xi32>, vector<64x1xi32> -> vector<64x1024xi32>
    %slice3A_1057 = vector.extract_strided_slice %select_n3A_1046 {offsets = [0, 1023], sizes = [64, 1], strides = [1, 1]} : vector<64x1024xi32> to vector<64x1xi32>
    %slice3A_1058 = vector.extract_strided_slice %select_n3A_1046 {offsets = [0, 0], sizes = [64, 1023], strides = [1, 1]} : vector<64x1024xi32> to vector<64x1023xi32>
    %concatenate3A_1059 = tpu.concatenate %slice3A_1057, %slice3A_1058 in 1 : vector<64x1xi32>, vector<64x1023xi32> -> vector<64x1024xi32>
    %select_n3A_1060 = arith.select %eq3A_1053, %concatenate3A_1056, %concatenate3A_1059 : vector<64x1024xi1>, vector<64x1024xi32>
    %slice3A_1061 = vector.extract_strided_slice %select_n3A_1047 {offsets = [0, 1], sizes = [64, 1023], strides = [1, 1]} : vector<64x1024xi32> to vector<64x1023xi32>
    %slice3A_1062 = vector.extract_strided_slice %select_n3A_1047 {offsets = [0, 0], sizes = [64, 1], strides = [1, 1]} : vector<64x1024xi32> to vector<64x1xi32>
    %concatenate3A_1063 = tpu.concatenate %slice3A_1061, %slice3A_1062 in 1 : vector<64x1023xi32>, vector<64x1xi32> -> vector<64x1024xi32>
    %slice3A_1064 = vector.extract_strided_slice %select_n3A_1047 {offsets = [0, 1023], sizes = [64, 1], strides = [1, 1]} : vector<64x1024xi32> to vector<64x1xi32>
    %slice3A_1065 = vector.extract_strided_slice %select_n3A_1047 {offsets = [0, 0], sizes = [64, 1023], strides = [1, 1]} : vector<64x1024xi32> to vector<64x1023xi32>
    %concatenate3A_1066 = tpu.concatenate %slice3A_1064, %slice3A_1065 in 1 : vector<64x1xi32>, vector<64x1023xi32> -> vector<64x1024xi32>
    %select_n3A_1067 = arith.select %eq3A_1053, %concatenate3A_1063, %concatenate3A_1066 : vector<64x1024xi1>, vector<64x1024xi32>
    %lt3A_1068 = arith.cmpi slt, %select_n3A_1046, %select_n3A_1060 : vector<64x1024xi32>
    %eq3A_1069 = arith.cmpi eq, %select_n3A_1046, %select_n3A_1060 : vector<64x1024xi32>
    %lt3A_1070 = arith.cmpi slt, %select_n3A_1047, %select_n3A_1067 : vector<64x1024xi32>
    %and3A_1071 = arith.andi %eq3A_1069, %lt3A_1070 : vector<64x1024xi1>
    %or3A_1072 = arith.ori %lt3A_1068, %and3A_1071 : vector<64x1024xi1>
    %and3A_1073 = arith.constant 128 : i32
    %and3A_1074 = vector.broadcast %and3A_1073 : i32 to vector<64x1024xi32>
    %and3A_1075 = arith.andi %iota3A, %and3A_1074 : vector<64x1024xi32>
    %eq3A_1076 = arith.constant 0 : i32
    %eq3A_1077 = vector.broadcast %eq3A_1076 : i32 to vector<64x1024xi32>
    %eq3A_1078 = arith.cmpi eq, %and3A_1075, %eq3A_1077 : vector<64x1024xi32>
    %eq3A_1079 = arith.xori %eq3A_1053, %eq3A_1078 : vector<64x1024xi1>
    %eq3A_1080 = arith.constant dense<true> : vector<64x1024xi1>
    %eq3A_1081 = arith.xori %eq3A_1079, %eq3A_1080 : vector<64x1024xi1>
    %eq3A_1082 = arith.xori %or3A_1072, %eq3A_1081 : vector<64x1024xi1>
    %eq3A_1083 = arith.constant dense<true> : vector<64x1024xi1>
    %eq3A_1084 = arith.xori %eq3A_1082, %eq3A_1083 : vector<64x1024xi1>
    %select_n3A_1085 = arith.select %eq3A_1084, %select_n3A_1046, %select_n3A_1060 : vector<64x1024xi1>, vector<64x1024xi32>
    %select_n3A_1086 = arith.select %eq3A_1084, %select_n3A_1047, %select_n3A_1067 : vector<64x1024xi1>, vector<64x1024xi32>
    %and3A_1087 = arith.constant 128 : i32
    %and3A_1088 = vector.broadcast %and3A_1087 : i32 to vector<64x1024xi32>
    %and3A_1089 = arith.andi %iota3A, %and3A_1088 : vector<64x1024xi32>
    %eq3A_1090 = arith.constant 0 : i32
    %eq3A_1091 = vector.broadcast %eq3A_1090 : i32 to vector<64x1024xi32>
    %eq3A_1092 = arith.cmpi eq, %and3A_1089, %eq3A_1091 : vector<64x1024xi32>
    %slice3A_1093 = vector.extract_strided_slice %select_n3A_1085 {offsets = [0, 128], sizes = [64, 896], strides = [1, 1]} : vector<64x1024xi32> to vector<64x896xi32>
    %slice3A_1094 = vector.extract_strided_slice %select_n3A_1085 {offsets = [0, 0], sizes = [64, 128], strides = [1, 1]} : vector<64x1024xi32> to vector<64x128xi32>
    %concatenate3A_1095 = tpu.concatenate %slice3A_1093, %slice3A_1094 in 1 : vector<64x896xi32>, vector<64x128xi32> -> vector<64x1024xi32>
    %slice3A_1096 = vector.extract_strided_slice %select_n3A_1085 {offsets = [0, 896], sizes = [64, 128], strides = [1, 1]} : vector<64x1024xi32> to vector<64x128xi32>
    %slice3A_1097 = vector.extract_strided_slice %select_n3A_1085 {offsets = [0, 0], sizes = [64, 896], strides = [1, 1]} : vector<64x1024xi32> to vector<64x896xi32>
    %concatenate3A_1098 = tpu.concatenate %slice3A_1096, %slice3A_1097 in 1 : vector<64x128xi32>, vector<64x896xi32> -> vector<64x1024xi32>
    %select_n3A_1099 = arith.select %eq3A_1092, %concatenate3A_1095, %concatenate3A_1098 : vector<64x1024xi1>, vector<64x1024xi32>
    %slice3A_1100 = vector.extract_strided_slice %select_n3A_1086 {offsets = [0, 128], sizes = [64, 896], strides = [1, 1]} : vector<64x1024xi32> to vector<64x896xi32>
    %slice3A_1101 = vector.extract_strided_slice %select_n3A_1086 {offsets = [0, 0], sizes = [64, 128], strides = [1, 1]} : vector<64x1024xi32> to vector<64x128xi32>
    %concatenate3A_1102 = tpu.concatenate %slice3A_1100, %slice3A_1101 in 1 : vector<64x896xi32>, vector<64x128xi32> -> vector<64x1024xi32>
    %slice3A_1103 = vector.extract_strided_slice %select_n3A_1086 {offsets = [0, 896], sizes = [64, 128], strides = [1, 1]} : vector<64x1024xi32> to vector<64x128xi32>
    %slice3A_1104 = vector.extract_strided_slice %select_n3A_1086 {offsets = [0, 0], sizes = [64, 896], strides = [1, 1]} : vector<64x1024xi32> to vector<64x896xi32>
    %concatenate3A_1105 = tpu.concatenate %slice3A_1103, %slice3A_1104 in 1 : vector<64x128xi32>, vector<64x896xi32> -> vector<64x1024xi32>
    %select_n3A_1106 = arith.select %eq3A_1092, %concatenate3A_1102, %concatenate3A_1105 : vector<64x1024xi1>, vector<64x1024xi32>
    %lt3A_1107 = arith.cmpi slt, %select_n3A_1085, %select_n3A_1099 : vector<64x1024xi32>
    %eq3A_1108 = arith.cmpi eq, %select_n3A_1085, %select_n3A_1099 : vector<64x1024xi32>
    %lt3A_1109 = arith.cmpi slt, %select_n3A_1086, %select_n3A_1106 : vector<64x1024xi32>
    %and3A_1110 = arith.andi %eq3A_1108, %lt3A_1109 : vector<64x1024xi1>
    %or3A_1111 = arith.ori %lt3A_1107, %and3A_1110 : vector<64x1024xi1>
    %and3A_1112 = arith.constant 256 : i32
    %and3A_1113 = vector.broadcast %and3A_1112 : i32 to vector<64x1024xi32>
    %and3A_1114 = arith.andi %iota3A, %and3A_1113 : vector<64x1024xi32>
    %eq3A_1115 = arith.constant 0 : i32
    %eq3A_1116 = vector.broadcast %eq3A_1115 : i32 to vector<64x1024xi32>
    %eq3A_1117 = arith.cmpi eq, %and3A_1114, %eq3A_1116 : vector<64x1024xi32>
    %eq3A_1118 = arith.xori %eq3A_1092, %eq3A_1117 : vector<64x1024xi1>
    %eq3A_1119 = arith.constant dense<true> : vector<64x1024xi1>
    %eq3A_1120 = arith.xori %eq3A_1118, %eq3A_1119 : vector<64x1024xi1>
    %eq3A_1121 = arith.xori %or3A_1111, %eq3A_1120 : vector<64x1024xi1>
    %eq3A_1122 = arith.constant dense<true> : vector<64x1024xi1>
    %eq3A_1123 = arith.xori %eq3A_1121, %eq3A_1122 : vector<64x1024xi1>
    %select_n3A_1124 = arith.select %eq3A_1123, %select_n3A_1085, %select_n3A_1099 : vector<64x1024xi1>, vector<64x1024xi32>
    %select_n3A_1125 = arith.select %eq3A_1123, %select_n3A_1086, %select_n3A_1106 : vector<64x1024xi1>, vector<64x1024xi32>
    %and3A_1126 = arith.constant 64 : i32
    %and3A_1127 = vector.broadcast %and3A_1126 : i32 to vector<64x1024xi32>
    %and3A_1128 = arith.andi %iota3A, %and3A_1127 : vector<64x1024xi32>
    %eq3A_1129 = arith.constant 0 : i32
    %eq3A_1130 = vector.broadcast %eq3A_1129 : i32 to vector<64x1024xi32>
    %eq3A_1131 = arith.cmpi eq, %and3A_1128, %eq3A_1130 : vector<64x1024xi32>
    %slice3A_1132 = vector.extract_strided_slice %select_n3A_1124 {offsets = [0, 64], sizes = [64, 960], strides = [1, 1]} : vector<64x1024xi32> to vector<64x960xi32>
    %slice3A_1133 = vector.extract_strided_slice %select_n3A_1124 {offsets = [0, 0], sizes = [64, 64], strides = [1, 1]} : vector<64x1024xi32> to vector<64x64xi32>
    %concatenate3A_1134 = tpu.concatenate %slice3A_1132, %slice3A_1133 in 1 : vector<64x960xi32>, vector<64x64xi32> -> vector<64x1024xi32>
    %slice3A_1135 = vector.extract_strided_slice %select_n3A_1124 {offsets = [0, 960], sizes = [64, 64], strides = [1, 1]} : vector<64x1024xi32> to vector<64x64xi32>
    %slice3A_1136 = vector.extract_strided_slice %select_n3A_1124 {offsets = [0, 0], sizes = [64, 960], strides = [1, 1]} : vector<64x1024xi32> to vector<64x960xi32>
    %concatenate3A_1137 = tpu.concatenate %slice3A_1135, %slice3A_1136 in 1 : vector<64x64xi32>, vector<64x960xi32> -> vector<64x1024xi32>
    %select_n3A_1138 = arith.select %eq3A_1131, %concatenate3A_1134, %concatenate3A_1137 : vector<64x1024xi1>, vector<64x1024xi32>
    %slice3A_1139 = vector.extract_strided_slice %select_n3A_1125 {offsets = [0, 64], sizes = [64, 960], strides = [1, 1]} : vector<64x1024xi32> to vector<64x960xi32>
    %slice3A_1140 = vector.extract_strided_slice %select_n3A_1125 {offsets = [0, 0], sizes = [64, 64], strides = [1, 1]} : vector<64x1024xi32> to vector<64x64xi32>
    %concatenate3A_1141 = tpu.concatenate %slice3A_1139, %slice3A_1140 in 1 : vector<64x960xi32>, vector<64x64xi32> -> vector<64x1024xi32>
    %slice3A_1142 = vector.extract_strided_slice %select_n3A_1125 {offsets = [0, 960], sizes = [64, 64], strides = [1, 1]} : vector<64x1024xi32> to vector<64x64xi32>
    %slice3A_1143 = vector.extract_strided_slice %select_n3A_1125 {offsets = [0, 0], sizes = [64, 960], strides = [1, 1]} : vector<64x1024xi32> to vector<64x960xi32>
    %concatenate3A_1144 = tpu.concatenate %slice3A_1142, %slice3A_1143 in 1 : vector<64x64xi32>, vector<64x960xi32> -> vector<64x1024xi32>
    %select_n3A_1145 = arith.select %eq3A_1131, %concatenate3A_1141, %concatenate3A_1144 : vector<64x1024xi1>, vector<64x1024xi32>
    %lt3A_1146 = arith.cmpi slt, %select_n3A_1124, %select_n3A_1138 : vector<64x1024xi32>
    %eq3A_1147 = arith.cmpi eq, %select_n3A_1124, %select_n3A_1138 : vector<64x1024xi32>
    %lt3A_1148 = arith.cmpi slt, %select_n3A_1125, %select_n3A_1145 : vector<64x1024xi32>
    %and3A_1149 = arith.andi %eq3A_1147, %lt3A_1148 : vector<64x1024xi1>
    %or3A_1150 = arith.ori %lt3A_1146, %and3A_1149 : vector<64x1024xi1>
    %and3A_1151 = arith.constant 256 : i32
    %and3A_1152 = vector.broadcast %and3A_1151 : i32 to vector<64x1024xi32>
    %and3A_1153 = arith.andi %iota3A, %and3A_1152 : vector<64x1024xi32>
    %eq3A_1154 = arith.constant 0 : i32
    %eq3A_1155 = vector.broadcast %eq3A_1154 : i32 to vector<64x1024xi32>
    %eq3A_1156 = arith.cmpi eq, %and3A_1153, %eq3A_1155 : vector<64x1024xi32>
    %eq3A_1157 = arith.xori %eq3A_1131, %eq3A_1156 : vector<64x1024xi1>
    %eq3A_1158 = arith.constant dense<true> : vector<64x1024xi1>
    %eq3A_1159 = arith.xori %eq3A_1157, %eq3A_1158 : vector<64x1024xi1>
    %eq3A_1160 = arith.xori %or3A_1150, %eq3A_1159 : vector<64x1024xi1>
    %eq3A_1161 = arith.constant dense<true> : vector<64x1024xi1>
    %eq3A_1162 = arith.xori %eq3A_1160, %eq3A_1161 : vector<64x1024xi1>
    %select_n3A_1163 = arith.select %eq3A_1162, %select_n3A_1124, %select_n3A_1138 : vector<64x1024xi1>, vector<64x1024xi32>
    %select_n3A_1164 = arith.select %eq3A_1162, %select_n3A_1125, %select_n3A_1145 : vector<64x1024xi1>, vector<64x1024xi32>
    %and3A_1165 = arith.constant 32 : i32
    %and3A_1166 = vector.broadcast %and3A_1165 : i32 to vector<64x1024xi32>
    %and3A_1167 = arith.andi %iota3A, %and3A_1166 : vector<64x1024xi32>
    %eq3A_1168 = arith.constant 0 : i32
    %eq3A_1169 = vector.broadcast %eq3A_1168 : i32 to vector<64x1024xi32>
    %eq3A_1170 = arith.cmpi eq, %and3A_1167, %eq3A_1169 : vector<64x1024xi32>
    %slice3A_1171 = vector.extract_strided_slice %select_n3A_1163 {offsets = [0, 32], sizes = [64, 992], strides = [1, 1]} : vector<64x1024xi32> to vector<64x992xi32>
    %slice3A_1172 = vector.extract_strided_slice %select_n3A_1163 {offsets = [0, 0], sizes = [64, 32], strides = [1, 1]} : vector<64x1024xi32> to vector<64x32xi32>
    %concatenate3A_1173 = tpu.concatenate %slice3A_1171, %slice3A_1172 in 1 : vector<64x992xi32>, vector<64x32xi32> -> vector<64x1024xi32>
    %slice3A_1174 = vector.extract_strided_slice %select_n3A_1163 {offsets = [0, 992], sizes = [64, 32], strides = [1, 1]} : vector<64x1024xi32> to vector<64x32xi32>
    %slice3A_1175 = vector.extract_strided_slice %select_n3A_1163 {offsets = [0, 0], sizes = [64, 992], strides = [1, 1]} : vector<64x1024xi32> to vector<64x992xi32>
    %concatenate3A_1176 = tpu.concatenate %slice3A_1174, %slice3A_1175 in 1 : vector<64x32xi32>, vector<64x992xi32> -> vector<64x1024xi32>
    %select_n3A_1177 = arith.select %eq3A_1170, %concatenate3A_1173, %concatenate3A_1176 : vector<64x1024xi1>, vector<64x1024xi32>
    %slice3A_1178 = vector.extract_strided_slice %select_n3A_1164 {offsets = [0, 32], sizes = [64, 992], strides = [1, 1]} : vector<64x1024xi32> to vector<64x992xi32>
    %slice3A_1179 = vector.extract_strided_slice %select_n3A_1164 {offsets = [0, 0], sizes = [64, 32], strides = [1, 1]} : vector<64x1024xi32> to vector<64x32xi32>
    %concatenate3A_1180 = tpu.concatenate %slice3A_1178, %slice3A_1179 in 1 : vector<64x992xi32>, vector<64x32xi32> -> vector<64x1024xi32>
    %slice3A_1181 = vector.extract_strided_slice %select_n3A_1164 {offsets = [0, 992], sizes = [64, 32], strides = [1, 1]} : vector<64x1024xi32> to vector<64x32xi32>
    %slice3A_1182 = vector.extract_strided_slice %select_n3A_1164 {offsets = [0, 0], sizes = [64, 992], strides = [1, 1]} : vector<64x1024xi32> to vector<64x992xi32>
    %concatenate3A_1183 = tpu.concatenate %slice3A_1181, %slice3A_1182 in 1 : vector<64x32xi32>, vector<64x992xi32> -> vector<64x1024xi32>
    %select_n3A_1184 = arith.select %eq3A_1170, %concatenate3A_1180, %concatenate3A_1183 : vector<64x1024xi1>, vector<64x1024xi32>
    %lt3A_1185 = arith.cmpi slt, %select_n3A_1163, %select_n3A_1177 : vector<64x1024xi32>
    %eq3A_1186 = arith.cmpi eq, %select_n3A_1163, %select_n3A_1177 : vector<64x1024xi32>
    %lt3A_1187 = arith.cmpi slt, %select_n3A_1164, %select_n3A_1184 : vector<64x1024xi32>
    %and3A_1188 = arith.andi %eq3A_1186, %lt3A_1187 : vector<64x1024xi1>
    %or3A_1189 = arith.ori %lt3A_1185, %and3A_1188 : vector<64x1024xi1>
    %and3A_1190 = arith.constant 256 : i32
    %and3A_1191 = vector.broadcast %and3A_1190 : i32 to vector<64x1024xi32>
    %and3A_1192 = arith.andi %iota3A, %and3A_1191 : vector<64x1024xi32>
    %eq3A_1193 = arith.constant 0 : i32
    %eq3A_1194 = vector.broadcast %eq3A_1193 : i32 to vector<64x1024xi32>
    %eq3A_1195 = arith.cmpi eq, %and3A_1192, %eq3A_1194 : vector<64x1024xi32>
    %eq3A_1196 = arith.xori %eq3A_1170, %eq3A_1195 : vector<64x1024xi1>
    %eq3A_1197 = arith.constant dense<true> : vector<64x1024xi1>
    %eq3A_1198 = arith.xori %eq3A_1196, %eq3A_1197 : vector<64x1024xi1>
    %eq3A_1199 = arith.xori %or3A_1189, %eq3A_1198 : vector<64x1024xi1>
    %eq3A_1200 = arith.constant dense<true> : vector<64x1024xi1>
    %eq3A_1201 = arith.xori %eq3A_1199, %eq3A_1200 : vector<64x1024xi1>
    %select_n3A_1202 = arith.select %eq3A_1201, %select_n3A_1163, %select_n3A_1177 : vector<64x1024xi1>, vector<64x1024xi32>
    %select_n3A_1203 = arith.select %eq3A_1201, %select_n3A_1164, %select_n3A_1184 : vector<64x1024xi1>, vector<64x1024xi32>
    %and3A_1204 = arith.constant 16 : i32
    %and3A_1205 = vector.broadcast %and3A_1204 : i32 to vector<64x1024xi32>
    %and3A_1206 = arith.andi %iota3A, %and3A_1205 : vector<64x1024xi32>
    %eq3A_1207 = arith.constant 0 : i32
    %eq3A_1208 = vector.broadcast %eq3A_1207 : i32 to vector<64x1024xi32>
    %eq3A_1209 = arith.cmpi eq, %and3A_1206, %eq3A_1208 : vector<64x1024xi32>
    %slice3A_1210 = vector.extract_strided_slice %select_n3A_1202 {offsets = [0, 16], sizes = [64, 1008], strides = [1, 1]} : vector<64x1024xi32> to vector<64x1008xi32>
    %slice3A_1211 = vector.extract_strided_slice %select_n3A_1202 {offsets = [0, 0], sizes = [64, 16], strides = [1, 1]} : vector<64x1024xi32> to vector<64x16xi32>
    %concatenate3A_1212 = tpu.concatenate %slice3A_1210, %slice3A_1211 in 1 : vector<64x1008xi32>, vector<64x16xi32> -> vector<64x1024xi32>
    %slice3A_1213 = vector.extract_strided_slice %select_n3A_1202 {offsets = [0, 1008], sizes = [64, 16], strides = [1, 1]} : vector<64x1024xi32> to vector<64x16xi32>
    %slice3A_1214 = vector.extract_strided_slice %select_n3A_1202 {offsets = [0, 0], sizes = [64, 1008], strides = [1, 1]} : vector<64x1024xi32> to vector<64x1008xi32>
    %concatenate3A_1215 = tpu.concatenate %slice3A_1213, %slice3A_1214 in 1 : vector<64x16xi32>, vector<64x1008xi32> -> vector<64x1024xi32>
    %select_n3A_1216 = arith.select %eq3A_1209, %concatenate3A_1212, %concatenate3A_1215 : vector<64x1024xi1>, vector<64x1024xi32>
    %slice3A_1217 = vector.extract_strided_slice %select_n3A_1203 {offsets = [0, 16], sizes = [64, 1008], strides = [1, 1]} : vector<64x1024xi32> to vector<64x1008xi32>
    %slice3A_1218 = vector.extract_strided_slice %select_n3A_1203 {offsets = [0, 0], sizes = [64, 16], strides = [1, 1]} : vector<64x1024xi32> to vector<64x16xi32>
    %concatenate3A_1219 = tpu.concatenate %slice3A_1217, %slice3A_1218 in 1 : vector<64x1008xi32>, vector<64x16xi32> -> vector<64x1024xi32>
    %slice3A_1220 = vector.extract_strided_slice %select_n3A_1203 {offsets = [0, 1008], sizes = [64, 16], strides = [1, 1]} : vector<64x1024xi32> to vector<64x16xi32>
    %slice3A_1221 = vector.extract_strided_slice %select_n3A_1203 {offsets = [0, 0], sizes = [64, 1008], strides = [1, 1]} : vector<64x1024xi32> to vector<64x1008xi32>
    %concatenate3A_1222 = tpu.concatenate %slice3A_1220, %slice3A_1221 in 1 : vector<64x16xi32>, vector<64x1008xi32> -> vector<64x1024xi32>
    %select_n3A_1223 = arith.select %eq3A_1209, %concatenate3A_1219, %concatenate3A_1222 : vector<64x1024xi1>, vector<64x1024xi32>
    %lt3A_1224 = arith.cmpi slt, %select_n3A_1202, %select_n3A_1216 : vector<64x1024xi32>
    %eq3A_1225 = arith.cmpi eq, %select_n3A_1202, %select_n3A_1216 : vector<64x1024xi32>
    %lt3A_1226 = arith.cmpi slt, %select_n3A_1203, %select_n3A_1223 : vector<64x1024xi32>
    %and3A_1227 = arith.andi %eq3A_1225, %lt3A_1226 : vector<64x1024xi1>
    %or3A_1228 = arith.ori %lt3A_1224, %and3A_1227 : vector<64x1024xi1>
    %and3A_1229 = arith.constant 256 : i32
    %and3A_1230 = vector.broadcast %and3A_1229 : i32 to vector<64x1024xi32>
    %and3A_1231 = arith.andi %iota3A, %and3A_1230 : vector<64x1024xi32>
    %eq3A_1232 = arith.constant 0 : i32
    %eq3A_1233 = vector.broadcast %eq3A_1232 : i32 to vector<64x1024xi32>
    %eq3A_1234 = arith.cmpi eq, %and3A_1231, %eq3A_1233 : vector<64x1024xi32>
    %eq3A_1235 = arith.xori %eq3A_1209, %eq3A_1234 : vector<64x1024xi1>
    %eq3A_1236 = arith.constant dense<true> : vector<64x1024xi1>
    %eq3A_1237 = arith.xori %eq3A_1235, %eq3A_1236 : vector<64x1024xi1>
    %eq3A_1238 = arith.xori %or3A_1228, %eq3A_1237 : vector<64x1024xi1>
    %eq3A_1239 = arith.constant dense<true> : vector<64x1024xi1>
    %eq3A_1240 = arith.xori %eq3A_1238, %eq3A_1239 : vector<64x1024xi1>
    %select_n3A_1241 = arith.select %eq3A_1240, %select_n3A_1202, %select_n3A_1216 : vector<64x1024xi1>, vector<64x1024xi32>
    %select_n3A_1242 = arith.select %eq3A_1240, %select_n3A_1203, %select_n3A_1223 : vector<64x1024xi1>, vector<64x1024xi32>
    %and3A_1243 = arith.constant 8 : i32
    %and3A_1244 = vector.broadcast %and3A_1243 : i32 to vector<64x1024xi32>
    %and3A_1245 = arith.andi %iota3A, %and3A_1244 : vector<64x1024xi32>
    %eq3A_1246 = arith.constant 0 : i32
    %eq3A_1247 = vector.broadcast %eq3A_1246 : i32 to vector<64x1024xi32>
    %eq3A_1248 = arith.cmpi eq, %and3A_1245, %eq3A_1247 : vector<64x1024xi32>
    %slice3A_1249 = vector.extract_strided_slice %select_n3A_1241 {offsets = [0, 8], sizes = [64, 1016], strides = [1, 1]} : vector<64x1024xi32> to vector<64x1016xi32>
    %slice3A_1250 = vector.extract_strided_slice %select_n3A_1241 {offsets = [0, 0], sizes = [64, 8], strides = [1, 1]} : vector<64x1024xi32> to vector<64x8xi32>
    %concatenate3A_1251 = tpu.concatenate %slice3A_1249, %slice3A_1250 in 1 : vector<64x1016xi32>, vector<64x8xi32> -> vector<64x1024xi32>
    %slice3A_1252 = vector.extract_strided_slice %select_n3A_1241 {offsets = [0, 1016], sizes = [64, 8], strides = [1, 1]} : vector<64x1024xi32> to vector<64x8xi32>
    %slice3A_1253 = vector.extract_strided_slice %select_n3A_1241 {offsets = [0, 0], sizes = [64, 1016], strides = [1, 1]} : vector<64x1024xi32> to vector<64x1016xi32>
    %concatenate3A_1254 = tpu.concatenate %slice3A_1252, %slice3A_1253 in 1 : vector<64x8xi32>, vector<64x1016xi32> -> vector<64x1024xi32>
    %select_n3A_1255 = arith.select %eq3A_1248, %concatenate3A_1251, %concatenate3A_1254 : vector<64x1024xi1>, vector<64x1024xi32>
    %slice3A_1256 = vector.extract_strided_slice %select_n3A_1242 {offsets = [0, 8], sizes = [64, 1016], strides = [1, 1]} : vector<64x1024xi32> to vector<64x1016xi32>
    %slice3A_1257 = vector.extract_strided_slice %select_n3A_1242 {offsets = [0, 0], sizes = [64, 8], strides = [1, 1]} : vector<64x1024xi32> to vector<64x8xi32>
    %concatenate3A_1258 = tpu.concatenate %slice3A_1256, %slice3A_1257 in 1 : vector<64x1016xi32>, vector<64x8xi32> -> vector<64x1024xi32>
    %slice3A_1259 = vector.extract_strided_slice %select_n3A_1242 {offsets = [0, 1016], sizes = [64, 8], strides = [1, 1]} : vector<64x1024xi32> to vector<64x8xi32>
    %slice3A_1260 = vector.extract_strided_slice %select_n3A_1242 {offsets = [0, 0], sizes = [64, 1016], strides = [1, 1]} : vector<64x1024xi32> to vector<64x1016xi32>
    %concatenate3A_1261 = tpu.concatenate %slice3A_1259, %slice3A_1260 in 1 : vector<64x8xi32>, vector<64x1016xi32> -> vector<64x1024xi32>
    %select_n3A_1262 = arith.select %eq3A_1248, %concatenate3A_1258, %concatenate3A_1261 : vector<64x1024xi1>, vector<64x1024xi32>
    %lt3A_1263 = arith.cmpi slt, %select_n3A_1241, %select_n3A_1255 : vector<64x1024xi32>
    %eq3A_1264 = arith.cmpi eq, %select_n3A_1241, %select_n3A_1255 : vector<64x1024xi32>
    %lt3A_1265 = arith.cmpi slt, %select_n3A_1242, %select_n3A_1262 : vector<64x1024xi32>
    %and3A_1266 = arith.andi %eq3A_1264, %lt3A_1265 : vector<64x1024xi1>
    %or3A_1267 = arith.ori %lt3A_1263, %and3A_1266 : vector<64x1024xi1>
    %and3A_1268 = arith.constant 256 : i32
    %and3A_1269 = vector.broadcast %and3A_1268 : i32 to vector<64x1024xi32>
    %and3A_1270 = arith.andi %iota3A, %and3A_1269 : vector<64x1024xi32>
    %eq3A_1271 = arith.constant 0 : i32
    %eq3A_1272 = vector.broadcast %eq3A_1271 : i32 to vector<64x1024xi32>
    %eq3A_1273 = arith.cmpi eq, %and3A_1270, %eq3A_1272 : vector<64x1024xi32>
    %eq3A_1274 = arith.xori %eq3A_1248, %eq3A_1273 : vector<64x1024xi1>
    %eq3A_1275 = arith.constant dense<true> : vector<64x1024xi1>
    %eq3A_1276 = arith.xori %eq3A_1274, %eq3A_1275 : vector<64x1024xi1>
    %eq3A_1277 = arith.xori %or3A_1267, %eq3A_1276 : vector<64x1024xi1>
    %eq3A_1278 = arith.constant dense<true> : vector<64x1024xi1>
    %eq3A_1279 = arith.xori %eq3A_1277, %eq3A_1278 : vector<64x1024xi1>
    %select_n3A_1280 = arith.select %eq3A_1279, %select_n3A_1241, %select_n3A_1255 : vector<64x1024xi1>, vector<64x1024xi32>
    %select_n3A_1281 = arith.select %eq3A_1279, %select_n3A_1242, %select_n3A_1262 : vector<64x1024xi1>, vector<64x1024xi32>
    %and3A_1282 = arith.constant 4 : i32
    %and3A_1283 = vector.broadcast %and3A_1282 : i32 to vector<64x1024xi32>
    %and3A_1284 = arith.andi %iota3A, %and3A_1283 : vector<64x1024xi32>
    %eq3A_1285 = arith.constant 0 : i32
    %eq3A_1286 = vector.broadcast %eq3A_1285 : i32 to vector<64x1024xi32>
    %eq3A_1287 = arith.cmpi eq, %and3A_1284, %eq3A_1286 : vector<64x1024xi32>
    %slice3A_1288 = vector.extract_strided_slice %select_n3A_1280 {offsets = [0, 4], sizes = [64, 1020], strides = [1, 1]} : vector<64x1024xi32> to vector<64x1020xi32>
    %slice3A_1289 = vector.extract_strided_slice %select_n3A_1280 {offsets = [0, 0], sizes = [64, 4], strides = [1, 1]} : vector<64x1024xi32> to vector<64x4xi32>
    %concatenate3A_1290 = tpu.concatenate %slice3A_1288, %slice3A_1289 in 1 : vector<64x1020xi32>, vector<64x4xi32> -> vector<64x1024xi32>
    %slice3A_1291 = vector.extract_strided_slice %select_n3A_1280 {offsets = [0, 1020], sizes = [64, 4], strides = [1, 1]} : vector<64x1024xi32> to vector<64x4xi32>
    %slice3A_1292 = vector.extract_strided_slice %select_n3A_1280 {offsets = [0, 0], sizes = [64, 1020], strides = [1, 1]} : vector<64x1024xi32> to vector<64x1020xi32>
    %concatenate3A_1293 = tpu.concatenate %slice3A_1291, %slice3A_1292 in 1 : vector<64x4xi32>, vector<64x1020xi32> -> vector<64x1024xi32>
    %select_n3A_1294 = arith.select %eq3A_1287, %concatenate3A_1290, %concatenate3A_1293 : vector<64x1024xi1>, vector<64x1024xi32>
    %slice3A_1295 = vector.extract_strided_slice %select_n3A_1281 {offsets = [0, 4], sizes = [64, 1020], strides = [1, 1]} : vector<64x1024xi32> to vector<64x1020xi32>
    %slice3A_1296 = vector.extract_strided_slice %select_n3A_1281 {offsets = [0, 0], sizes = [64, 4], strides = [1, 1]} : vector<64x1024xi32> to vector<64x4xi32>
    %concatenate3A_1297 = tpu.concatenate %slice3A_1295, %slice3A_1296 in 1 : vector<64x1020xi32>, vector<64x4xi32> -> vector<64x1024xi32>
    %slice3A_1298 = vector.extract_strided_slice %select_n3A_1281 {offsets = [0, 1020], sizes = [64, 4], strides = [1, 1]} : vector<64x1024xi32> to vector<64x4xi32>
    %slice3A_1299 = vector.extract_strided_slice %select_n3A_1281 {offsets = [0, 0], sizes = [64, 1020], strides = [1, 1]} : vector<64x1024xi32> to vector<64x1020xi32>
    %concatenate3A_1300 = tpu.concatenate %slice3A_1298, %slice3A_1299 in 1 : vector<64x4xi32>, vector<64x1020xi32> -> vector<64x1024xi32>
    %select_n3A_1301 = arith.select %eq3A_1287, %concatenate3A_1297, %concatenate3A_1300 : vector<64x1024xi1>, vector<64x1024xi32>
    %lt3A_1302 = arith.cmpi slt, %select_n3A_1280, %select_n3A_1294 : vector<64x1024xi32>
    %eq3A_1303 = arith.cmpi eq, %select_n3A_1280, %select_n3A_1294 : vector<64x1024xi32>
    %lt3A_1304 = arith.cmpi slt, %select_n3A_1281, %select_n3A_1301 : vector<64x1024xi32>
    %and3A_1305 = arith.andi %eq3A_1303, %lt3A_1304 : vector<64x1024xi1>
    %or3A_1306 = arith.ori %lt3A_1302, %and3A_1305 : vector<64x1024xi1>
    %and3A_1307 = arith.constant 256 : i32
    %and3A_1308 = vector.broadcast %and3A_1307 : i32 to vector<64x1024xi32>
    %and3A_1309 = arith.andi %iota3A, %and3A_1308 : vector<64x1024xi32>
    %eq3A_1310 = arith.constant 0 : i32
    %eq3A_1311 = vector.broadcast %eq3A_1310 : i32 to vector<64x1024xi32>
    %eq3A_1312 = arith.cmpi eq, %and3A_1309, %eq3A_1311 : vector<64x1024xi32>
    %eq3A_1313 = arith.xori %eq3A_1287, %eq3A_1312 : vector<64x1024xi1>
    %eq3A_1314 = arith.constant dense<true> : vector<64x1024xi1>
    %eq3A_1315 = arith.xori %eq3A_1313, %eq3A_1314 : vector<64x1024xi1>
    %eq3A_1316 = arith.xori %or3A_1306, %eq3A_1315 : vector<64x1024xi1>
    %eq3A_1317 = arith.constant dense<true> : vector<64x1024xi1>
    %eq3A_1318 = arith.xori %eq3A_1316, %eq3A_1317 : vector<64x1024xi1>
    %select_n3A_1319 = arith.select %eq3A_1318, %select_n3A_1280, %select_n3A_1294 : vector<64x1024xi1>, vector<64x1024xi32>
    %select_n3A_1320 = arith.select %eq3A_1318, %select_n3A_1281, %select_n3A_1301 : vector<64x1024xi1>, vector<64x1024xi32>
    %and3A_1321 = arith.constant 2 : i32
    %and3A_1322 = vector.broadcast %and3A_1321 : i32 to vector<64x1024xi32>
    %and3A_1323 = arith.andi %iota3A, %and3A_1322 : vector<64x1024xi32>
    %eq3A_1324 = arith.constant 0 : i32
    %eq3A_1325 = vector.broadcast %eq3A_1324 : i32 to vector<64x1024xi32>
    %eq3A_1326 = arith.cmpi eq, %and3A_1323, %eq3A_1325 : vector<64x1024xi32>
    %slice3A_1327 = vector.extract_strided_slice %select_n3A_1319 {offsets = [0, 2], sizes = [64, 1022], strides = [1, 1]} : vector<64x1024xi32> to vector<64x1022xi32>
    %slice3A_1328 = vector.extract_strided_slice %select_n3A_1319 {offsets = [0, 0], sizes = [64, 2], strides = [1, 1]} : vector<64x1024xi32> to vector<64x2xi32>
    %concatenate3A_1329 = tpu.concatenate %slice3A_1327, %slice3A_1328 in 1 : vector<64x1022xi32>, vector<64x2xi32> -> vector<64x1024xi32>
    %slice3A_1330 = vector.extract_strided_slice %select_n3A_1319 {offsets = [0, 1022], sizes = [64, 2], strides = [1, 1]} : vector<64x1024xi32> to vector<64x2xi32>
    %slice3A_1331 = vector.extract_strided_slice %select_n3A_1319 {offsets = [0, 0], sizes = [64, 1022], strides = [1, 1]} : vector<64x1024xi32> to vector<64x1022xi32>
    %concatenate3A_1332 = tpu.concatenate %slice3A_1330, %slice3A_1331 in 1 : vector<64x2xi32>, vector<64x1022xi32> -> vector<64x1024xi32>
    %select_n3A_1333 = arith.select %eq3A_1326, %concatenate3A_1329, %concatenate3A_1332 : vector<64x1024xi1>, vector<64x1024xi32>
    %slice3A_1334 = vector.extract_strided_slice %select_n3A_1320 {offsets = [0, 2], sizes = [64, 1022], strides = [1, 1]} : vector<64x1024xi32> to vector<64x1022xi32>
    %slice3A_1335 = vector.extract_strided_slice %select_n3A_1320 {offsets = [0, 0], sizes = [64, 2], strides = [1, 1]} : vector<64x1024xi32> to vector<64x2xi32>
    %concatenate3A_1336 = tpu.concatenate %slice3A_1334, %slice3A_1335 in 1 : vector<64x1022xi32>, vector<64x2xi32> -> vector<64x1024xi32>
    %slice3A_1337 = vector.extract_strided_slice %select_n3A_1320 {offsets = [0, 1022], sizes = [64, 2], strides = [1, 1]} : vector<64x1024xi32> to vector<64x2xi32>
    %slice3A_1338 = vector.extract_strided_slice %select_n3A_1320 {offsets = [0, 0], sizes = [64, 1022], strides = [1, 1]} : vector<64x1024xi32> to vector<64x1022xi32>
    %concatenate3A_1339 = tpu.concatenate %slice3A_1337, %slice3A_1338 in 1 : vector<64x2xi32>, vector<64x1022xi32> -> vector<64x1024xi32>
    %select_n3A_1340 = arith.select %eq3A_1326, %concatenate3A_1336, %concatenate3A_1339 : vector<64x1024xi1>, vector<64x1024xi32>
    %lt3A_1341 = arith.cmpi slt, %select_n3A_1319, %select_n3A_1333 : vector<64x1024xi32>
    %eq3A_1342 = arith.cmpi eq, %select_n3A_1319, %select_n3A_1333 : vector<64x1024xi32>
    %lt3A_1343 = arith.cmpi slt, %select_n3A_1320, %select_n3A_1340 : vector<64x1024xi32>
    %and3A_1344 = arith.andi %eq3A_1342, %lt3A_1343 : vector<64x1024xi1>
    %or3A_1345 = arith.ori %lt3A_1341, %and3A_1344 : vector<64x1024xi1>
    %and3A_1346 = arith.constant 256 : i32
    %and3A_1347 = vector.broadcast %and3A_1346 : i32 to vector<64x1024xi32>
    %and3A_1348 = arith.andi %iota3A, %and3A_1347 : vector<64x1024xi32>
    %eq3A_1349 = arith.constant 0 : i32
    %eq3A_1350 = vector.broadcast %eq3A_1349 : i32 to vector<64x1024xi32>
    %eq3A_1351 = arith.cmpi eq, %and3A_1348, %eq3A_1350 : vector<64x1024xi32>
    %eq3A_1352 = arith.xori %eq3A_1326, %eq3A_1351 : vector<64x1024xi1>
    %eq3A_1353 = arith.constant dense<true> : vector<64x1024xi1>
    %eq3A_1354 = arith.xori %eq3A_1352, %eq3A_1353 : vector<64x1024xi1>
    %eq3A_1355 = arith.xori %or3A_1345, %eq3A_1354 : vector<64x1024xi1>
    %eq3A_1356 = arith.constant dense<true> : vector<64x1024xi1>
    %eq3A_1357 = arith.xori %eq3A_1355, %eq3A_1356 : vector<64x1024xi1>
    %select_n3A_1358 = arith.select %eq3A_1357, %select_n3A_1319, %select_n3A_1333 : vector<64x1024xi1>, vector<64x1024xi32>
    %select_n3A_1359 = arith.select %eq3A_1357, %select_n3A_1320, %select_n3A_1340 : vector<64x1024xi1>, vector<64x1024xi32>
    %and3A_1360 = arith.constant 1 : i32
    %and3A_1361 = vector.broadcast %and3A_1360 : i32 to vector<64x1024xi32>
    %and3A_1362 = arith.andi %iota3A, %and3A_1361 : vector<64x1024xi32>
    %eq3A_1363 = arith.constant 0 : i32
    %eq3A_1364 = vector.broadcast %eq3A_1363 : i32 to vector<64x1024xi32>
    %eq3A_1365 = arith.cmpi eq, %and3A_1362, %eq3A_1364 : vector<64x1024xi32>
    %slice3A_1366 = vector.extract_strided_slice %select_n3A_1358 {offsets = [0, 1], sizes = [64, 1023], strides = [1, 1]} : vector<64x1024xi32> to vector<64x1023xi32>
    %slice3A_1367 = vector.extract_strided_slice %select_n3A_1358 {offsets = [0, 0], sizes = [64, 1], strides = [1, 1]} : vector<64x1024xi32> to vector<64x1xi32>
    %concatenate3A_1368 = tpu.concatenate %slice3A_1366, %slice3A_1367 in 1 : vector<64x1023xi32>, vector<64x1xi32> -> vector<64x1024xi32>
    %slice3A_1369 = vector.extract_strided_slice %select_n3A_1358 {offsets = [0, 1023], sizes = [64, 1], strides = [1, 1]} : vector<64x1024xi32> to vector<64x1xi32>
    %slice3A_1370 = vector.extract_strided_slice %select_n3A_1358 {offsets = [0, 0], sizes = [64, 1023], strides = [1, 1]} : vector<64x1024xi32> to vector<64x1023xi32>
    %concatenate3A_1371 = tpu.concatenate %slice3A_1369, %slice3A_1370 in 1 : vector<64x1xi32>, vector<64x1023xi32> -> vector<64x1024xi32>
    %select_n3A_1372 = arith.select %eq3A_1365, %concatenate3A_1368, %concatenate3A_1371 : vector<64x1024xi1>, vector<64x1024xi32>
    %slice3A_1373 = vector.extract_strided_slice %select_n3A_1359 {offsets = [0, 1], sizes = [64, 1023], strides = [1, 1]} : vector<64x1024xi32> to vector<64x1023xi32>
    %slice3A_1374 = vector.extract_strided_slice %select_n3A_1359 {offsets = [0, 0], sizes = [64, 1], strides = [1, 1]} : vector<64x1024xi32> to vector<64x1xi32>
    %concatenate3A_1375 = tpu.concatenate %slice3A_1373, %slice3A_1374 in 1 : vector<64x1023xi32>, vector<64x1xi32> -> vector<64x1024xi32>
    %slice3A_1376 = vector.extract_strided_slice %select_n3A_1359 {offsets = [0, 1023], sizes = [64, 1], strides = [1, 1]} : vector<64x1024xi32> to vector<64x1xi32>
    %slice3A_1377 = vector.extract_strided_slice %select_n3A_1359 {offsets = [0, 0], sizes = [64, 1023], strides = [1, 1]} : vector<64x1024xi32> to vector<64x1023xi32>
    %concatenate3A_1378 = tpu.concatenate %slice3A_1376, %slice3A_1377 in 1 : vector<64x1xi32>, vector<64x1023xi32> -> vector<64x1024xi32>
    %select_n3A_1379 = arith.select %eq3A_1365, %concatenate3A_1375, %concatenate3A_1378 : vector<64x1024xi1>, vector<64x1024xi32>
    %lt3A_1380 = arith.cmpi slt, %select_n3A_1358, %select_n3A_1372 : vector<64x1024xi32>
    %eq3A_1381 = arith.cmpi eq, %select_n3A_1358, %select_n3A_1372 : vector<64x1024xi32>
    %lt3A_1382 = arith.cmpi slt, %select_n3A_1359, %select_n3A_1379 : vector<64x1024xi32>
    %and3A_1383 = arith.andi %eq3A_1381, %lt3A_1382 : vector<64x1024xi1>
    %or3A_1384 = arith.ori %lt3A_1380, %and3A_1383 : vector<64x1024xi1>
    %and3A_1385 = arith.constant 256 : i32
    %and3A_1386 = vector.broadcast %and3A_1385 : i32 to vector<64x1024xi32>
    %and3A_1387 = arith.andi %iota3A, %and3A_1386 : vector<64x1024xi32>
    %eq3A_1388 = arith.constant 0 : i32
    %eq3A_1389 = vector.broadcast %eq3A_1388 : i32 to vector<64x1024xi32>
    %eq3A_1390 = arith.cmpi eq, %and3A_1387, %eq3A_1389 : vector<64x1024xi32>
    %eq3A_1391 = arith.xori %eq3A_1365, %eq3A_1390 : vector<64x1024xi1>
    %eq3A_1392 = arith.constant dense<true> : vector<64x1024xi1>
    %eq3A_1393 = arith.xori %eq3A_1391, %eq3A_1392 : vector<64x1024xi1>
    %eq3A_1394 = arith.xori %or3A_1384, %eq3A_1393 : vector<64x1024xi1>
    %eq3A_1395 = arith.constant dense<true> : vector<64x1024xi1>
    %eq3A_1396 = arith.xori %eq3A_1394, %eq3A_1395 : vector<64x1024xi1>
    %select_n3A_1397 = arith.select %eq3A_1396, %select_n3A_1358, %select_n3A_1372 : vector<64x1024xi1>, vector<64x1024xi32>
    %select_n3A_1398 = arith.select %eq3A_1396, %select_n3A_1359, %select_n3A_1379 : vector<64x1024xi1>, vector<64x1024xi32>
    %slice3A_1399 = vector.extract_strided_slice %select_n3A_1397 {offsets = [0, 0], sizes = [64, 256], strides = [1, 1]} : vector<64x1024xi32> to vector<64x256xi32>
    %slice3A_1400 = vector.extract_strided_slice %select_n3A_1397 {offsets = [0, 512], sizes = [64, 256], strides = [1, 1]} : vector<64x1024xi32> to vector<64x256xi32>
    %concatenate3A_1401 = tpu.concatenate %slice3A_1399, %slice3A_1400 in 1 : vector<64x256xi32>, vector<64x256xi32> -> vector<64x512xi32>
    %slice3A_1402 = vector.extract_strided_slice %select_n3A_1397 {offsets = [0, 256], sizes = [64, 256], strides = [1, 1]} : vector<64x1024xi32> to vector<64x256xi32>
    %slice3A_1403 = vector.extract_strided_slice %select_n3A_1397 {offsets = [0, 768], sizes = [64, 256], strides = [1, 1]} : vector<64x1024xi32> to vector<64x256xi32>
    %concatenate3A_1404 = tpu.concatenate %slice3A_1402, %slice3A_1403 in 1 : vector<64x256xi32>, vector<64x256xi32> -> vector<64x512xi32>
    %slice3A_1405 = vector.extract_strided_slice %select_n3A_1398 {offsets = [0, 0], sizes = [64, 256], strides = [1, 1]} : vector<64x1024xi32> to vector<64x256xi32>
    %slice3A_1406 = vector.extract_strided_slice %select_n3A_1398 {offsets = [0, 512], sizes = [64, 256], strides = [1, 1]} : vector<64x1024xi32> to vector<64x256xi32>
    %concatenate3A_1407 = tpu.concatenate %slice3A_1405, %slice3A_1406 in 1 : vector<64x256xi32>, vector<64x256xi32> -> vector<64x512xi32>
    %slice3A_1408 = vector.extract_strided_slice %select_n3A_1398 {offsets = [0, 256], sizes = [64, 256], strides = [1, 1]} : vector<64x1024xi32> to vector<64x256xi32>
    %slice3A_1409 = vector.extract_strided_slice %select_n3A_1398 {offsets = [0, 768], sizes = [64, 256], strides = [1, 1]} : vector<64x1024xi32> to vector<64x256xi32>
    %concatenate3A_1410 = tpu.concatenate %slice3A_1408, %slice3A_1409 in 1 : vector<64x256xi32>, vector<64x256xi32> -> vector<64x512xi32>
    %lt3A_1411 = arith.cmpi slt, %concatenate3A_1404, %concatenate3A_1401 : vector<64x512xi32>
    %eq3A_1412 = arith.cmpi eq, %concatenate3A_1404, %concatenate3A_1401 : vector<64x512xi32>
    %lt3A_1413 = arith.cmpi slt, %concatenate3A_1410, %concatenate3A_1407 : vector<64x512xi32>
    %and3A_1414 = arith.andi %eq3A_1412, %lt3A_1413 : vector<64x512xi1>
    %or3A_1415 = arith.ori %lt3A_1411, %and3A_1414 : vector<64x512xi1>
    %select_n3A_1416 = arith.select %or3A_1415, %concatenate3A_1404, %concatenate3A_1401 : vector<64x512xi1>, vector<64x512xi32>
    %select_n3A_1417 = arith.select %or3A_1415, %concatenate3A_1410, %concatenate3A_1407 : vector<64x512xi1>, vector<64x512xi32>
    %select_n3A_1418 = arith.select %or3A_1415, %concatenate3A_1401, %concatenate3A_1404 : vector<64x512xi1>, vector<64x512xi32>
    %select_n3A_1419 = arith.select %or3A_1415, %concatenate3A_1407, %concatenate3A_1410 : vector<64x512xi1>, vector<64x512xi32>
    %iota3A_1420 = tpu.iota {dimensions = array<i32: 1>} : vector<64x512xi32>
    %and3A_1421 = arith.constant 128 : i32
    %and3A_1422 = vector.broadcast %and3A_1421 : i32 to vector<64x512xi32>
    %and3A_1423 = arith.andi %iota3A_1420, %and3A_1422 : vector<64x512xi32>
    %eq3A_1424 = arith.constant 0 : i32
    %eq3A_1425 = vector.broadcast %eq3A_1424 : i32 to vector<64x512xi32>
    %eq3A_1426 = arith.cmpi eq, %and3A_1423, %eq3A_1425 : vector<64x512xi32>
    %slice3A_1427 = vector.extract_strided_slice %select_n3A_1416 {offsets = [0, 128], sizes = [64, 384], strides = [1, 1]} : vector<64x512xi32> to vector<64x384xi32>
    %slice3A_1428 = vector.extract_strided_slice %select_n3A_1416 {offsets = [0, 0], sizes = [64, 128], strides = [1, 1]} : vector<64x512xi32> to vector<64x128xi32>
    %concatenate3A_1429 = tpu.concatenate %slice3A_1427, %slice3A_1428 in 1 : vector<64x384xi32>, vector<64x128xi32> -> vector<64x512xi32>
    %slice3A_1430 = vector.extract_strided_slice %select_n3A_1416 {offsets = [0, 384], sizes = [64, 128], strides = [1, 1]} : vector<64x512xi32> to vector<64x128xi32>
    %slice3A_1431 = vector.extract_strided_slice %select_n3A_1416 {offsets = [0, 0], sizes = [64, 384], strides = [1, 1]} : vector<64x512xi32> to vector<64x384xi32>
    %concatenate3A_1432 = tpu.concatenate %slice3A_1430, %slice3A_1431 in 1 : vector<64x128xi32>, vector<64x384xi32> -> vector<64x512xi32>
    %select_n3A_1433 = arith.select %eq3A_1426, %concatenate3A_1429, %concatenate3A_1432 : vector<64x512xi1>, vector<64x512xi32>
    %slice3A_1434 = vector.extract_strided_slice %select_n3A_1417 {offsets = [0, 128], sizes = [64, 384], strides = [1, 1]} : vector<64x512xi32> to vector<64x384xi32>
    %slice3A_1435 = vector.extract_strided_slice %select_n3A_1417 {offsets = [0, 0], sizes = [64, 128], strides = [1, 1]} : vector<64x512xi32> to vector<64x128xi32>
    %concatenate3A_1436 = tpu.concatenate %slice3A_1434, %slice3A_1435 in 1 : vector<64x384xi32>, vector<64x128xi32> -> vector<64x512xi32>
    %slice3A_1437 = vector.extract_strided_slice %select_n3A_1417 {offsets = [0, 384], sizes = [64, 128], strides = [1, 1]} : vector<64x512xi32> to vector<64x128xi32>
    %slice3A_1438 = vector.extract_strided_slice %select_n3A_1417 {offsets = [0, 0], sizes = [64, 384], strides = [1, 1]} : vector<64x512xi32> to vector<64x384xi32>
    %concatenate3A_1439 = tpu.concatenate %slice3A_1437, %slice3A_1438 in 1 : vector<64x128xi32>, vector<64x384xi32> -> vector<64x512xi32>
    %select_n3A_1440 = arith.select %eq3A_1426, %concatenate3A_1436, %concatenate3A_1439 : vector<64x512xi1>, vector<64x512xi32>
    %lt3A_1441 = arith.cmpi slt, %select_n3A_1416, %select_n3A_1433 : vector<64x512xi32>
    %eq3A_1442 = arith.cmpi eq, %select_n3A_1416, %select_n3A_1433 : vector<64x512xi32>
    %lt3A_1443 = arith.cmpi slt, %select_n3A_1417, %select_n3A_1440 : vector<64x512xi32>
    %and3A_1444 = arith.andi %eq3A_1442, %lt3A_1443 : vector<64x512xi1>
    %or3A_1445 = arith.ori %lt3A_1441, %and3A_1444 : vector<64x512xi1>
    %and3A_1446 = arith.constant 256 : i32
    %and3A_1447 = vector.broadcast %and3A_1446 : i32 to vector<64x512xi32>
    %and3A_1448 = arith.andi %iota3A_1420, %and3A_1447 : vector<64x512xi32>
    %eq3A_1449 = arith.constant 0 : i32
    %eq3A_1450 = vector.broadcast %eq3A_1449 : i32 to vector<64x512xi32>
    %eq3A_1451 = arith.cmpi eq, %and3A_1448, %eq3A_1450 : vector<64x512xi32>
    %eq3A_1452 = arith.xori %eq3A_1426, %eq3A_1451 : vector<64x512xi1>
    %eq3A_1453 = arith.constant dense<true> : vector<64x512xi1>
    %eq3A_1454 = arith.xori %eq3A_1452, %eq3A_1453 : vector<64x512xi1>
    %eq3A_1455 = arith.xori %or3A_1445, %eq3A_1454 : vector<64x512xi1>
    %eq3A_1456 = arith.constant dense<true> : vector<64x512xi1>
    %eq3A_1457 = arith.xori %eq3A_1455, %eq3A_1456 : vector<64x512xi1>
    %select_n3A_1458 = arith.select %eq3A_1457, %select_n3A_1416, %select_n3A_1433 : vector<64x512xi1>, vector<64x512xi32>
    %select_n3A_1459 = arith.select %eq3A_1457, %select_n3A_1417, %select_n3A_1440 : vector<64x512xi1>, vector<64x512xi32>
    %and3A_1460 = arith.constant 64 : i32
    %and3A_1461 = vector.broadcast %and3A_1460 : i32 to vector<64x512xi32>
    %and3A_1462 = arith.andi %iota3A_1420, %and3A_1461 : vector<64x512xi32>
    %eq3A_1463 = arith.constant 0 : i32
    %eq3A_1464 = vector.broadcast %eq3A_1463 : i32 to vector<64x512xi32>
    %eq3A_1465 = arith.cmpi eq, %and3A_1462, %eq3A_1464 : vector<64x512xi32>
    %slice3A_1466 = vector.extract_strided_slice %select_n3A_1458 {offsets = [0, 64], sizes = [64, 448], strides = [1, 1]} : vector<64x512xi32> to vector<64x448xi32>
    %slice3A_1467 = vector.extract_strided_slice %select_n3A_1458 {offsets = [0, 0], sizes = [64, 64], strides = [1, 1]} : vector<64x512xi32> to vector<64x64xi32>
    %concatenate3A_1468 = tpu.concatenate %slice3A_1466, %slice3A_1467 in 1 : vector<64x448xi32>, vector<64x64xi32> -> vector<64x512xi32>
    %slice3A_1469 = vector.extract_strided_slice %select_n3A_1458 {offsets = [0, 448], sizes = [64, 64], strides = [1, 1]} : vector<64x512xi32> to vector<64x64xi32>
    %slice3A_1470 = vector.extract_strided_slice %select_n3A_1458 {offsets = [0, 0], sizes = [64, 448], strides = [1, 1]} : vector<64x512xi32> to vector<64x448xi32>
    %concatenate3A_1471 = tpu.concatenate %slice3A_1469, %slice3A_1470 in 1 : vector<64x64xi32>, vector<64x448xi32> -> vector<64x512xi32>
    %select_n3A_1472 = arith.select %eq3A_1465, %concatenate3A_1468, %concatenate3A_1471 : vector<64x512xi1>, vector<64x512xi32>
    %slice3A_1473 = vector.extract_strided_slice %select_n3A_1459 {offsets = [0, 64], sizes = [64, 448], strides = [1, 1]} : vector<64x512xi32> to vector<64x448xi32>
    %slice3A_1474 = vector.extract_strided_slice %select_n3A_1459 {offsets = [0, 0], sizes = [64, 64], strides = [1, 1]} : vector<64x512xi32> to vector<64x64xi32>
    %concatenate3A_1475 = tpu.concatenate %slice3A_1473, %slice3A_1474 in 1 : vector<64x448xi32>, vector<64x64xi32> -> vector<64x512xi32>
    %slice3A_1476 = vector.extract_strided_slice %select_n3A_1459 {offsets = [0, 448], sizes = [64, 64], strides = [1, 1]} : vector<64x512xi32> to vector<64x64xi32>
    %slice3A_1477 = vector.extract_strided_slice %select_n3A_1459 {offsets = [0, 0], sizes = [64, 448], strides = [1, 1]} : vector<64x512xi32> to vector<64x448xi32>
    %concatenate3A_1478 = tpu.concatenate %slice3A_1476, %slice3A_1477 in 1 : vector<64x64xi32>, vector<64x448xi32> -> vector<64x512xi32>
    %select_n3A_1479 = arith.select %eq3A_1465, %concatenate3A_1475, %concatenate3A_1478 : vector<64x512xi1>, vector<64x512xi32>
    %lt3A_1480 = arith.cmpi slt, %select_n3A_1458, %select_n3A_1472 : vector<64x512xi32>
    %eq3A_1481 = arith.cmpi eq, %select_n3A_1458, %select_n3A_1472 : vector<64x512xi32>
    %lt3A_1482 = arith.cmpi slt, %select_n3A_1459, %select_n3A_1479 : vector<64x512xi32>
    %and3A_1483 = arith.andi %eq3A_1481, %lt3A_1482 : vector<64x512xi1>
    %or3A_1484 = arith.ori %lt3A_1480, %and3A_1483 : vector<64x512xi1>
    %and3A_1485 = arith.constant 256 : i32
    %and3A_1486 = vector.broadcast %and3A_1485 : i32 to vector<64x512xi32>
    %and3A_1487 = arith.andi %iota3A_1420, %and3A_1486 : vector<64x512xi32>
    %eq3A_1488 = arith.constant 0 : i32
    %eq3A_1489 = vector.broadcast %eq3A_1488 : i32 to vector<64x512xi32>
    %eq3A_1490 = arith.cmpi eq, %and3A_1487, %eq3A_1489 : vector<64x512xi32>
    %eq3A_1491 = arith.xori %eq3A_1465, %eq3A_1490 : vector<64x512xi1>
    %eq3A_1492 = arith.constant dense<true> : vector<64x512xi1>
    %eq3A_1493 = arith.xori %eq3A_1491, %eq3A_1492 : vector<64x512xi1>
    %eq3A_1494 = arith.xori %or3A_1484, %eq3A_1493 : vector<64x512xi1>
    %eq3A_1495 = arith.constant dense<true> : vector<64x512xi1>
    %eq3A_1496 = arith.xori %eq3A_1494, %eq3A_1495 : vector<64x512xi1>
    %select_n3A_1497 = arith.select %eq3A_1496, %select_n3A_1458, %select_n3A_1472 : vector<64x512xi1>, vector<64x512xi32>
    %select_n3A_1498 = arith.select %eq3A_1496, %select_n3A_1459, %select_n3A_1479 : vector<64x512xi1>, vector<64x512xi32>
    %and3A_1499 = arith.constant 32 : i32
    %and3A_1500 = vector.broadcast %and3A_1499 : i32 to vector<64x512xi32>
    %and3A_1501 = arith.andi %iota3A_1420, %and3A_1500 : vector<64x512xi32>
    %eq3A_1502 = arith.constant 0 : i32
    %eq3A_1503 = vector.broadcast %eq3A_1502 : i32 to vector<64x512xi32>
    %eq3A_1504 = arith.cmpi eq, %and3A_1501, %eq3A_1503 : vector<64x512xi32>
    %slice3A_1505 = vector.extract_strided_slice %select_n3A_1497 {offsets = [0, 32], sizes = [64, 480], strides = [1, 1]} : vector<64x512xi32> to vector<64x480xi32>
    %slice3A_1506 = vector.extract_strided_slice %select_n3A_1497 {offsets = [0, 0], sizes = [64, 32], strides = [1, 1]} : vector<64x512xi32> to vector<64x32xi32>
    %concatenate3A_1507 = tpu.concatenate %slice3A_1505, %slice3A_1506 in 1 : vector<64x480xi32>, vector<64x32xi32> -> vector<64x512xi32>
    %slice3A_1508 = vector.extract_strided_slice %select_n3A_1497 {offsets = [0, 480], sizes = [64, 32], strides = [1, 1]} : vector<64x512xi32> to vector<64x32xi32>
    %slice3A_1509 = vector.extract_strided_slice %select_n3A_1497 {offsets = [0, 0], sizes = [64, 480], strides = [1, 1]} : vector<64x512xi32> to vector<64x480xi32>
    %concatenate3A_1510 = tpu.concatenate %slice3A_1508, %slice3A_1509 in 1 : vector<64x32xi32>, vector<64x480xi32> -> vector<64x512xi32>
    %select_n3A_1511 = arith.select %eq3A_1504, %concatenate3A_1507, %concatenate3A_1510 : vector<64x512xi1>, vector<64x512xi32>
    %slice3A_1512 = vector.extract_strided_slice %select_n3A_1498 {offsets = [0, 32], sizes = [64, 480], strides = [1, 1]} : vector<64x512xi32> to vector<64x480xi32>
    %slice3A_1513 = vector.extract_strided_slice %select_n3A_1498 {offsets = [0, 0], sizes = [64, 32], strides = [1, 1]} : vector<64x512xi32> to vector<64x32xi32>
    %concatenate3A_1514 = tpu.concatenate %slice3A_1512, %slice3A_1513 in 1 : vector<64x480xi32>, vector<64x32xi32> -> vector<64x512xi32>
    %slice3A_1515 = vector.extract_strided_slice %select_n3A_1498 {offsets = [0, 480], sizes = [64, 32], strides = [1, 1]} : vector<64x512xi32> to vector<64x32xi32>
    %slice3A_1516 = vector.extract_strided_slice %select_n3A_1498 {offsets = [0, 0], sizes = [64, 480], strides = [1, 1]} : vector<64x512xi32> to vector<64x480xi32>
    %concatenate3A_1517 = tpu.concatenate %slice3A_1515, %slice3A_1516 in 1 : vector<64x32xi32>, vector<64x480xi32> -> vector<64x512xi32>
    %select_n3A_1518 = arith.select %eq3A_1504, %concatenate3A_1514, %concatenate3A_1517 : vector<64x512xi1>, vector<64x512xi32>
    %lt3A_1519 = arith.cmpi slt, %select_n3A_1497, %select_n3A_1511 : vector<64x512xi32>
    %eq3A_1520 = arith.cmpi eq, %select_n3A_1497, %select_n3A_1511 : vector<64x512xi32>
    %lt3A_1521 = arith.cmpi slt, %select_n3A_1498, %select_n3A_1518 : vector<64x512xi32>
    %and3A_1522 = arith.andi %eq3A_1520, %lt3A_1521 : vector<64x512xi1>
    %or3A_1523 = arith.ori %lt3A_1519, %and3A_1522 : vector<64x512xi1>
    %and3A_1524 = arith.constant 256 : i32
    %and3A_1525 = vector.broadcast %and3A_1524 : i32 to vector<64x512xi32>
    %and3A_1526 = arith.andi %iota3A_1420, %and3A_1525 : vector<64x512xi32>
    %eq3A_1527 = arith.constant 0 : i32
    %eq3A_1528 = vector.broadcast %eq3A_1527 : i32 to vector<64x512xi32>
    %eq3A_1529 = arith.cmpi eq, %and3A_1526, %eq3A_1528 : vector<64x512xi32>
    %eq3A_1530 = arith.xori %eq3A_1504, %eq3A_1529 : vector<64x512xi1>
    %eq3A_1531 = arith.constant dense<true> : vector<64x512xi1>
    %eq3A_1532 = arith.xori %eq3A_1530, %eq3A_1531 : vector<64x512xi1>
    %eq3A_1533 = arith.xori %or3A_1523, %eq3A_1532 : vector<64x512xi1>
    %eq3A_1534 = arith.constant dense<true> : vector<64x512xi1>
    %eq3A_1535 = arith.xori %eq3A_1533, %eq3A_1534 : vector<64x512xi1>
    %select_n3A_1536 = arith.select %eq3A_1535, %select_n3A_1497, %select_n3A_1511 : vector<64x512xi1>, vector<64x512xi32>
    %select_n3A_1537 = arith.select %eq3A_1535, %select_n3A_1498, %select_n3A_1518 : vector<64x512xi1>, vector<64x512xi32>
    %and3A_1538 = arith.constant 16 : i32
    %and3A_1539 = vector.broadcast %and3A_1538 : i32 to vector<64x512xi32>
    %and3A_1540 = arith.andi %iota3A_1420, %and3A_1539 : vector<64x512xi32>
    %eq3A_1541 = arith.constant 0 : i32
    %eq3A_1542 = vector.broadcast %eq3A_1541 : i32 to vector<64x512xi32>
    %eq3A_1543 = arith.cmpi eq, %and3A_1540, %eq3A_1542 : vector<64x512xi32>
    %slice3A_1544 = vector.extract_strided_slice %select_n3A_1536 {offsets = [0, 16], sizes = [64, 496], strides = [1, 1]} : vector<64x512xi32> to vector<64x496xi32>
    %slice3A_1545 = vector.extract_strided_slice %select_n3A_1536 {offsets = [0, 0], sizes = [64, 16], strides = [1, 1]} : vector<64x512xi32> to vector<64x16xi32>
    %concatenate3A_1546 = tpu.concatenate %slice3A_1544, %slice3A_1545 in 1 : vector<64x496xi32>, vector<64x16xi32> -> vector<64x512xi32>
    %slice3A_1547 = vector.extract_strided_slice %select_n3A_1536 {offsets = [0, 496], sizes = [64, 16], strides = [1, 1]} : vector<64x512xi32> to vector<64x16xi32>
    %slice3A_1548 = vector.extract_strided_slice %select_n3A_1536 {offsets = [0, 0], sizes = [64, 496], strides = [1, 1]} : vector<64x512xi32> to vector<64x496xi32>
    %concatenate3A_1549 = tpu.concatenate %slice3A_1547, %slice3A_1548 in 1 : vector<64x16xi32>, vector<64x496xi32> -> vector<64x512xi32>
    %select_n3A_1550 = arith.select %eq3A_1543, %concatenate3A_1546, %concatenate3A_1549 : vector<64x512xi1>, vector<64x512xi32>
    %slice3A_1551 = vector.extract_strided_slice %select_n3A_1537 {offsets = [0, 16], sizes = [64, 496], strides = [1, 1]} : vector<64x512xi32> to vector<64x496xi32>
    %slice3A_1552 = vector.extract_strided_slice %select_n3A_1537 {offsets = [0, 0], sizes = [64, 16], strides = [1, 1]} : vector<64x512xi32> to vector<64x16xi32>
    %concatenate3A_1553 = tpu.concatenate %slice3A_1551, %slice3A_1552 in 1 : vector<64x496xi32>, vector<64x16xi32> -> vector<64x512xi32>
    %slice3A_1554 = vector.extract_strided_slice %select_n3A_1537 {offsets = [0, 496], sizes = [64, 16], strides = [1, 1]} : vector<64x512xi32> to vector<64x16xi32>
    %slice3A_1555 = vector.extract_strided_slice %select_n3A_1537 {offsets = [0, 0], sizes = [64, 496], strides = [1, 1]} : vector<64x512xi32> to vector<64x496xi32>
    %concatenate3A_1556 = tpu.concatenate %slice3A_1554, %slice3A_1555 in 1 : vector<64x16xi32>, vector<64x496xi32> -> vector<64x512xi32>
    %select_n3A_1557 = arith.select %eq3A_1543, %concatenate3A_1553, %concatenate3A_1556 : vector<64x512xi1>, vector<64x512xi32>
    %lt3A_1558 = arith.cmpi slt, %select_n3A_1536, %select_n3A_1550 : vector<64x512xi32>
    %eq3A_1559 = arith.cmpi eq, %select_n3A_1536, %select_n3A_1550 : vector<64x512xi32>
    %lt3A_1560 = arith.cmpi slt, %select_n3A_1537, %select_n3A_1557 : vector<64x512xi32>
    %and3A_1561 = arith.andi %eq3A_1559, %lt3A_1560 : vector<64x512xi1>
    %or3A_1562 = arith.ori %lt3A_1558, %and3A_1561 : vector<64x512xi1>
    %and3A_1563 = arith.constant 256 : i32
    %and3A_1564 = vector.broadcast %and3A_1563 : i32 to vector<64x512xi32>
    %and3A_1565 = arith.andi %iota3A_1420, %and3A_1564 : vector<64x512xi32>
    %eq3A_1566 = arith.constant 0 : i32
    %eq3A_1567 = vector.broadcast %eq3A_1566 : i32 to vector<64x512xi32>
    %eq3A_1568 = arith.cmpi eq, %and3A_1565, %eq3A_1567 : vector<64x512xi32>
    %eq3A_1569 = arith.xori %eq3A_1543, %eq3A_1568 : vector<64x512xi1>
    %eq3A_1570 = arith.constant dense<true> : vector<64x512xi1>
    %eq3A_1571 = arith.xori %eq3A_1569, %eq3A_1570 : vector<64x512xi1>
    %eq3A_1572 = arith.xori %or3A_1562, %eq3A_1571 : vector<64x512xi1>
    %eq3A_1573 = arith.constant dense<true> : vector<64x512xi1>
    %eq3A_1574 = arith.xori %eq3A_1572, %eq3A_1573 : vector<64x512xi1>
    %select_n3A_1575 = arith.select %eq3A_1574, %select_n3A_1536, %select_n3A_1550 : vector<64x512xi1>, vector<64x512xi32>
    %select_n3A_1576 = arith.select %eq3A_1574, %select_n3A_1537, %select_n3A_1557 : vector<64x512xi1>, vector<64x512xi32>
    %and3A_1577 = arith.constant 8 : i32
    %and3A_1578 = vector.broadcast %and3A_1577 : i32 to vector<64x512xi32>
    %and3A_1579 = arith.andi %iota3A_1420, %and3A_1578 : vector<64x512xi32>
    %eq3A_1580 = arith.constant 0 : i32
    %eq3A_1581 = vector.broadcast %eq3A_1580 : i32 to vector<64x512xi32>
    %eq3A_1582 = arith.cmpi eq, %and3A_1579, %eq3A_1581 : vector<64x512xi32>
    %slice3A_1583 = vector.extract_strided_slice %select_n3A_1575 {offsets = [0, 8], sizes = [64, 504], strides = [1, 1]} : vector<64x512xi32> to vector<64x504xi32>
    %slice3A_1584 = vector.extract_strided_slice %select_n3A_1575 {offsets = [0, 0], sizes = [64, 8], strides = [1, 1]} : vector<64x512xi32> to vector<64x8xi32>
    %concatenate3A_1585 = tpu.concatenate %slice3A_1583, %slice3A_1584 in 1 : vector<64x504xi32>, vector<64x8xi32> -> vector<64x512xi32>
    %slice3A_1586 = vector.extract_strided_slice %select_n3A_1575 {offsets = [0, 504], sizes = [64, 8], strides = [1, 1]} : vector<64x512xi32> to vector<64x8xi32>
    %slice3A_1587 = vector.extract_strided_slice %select_n3A_1575 {offsets = [0, 0], sizes = [64, 504], strides = [1, 1]} : vector<64x512xi32> to vector<64x504xi32>
    %concatenate3A_1588 = tpu.concatenate %slice3A_1586, %slice3A_1587 in 1 : vector<64x8xi32>, vector<64x504xi32> -> vector<64x512xi32>
    %select_n3A_1589 = arith.select %eq3A_1582, %concatenate3A_1585, %concatenate3A_1588 : vector<64x512xi1>, vector<64x512xi32>
    %slice3A_1590 = vector.extract_strided_slice %select_n3A_1576 {offsets = [0, 8], sizes = [64, 504], strides = [1, 1]} : vector<64x512xi32> to vector<64x504xi32>
    %slice3A_1591 = vector.extract_strided_slice %select_n3A_1576 {offsets = [0, 0], sizes = [64, 8], strides = [1, 1]} : vector<64x512xi32> to vector<64x8xi32>
    %concatenate3A_1592 = tpu.concatenate %slice3A_1590, %slice3A_1591 in 1 : vector<64x504xi32>, vector<64x8xi32> -> vector<64x512xi32>
    %slice3A_1593 = vector.extract_strided_slice %select_n3A_1576 {offsets = [0, 504], sizes = [64, 8], strides = [1, 1]} : vector<64x512xi32> to vector<64x8xi32>
    %slice3A_1594 = vector.extract_strided_slice %select_n3A_1576 {offsets = [0, 0], sizes = [64, 504], strides = [1, 1]} : vector<64x512xi32> to vector<64x504xi32>
    %concatenate3A_1595 = tpu.concatenate %slice3A_1593, %slice3A_1594 in 1 : vector<64x8xi32>, vector<64x504xi32> -> vector<64x512xi32>
    %select_n3A_1596 = arith.select %eq3A_1582, %concatenate3A_1592, %concatenate3A_1595 : vector<64x512xi1>, vector<64x512xi32>
    %lt3A_1597 = arith.cmpi slt, %select_n3A_1575, %select_n3A_1589 : vector<64x512xi32>
    %eq3A_1598 = arith.cmpi eq, %select_n3A_1575, %select_n3A_1589 : vector<64x512xi32>
    %lt3A_1599 = arith.cmpi slt, %select_n3A_1576, %select_n3A_1596 : vector<64x512xi32>
    %and3A_1600 = arith.andi %eq3A_1598, %lt3A_1599 : vector<64x512xi1>
    %or3A_1601 = arith.ori %lt3A_1597, %and3A_1600 : vector<64x512xi1>
    %and3A_1602 = arith.constant 256 : i32
    %and3A_1603 = vector.broadcast %and3A_1602 : i32 to vector<64x512xi32>
    %and3A_1604 = arith.andi %iota3A_1420, %and3A_1603 : vector<64x512xi32>
    %eq3A_1605 = arith.constant 0 : i32
    %eq3A_1606 = vector.broadcast %eq3A_1605 : i32 to vector<64x512xi32>
    %eq3A_1607 = arith.cmpi eq, %and3A_1604, %eq3A_1606 : vector<64x512xi32>
    %eq3A_1608 = arith.xori %eq3A_1582, %eq3A_1607 : vector<64x512xi1>
    %eq3A_1609 = arith.constant dense<true> : vector<64x512xi1>
    %eq3A_1610 = arith.xori %eq3A_1608, %eq3A_1609 : vector<64x512xi1>
    %eq3A_1611 = arith.xori %or3A_1601, %eq3A_1610 : vector<64x512xi1>
    %eq3A_1612 = arith.constant dense<true> : vector<64x512xi1>
    %eq3A_1613 = arith.xori %eq3A_1611, %eq3A_1612 : vector<64x512xi1>
    %select_n3A_1614 = arith.select %eq3A_1613, %select_n3A_1575, %select_n3A_1589 : vector<64x512xi1>, vector<64x512xi32>
    %select_n3A_1615 = arith.select %eq3A_1613, %select_n3A_1576, %select_n3A_1596 : vector<64x512xi1>, vector<64x512xi32>
    %and3A_1616 = arith.constant 4 : i32
    %and3A_1617 = vector.broadcast %and3A_1616 : i32 to vector<64x512xi32>
    %and3A_1618 = arith.andi %iota3A_1420, %and3A_1617 : vector<64x512xi32>
    %eq3A_1619 = arith.constant 0 : i32
    %eq3A_1620 = vector.broadcast %eq3A_1619 : i32 to vector<64x512xi32>
    %eq3A_1621 = arith.cmpi eq, %and3A_1618, %eq3A_1620 : vector<64x512xi32>
    %slice3A_1622 = vector.extract_strided_slice %select_n3A_1614 {offsets = [0, 4], sizes = [64, 508], strides = [1, 1]} : vector<64x512xi32> to vector<64x508xi32>
    %slice3A_1623 = vector.extract_strided_slice %select_n3A_1614 {offsets = [0, 0], sizes = [64, 4], strides = [1, 1]} : vector<64x512xi32> to vector<64x4xi32>
    %concatenate3A_1624 = tpu.concatenate %slice3A_1622, %slice3A_1623 in 1 : vector<64x508xi32>, vector<64x4xi32> -> vector<64x512xi32>
    %slice3A_1625 = vector.extract_strided_slice %select_n3A_1614 {offsets = [0, 508], sizes = [64, 4], strides = [1, 1]} : vector<64x512xi32> to vector<64x4xi32>
    %slice3A_1626 = vector.extract_strided_slice %select_n3A_1614 {offsets = [0, 0], sizes = [64, 508], strides = [1, 1]} : vector<64x512xi32> to vector<64x508xi32>
    %concatenate3A_1627 = tpu.concatenate %slice3A_1625, %slice3A_1626 in 1 : vector<64x4xi32>, vector<64x508xi32> -> vector<64x512xi32>
    %select_n3A_1628 = arith.select %eq3A_1621, %concatenate3A_1624, %concatenate3A_1627 : vector<64x512xi1>, vector<64x512xi32>
    %slice3A_1629 = vector.extract_strided_slice %select_n3A_1615 {offsets = [0, 4], sizes = [64, 508], strides = [1, 1]} : vector<64x512xi32> to vector<64x508xi32>
    %slice3A_1630 = vector.extract_strided_slice %select_n3A_1615 {offsets = [0, 0], sizes = [64, 4], strides = [1, 1]} : vector<64x512xi32> to vector<64x4xi32>
    %concatenate3A_1631 = tpu.concatenate %slice3A_1629, %slice3A_1630 in 1 : vector<64x508xi32>, vector<64x4xi32> -> vector<64x512xi32>
    %slice3A_1632 = vector.extract_strided_slice %select_n3A_1615 {offsets = [0, 508], sizes = [64, 4], strides = [1, 1]} : vector<64x512xi32> to vector<64x4xi32>
    %slice3A_1633 = vector.extract_strided_slice %select_n3A_1615 {offsets = [0, 0], sizes = [64, 508], strides = [1, 1]} : vector<64x512xi32> to vector<64x508xi32>
    %concatenate3A_1634 = tpu.concatenate %slice3A_1632, %slice3A_1633 in 1 : vector<64x4xi32>, vector<64x508xi32> -> vector<64x512xi32>
    %select_n3A_1635 = arith.select %eq3A_1621, %concatenate3A_1631, %concatenate3A_1634 : vector<64x512xi1>, vector<64x512xi32>
    %lt3A_1636 = arith.cmpi slt, %select_n3A_1614, %select_n3A_1628 : vector<64x512xi32>
    %eq3A_1637 = arith.cmpi eq, %select_n3A_1614, %select_n3A_1628 : vector<64x512xi32>
    %lt3A_1638 = arith.cmpi slt, %select_n3A_1615, %select_n3A_1635 : vector<64x512xi32>
    %and3A_1639 = arith.andi %eq3A_1637, %lt3A_1638 : vector<64x512xi1>
    %or3A_1640 = arith.ori %lt3A_1636, %and3A_1639 : vector<64x512xi1>
    %and3A_1641 = arith.constant 256 : i32
    %and3A_1642 = vector.broadcast %and3A_1641 : i32 to vector<64x512xi32>
    %and3A_1643 = arith.andi %iota3A_1420, %and3A_1642 : vector<64x512xi32>
    %eq3A_1644 = arith.constant 0 : i32
    %eq3A_1645 = vector.broadcast %eq3A_1644 : i32 to vector<64x512xi32>
    %eq3A_1646 = arith.cmpi eq, %and3A_1643, %eq3A_1645 : vector<64x512xi32>
    %eq3A_1647 = arith.xori %eq3A_1621, %eq3A_1646 : vector<64x512xi1>
    %eq3A_1648 = arith.constant dense<true> : vector<64x512xi1>
    %eq3A_1649 = arith.xori %eq3A_1647, %eq3A_1648 : vector<64x512xi1>
    %eq3A_1650 = arith.xori %or3A_1640, %eq3A_1649 : vector<64x512xi1>
    %eq3A_1651 = arith.constant dense<true> : vector<64x512xi1>
    %eq3A_1652 = arith.xori %eq3A_1650, %eq3A_1651 : vector<64x512xi1>
    %select_n3A_1653 = arith.select %eq3A_1652, %select_n3A_1614, %select_n3A_1628 : vector<64x512xi1>, vector<64x512xi32>
    %select_n3A_1654 = arith.select %eq3A_1652, %select_n3A_1615, %select_n3A_1635 : vector<64x512xi1>, vector<64x512xi32>
    %and3A_1655 = arith.constant 2 : i32
    %and3A_1656 = vector.broadcast %and3A_1655 : i32 to vector<64x512xi32>
    %and3A_1657 = arith.andi %iota3A_1420, %and3A_1656 : vector<64x512xi32>
    %eq3A_1658 = arith.constant 0 : i32
    %eq3A_1659 = vector.broadcast %eq3A_1658 : i32 to vector<64x512xi32>
    %eq3A_1660 = arith.cmpi eq, %and3A_1657, %eq3A_1659 : vector<64x512xi32>
    %slice3A_1661 = vector.extract_strided_slice %select_n3A_1653 {offsets = [0, 2], sizes = [64, 510], strides = [1, 1]} : vector<64x512xi32> to vector<64x510xi32>
    %slice3A_1662 = vector.extract_strided_slice %select_n3A_1653 {offsets = [0, 0], sizes = [64, 2], strides = [1, 1]} : vector<64x512xi32> to vector<64x2xi32>
    %concatenate3A_1663 = tpu.concatenate %slice3A_1661, %slice3A_1662 in 1 : vector<64x510xi32>, vector<64x2xi32> -> vector<64x512xi32>
    %slice3A_1664 = vector.extract_strided_slice %select_n3A_1653 {offsets = [0, 510], sizes = [64, 2], strides = [1, 1]} : vector<64x512xi32> to vector<64x2xi32>
    %slice3A_1665 = vector.extract_strided_slice %select_n3A_1653 {offsets = [0, 0], sizes = [64, 510], strides = [1, 1]} : vector<64x512xi32> to vector<64x510xi32>
    %concatenate3A_1666 = tpu.concatenate %slice3A_1664, %slice3A_1665 in 1 : vector<64x2xi32>, vector<64x510xi32> -> vector<64x512xi32>
    %select_n3A_1667 = arith.select %eq3A_1660, %concatenate3A_1663, %concatenate3A_1666 : vector<64x512xi1>, vector<64x512xi32>
    %slice3A_1668 = vector.extract_strided_slice %select_n3A_1654 {offsets = [0, 2], sizes = [64, 510], strides = [1, 1]} : vector<64x512xi32> to vector<64x510xi32>
    %slice3A_1669 = vector.extract_strided_slice %select_n3A_1654 {offsets = [0, 0], sizes = [64, 2], strides = [1, 1]} : vector<64x512xi32> to vector<64x2xi32>
    %concatenate3A_1670 = tpu.concatenate %slice3A_1668, %slice3A_1669 in 1 : vector<64x510xi32>, vector<64x2xi32> -> vector<64x512xi32>
    %slice3A_1671 = vector.extract_strided_slice %select_n3A_1654 {offsets = [0, 510], sizes = [64, 2], strides = [1, 1]} : vector<64x512xi32> to vector<64x2xi32>
    %slice3A_1672 = vector.extract_strided_slice %select_n3A_1654 {offsets = [0, 0], sizes = [64, 510], strides = [1, 1]} : vector<64x512xi32> to vector<64x510xi32>
    %concatenate3A_1673 = tpu.concatenate %slice3A_1671, %slice3A_1672 in 1 : vector<64x2xi32>, vector<64x510xi32> -> vector<64x512xi32>
    %select_n3A_1674 = arith.select %eq3A_1660, %concatenate3A_1670, %concatenate3A_1673 : vector<64x512xi1>, vector<64x512xi32>
    %lt3A_1675 = arith.cmpi slt, %select_n3A_1653, %select_n3A_1667 : vector<64x512xi32>
    %eq3A_1676 = arith.cmpi eq, %select_n3A_1653, %select_n3A_1667 : vector<64x512xi32>
    %lt3A_1677 = arith.cmpi slt, %select_n3A_1654, %select_n3A_1674 : vector<64x512xi32>
    %and3A_1678 = arith.andi %eq3A_1676, %lt3A_1677 : vector<64x512xi1>
    %or3A_1679 = arith.ori %lt3A_1675, %and3A_1678 : vector<64x512xi1>
    %and3A_1680 = arith.constant 256 : i32
    %and3A_1681 = vector.broadcast %and3A_1680 : i32 to vector<64x512xi32>
    %and3A_1682 = arith.andi %iota3A_1420, %and3A_1681 : vector<64x512xi32>
    %eq3A_1683 = arith.constant 0 : i32
    %eq3A_1684 = vector.broadcast %eq3A_1683 : i32 to vector<64x512xi32>
    %eq3A_1685 = arith.cmpi eq, %and3A_1682, %eq3A_1684 : vector<64x512xi32>
    %eq3A_1686 = arith.xori %eq3A_1660, %eq3A_1685 : vector<64x512xi1>
    %eq3A_1687 = arith.constant dense<true> : vector<64x512xi1>
    %eq3A_1688 = arith.xori %eq3A_1686, %eq3A_1687 : vector<64x512xi1>
    %eq3A_1689 = arith.xori %or3A_1679, %eq3A_1688 : vector<64x512xi1>
    %eq3A_1690 = arith.constant dense<true> : vector<64x512xi1>
    %eq3A_1691 = arith.xori %eq3A_1689, %eq3A_1690 : vector<64x512xi1>
    %select_n3A_1692 = arith.select %eq3A_1691, %select_n3A_1653, %select_n3A_1667 : vector<64x512xi1>, vector<64x512xi32>
    %select_n3A_1693 = arith.select %eq3A_1691, %select_n3A_1654, %select_n3A_1674 : vector<64x512xi1>, vector<64x512xi32>
    %and3A_1694 = arith.constant 1 : i32
    %and3A_1695 = vector.broadcast %and3A_1694 : i32 to vector<64x512xi32>
    %and3A_1696 = arith.andi %iota3A_1420, %and3A_1695 : vector<64x512xi32>
    %eq3A_1697 = arith.constant 0 : i32
    %eq3A_1698 = vector.broadcast %eq3A_1697 : i32 to vector<64x512xi32>
    %eq3A_1699 = arith.cmpi eq, %and3A_1696, %eq3A_1698 : vector<64x512xi32>
    %slice3A_1700 = vector.extract_strided_slice %select_n3A_1692 {offsets = [0, 1], sizes = [64, 511], strides = [1, 1]} : vector<64x512xi32> to vector<64x511xi32>
    %slice3A_1701 = vector.extract_strided_slice %select_n3A_1692 {offsets = [0, 0], sizes = [64, 1], strides = [1, 1]} : vector<64x512xi32> to vector<64x1xi32>
    %concatenate3A_1702 = tpu.concatenate %slice3A_1700, %slice3A_1701 in 1 : vector<64x511xi32>, vector<64x1xi32> -> vector<64x512xi32>
    %slice3A_1703 = vector.extract_strided_slice %select_n3A_1692 {offsets = [0, 511], sizes = [64, 1], strides = [1, 1]} : vector<64x512xi32> to vector<64x1xi32>
    %slice3A_1704 = vector.extract_strided_slice %select_n3A_1692 {offsets = [0, 0], sizes = [64, 511], strides = [1, 1]} : vector<64x512xi32> to vector<64x511xi32>
    %concatenate3A_1705 = tpu.concatenate %slice3A_1703, %slice3A_1704 in 1 : vector<64x1xi32>, vector<64x511xi32> -> vector<64x512xi32>
    %select_n3A_1706 = arith.select %eq3A_1699, %concatenate3A_1702, %concatenate3A_1705 : vector<64x512xi1>, vector<64x512xi32>
    %slice3A_1707 = vector.extract_strided_slice %select_n3A_1693 {offsets = [0, 1], sizes = [64, 511], strides = [1, 1]} : vector<64x512xi32> to vector<64x511xi32>
    %slice3A_1708 = vector.extract_strided_slice %select_n3A_1693 {offsets = [0, 0], sizes = [64, 1], strides = [1, 1]} : vector<64x512xi32> to vector<64x1xi32>
    %concatenate3A_1709 = tpu.concatenate %slice3A_1707, %slice3A_1708 in 1 : vector<64x511xi32>, vector<64x1xi32> -> vector<64x512xi32>
    %slice3A_1710 = vector.extract_strided_slice %select_n3A_1693 {offsets = [0, 511], sizes = [64, 1], strides = [1, 1]} : vector<64x512xi32> to vector<64x1xi32>
    %slice3A_1711 = vector.extract_strided_slice %select_n3A_1693 {offsets = [0, 0], sizes = [64, 511], strides = [1, 1]} : vector<64x512xi32> to vector<64x511xi32>
    %concatenate3A_1712 = tpu.concatenate %slice3A_1710, %slice3A_1711 in 1 : vector<64x1xi32>, vector<64x511xi32> -> vector<64x512xi32>
    %select_n3A_1713 = arith.select %eq3A_1699, %concatenate3A_1709, %concatenate3A_1712 : vector<64x512xi1>, vector<64x512xi32>
    %lt3A_1714 = arith.cmpi slt, %select_n3A_1692, %select_n3A_1706 : vector<64x512xi32>
    %eq3A_1715 = arith.cmpi eq, %select_n3A_1692, %select_n3A_1706 : vector<64x512xi32>
    %lt3A_1716 = arith.cmpi slt, %select_n3A_1693, %select_n3A_1713 : vector<64x512xi32>
    %and3A_1717 = arith.andi %eq3A_1715, %lt3A_1716 : vector<64x512xi1>
    %or3A_1718 = arith.ori %lt3A_1714, %and3A_1717 : vector<64x512xi1>
    %and3A_1719 = arith.constant 256 : i32
    %and3A_1720 = vector.broadcast %and3A_1719 : i32 to vector<64x512xi32>
    %and3A_1721 = arith.andi %iota3A_1420, %and3A_1720 : vector<64x512xi32>
    %eq3A_1722 = arith.constant 0 : i32
    %eq3A_1723 = vector.broadcast %eq3A_1722 : i32 to vector<64x512xi32>
    %eq3A_1724 = arith.cmpi eq, %and3A_1721, %eq3A_1723 : vector<64x512xi32>
    %eq3A_1725 = arith.xori %eq3A_1699, %eq3A_1724 : vector<64x512xi1>
    %eq3A_1726 = arith.constant dense<true> : vector<64x512xi1>
    %eq3A_1727 = arith.xori %eq3A_1725, %eq3A_1726 : vector<64x512xi1>
    %eq3A_1728 = arith.xori %or3A_1718, %eq3A_1727 : vector<64x512xi1>
    %eq3A_1729 = arith.constant dense<true> : vector<64x512xi1>
    %eq3A_1730 = arith.xori %eq3A_1728, %eq3A_1729 : vector<64x512xi1>
    %select_n3A_1731 = arith.select %eq3A_1730, %select_n3A_1692, %select_n3A_1706 : vector<64x512xi1>, vector<64x512xi32>
    %select_n3A_1732 = arith.select %eq3A_1730, %select_n3A_1693, %select_n3A_1713 : vector<64x512xi1>, vector<64x512xi32>
    %slice3A_1733 = vector.extract_strided_slice %select_n3A_1731 {offsets = [0, 0], sizes = [64, 256], strides = [1, 1]} : vector<64x512xi32> to vector<64x256xi32>
    %slice3A_1734 = vector.extract_strided_slice %select_n3A_1731 {offsets = [0, 256], sizes = [64, 256], strides = [1, 1]} : vector<64x512xi32> to vector<64x256xi32>
    %slice3A_1735 = vector.extract_strided_slice %select_n3A_1732 {offsets = [0, 0], sizes = [64, 256], strides = [1, 1]} : vector<64x512xi32> to vector<64x256xi32>
    %slice3A_1736 = vector.extract_strided_slice %select_n3A_1732 {offsets = [0, 256], sizes = [64, 256], strides = [1, 1]} : vector<64x512xi32> to vector<64x256xi32>
    %lt3A_1737 = arith.cmpi slt, %slice3A_1734, %slice3A_1733 : vector<64x256xi32>
    %eq3A_1738 = arith.cmpi eq, %slice3A_1734, %slice3A_1733 : vector<64x256xi32>
    %lt3A_1739 = arith.cmpi slt, %slice3A_1736, %slice3A_1735 : vector<64x256xi32>
    %and3A_1740 = arith.andi %eq3A_1738, %lt3A_1739 : vector<64x256xi1>
    %or3A_1741 = arith.ori %lt3A_1737, %and3A_1740 : vector<64x256xi1>
    %select_n3A_1742 = arith.select %or3A_1741, %slice3A_1734, %slice3A_1733 : vector<64x256xi1>, vector<64x256xi32>
    %select_n3A_1743 = arith.select %or3A_1741, %slice3A_1736, %slice3A_1735 : vector<64x256xi1>, vector<64x256xi32>
    %select_n3A_1744 = arith.select %or3A_1741, %slice3A_1733, %slice3A_1734 : vector<64x256xi1>, vector<64x256xi32>
    %select_n3A_1745 = arith.select %or3A_1741, %slice3A_1735, %slice3A_1736 : vector<64x256xi1>, vector<64x256xi32>
    %iota3A_1746 = tpu.iota {dimensions = array<i32: 1>} : vector<64x256xi32>
    %and3A_1747 = arith.constant 128 : i32
    %and3A_1748 = vector.broadcast %and3A_1747 : i32 to vector<64x256xi32>
    %and3A_1749 = arith.andi %iota3A_1746, %and3A_1748 : vector<64x256xi32>
    %eq3A_1750 = arith.constant 0 : i32
    %eq3A_1751 = vector.broadcast %eq3A_1750 : i32 to vector<64x256xi32>
    %eq3A_1752 = arith.cmpi eq, %and3A_1749, %eq3A_1751 : vector<64x256xi32>
    %slice3A_1753 = vector.extract_strided_slice %select_n3A_1742 {offsets = [0, 128], sizes = [64, 128], strides = [1, 1]} : vector<64x256xi32> to vector<64x128xi32>
    %slice3A_1754 = vector.extract_strided_slice %select_n3A_1742 {offsets = [0, 0], sizes = [64, 128], strides = [1, 1]} : vector<64x256xi32> to vector<64x128xi32>
    %concatenate3A_1755 = tpu.concatenate %slice3A_1753, %slice3A_1754 in 1 : vector<64x128xi32>, vector<64x128xi32> -> vector<64x256xi32>
    %slice3A_1756 = vector.extract_strided_slice %select_n3A_1742 {offsets = [0, 128], sizes = [64, 128], strides = [1, 1]} : vector<64x256xi32> to vector<64x128xi32>
    %slice3A_1757 = vector.extract_strided_slice %select_n3A_1742 {offsets = [0, 0], sizes = [64, 128], strides = [1, 1]} : vector<64x256xi32> to vector<64x128xi32>
    %concatenate3A_1758 = tpu.concatenate %slice3A_1756, %slice3A_1757 in 1 : vector<64x128xi32>, vector<64x128xi32> -> vector<64x256xi32>
    %select_n3A_1759 = arith.select %eq3A_1752, %concatenate3A_1755, %concatenate3A_1758 : vector<64x256xi1>, vector<64x256xi32>
    %slice3A_1760 = vector.extract_strided_slice %select_n3A_1743 {offsets = [0, 128], sizes = [64, 128], strides = [1, 1]} : vector<64x256xi32> to vector<64x128xi32>
    %slice3A_1761 = vector.extract_strided_slice %select_n3A_1743 {offsets = [0, 0], sizes = [64, 128], strides = [1, 1]} : vector<64x256xi32> to vector<64x128xi32>
    %concatenate3A_1762 = tpu.concatenate %slice3A_1760, %slice3A_1761 in 1 : vector<64x128xi32>, vector<64x128xi32> -> vector<64x256xi32>
    %slice3A_1763 = vector.extract_strided_slice %select_n3A_1743 {offsets = [0, 128], sizes = [64, 128], strides = [1, 1]} : vector<64x256xi32> to vector<64x128xi32>
    %slice3A_1764 = vector.extract_strided_slice %select_n3A_1743 {offsets = [0, 0], sizes = [64, 128], strides = [1, 1]} : vector<64x256xi32> to vector<64x128xi32>
    %concatenate3A_1765 = tpu.concatenate %slice3A_1763, %slice3A_1764 in 1 : vector<64x128xi32>, vector<64x128xi32> -> vector<64x256xi32>
    %select_n3A_1766 = arith.select %eq3A_1752, %concatenate3A_1762, %concatenate3A_1765 : vector<64x256xi1>, vector<64x256xi32>
    %lt3A_1767 = arith.cmpi slt, %select_n3A_1742, %select_n3A_1759 : vector<64x256xi32>
    %eq3A_1768 = arith.cmpi eq, %select_n3A_1742, %select_n3A_1759 : vector<64x256xi32>
    %lt3A_1769 = arith.cmpi slt, %select_n3A_1743, %select_n3A_1766 : vector<64x256xi32>
    %and3A_1770 = arith.andi %eq3A_1768, %lt3A_1769 : vector<64x256xi1>
    %or3A_1771 = arith.ori %lt3A_1767, %and3A_1770 : vector<64x256xi1>
    %and3A_1772 = arith.constant 512 : i32
    %and3A_1773 = vector.broadcast %and3A_1772 : i32 to vector<64x256xi32>
    %and3A_1774 = arith.andi %iota3A_1746, %and3A_1773 : vector<64x256xi32>
    %eq3A_1775 = arith.constant 0 : i32
    %eq3A_1776 = vector.broadcast %eq3A_1775 : i32 to vector<64x256xi32>
    %eq3A_1777 = arith.cmpi eq, %and3A_1774, %eq3A_1776 : vector<64x256xi32>
    %eq3A_1778 = arith.xori %eq3A_1752, %eq3A_1777 : vector<64x256xi1>
    %eq3A_1779 = arith.constant dense<true> : vector<64x256xi1>
    %eq3A_1780 = arith.xori %eq3A_1778, %eq3A_1779 : vector<64x256xi1>
    %eq3A_1781 = arith.xori %or3A_1771, %eq3A_1780 : vector<64x256xi1>
    %eq3A_1782 = arith.constant dense<true> : vector<64x256xi1>
    %eq3A_1783 = arith.xori %eq3A_1781, %eq3A_1782 : vector<64x256xi1>
    %select_n3A_1784 = arith.select %eq3A_1783, %select_n3A_1742, %select_n3A_1759 : vector<64x256xi1>, vector<64x256xi32>
    %select_n3A_1785 = arith.select %eq3A_1783, %select_n3A_1743, %select_n3A_1766 : vector<64x256xi1>, vector<64x256xi32>
    %and3A_1786 = arith.constant 64 : i32
    %and3A_1787 = vector.broadcast %and3A_1786 : i32 to vector<64x256xi32>
    %and3A_1788 = arith.andi %iota3A_1746, %and3A_1787 : vector<64x256xi32>
    %eq3A_1789 = arith.constant 0 : i32
    %eq3A_1790 = vector.broadcast %eq3A_1789 : i32 to vector<64x256xi32>
    %eq3A_1791 = arith.cmpi eq, %and3A_1788, %eq3A_1790 : vector<64x256xi32>
    %slice3A_1792 = vector.extract_strided_slice %select_n3A_1784 {offsets = [0, 64], sizes = [64, 192], strides = [1, 1]} : vector<64x256xi32> to vector<64x192xi32>
    %slice3A_1793 = vector.extract_strided_slice %select_n3A_1784 {offsets = [0, 0], sizes = [64, 64], strides = [1, 1]} : vector<64x256xi32> to vector<64x64xi32>
    %concatenate3A_1794 = tpu.concatenate %slice3A_1792, %slice3A_1793 in 1 : vector<64x192xi32>, vector<64x64xi32> -> vector<64x256xi32>
    %slice3A_1795 = vector.extract_strided_slice %select_n3A_1784 {offsets = [0, 192], sizes = [64, 64], strides = [1, 1]} : vector<64x256xi32> to vector<64x64xi32>
    %slice3A_1796 = vector.extract_strided_slice %select_n3A_1784 {offsets = [0, 0], sizes = [64, 192], strides = [1, 1]} : vector<64x256xi32> to vector<64x192xi32>
    %concatenate3A_1797 = tpu.concatenate %slice3A_1795, %slice3A_1796 in 1 : vector<64x64xi32>, vector<64x192xi32> -> vector<64x256xi32>
    %select_n3A_1798 = arith.select %eq3A_1791, %concatenate3A_1794, %concatenate3A_1797 : vector<64x256xi1>, vector<64x256xi32>
    %slice3A_1799 = vector.extract_strided_slice %select_n3A_1785 {offsets = [0, 64], sizes = [64, 192], strides = [1, 1]} : vector<64x256xi32> to vector<64x192xi32>
    %slice3A_1800 = vector.extract_strided_slice %select_n3A_1785 {offsets = [0, 0], sizes = [64, 64], strides = [1, 1]} : vector<64x256xi32> to vector<64x64xi32>
    %concatenate3A_1801 = tpu.concatenate %slice3A_1799, %slice3A_1800 in 1 : vector<64x192xi32>, vector<64x64xi32> -> vector<64x256xi32>
    %slice3A_1802 = vector.extract_strided_slice %select_n3A_1785 {offsets = [0, 192], sizes = [64, 64], strides = [1, 1]} : vector<64x256xi32> to vector<64x64xi32>
    %slice3A_1803 = vector.extract_strided_slice %select_n3A_1785 {offsets = [0, 0], sizes = [64, 192], strides = [1, 1]} : vector<64x256xi32> to vector<64x192xi32>
    %concatenate3A_1804 = tpu.concatenate %slice3A_1802, %slice3A_1803 in 1 : vector<64x64xi32>, vector<64x192xi32> -> vector<64x256xi32>
    %select_n3A_1805 = arith.select %eq3A_1791, %concatenate3A_1801, %concatenate3A_1804 : vector<64x256xi1>, vector<64x256xi32>
    %lt3A_1806 = arith.cmpi slt, %select_n3A_1784, %select_n3A_1798 : vector<64x256xi32>
    %eq3A_1807 = arith.cmpi eq, %select_n3A_1784, %select_n3A_1798 : vector<64x256xi32>
    %lt3A_1808 = arith.cmpi slt, %select_n3A_1785, %select_n3A_1805 : vector<64x256xi32>
    %and3A_1809 = arith.andi %eq3A_1807, %lt3A_1808 : vector<64x256xi1>
    %or3A_1810 = arith.ori %lt3A_1806, %and3A_1809 : vector<64x256xi1>
    %and3A_1811 = arith.constant 512 : i32
    %and3A_1812 = vector.broadcast %and3A_1811 : i32 to vector<64x256xi32>
    %and3A_1813 = arith.andi %iota3A_1746, %and3A_1812 : vector<64x256xi32>
    %eq3A_1814 = arith.constant 0 : i32
    %eq3A_1815 = vector.broadcast %eq3A_1814 : i32 to vector<64x256xi32>
    %eq3A_1816 = arith.cmpi eq, %and3A_1813, %eq3A_1815 : vector<64x256xi32>
    %eq3A_1817 = arith.xori %eq3A_1791, %eq3A_1816 : vector<64x256xi1>
    %eq3A_1818 = arith.constant dense<true> : vector<64x256xi1>
    %eq3A_1819 = arith.xori %eq3A_1817, %eq3A_1818 : vector<64x256xi1>
    %eq3A_1820 = arith.xori %or3A_1810, %eq3A_1819 : vector<64x256xi1>
    %eq3A_1821 = arith.constant dense<true> : vector<64x256xi1>
    %eq3A_1822 = arith.xori %eq3A_1820, %eq3A_1821 : vector<64x256xi1>
    %select_n3A_1823 = arith.select %eq3A_1822, %select_n3A_1784, %select_n3A_1798 : vector<64x256xi1>, vector<64x256xi32>
    %select_n3A_1824 = arith.select %eq3A_1822, %select_n3A_1785, %select_n3A_1805 : vector<64x256xi1>, vector<64x256xi32>
    %and3A_1825 = arith.constant 32 : i32
    %and3A_1826 = vector.broadcast %and3A_1825 : i32 to vector<64x256xi32>
    %and3A_1827 = arith.andi %iota3A_1746, %and3A_1826 : vector<64x256xi32>
    %eq3A_1828 = arith.constant 0 : i32
    %eq3A_1829 = vector.broadcast %eq3A_1828 : i32 to vector<64x256xi32>
    %eq3A_1830 = arith.cmpi eq, %and3A_1827, %eq3A_1829 : vector<64x256xi32>
    %slice3A_1831 = vector.extract_strided_slice %select_n3A_1823 {offsets = [0, 32], sizes = [64, 224], strides = [1, 1]} : vector<64x256xi32> to vector<64x224xi32>
    %slice3A_1832 = vector.extract_strided_slice %select_n3A_1823 {offsets = [0, 0], sizes = [64, 32], strides = [1, 1]} : vector<64x256xi32> to vector<64x32xi32>
    %concatenate3A_1833 = tpu.concatenate %slice3A_1831, %slice3A_1832 in 1 : vector<64x224xi32>, vector<64x32xi32> -> vector<64x256xi32>
    %slice3A_1834 = vector.extract_strided_slice %select_n3A_1823 {offsets = [0, 224], sizes = [64, 32], strides = [1, 1]} : vector<64x256xi32> to vector<64x32xi32>
    %slice3A_1835 = vector.extract_strided_slice %select_n3A_1823 {offsets = [0, 0], sizes = [64, 224], strides = [1, 1]} : vector<64x256xi32> to vector<64x224xi32>
    %concatenate3A_1836 = tpu.concatenate %slice3A_1834, %slice3A_1835 in 1 : vector<64x32xi32>, vector<64x224xi32> -> vector<64x256xi32>
    %select_n3A_1837 = arith.select %eq3A_1830, %concatenate3A_1833, %concatenate3A_1836 : vector<64x256xi1>, vector<64x256xi32>
    %slice3A_1838 = vector.extract_strided_slice %select_n3A_1824 {offsets = [0, 32], sizes = [64, 224], strides = [1, 1]} : vector<64x256xi32> to vector<64x224xi32>
    %slice3A_1839 = vector.extract_strided_slice %select_n3A_1824 {offsets = [0, 0], sizes = [64, 32], strides = [1, 1]} : vector<64x256xi32> to vector<64x32xi32>
    %concatenate3A_1840 = tpu.concatenate %slice3A_1838, %slice3A_1839 in 1 : vector<64x224xi32>, vector<64x32xi32> -> vector<64x256xi32>
    %slice3A_1841 = vector.extract_strided_slice %select_n3A_1824 {offsets = [0, 224], sizes = [64, 32], strides = [1, 1]} : vector<64x256xi32> to vector<64x32xi32>
    %slice3A_1842 = vector.extract_strided_slice %select_n3A_1824 {offsets = [0, 0], sizes = [64, 224], strides = [1, 1]} : vector<64x256xi32> to vector<64x224xi32>
    %concatenate3A_1843 = tpu.concatenate %slice3A_1841, %slice3A_1842 in 1 : vector<64x32xi32>, vector<64x224xi32> -> vector<64x256xi32>
    %select_n3A_1844 = arith.select %eq3A_1830, %concatenate3A_1840, %concatenate3A_1843 : vector<64x256xi1>, vector<64x256xi32>
    %lt3A_1845 = arith.cmpi slt, %select_n3A_1823, %select_n3A_1837 : vector<64x256xi32>
    %eq3A_1846 = arith.cmpi eq, %select_n3A_1823, %select_n3A_1837 : vector<64x256xi32>
    %lt3A_1847 = arith.cmpi slt, %select_n3A_1824, %select_n3A_1844 : vector<64x256xi32>
    %and3A_1848 = arith.andi %eq3A_1846, %lt3A_1847 : vector<64x256xi1>
    %or3A_1849 = arith.ori %lt3A_1845, %and3A_1848 : vector<64x256xi1>
    %and3A_1850 = arith.constant 512 : i32
    %and3A_1851 = vector.broadcast %and3A_1850 : i32 to vector<64x256xi32>
    %and3A_1852 = arith.andi %iota3A_1746, %and3A_1851 : vector<64x256xi32>
    %eq3A_1853 = arith.constant 0 : i32
    %eq3A_1854 = vector.broadcast %eq3A_1853 : i32 to vector<64x256xi32>
    %eq3A_1855 = arith.cmpi eq, %and3A_1852, %eq3A_1854 : vector<64x256xi32>
    %eq3A_1856 = arith.xori %eq3A_1830, %eq3A_1855 : vector<64x256xi1>
    %eq3A_1857 = arith.constant dense<true> : vector<64x256xi1>
    %eq3A_1858 = arith.xori %eq3A_1856, %eq3A_1857 : vector<64x256xi1>
    %eq3A_1859 = arith.xori %or3A_1849, %eq3A_1858 : vector<64x256xi1>
    %eq3A_1860 = arith.constant dense<true> : vector<64x256xi1>
    %eq3A_1861 = arith.xori %eq3A_1859, %eq3A_1860 : vector<64x256xi1>
    %select_n3A_1862 = arith.select %eq3A_1861, %select_n3A_1823, %select_n3A_1837 : vector<64x256xi1>, vector<64x256xi32>
    %select_n3A_1863 = arith.select %eq3A_1861, %select_n3A_1824, %select_n3A_1844 : vector<64x256xi1>, vector<64x256xi32>
    %and3A_1864 = arith.constant 16 : i32
    %and3A_1865 = vector.broadcast %and3A_1864 : i32 to vector<64x256xi32>
    %and3A_1866 = arith.andi %iota3A_1746, %and3A_1865 : vector<64x256xi32>
    %eq3A_1867 = arith.constant 0 : i32
    %eq3A_1868 = vector.broadcast %eq3A_1867 : i32 to vector<64x256xi32>
    %eq3A_1869 = arith.cmpi eq, %and3A_1866, %eq3A_1868 : vector<64x256xi32>
    %slice3A_1870 = vector.extract_strided_slice %select_n3A_1862 {offsets = [0, 16], sizes = [64, 240], strides = [1, 1]} : vector<64x256xi32> to vector<64x240xi32>
    %slice3A_1871 = vector.extract_strided_slice %select_n3A_1862 {offsets = [0, 0], sizes = [64, 16], strides = [1, 1]} : vector<64x256xi32> to vector<64x16xi32>
    %concatenate3A_1872 = tpu.concatenate %slice3A_1870, %slice3A_1871 in 1 : vector<64x240xi32>, vector<64x16xi32> -> vector<64x256xi32>
    %slice3A_1873 = vector.extract_strided_slice %select_n3A_1862 {offsets = [0, 240], sizes = [64, 16], strides = [1, 1]} : vector<64x256xi32> to vector<64x16xi32>
    %slice3A_1874 = vector.extract_strided_slice %select_n3A_1862 {offsets = [0, 0], sizes = [64, 240], strides = [1, 1]} : vector<64x256xi32> to vector<64x240xi32>
    %concatenate3A_1875 = tpu.concatenate %slice3A_1873, %slice3A_1874 in 1 : vector<64x16xi32>, vector<64x240xi32> -> vector<64x256xi32>
    %select_n3A_1876 = arith.select %eq3A_1869, %concatenate3A_1872, %concatenate3A_1875 : vector<64x256xi1>, vector<64x256xi32>
    %slice3A_1877 = vector.extract_strided_slice %select_n3A_1863 {offsets = [0, 16], sizes = [64, 240], strides = [1, 1]} : vector<64x256xi32> to vector<64x240xi32>
    %slice3A_1878 = vector.extract_strided_slice %select_n3A_1863 {offsets = [0, 0], sizes = [64, 16], strides = [1, 1]} : vector<64x256xi32> to vector<64x16xi32>
    %concatenate3A_1879 = tpu.concatenate %slice3A_1877, %slice3A_1878 in 1 : vector<64x240xi32>, vector<64x16xi32> -> vector<64x256xi32>
    %slice3A_1880 = vector.extract_strided_slice %select_n3A_1863 {offsets = [0, 240], sizes = [64, 16], strides = [1, 1]} : vector<64x256xi32> to vector<64x16xi32>
    %slice3A_1881 = vector.extract_strided_slice %select_n3A_1863 {offsets = [0, 0], sizes = [64, 240], strides = [1, 1]} : vector<64x256xi32> to vector<64x240xi32>
    %concatenate3A_1882 = tpu.concatenate %slice3A_1880, %slice3A_1881 in 1 : vector<64x16xi32>, vector<64x240xi32> -> vector<64x256xi32>
    %select_n3A_1883 = arith.select %eq3A_1869, %concatenate3A_1879, %concatenate3A_1882 : vector<64x256xi1>, vector<64x256xi32>
    %lt3A_1884 = arith.cmpi slt, %select_n3A_1862, %select_n3A_1876 : vector<64x256xi32>
    %eq3A_1885 = arith.cmpi eq, %select_n3A_1862, %select_n3A_1876 : vector<64x256xi32>
    %lt3A_1886 = arith.cmpi slt, %select_n3A_1863, %select_n3A_1883 : vector<64x256xi32>
    %and3A_1887 = arith.andi %eq3A_1885, %lt3A_1886 : vector<64x256xi1>
    %or3A_1888 = arith.ori %lt3A_1884, %and3A_1887 : vector<64x256xi1>
    %and3A_1889 = arith.constant 512 : i32
    %and3A_1890 = vector.broadcast %and3A_1889 : i32 to vector<64x256xi32>
    %and3A_1891 = arith.andi %iota3A_1746, %and3A_1890 : vector<64x256xi32>
    %eq3A_1892 = arith.constant 0 : i32
    %eq3A_1893 = vector.broadcast %eq3A_1892 : i32 to vector<64x256xi32>
    %eq3A_1894 = arith.cmpi eq, %and3A_1891, %eq3A_1893 : vector<64x256xi32>
    %eq3A_1895 = arith.xori %eq3A_1869, %eq3A_1894 : vector<64x256xi1>
    %eq3A_1896 = arith.constant dense<true> : vector<64x256xi1>
    %eq3A_1897 = arith.xori %eq3A_1895, %eq3A_1896 : vector<64x256xi1>
    %eq3A_1898 = arith.xori %or3A_1888, %eq3A_1897 : vector<64x256xi1>
    %eq3A_1899 = arith.constant dense<true> : vector<64x256xi1>
    %eq3A_1900 = arith.xori %eq3A_1898, %eq3A_1899 : vector<64x256xi1>
    %select_n3A_1901 = arith.select %eq3A_1900, %select_n3A_1862, %select_n3A_1876 : vector<64x256xi1>, vector<64x256xi32>
    %select_n3A_1902 = arith.select %eq3A_1900, %select_n3A_1863, %select_n3A_1883 : vector<64x256xi1>, vector<64x256xi32>
    %and3A_1903 = arith.constant 8 : i32
    %and3A_1904 = vector.broadcast %and3A_1903 : i32 to vector<64x256xi32>
    %and3A_1905 = arith.andi %iota3A_1746, %and3A_1904 : vector<64x256xi32>
    %eq3A_1906 = arith.constant 0 : i32
    %eq3A_1907 = vector.broadcast %eq3A_1906 : i32 to vector<64x256xi32>
    %eq3A_1908 = arith.cmpi eq, %and3A_1905, %eq3A_1907 : vector<64x256xi32>
    %slice3A_1909 = vector.extract_strided_slice %select_n3A_1901 {offsets = [0, 8], sizes = [64, 248], strides = [1, 1]} : vector<64x256xi32> to vector<64x248xi32>
    %slice3A_1910 = vector.extract_strided_slice %select_n3A_1901 {offsets = [0, 0], sizes = [64, 8], strides = [1, 1]} : vector<64x256xi32> to vector<64x8xi32>
    %concatenate3A_1911 = tpu.concatenate %slice3A_1909, %slice3A_1910 in 1 : vector<64x248xi32>, vector<64x8xi32> -> vector<64x256xi32>
    %slice3A_1912 = vector.extract_strided_slice %select_n3A_1901 {offsets = [0, 248], sizes = [64, 8], strides = [1, 1]} : vector<64x256xi32> to vector<64x8xi32>
    %slice3A_1913 = vector.extract_strided_slice %select_n3A_1901 {offsets = [0, 0], sizes = [64, 248], strides = [1, 1]} : vector<64x256xi32> to vector<64x248xi32>
    %concatenate3A_1914 = tpu.concatenate %slice3A_1912, %slice3A_1913 in 1 : vector<64x8xi32>, vector<64x248xi32> -> vector<64x256xi32>
    %select_n3A_1915 = arith.select %eq3A_1908, %concatenate3A_1911, %concatenate3A_1914 : vector<64x256xi1>, vector<64x256xi32>
    %slice3A_1916 = vector.extract_strided_slice %select_n3A_1902 {offsets = [0, 8], sizes = [64, 248], strides = [1, 1]} : vector<64x256xi32> to vector<64x248xi32>
    %slice3A_1917 = vector.extract_strided_slice %select_n3A_1902 {offsets = [0, 0], sizes = [64, 8], strides = [1, 1]} : vector<64x256xi32> to vector<64x8xi32>
    %concatenate3A_1918 = tpu.concatenate %slice3A_1916, %slice3A_1917 in 1 : vector<64x248xi32>, vector<64x8xi32> -> vector<64x256xi32>
    %slice3A_1919 = vector.extract_strided_slice %select_n3A_1902 {offsets = [0, 248], sizes = [64, 8], strides = [1, 1]} : vector<64x256xi32> to vector<64x8xi32>
    %slice3A_1920 = vector.extract_strided_slice %select_n3A_1902 {offsets = [0, 0], sizes = [64, 248], strides = [1, 1]} : vector<64x256xi32> to vector<64x248xi32>
    %concatenate3A_1921 = tpu.concatenate %slice3A_1919, %slice3A_1920 in 1 : vector<64x8xi32>, vector<64x248xi32> -> vector<64x256xi32>
    %select_n3A_1922 = arith.select %eq3A_1908, %concatenate3A_1918, %concatenate3A_1921 : vector<64x256xi1>, vector<64x256xi32>
    %lt3A_1923 = arith.cmpi slt, %select_n3A_1901, %select_n3A_1915 : vector<64x256xi32>
    %eq3A_1924 = arith.cmpi eq, %select_n3A_1901, %select_n3A_1915 : vector<64x256xi32>
    %lt3A_1925 = arith.cmpi slt, %select_n3A_1902, %select_n3A_1922 : vector<64x256xi32>
    %and3A_1926 = arith.andi %eq3A_1924, %lt3A_1925 : vector<64x256xi1>
    %or3A_1927 = arith.ori %lt3A_1923, %and3A_1926 : vector<64x256xi1>
    %and3A_1928 = arith.constant 512 : i32
    %and3A_1929 = vector.broadcast %and3A_1928 : i32 to vector<64x256xi32>
    %and3A_1930 = arith.andi %iota3A_1746, %and3A_1929 : vector<64x256xi32>
    %eq3A_1931 = arith.constant 0 : i32
    %eq3A_1932 = vector.broadcast %eq3A_1931 : i32 to vector<64x256xi32>
    %eq3A_1933 = arith.cmpi eq, %and3A_1930, %eq3A_1932 : vector<64x256xi32>
    %eq3A_1934 = arith.xori %eq3A_1908, %eq3A_1933 : vector<64x256xi1>
    %eq3A_1935 = arith.constant dense<true> : vector<64x256xi1>
    %eq3A_1936 = arith.xori %eq3A_1934, %eq3A_1935 : vector<64x256xi1>
    %eq3A_1937 = arith.xori %or3A_1927, %eq3A_1936 : vector<64x256xi1>
    %eq3A_1938 = arith.constant dense<true> : vector<64x256xi1>
    %eq3A_1939 = arith.xori %eq3A_1937, %eq3A_1938 : vector<64x256xi1>
    %select_n3A_1940 = arith.select %eq3A_1939, %select_n3A_1901, %select_n3A_1915 : vector<64x256xi1>, vector<64x256xi32>
    %select_n3A_1941 = arith.select %eq3A_1939, %select_n3A_1902, %select_n3A_1922 : vector<64x256xi1>, vector<64x256xi32>
    %and3A_1942 = arith.constant 4 : i32
    %and3A_1943 = vector.broadcast %and3A_1942 : i32 to vector<64x256xi32>
    %and3A_1944 = arith.andi %iota3A_1746, %and3A_1943 : vector<64x256xi32>
    %eq3A_1945 = arith.constant 0 : i32
    %eq3A_1946 = vector.broadcast %eq3A_1945 : i32 to vector<64x256xi32>
    %eq3A_1947 = arith.cmpi eq, %and3A_1944, %eq3A_1946 : vector<64x256xi32>
    %slice3A_1948 = vector.extract_strided_slice %select_n3A_1940 {offsets = [0, 4], sizes = [64, 252], strides = [1, 1]} : vector<64x256xi32> to vector<64x252xi32>
    %slice3A_1949 = vector.extract_strided_slice %select_n3A_1940 {offsets = [0, 0], sizes = [64, 4], strides = [1, 1]} : vector<64x256xi32> to vector<64x4xi32>
    %concatenate3A_1950 = tpu.concatenate %slice3A_1948, %slice3A_1949 in 1 : vector<64x252xi32>, vector<64x4xi32> -> vector<64x256xi32>
    %slice3A_1951 = vector.extract_strided_slice %select_n3A_1940 {offsets = [0, 252], sizes = [64, 4], strides = [1, 1]} : vector<64x256xi32> to vector<64x4xi32>
    %slice3A_1952 = vector.extract_strided_slice %select_n3A_1940 {offsets = [0, 0], sizes = [64, 252], strides = [1, 1]} : vector<64x256xi32> to vector<64x252xi32>
    %concatenate3A_1953 = tpu.concatenate %slice3A_1951, %slice3A_1952 in 1 : vector<64x4xi32>, vector<64x252xi32> -> vector<64x256xi32>
    %select_n3A_1954 = arith.select %eq3A_1947, %concatenate3A_1950, %concatenate3A_1953 : vector<64x256xi1>, vector<64x256xi32>
    %slice3A_1955 = vector.extract_strided_slice %select_n3A_1941 {offsets = [0, 4], sizes = [64, 252], strides = [1, 1]} : vector<64x256xi32> to vector<64x252xi32>
    %slice3A_1956 = vector.extract_strided_slice %select_n3A_1941 {offsets = [0, 0], sizes = [64, 4], strides = [1, 1]} : vector<64x256xi32> to vector<64x4xi32>
    %concatenate3A_1957 = tpu.concatenate %slice3A_1955, %slice3A_1956 in 1 : vector<64x252xi32>, vector<64x4xi32> -> vector<64x256xi32>
    %slice3A_1958 = vector.extract_strided_slice %select_n3A_1941 {offsets = [0, 252], sizes = [64, 4], strides = [1, 1]} : vector<64x256xi32> to vector<64x4xi32>
    %slice3A_1959 = vector.extract_strided_slice %select_n3A_1941 {offsets = [0, 0], sizes = [64, 252], strides = [1, 1]} : vector<64x256xi32> to vector<64x252xi32>
    %concatenate3A_1960 = tpu.concatenate %slice3A_1958, %slice3A_1959 in 1 : vector<64x4xi32>, vector<64x252xi32> -> vector<64x256xi32>
    %select_n3A_1961 = arith.select %eq3A_1947, %concatenate3A_1957, %concatenate3A_1960 : vector<64x256xi1>, vector<64x256xi32>
    %lt3A_1962 = arith.cmpi slt, %select_n3A_1940, %select_n3A_1954 : vector<64x256xi32>
    %eq3A_1963 = arith.cmpi eq, %select_n3A_1940, %select_n3A_1954 : vector<64x256xi32>
    %lt3A_1964 = arith.cmpi slt, %select_n3A_1941, %select_n3A_1961 : vector<64x256xi32>
    %and3A_1965 = arith.andi %eq3A_1963, %lt3A_1964 : vector<64x256xi1>
    %or3A_1966 = arith.ori %lt3A_1962, %and3A_1965 : vector<64x256xi1>
    %and3A_1967 = arith.constant 512 : i32
    %and3A_1968 = vector.broadcast %and3A_1967 : i32 to vector<64x256xi32>
    %and3A_1969 = arith.andi %iota3A_1746, %and3A_1968 : vector<64x256xi32>
    %eq3A_1970 = arith.constant 0 : i32
    %eq3A_1971 = vector.broadcast %eq3A_1970 : i32 to vector<64x256xi32>
    %eq3A_1972 = arith.cmpi eq, %and3A_1969, %eq3A_1971 : vector<64x256xi32>
    %eq3A_1973 = arith.xori %eq3A_1947, %eq3A_1972 : vector<64x256xi1>
    %eq3A_1974 = arith.constant dense<true> : vector<64x256xi1>
    %eq3A_1975 = arith.xori %eq3A_1973, %eq3A_1974 : vector<64x256xi1>
    %eq3A_1976 = arith.xori %or3A_1966, %eq3A_1975 : vector<64x256xi1>
    %eq3A_1977 = arith.constant dense<true> : vector<64x256xi1>
    %eq3A_1978 = arith.xori %eq3A_1976, %eq3A_1977 : vector<64x256xi1>
    %select_n3A_1979 = arith.select %eq3A_1978, %select_n3A_1940, %select_n3A_1954 : vector<64x256xi1>, vector<64x256xi32>
    %select_n3A_1980 = arith.select %eq3A_1978, %select_n3A_1941, %select_n3A_1961 : vector<64x256xi1>, vector<64x256xi32>
    %and3A_1981 = arith.constant 2 : i32
    %and3A_1982 = vector.broadcast %and3A_1981 : i32 to vector<64x256xi32>
    %and3A_1983 = arith.andi %iota3A_1746, %and3A_1982 : vector<64x256xi32>
    %eq3A_1984 = arith.constant 0 : i32
    %eq3A_1985 = vector.broadcast %eq3A_1984 : i32 to vector<64x256xi32>
    %eq3A_1986 = arith.cmpi eq, %and3A_1983, %eq3A_1985 : vector<64x256xi32>
    %slice3A_1987 = vector.extract_strided_slice %select_n3A_1979 {offsets = [0, 2], sizes = [64, 254], strides = [1, 1]} : vector<64x256xi32> to vector<64x254xi32>
    %slice3A_1988 = vector.extract_strided_slice %select_n3A_1979 {offsets = [0, 0], sizes = [64, 2], strides = [1, 1]} : vector<64x256xi32> to vector<64x2xi32>
    %concatenate3A_1989 = tpu.concatenate %slice3A_1987, %slice3A_1988 in 1 : vector<64x254xi32>, vector<64x2xi32> -> vector<64x256xi32>
    %slice3A_1990 = vector.extract_strided_slice %select_n3A_1979 {offsets = [0, 254], sizes = [64, 2], strides = [1, 1]} : vector<64x256xi32> to vector<64x2xi32>
    %slice3A_1991 = vector.extract_strided_slice %select_n3A_1979 {offsets = [0, 0], sizes = [64, 254], strides = [1, 1]} : vector<64x256xi32> to vector<64x254xi32>
    %concatenate3A_1992 = tpu.concatenate %slice3A_1990, %slice3A_1991 in 1 : vector<64x2xi32>, vector<64x254xi32> -> vector<64x256xi32>
    %select_n3A_1993 = arith.select %eq3A_1986, %concatenate3A_1989, %concatenate3A_1992 : vector<64x256xi1>, vector<64x256xi32>
    %slice3A_1994 = vector.extract_strided_slice %select_n3A_1980 {offsets = [0, 2], sizes = [64, 254], strides = [1, 1]} : vector<64x256xi32> to vector<64x254xi32>
    %slice3A_1995 = vector.extract_strided_slice %select_n3A_1980 {offsets = [0, 0], sizes = [64, 2], strides = [1, 1]} : vector<64x256xi32> to vector<64x2xi32>
    %concatenate3A_1996 = tpu.concatenate %slice3A_1994, %slice3A_1995 in 1 : vector<64x254xi32>, vector<64x2xi32> -> vector<64x256xi32>
    %slice3A_1997 = vector.extract_strided_slice %select_n3A_1980 {offsets = [0, 254], sizes = [64, 2], strides = [1, 1]} : vector<64x256xi32> to vector<64x2xi32>
    %slice3A_1998 = vector.extract_strided_slice %select_n3A_1980 {offsets = [0, 0], sizes = [64, 254], strides = [1, 1]} : vector<64x256xi32> to vector<64x254xi32>
    %concatenate3A_1999 = tpu.concatenate %slice3A_1997, %slice3A_1998 in 1 : vector<64x2xi32>, vector<64x254xi32> -> vector<64x256xi32>
    %select_n3A_2000 = arith.select %eq3A_1986, %concatenate3A_1996, %concatenate3A_1999 : vector<64x256xi1>, vector<64x256xi32>
    %lt3A_2001 = arith.cmpi slt, %select_n3A_1979, %select_n3A_1993 : vector<64x256xi32>
    %eq3A_2002 = arith.cmpi eq, %select_n3A_1979, %select_n3A_1993 : vector<64x256xi32>
    %lt3A_2003 = arith.cmpi slt, %select_n3A_1980, %select_n3A_2000 : vector<64x256xi32>
    %and3A_2004 = arith.andi %eq3A_2002, %lt3A_2003 : vector<64x256xi1>
    %or3A_2005 = arith.ori %lt3A_2001, %and3A_2004 : vector<64x256xi1>
    %and3A_2006 = arith.constant 512 : i32
    %and3A_2007 = vector.broadcast %and3A_2006 : i32 to vector<64x256xi32>
    %and3A_2008 = arith.andi %iota3A_1746, %and3A_2007 : vector<64x256xi32>
    %eq3A_2009 = arith.constant 0 : i32
    %eq3A_2010 = vector.broadcast %eq3A_2009 : i32 to vector<64x256xi32>
    %eq3A_2011 = arith.cmpi eq, %and3A_2008, %eq3A_2010 : vector<64x256xi32>
    %eq3A_2012 = arith.xori %eq3A_1986, %eq3A_2011 : vector<64x256xi1>
    %eq3A_2013 = arith.constant dense<true> : vector<64x256xi1>
    %eq3A_2014 = arith.xori %eq3A_2012, %eq3A_2013 : vector<64x256xi1>
    %eq3A_2015 = arith.xori %or3A_2005, %eq3A_2014 : vector<64x256xi1>
    %eq3A_2016 = arith.constant dense<true> : vector<64x256xi1>
    %eq3A_2017 = arith.xori %eq3A_2015, %eq3A_2016 : vector<64x256xi1>
    %select_n3A_2018 = arith.select %eq3A_2017, %select_n3A_1979, %select_n3A_1993 : vector<64x256xi1>, vector<64x256xi32>
    %select_n3A_2019 = arith.select %eq3A_2017, %select_n3A_1980, %select_n3A_2000 : vector<64x256xi1>, vector<64x256xi32>
    %and3A_2020 = arith.constant 1 : i32
    %and3A_2021 = vector.broadcast %and3A_2020 : i32 to vector<64x256xi32>
    %and3A_2022 = arith.andi %iota3A_1746, %and3A_2021 : vector<64x256xi32>
    %eq3A_2023 = arith.constant 0 : i32
    %eq3A_2024 = vector.broadcast %eq3A_2023 : i32 to vector<64x256xi32>
    %eq3A_2025 = arith.cmpi eq, %and3A_2022, %eq3A_2024 : vector<64x256xi32>
    %slice3A_2026 = vector.extract_strided_slice %select_n3A_2018 {offsets = [0, 1], sizes = [64, 255], strides = [1, 1]} : vector<64x256xi32> to vector<64x255xi32>
    %slice3A_2027 = vector.extract_strided_slice %select_n3A_2018 {offsets = [0, 0], sizes = [64, 1], strides = [1, 1]} : vector<64x256xi32> to vector<64x1xi32>
    %concatenate3A_2028 = tpu.concatenate %slice3A_2026, %slice3A_2027 in 1 : vector<64x255xi32>, vector<64x1xi32> -> vector<64x256xi32>
    %slice3A_2029 = vector.extract_strided_slice %select_n3A_2018 {offsets = [0, 255], sizes = [64, 1], strides = [1, 1]} : vector<64x256xi32> to vector<64x1xi32>
    %slice3A_2030 = vector.extract_strided_slice %select_n3A_2018 {offsets = [0, 0], sizes = [64, 255], strides = [1, 1]} : vector<64x256xi32> to vector<64x255xi32>
    %concatenate3A_2031 = tpu.concatenate %slice3A_2029, %slice3A_2030 in 1 : vector<64x1xi32>, vector<64x255xi32> -> vector<64x256xi32>
    %select_n3A_2032 = arith.select %eq3A_2025, %concatenate3A_2028, %concatenate3A_2031 : vector<64x256xi1>, vector<64x256xi32>
    %slice3A_2033 = vector.extract_strided_slice %select_n3A_2019 {offsets = [0, 1], sizes = [64, 255], strides = [1, 1]} : vector<64x256xi32> to vector<64x255xi32>
    %slice3A_2034 = vector.extract_strided_slice %select_n3A_2019 {offsets = [0, 0], sizes = [64, 1], strides = [1, 1]} : vector<64x256xi32> to vector<64x1xi32>
    %concatenate3A_2035 = tpu.concatenate %slice3A_2033, %slice3A_2034 in 1 : vector<64x255xi32>, vector<64x1xi32> -> vector<64x256xi32>
    %slice3A_2036 = vector.extract_strided_slice %select_n3A_2019 {offsets = [0, 255], sizes = [64, 1], strides = [1, 1]} : vector<64x256xi32> to vector<64x1xi32>
    %slice3A_2037 = vector.extract_strided_slice %select_n3A_2019 {offsets = [0, 0], sizes = [64, 255], strides = [1, 1]} : vector<64x256xi32> to vector<64x255xi32>
    %concatenate3A_2038 = tpu.concatenate %slice3A_2036, %slice3A_2037 in 1 : vector<64x1xi32>, vector<64x255xi32> -> vector<64x256xi32>
    %select_n3A_2039 = arith.select %eq3A_2025, %concatenate3A_2035, %concatenate3A_2038 : vector<64x256xi1>, vector<64x256xi32>
    %lt3A_2040 = arith.cmpi slt, %select_n3A_2018, %select_n3A_2032 : vector<64x256xi32>
    %eq3A_2041 = arith.cmpi eq, %select_n3A_2018, %select_n3A_2032 : vector<64x256xi32>
    %lt3A_2042 = arith.cmpi slt, %select_n3A_2019, %select_n3A_2039 : vector<64x256xi32>
    %and3A_2043 = arith.andi %eq3A_2041, %lt3A_2042 : vector<64x256xi1>
    %or3A_2044 = arith.ori %lt3A_2040, %and3A_2043 : vector<64x256xi1>
    %and3A_2045 = arith.constant 512 : i32
    %and3A_2046 = vector.broadcast %and3A_2045 : i32 to vector<64x256xi32>
    %and3A_2047 = arith.andi %iota3A_1746, %and3A_2046 : vector<64x256xi32>
    %eq3A_2048 = arith.constant 0 : i32
    %eq3A_2049 = vector.broadcast %eq3A_2048 : i32 to vector<64x256xi32>
    %eq3A_2050 = arith.cmpi eq, %and3A_2047, %eq3A_2049 : vector<64x256xi32>
    %eq3A_2051 = arith.xori %eq3A_2025, %eq3A_2050 : vector<64x256xi1>
    %eq3A_2052 = arith.constant dense<true> : vector<64x256xi1>
    %eq3A_2053 = arith.xori %eq3A_2051, %eq3A_2052 : vector<64x256xi1>
    %eq3A_2054 = arith.xori %or3A_2044, %eq3A_2053 : vector<64x256xi1>
    %eq3A_2055 = arith.constant dense<true> : vector<64x256xi1>
    %eq3A_2056 = arith.xori %eq3A_2054, %eq3A_2055 : vector<64x256xi1>
    %select_n3A_2057 = arith.select %eq3A_2056, %select_n3A_2019, %select_n3A_2039 : vector<64x256xi1>, vector<64x256xi32>
    %slice3A_2058 = vector.extract_strided_slice %select_n3A_1418 {offsets = [0, 0], sizes = [64, 256], strides = [1, 1]} : vector<64x512xi32> to vector<64x256xi32>
    %slice3A_2059 = vector.extract_strided_slice %select_n3A_1418 {offsets = [0, 256], sizes = [64, 256], strides = [1, 1]} : vector<64x512xi32> to vector<64x256xi32>
    %slice3A_2060 = vector.extract_strided_slice %select_n3A_1419 {offsets = [0, 0], sizes = [64, 256], strides = [1, 1]} : vector<64x512xi32> to vector<64x256xi32>
    %slice3A_2061 = vector.extract_strided_slice %select_n3A_1419 {offsets = [0, 256], sizes = [64, 256], strides = [1, 1]} : vector<64x512xi32> to vector<64x256xi32>
    %lt3A_2062 = arith.cmpi slt, %slice3A_2059, %slice3A_2058 : vector<64x256xi32>
    %eq3A_2063 = arith.cmpi eq, %slice3A_2059, %slice3A_2058 : vector<64x256xi32>
    %lt3A_2064 = arith.cmpi slt, %slice3A_2061, %slice3A_2060 : vector<64x256xi32>
    %and3A_2065 = arith.andi %eq3A_2063, %lt3A_2064 : vector<64x256xi1>
    %or3A_2066 = arith.ori %lt3A_2062, %and3A_2065 : vector<64x256xi1>
    %select_n3A_2067 = arith.select %or3A_2066, %slice3A_2059, %slice3A_2058 : vector<64x256xi1>, vector<64x256xi32>
    %select_n3A_2068 = arith.select %or3A_2066, %slice3A_2061, %slice3A_2060 : vector<64x256xi1>, vector<64x256xi32>
    %slice3A_2069 = vector.extract_strided_slice %select_n3A_2067 {offsets = [0, 0], sizes = [64, 128], strides = [1, 1]} : vector<64x256xi32> to vector<64x128xi32>
    %slice3A_2070 = vector.extract_strided_slice %select_n3A_2067 {offsets = [0, 128], sizes = [64, 128], strides = [1, 1]} : vector<64x256xi32> to vector<64x128xi32>
    %slice3A_2071 = vector.extract_strided_slice %select_n3A_2068 {offsets = [0, 0], sizes = [64, 128], strides = [1, 1]} : vector<64x256xi32> to vector<64x128xi32>
    %slice3A_2072 = vector.extract_strided_slice %select_n3A_2068 {offsets = [0, 128], sizes = [64, 128], strides = [1, 1]} : vector<64x256xi32> to vector<64x128xi32>
    %lt3A_2073 = arith.cmpi slt, %slice3A_2070, %slice3A_2069 : vector<64x128xi32>
    %eq3A_2074 = arith.cmpi eq, %slice3A_2070, %slice3A_2069 : vector<64x128xi32>
    %lt3A_2075 = arith.cmpi slt, %slice3A_2072, %slice3A_2071 : vector<64x128xi32>
    %and3A_2076 = arith.andi %eq3A_2074, %lt3A_2075 : vector<64x128xi1>
    %or3A_2077 = arith.ori %lt3A_2073, %and3A_2076 : vector<64x128xi1>
    %select_n3A_2078 = arith.select %or3A_2077, %slice3A_2070, %slice3A_2069 : vector<64x128xi1>, vector<64x128xi32>
    %select_n3A_2079 = arith.select %or3A_2077, %slice3A_2072, %slice3A_2071 : vector<64x128xi1>, vector<64x128xi32>
    %slice3A_2080 = vector.extract_strided_slice %select_n3A_2078 {offsets = [0, 0], sizes = [64, 64], strides = [1, 1]} : vector<64x128xi32> to vector<64x64xi32>
    %slice3A_2081 = vector.extract_strided_slice %select_n3A_2078 {offsets = [0, 64], sizes = [64, 64], strides = [1, 1]} : vector<64x128xi32> to vector<64x64xi32>
    %slice3A_2082 = vector.extract_strided_slice %select_n3A_2079 {offsets = [0, 0], sizes = [64, 64], strides = [1, 1]} : vector<64x128xi32> to vector<64x64xi32>
    %slice3A_2083 = vector.extract_strided_slice %select_n3A_2079 {offsets = [0, 64], sizes = [64, 64], strides = [1, 1]} : vector<64x128xi32> to vector<64x64xi32>
    %lt3A_2084 = arith.cmpi slt, %slice3A_2081, %slice3A_2080 : vector<64x64xi32>
    %eq3A_2085 = arith.cmpi eq, %slice3A_2081, %slice3A_2080 : vector<64x64xi32>
    %lt3A_2086 = arith.cmpi slt, %slice3A_2083, %slice3A_2082 : vector<64x64xi32>
    %and3A_2087 = arith.andi %eq3A_2085, %lt3A_2086 : vector<64x64xi1>
    %or3A_2088 = arith.ori %lt3A_2084, %and3A_2087 : vector<64x64xi1>
    %select_n3A_2089 = arith.select %or3A_2088, %slice3A_2081, %slice3A_2080 : vector<64x64xi1>, vector<64x64xi32>
    %select_n3A_2090 = arith.select %or3A_2088, %slice3A_2083, %slice3A_2082 : vector<64x64xi1>, vector<64x64xi32>
    %slice3A_2091 = vector.extract_strided_slice %select_n3A_2089 {offsets = [0, 0], sizes = [64, 32], strides = [1, 1]} : vector<64x64xi32> to vector<64x32xi32>
    %slice3A_2092 = vector.extract_strided_slice %select_n3A_2089 {offsets = [0, 32], sizes = [64, 32], strides = [1, 1]} : vector<64x64xi32> to vector<64x32xi32>
    %slice3A_2093 = vector.extract_strided_slice %select_n3A_2090 {offsets = [0, 0], sizes = [64, 32], strides = [1, 1]} : vector<64x64xi32> to vector<64x32xi32>
    %slice3A_2094 = vector.extract_strided_slice %select_n3A_2090 {offsets = [0, 32], sizes = [64, 32], strides = [1, 1]} : vector<64x64xi32> to vector<64x32xi32>
    %lt3A_2095 = arith.cmpi slt, %slice3A_2092, %slice3A_2091 : vector<64x32xi32>
    %eq3A_2096 = arith.cmpi eq, %slice3A_2092, %slice3A_2091 : vector<64x32xi32>
    %lt3A_2097 = arith.cmpi slt, %slice3A_2094, %slice3A_2093 : vector<64x32xi32>
    %and3A_2098 = arith.andi %eq3A_2096, %lt3A_2097 : vector<64x32xi1>
    %or3A_2099 = arith.ori %lt3A_2095, %and3A_2098 : vector<64x32xi1>
    %select_n3A_2100 = arith.select %or3A_2099, %slice3A_2092, %slice3A_2091 : vector<64x32xi1>, vector<64x32xi32>
    %select_n3A_2101 = arith.select %or3A_2099, %slice3A_2094, %slice3A_2093 : vector<64x32xi1>, vector<64x32xi32>
    %slice3A_2102 = vector.extract_strided_slice %select_n3A_2100 {offsets = [0, 0], sizes = [64, 16], strides = [1, 1]} : vector<64x32xi32> to vector<64x16xi32>
    %slice3A_2103 = vector.extract_strided_slice %select_n3A_2100 {offsets = [0, 16], sizes = [64, 16], strides = [1, 1]} : vector<64x32xi32> to vector<64x16xi32>
    %slice3A_2104 = vector.extract_strided_slice %select_n3A_2101 {offsets = [0, 0], sizes = [64, 16], strides = [1, 1]} : vector<64x32xi32> to vector<64x16xi32>
    %slice3A_2105 = vector.extract_strided_slice %select_n3A_2101 {offsets = [0, 16], sizes = [64, 16], strides = [1, 1]} : vector<64x32xi32> to vector<64x16xi32>
    %lt3A_2106 = arith.cmpi slt, %slice3A_2103, %slice3A_2102 : vector<64x16xi32>
    %eq3A_2107 = arith.cmpi eq, %slice3A_2103, %slice3A_2102 : vector<64x16xi32>
    %lt3A_2108 = arith.cmpi slt, %slice3A_2105, %slice3A_2104 : vector<64x16xi32>
    %and3A_2109 = arith.andi %eq3A_2107, %lt3A_2108 : vector<64x16xi1>
    %or3A_2110 = arith.ori %lt3A_2106, %and3A_2109 : vector<64x16xi1>
    %select_n3A_2111 = arith.select %or3A_2110, %slice3A_2103, %slice3A_2102 : vector<64x16xi1>, vector<64x16xi32>
    %select_n3A_2112 = arith.select %or3A_2110, %slice3A_2105, %slice3A_2104 : vector<64x16xi1>, vector<64x16xi32>
    %slice3A_2113 = vector.extract_strided_slice %select_n3A_2111 {offsets = [0, 0], sizes = [64, 8], strides = [1, 1]} : vector<64x16xi32> to vector<64x8xi32>
    %slice3A_2114 = vector.extract_strided_slice %select_n3A_2111 {offsets = [0, 8], sizes = [64, 8], strides = [1, 1]} : vector<64x16xi32> to vector<64x8xi32>
    %slice3A_2115 = vector.extract_strided_slice %select_n3A_2112 {offsets = [0, 0], sizes = [64, 8], strides = [1, 1]} : vector<64x16xi32> to vector<64x8xi32>
    %slice3A_2116 = vector.extract_strided_slice %select_n3A_2112 {offsets = [0, 8], sizes = [64, 8], strides = [1, 1]} : vector<64x16xi32> to vector<64x8xi32>
    %lt3A_2117 = arith.cmpi slt, %slice3A_2114, %slice3A_2113 : vector<64x8xi32>
    %eq3A_2118 = arith.cmpi eq, %slice3A_2114, %slice3A_2113 : vector<64x8xi32>
    %lt3A_2119 = arith.cmpi slt, %slice3A_2116, %slice3A_2115 : vector<64x8xi32>
    %and3A_2120 = arith.andi %eq3A_2118, %lt3A_2119 : vector<64x8xi1>
    %or3A_2121 = arith.ori %lt3A_2117, %and3A_2120 : vector<64x8xi1>
    %select_n3A_2122 = arith.select %or3A_2121, %slice3A_2114, %slice3A_2113 : vector<64x8xi1>, vector<64x8xi32>
    %select_n3A_2123 = arith.select %or3A_2121, %slice3A_2116, %slice3A_2115 : vector<64x8xi1>, vector<64x8xi32>
    %slice3A_2124 = vector.extract_strided_slice %select_n3A_2122 {offsets = [0, 0], sizes = [64, 4], strides = [1, 1]} : vector<64x8xi32> to vector<64x4xi32>
    %slice3A_2125 = vector.extract_strided_slice %select_n3A_2122 {offsets = [0, 4], sizes = [64, 4], strides = [1, 1]} : vector<64x8xi32> to vector<64x4xi32>
    %slice3A_2126 = vector.extract_strided_slice %select_n3A_2123 {offsets = [0, 0], sizes = [64, 4], strides = [1, 1]} : vector<64x8xi32> to vector<64x4xi32>
    %slice3A_2127 = vector.extract_strided_slice %select_n3A_2123 {offsets = [0, 4], sizes = [64, 4], strides = [1, 1]} : vector<64x8xi32> to vector<64x4xi32>
    %lt3A_2128 = arith.cmpi slt, %slice3A_2125, %slice3A_2124 : vector<64x4xi32>
    %eq3A_2129 = arith.cmpi eq, %slice3A_2125, %slice3A_2124 : vector<64x4xi32>
    %lt3A_2130 = arith.cmpi slt, %slice3A_2127, %slice3A_2126 : vector<64x4xi32>
    %and3A_2131 = arith.andi %eq3A_2129, %lt3A_2130 : vector<64x4xi1>
    %or3A_2132 = arith.ori %lt3A_2128, %and3A_2131 : vector<64x4xi1>
    %select_n3A_2133 = arith.select %or3A_2132, %slice3A_2125, %slice3A_2124 : vector<64x4xi1>, vector<64x4xi32>
    %select_n3A_2134 = arith.select %or3A_2132, %slice3A_2127, %slice3A_2126 : vector<64x4xi1>, vector<64x4xi32>
    %slice3A_2135 = vector.extract_strided_slice %select_n3A_2133 {offsets = [0, 0], sizes = [64, 2], strides = [1, 1]} : vector<64x4xi32> to vector<64x2xi32>
    %slice3A_2136 = vector.extract_strided_slice %select_n3A_2133 {offsets = [0, 2], sizes = [64, 2], strides = [1, 1]} : vector<64x4xi32> to vector<64x2xi32>
    %slice3A_2137 = vector.extract_strided_slice %select_n3A_2134 {offsets = [0, 0], sizes = [64, 2], strides = [1, 1]} : vector<64x4xi32> to vector<64x2xi32>
    %slice3A_2138 = vector.extract_strided_slice %select_n3A_2134 {offsets = [0, 2], sizes = [64, 2], strides = [1, 1]} : vector<64x4xi32> to vector<64x2xi32>
    %lt3A_2139 = arith.cmpi slt, %slice3A_2136, %slice3A_2135 : vector<64x2xi32>
    %eq3A_2140 = arith.cmpi eq, %slice3A_2136, %slice3A_2135 : vector<64x2xi32>
    %lt3A_2141 = arith.cmpi slt, %slice3A_2138, %slice3A_2137 : vector<64x2xi32>
    %and3A_2142 = arith.andi %eq3A_2140, %lt3A_2141 : vector<64x2xi1>
    %or3A_2143 = arith.ori %lt3A_2139, %and3A_2142 : vector<64x2xi1>
    %select_n3A_2144 = arith.select %or3A_2143, %slice3A_2136, %slice3A_2135 : vector<64x2xi1>, vector<64x2xi32>
    %select_n3A_2145 = arith.select %or3A_2143, %slice3A_2138, %slice3A_2137 : vector<64x2xi1>, vector<64x2xi32>
    %slice3A_2146 = vector.extract_strided_slice %select_n3A_2144 {offsets = [0, 0], sizes = [64, 1], strides = [1, 1]} : vector<64x2xi32> to vector<64x1xi32>
    %slice3A_2147 = vector.extract_strided_slice %select_n3A_2144 {offsets = [0, 1], sizes = [64, 1], strides = [1, 1]} : vector<64x2xi32> to vector<64x1xi32>
    %slice3A_2148 = vector.extract_strided_slice %select_n3A_2145 {offsets = [0, 0], sizes = [64, 1], strides = [1, 1]} : vector<64x2xi32> to vector<64x1xi32>
    %slice3A_2149 = vector.extract_strided_slice %select_n3A_2145 {offsets = [0, 1], sizes = [64, 1], strides = [1, 1]} : vector<64x2xi32> to vector<64x1xi32>
    %lt3A_2150 = arith.cmpi slt, %slice3A_2147, %slice3A_2146 : vector<64x1xi32>
    %eq3A_2151 = arith.cmpi eq, %slice3A_2147, %slice3A_2146 : vector<64x1xi32>
    %lt3A_2152 = arith.cmpi slt, %slice3A_2149, %slice3A_2148 : vector<64x1xi32>
    %and3A_2153 = arith.andi %eq3A_2151, %lt3A_2152 : vector<64x1xi1>
    %or3A_2154 = arith.ori %lt3A_2150, %and3A_2153 : vector<64x1xi1>
    %select_n3A_2155 = arith.select %or3A_2154, %slice3A_2147, %slice3A_2146 : vector<64x1xi1>, vector<64x1xi32>
    %select_n3A_2156 = arith.select %or3A_2154, %slice3A_2149, %slice3A_2148 : vector<64x1xi1>, vector<64x1xi32>
    %slice3A_2157 = vector.extract_strided_slice %select_n3A_1744 {offsets = [0, 0], sizes = [64, 128], strides = [1, 1]} : vector<64x256xi32> to vector<64x128xi32>
    %slice3A_2158 = vector.extract_strided_slice %select_n3A_1744 {offsets = [0, 128], sizes = [64, 128], strides = [1, 1]} : vector<64x256xi32> to vector<64x128xi32>
    %slice3A_2159 = vector.extract_strided_slice %select_n3A_1745 {offsets = [0, 0], sizes = [64, 128], strides = [1, 1]} : vector<64x256xi32> to vector<64x128xi32>
    %slice3A_2160 = vector.extract_strided_slice %select_n3A_1745 {offsets = [0, 128], sizes = [64, 128], strides = [1, 1]} : vector<64x256xi32> to vector<64x128xi32>
    %lt3A_2161 = arith.cmpi slt, %slice3A_2158, %slice3A_2157 : vector<64x128xi32>
    %eq3A_2162 = arith.cmpi eq, %slice3A_2158, %slice3A_2157 : vector<64x128xi32>
    %lt3A_2163 = arith.cmpi slt, %slice3A_2160, %slice3A_2159 : vector<64x128xi32>
    %and3A_2164 = arith.andi %eq3A_2162, %lt3A_2163 : vector<64x128xi1>
    %or3A_2165 = arith.ori %lt3A_2161, %and3A_2164 : vector<64x128xi1>
    %select_n3A_2166 = arith.select %or3A_2165, %slice3A_2158, %slice3A_2157 : vector<64x128xi1>, vector<64x128xi32>
    %select_n3A_2167 = arith.select %or3A_2165, %slice3A_2160, %slice3A_2159 : vector<64x128xi1>, vector<64x128xi32>
    %slice3A_2168 = vector.extract_strided_slice %select_n3A_2166 {offsets = [0, 0], sizes = [64, 64], strides = [1, 1]} : vector<64x128xi32> to vector<64x64xi32>
    %slice3A_2169 = vector.extract_strided_slice %select_n3A_2166 {offsets = [0, 64], sizes = [64, 64], strides = [1, 1]} : vector<64x128xi32> to vector<64x64xi32>
    %slice3A_2170 = vector.extract_strided_slice %select_n3A_2167 {offsets = [0, 0], sizes = [64, 64], strides = [1, 1]} : vector<64x128xi32> to vector<64x64xi32>
    %slice3A_2171 = vector.extract_strided_slice %select_n3A_2167 {offsets = [0, 64], sizes = [64, 64], strides = [1, 1]} : vector<64x128xi32> to vector<64x64xi32>
    %lt3A_2172 = arith.cmpi slt, %slice3A_2169, %slice3A_2168 : vector<64x64xi32>
    %eq3A_2173 = arith.cmpi eq, %slice3A_2169, %slice3A_2168 : vector<64x64xi32>
    %lt3A_2174 = arith.cmpi slt, %slice3A_2171, %slice3A_2170 : vector<64x64xi32>
    %and3A_2175 = arith.andi %eq3A_2173, %lt3A_2174 : vector<64x64xi1>
    %or3A_2176 = arith.ori %lt3A_2172, %and3A_2175 : vector<64x64xi1>
    %select_n3A_2177 = arith.select %or3A_2176, %slice3A_2169, %slice3A_2168 : vector<64x64xi1>, vector<64x64xi32>
    %select_n3A_2178 = arith.select %or3A_2176, %slice3A_2171, %slice3A_2170 : vector<64x64xi1>, vector<64x64xi32>
    %slice3A_2179 = vector.extract_strided_slice %select_n3A_2177 {offsets = [0, 0], sizes = [64, 32], strides = [1, 1]} : vector<64x64xi32> to vector<64x32xi32>
    %slice3A_2180 = vector.extract_strided_slice %select_n3A_2177 {offsets = [0, 32], sizes = [64, 32], strides = [1, 1]} : vector<64x64xi32> to vector<64x32xi32>
    %slice3A_2181 = vector.extract_strided_slice %select_n3A_2178 {offsets = [0, 0], sizes = [64, 32], strides = [1, 1]} : vector<64x64xi32> to vector<64x32xi32>
    %slice3A_2182 = vector.extract_strided_slice %select_n3A_2178 {offsets = [0, 32], sizes = [64, 32], strides = [1, 1]} : vector<64x64xi32> to vector<64x32xi32>
    %lt3A_2183 = arith.cmpi slt, %slice3A_2180, %slice3A_2179 : vector<64x32xi32>
    %eq3A_2184 = arith.cmpi eq, %slice3A_2180, %slice3A_2179 : vector<64x32xi32>
    %lt3A_2185 = arith.cmpi slt, %slice3A_2182, %slice3A_2181 : vector<64x32xi32>
    %and3A_2186 = arith.andi %eq3A_2184, %lt3A_2185 : vector<64x32xi1>
    %or3A_2187 = arith.ori %lt3A_2183, %and3A_2186 : vector<64x32xi1>
    %select_n3A_2188 = arith.select %or3A_2187, %slice3A_2180, %slice3A_2179 : vector<64x32xi1>, vector<64x32xi32>
    %select_n3A_2189 = arith.select %or3A_2187, %slice3A_2182, %slice3A_2181 : vector<64x32xi1>, vector<64x32xi32>
    %slice3A_2190 = vector.extract_strided_slice %select_n3A_2188 {offsets = [0, 0], sizes = [64, 16], strides = [1, 1]} : vector<64x32xi32> to vector<64x16xi32>
    %slice3A_2191 = vector.extract_strided_slice %select_n3A_2188 {offsets = [0, 16], sizes = [64, 16], strides = [1, 1]} : vector<64x32xi32> to vector<64x16xi32>
    %slice3A_2192 = vector.extract_strided_slice %select_n3A_2189 {offsets = [0, 0], sizes = [64, 16], strides = [1, 1]} : vector<64x32xi32> to vector<64x16xi32>
    %slice3A_2193 = vector.extract_strided_slice %select_n3A_2189 {offsets = [0, 16], sizes = [64, 16], strides = [1, 1]} : vector<64x32xi32> to vector<64x16xi32>
    %lt3A_2194 = arith.cmpi slt, %slice3A_2191, %slice3A_2190 : vector<64x16xi32>
    %eq3A_2195 = arith.cmpi eq, %slice3A_2191, %slice3A_2190 : vector<64x16xi32>
    %lt3A_2196 = arith.cmpi slt, %slice3A_2193, %slice3A_2192 : vector<64x16xi32>
    %and3A_2197 = arith.andi %eq3A_2195, %lt3A_2196 : vector<64x16xi1>
    %or3A_2198 = arith.ori %lt3A_2194, %and3A_2197 : vector<64x16xi1>
    %select_n3A_2199 = arith.select %or3A_2198, %slice3A_2191, %slice3A_2190 : vector<64x16xi1>, vector<64x16xi32>
    %select_n3A_2200 = arith.select %or3A_2198, %slice3A_2193, %slice3A_2192 : vector<64x16xi1>, vector<64x16xi32>
    %slice3A_2201 = vector.extract_strided_slice %select_n3A_2199 {offsets = [0, 0], sizes = [64, 8], strides = [1, 1]} : vector<64x16xi32> to vector<64x8xi32>
    %slice3A_2202 = vector.extract_strided_slice %select_n3A_2199 {offsets = [0, 8], sizes = [64, 8], strides = [1, 1]} : vector<64x16xi32> to vector<64x8xi32>
    %slice3A_2203 = vector.extract_strided_slice %select_n3A_2200 {offsets = [0, 0], sizes = [64, 8], strides = [1, 1]} : vector<64x16xi32> to vector<64x8xi32>
    %slice3A_2204 = vector.extract_strided_slice %select_n3A_2200 {offsets = [0, 8], sizes = [64, 8], strides = [1, 1]} : vector<64x16xi32> to vector<64x8xi32>
    %lt3A_2205 = arith.cmpi slt, %slice3A_2202, %slice3A_2201 : vector<64x8xi32>
    %eq3A_2206 = arith.cmpi eq, %slice3A_2202, %slice3A_2201 : vector<64x8xi32>
    %lt3A_2207 = arith.cmpi slt, %slice3A_2204, %slice3A_2203 : vector<64x8xi32>
    %and3A_2208 = arith.andi %eq3A_2206, %lt3A_2207 : vector<64x8xi1>
    %or3A_2209 = arith.ori %lt3A_2205, %and3A_2208 : vector<64x8xi1>
    %select_n3A_2210 = arith.select %or3A_2209, %slice3A_2202, %slice3A_2201 : vector<64x8xi1>, vector<64x8xi32>
    %select_n3A_2211 = arith.select %or3A_2209, %slice3A_2204, %slice3A_2203 : vector<64x8xi1>, vector<64x8xi32>
    %slice3A_2212 = vector.extract_strided_slice %select_n3A_2210 {offsets = [0, 0], sizes = [64, 4], strides = [1, 1]} : vector<64x8xi32> to vector<64x4xi32>
    %slice3A_2213 = vector.extract_strided_slice %select_n3A_2210 {offsets = [0, 4], sizes = [64, 4], strides = [1, 1]} : vector<64x8xi32> to vector<64x4xi32>
    %slice3A_2214 = vector.extract_strided_slice %select_n3A_2211 {offsets = [0, 0], sizes = [64, 4], strides = [1, 1]} : vector<64x8xi32> to vector<64x4xi32>
    %slice3A_2215 = vector.extract_strided_slice %select_n3A_2211 {offsets = [0, 4], sizes = [64, 4], strides = [1, 1]} : vector<64x8xi32> to vector<64x4xi32>
    %lt3A_2216 = arith.cmpi slt, %slice3A_2213, %slice3A_2212 : vector<64x4xi32>
    %eq3A_2217 = arith.cmpi eq, %slice3A_2213, %slice3A_2212 : vector<64x4xi32>
    %lt3A_2218 = arith.cmpi slt, %slice3A_2215, %slice3A_2214 : vector<64x4xi32>
    %and3A_2219 = arith.andi %eq3A_2217, %lt3A_2218 : vector<64x4xi1>
    %or3A_2220 = arith.ori %lt3A_2216, %and3A_2219 : vector<64x4xi1>
    %select_n3A_2221 = arith.select %or3A_2220, %slice3A_2213, %slice3A_2212 : vector<64x4xi1>, vector<64x4xi32>
    %select_n3A_2222 = arith.select %or3A_2220, %slice3A_2215, %slice3A_2214 : vector<64x4xi1>, vector<64x4xi32>
    %slice3A_2223 = vector.extract_strided_slice %select_n3A_2221 {offsets = [0, 0], sizes = [64, 2], strides = [1, 1]} : vector<64x4xi32> to vector<64x2xi32>
    %slice3A_2224 = vector.extract_strided_slice %select_n3A_2221 {offsets = [0, 2], sizes = [64, 2], strides = [1, 1]} : vector<64x4xi32> to vector<64x2xi32>
    %slice3A_2225 = vector.extract_strided_slice %select_n3A_2222 {offsets = [0, 0], sizes = [64, 2], strides = [1, 1]} : vector<64x4xi32> to vector<64x2xi32>
    %slice3A_2226 = vector.extract_strided_slice %select_n3A_2222 {offsets = [0, 2], sizes = [64, 2], strides = [1, 1]} : vector<64x4xi32> to vector<64x2xi32>
    %lt3A_2227 = arith.cmpi slt, %slice3A_2224, %slice3A_2223 : vector<64x2xi32>
    %eq3A_2228 = arith.cmpi eq, %slice3A_2224, %slice3A_2223 : vector<64x2xi32>
    %lt3A_2229 = arith.cmpi slt, %slice3A_2226, %slice3A_2225 : vector<64x2xi32>
    %and3A_2230 = arith.andi %eq3A_2228, %lt3A_2229 : vector<64x2xi1>
    %or3A_2231 = arith.ori %lt3A_2227, %and3A_2230 : vector<64x2xi1>
    %select_n3A_2232 = arith.select %or3A_2231, %slice3A_2224, %slice3A_2223 : vector<64x2xi1>, vector<64x2xi32>
    %select_n3A_2233 = arith.select %or3A_2231, %slice3A_2226, %slice3A_2225 : vector<64x2xi1>, vector<64x2xi32>
    %slice3A_2234 = vector.extract_strided_slice %select_n3A_2232 {offsets = [0, 0], sizes = [64, 1], strides = [1, 1]} : vector<64x2xi32> to vector<64x1xi32>
    %slice3A_2235 = vector.extract_strided_slice %select_n3A_2232 {offsets = [0, 1], sizes = [64, 1], strides = [1, 1]} : vector<64x2xi32> to vector<64x1xi32>
    %slice3A_2236 = vector.extract_strided_slice %select_n3A_2233 {offsets = [0, 0], sizes = [64, 1], strides = [1, 1]} : vector<64x2xi32> to vector<64x1xi32>
    %slice3A_2237 = vector.extract_strided_slice %select_n3A_2233 {offsets = [0, 1], sizes = [64, 1], strides = [1, 1]} : vector<64x2xi32> to vector<64x1xi32>
    %lt3A_2238 = arith.cmpi slt, %slice3A_2235, %slice3A_2234 : vector<64x1xi32>
    %eq3A_2239 = arith.cmpi eq, %slice3A_2235, %slice3A_2234 : vector<64x1xi32>
    %lt3A_2240 = arith.cmpi slt, %slice3A_2237, %slice3A_2236 : vector<64x1xi32>
    %and3A_2241 = arith.andi %eq3A_2239, %lt3A_2240 : vector<64x1xi1>
    %or3A_2242 = arith.ori %lt3A_2238, %and3A_2241 : vector<64x1xi1>
    %select_n3A_2243 = arith.select %or3A_2242, %slice3A_2235, %slice3A_2234 : vector<64x1xi1>, vector<64x1xi32>
    %select_n3A_2244 = arith.select %or3A_2242, %slice3A_2237, %slice3A_2236 : vector<64x1xi1>, vector<64x1xi32>
    %lt3A_2245 = arith.cmpi slt, %select_n3A_2243, %select_n3A_2155 : vector<64x1xi32>
    %eq3A_2246 = arith.cmpi eq, %select_n3A_2243, %select_n3A_2155 : vector<64x1xi32>
    %lt3A_2247 = arith.cmpi slt, %select_n3A_2244, %select_n3A_2156 : vector<64x1xi32>
    %and3A_2248 = arith.andi %eq3A_2246, %lt3A_2247 : vector<64x1xi1>
    %or3A_2249 = arith.ori %lt3A_2245, %and3A_2248 : vector<64x1xi1>
    %select_n3A_2250 = arith.select %or3A_2249, %select_n3A_2243, %select_n3A_2155 : vector<64x1xi1>, vector<64x1xi32>
    %select_n3A_2251 = arith.select %or3A_2249, %select_n3A_2244, %select_n3A_2156 : vector<64x1xi1>, vector<64x1xi32>
    %iota3A_2252 = tpu.iota {dimensions = array<i32: 0>} : vector<64x256xi32>
    %mul3A = arith.constant 1024 : i32
    %mul3A_2253 = vector.broadcast %mul3A : i32 to vector<64x256xi32>
    %mul3A_2254 = arith.muli %iota3A_2252, %mul3A_2253 : vector<64x256xi32>
    %add3A = arith.addi %select_n3A_2057, %mul3A_2254 : vector<64x256xi32>
    %swap3A = arith.constant 0 : index
    %swap3A_2255 = arith.constant 0 : index
    %swap3A_2256 = vector.load %arg1[%swap3A, %swap3A_2255] : memref<64x256xi32, #tpu.memory_space<vmem>>, vector<64x256xi32>
    tpu.vector_store %arg1[%swap3A, %swap3A_2255], %add3A {strides = array<i32>} : memref<64x256xi32, #tpu.memory_space<vmem>>, vector<64x256xi32>,
    %bitcast_convert_type3A_2257 = tpu.bitcast %get3A_1 : vector<64x1024xf32> -> vector<64x1024xi32>
    %gt3A = vector.broadcast %select_n3A_2250 : vector<64x1xi32> to vector<64x1024xi32>
    %gt3A_2258 = arith.cmpi sgt, %bitcast_convert_type3A_2257, %gt3A : vector<64x1024xi32>
    %eq3A_2259 = vector.broadcast %select_n3A_2250 : vector<64x1xi32> to vector<64x1024xi32>
    %eq3A_2260 = arith.cmpi eq, %bitcast_convert_type3A_2257, %eq3A_2259 : vector<64x1024xi32>
    %ge3A = vector.broadcast %select_n3A_2251 : vector<64x1xi32> to vector<64x1024xi32>
    %ge3A_2261 = arith.cmpi sge, %iota3A, %ge3A : vector<64x1024xi32>
    %and3A_2262 = arith.andi %eq3A_2260, %ge3A_2261 : vector<64x1024xi1>
    %or3A_2263 = arith.ori %gt3A_2258, %and3A_2262 : vector<64x1024xi1>
    %convert_element_type3A = arith.extui %or3A_2263 : vector<64x1024xi1> to vector<64x1024xi32>
    %convert_element_type3A_2264 = arith.sitofp %convert_element_type3A : vector<64x1024xi32> to vector<64x1024xf32>
    %swap3A_2265 = arith.constant 0 : index
    %swap3A_2266 = arith.constant 0 : index
    %swap3A_2267 = vector.load %arg2[%swap3A_2265, %swap3A_2266] : memref<64x1024xf32, #tpu.memory_space<vmem>>, vector<64x1024xf32>
    tpu.vector_store %arg2[%swap3A_2265, %swap3A_2266], %convert_element_type3A_2264 {strides = array<i32>} : memref<64x1024xf32, #tpu.memory_space<vmem>>, vector<64x1024xf32>,
    return
  }
}

</mosaic_0001>

<sc_bundles>
// kernel: kernel.4.cloned.1.call-start
scs
__scs_entry_jumppad:
0x0: {  	(pc) =	sbr.rel $0x88, $3  }
0x1: {  	(tag) =	ssettag $0x0;
	lr =	simm.s32 $0x1  }
0x2: {  	[smem:$0x3F9F] =	sst lr;
	_ =	strace $0xD0000000  }
0x3: {  	_ = 	snop  }
0x4: {  	_ = 	snop  }
0x5: {  	_ = 	snop  }
0x6: {  	_ = 	snop  }
0x7: {  	_ = 	snop  }
__scs_overlays_trampoline_lowered:
0x8: {  	[smem:$0x3FAE] =	sst s0  }
0x9: {  	[smem:$0x3FAF] =	sst s1  }
0xa: {  	[smem:$0x3FB0] =	sst s2  }
0xb: {  	[smem:$0x3FB1] =	sst s3  }
0xc: {  	[smem:$0x3FB2] =	sst s4  }
0xd: {  	[smem:$0x3FB3] =	sst s5  }
0xe: {  	[smem:$0x3FB4] =	sst s6  }
0xf: {  	[smem:$0x3FB5] =	sst s7  }
0x10: {  	[smem:$0x3FB6] =	sst s8  }
0x11: {  	[smem:$0x3FB7] =	sst s9;
	s0 =	simm.s32 @!p0 $0x0  }
0x12: {  	s1 =	sld [smem:$0x3F9D];
	s0 =	simm.s32 @p0 $0x1  }
0x13: {  	[smem:$0x3FB8] =	sst s0;
	s0 =	simm.s32 @!p1 $0x0  }
0x14: {  	s2 =	sld [smem:$0x3F9C];
	s0 =	simm.s32 @p1 $0x1  }
0x15: {  	[smem:$0x3FB9] =	sst s0;
	s0 =	simm.s32 @!p2 $0x0  }
0x16: {  	s3 =	sld [smem:$0x3FDB];
	s0 =	simm.s32 @p2 $0x1  }
0x17: {  	s4 =	simm.s32 $0x1BF5;
	[smem:$0x3FBB] =	sst s0  }
0x18: {  	s0 =	sld [smem:$0x3F9E];
	_ =	swait.ge [sflag:s4], $0x0  }
0x19: {  	s7 =	sld [smem:$0x3F9F]  }
0x1a: {  	s8 =	sadd.s32 $0xFFFFE003, lr  }
0x1b: {  	s9 =	sadd.s32 $0xFFFFFEF7, lr;
	s5 =	simm.s32 $0xFFFFFFFF;
	p2 =	slt.u32 s8, $0xFFFFF086  }
0x1c: {  	p1 =	slt.u32 s9, $0xF7A;
	s5 =	simm.s32 @!p2 $0x0  }
0x1d: {  	s5 =	simm.s32 @p1 $0x1;
	p0 =	seq.s32 s7, s2  }
0x1e: {  	s7 =	smul.u32 @!p0 $0xF7A, s2;
	p2 =	seq.s32 @!p0 s5, $0x0  }
0x1f: {  	s9 =	smul.u32 $0xF7A, s1;
	s8 =	simm.s32 @!p0 $0x1BF5;
	p2 =	por !p2, p0  }
0x20: {  	[sflag:s8] =	ssyncset.s32 @!p0 $0xFFFFF086;
	s6 =	sadd.s32 @!p0 s3, s7;
	s7 =	simm.s32 @!p0 $0x108  }
0x21: {  	s3 =	sadd.s32 s3, s9;
	s6 =	sadd.s32 @!p0 $0x88, s6;
	s7 =	simm.s32 @p2 $0x1082  }
0x22: {  	[simem:s7], [sflag:s8] =	dma.local @!p0 [hbm:s6], $0xF7A  }
0x23: {  	s9 =	sor.u32 $0xD0000000, s2;
	s6 =	simm.s32 $0x108;
	_ =	swait.ge @!p0 [sflag:s8], $0x0  }
0x24: {  	s3 =	sadd.s32 $0x88, s3;
	s6 =	simm.s32 @!p1 $0x1082;
	[sflag:s4] =	ssyncset.s32 $0xFFFFF086  }
0x25: {  	[simem:s6], [sflag:s4] =	dma.local [hbm:s3], $0xF7A  }
0x26: {  	[smem:$0x3F9F] =	sst s1;
	(tag) =	ssettag s2;
	_ =	strace s9  }
0x27: {  	s1 =	sld [smem:$0x3FAF]  }
0x28: {  	s2 =	sld [smem:$0x3FB0]  }
0x29: {  	s4 =	sld [smem:$0x3FB2]  }
0x2a: {  	p0 =	seq.s32 s5, $0x0;
	s5 =	sld [smem:$0x3FB3]  }
0x2b: {  	s6 =	sld [smem:$0x3FB4]  }
0x2c: {  	s7 =	sld [smem:$0x3FB5]  }
0x2d: {  	s3 =	simm.s32 $0x108;
	s8 =	sld [smem:$0x3FB6]  }
0x2e: {  	s3 =	simm.s32 @!p0 $0x1082;
	s9 =	sld [smem:$0x3FB7]  }
0x2f: {  	lr =	sadd.s32 s0, s3;
	s0 =	sld [smem:$0x3FAE]  }
0x30: {  	s3 =	sld [smem:$0x3FB1]  }
0x31: {  	[smem:$0x3FBA] =	sst s10  }
0x32: {  	s10 =	sld [smem:$0x3FB8];
	_ =	sdelay $0x3  }
0x33: {  	p0 =	seq.s32 s10, $0x1;
	s10 =	sld [smem:$0x3FBA];
	_ =	sdelay $0x3  }
0x34: {  	[smem:$0x3FBA] =	sst s10  }
0x35: {  	s10 =	sld [smem:$0x3FB9];
	_ =	sdelay $0x3  }
0x36: {  	p1 =	seq.s32 s10, $0x1;
	s10 =	sld [smem:$0x3FBA];
	_ =	sdelay $0x3  }
0x37: {  	[smem:$0x3FBA] =	sst s10  }
0x38: {  	s10 =	sld [smem:$0x3FBB]  }
0x39: {  	_ = 	snop;
	(pc) =	sbr.ind lr, $3  }
0x3a: {  	_ = 	snop  }
0x3b: {  	_ = 	snop  }
0x3c: {  	p2 =	seq.s32 s10, $0x1;
	s10 =	sld [smem:$0x3FBA]  }
0x3d: {  	_ =	shalt  }
0x3e: {  	_ =	shalt  }
0x3f: {  	_ =	shalt  }
0x40: {  	_ =	shalt  }
0x41: {  	_ =	shalt  }
0x42: {  	_ =	shalt  }
0x43: {  	_ =	shalt  }
0x44: {  	_ =	shalt  }
0x45: {  	_ =	shalt  }
0x46: {  	_ =	shalt  }
0x47: {  	_ =	shalt  }
0x48: {  	_ =	shalt  }
0x49: {  	_ =	shalt  }
0x4a: {  	_ =	shalt  }
0x4b: {  	_ =	shalt  }
0x4c: {  	_ =	shalt  }
0x4d: {  	_ =	shalt  }
0x4e: {  	_ =	shalt  }
0x4f: {  	_ =	shalt  }
0x50: {  	_ =	shalt  }
0x51: {  	_ =	shalt  }
0x52: {  	_ =	shalt  }
0x53: {  	_ =	shalt  }
0x54: {  	_ =	shalt  }
0x55: {  	_ =	shalt  }
0x56: {  	_ =	shalt  }
0x57: {  	_ =	shalt  }
0x58: {  	_ =	shalt  }
0x59: {  	_ =	shalt  }
0x5a: {  	_ =	shalt  }
0x5b: {  	_ =	shalt  }
0x5c: {  	_ =	shalt  }
0x5d: {  	_ =	shalt  }
0x5e: {  	_ =	shalt  }
0x5f: {  	_ =	shalt  }
0x60: {  	_ =	shalt  }
0x61: {  	_ =	shalt  }
0x62: {  	_ =	shalt  }
0x63: {  	_ =	shalt  }
0x64: {  	_ =	shalt  }
0x65: {  	_ =	shalt  }
0x66: {  	_ =	shalt  }
0x67: {  	_ =	shalt  }
0x68: {  	_ =	shalt  }
0x69: {  	_ =	shalt  }
0x6a: {  	_ =	shalt  }
0x6b: {  	_ =	shalt  }
0x6c: {  	_ =	shalt  }
0x6d: {  	_ =	shalt  }
0x6e: {  	_ =	shalt  }
0x6f: {  	_ =	shalt  }
0x70: {  	_ =	shalt  }
0x71: {  	_ =	shalt  }
0x72: {  	_ =	shalt  }
0x73: {  	_ =	shalt  }
0x74: {  	_ =	shalt  }
0x75: {  	_ =	shalt  }
0x76: {  	_ =	shalt  }
0x77: {  	_ =	shalt  }
0x78: {  	_ =	shalt  }
0x79: {  	_ =	shalt  }
0x7a: {  	_ =	shalt  }
0x7b: {  	_ =	shalt  }
0x7c: {  	_ =	shalt  }
0x7d: {  	_ =	shalt  }
0x7e: {  	_ =	shalt  }
0x7f: {  	_ =	shalt  }
0x80: {  	_ =	shalt  }
0x81: {  	_ =	shalt  }
0x82: {  	_ =	shalt  }
0x83: {  	_ =	shalt  }
0x84: {  	_ =	shalt  }
0x85: {  	_ =	shalt  }
0x86: {  	_ =	shalt  }
0x87: {  	_ =	shalt  }
.Lfunc_end0:
.L_simem_size_0:
called_computation_lowered:
.L_overlay_start_0:
0x88: {  	s2 =	sld [smem:$0x3FD9]  }
0x89: {  	s3 =	sld [smem:$0x3FFE];
	_ =	sdelay $0x1  }
0x8a: {  	s1 =	srdreg.scid  }
0x8b: {  	s0 =	sand.u32 $0x1, s1  }
0x8c: {  	s14 =	sshll.u32 s0, $0xA;
	s2 =	sadd.s32 s3, s2  }
0x8d: {  	s2 =	sadd.s32 s2, s14  }
0x8e: {  	[smem:$0x3FC6] =	sst s2  }
0x8f: {  	_ = 	snop  }
0x90: {  	s2 =	sld [smem:$0x3FD0];
	_ =	sdelay $0x2  }
0x91: {  	s4 =	simm.s32 $0xA;
	s5 =	simm.s32 $0x10;
	s15 =	sld [smem:$0x3FC9]  }
0x92: {  	[smem:s5], [sflag:s4] =	dma.local [hbm:s2], $0x1  }
0x93: {  	_ =	swait.eq [sflag:s4], $0x1  }
0x94: {  	[sflag:s4] =	ssyncset.done $0x0  }
0x95: {  	[sflag:s4] =	ssyncadd.s32 $0xFFFFFFFF  }
0x96: {  	s16 =	sld [smem:$0x10];
	(tm) =	ssettm $0x1  }
0x97: {  	s17 =	sld [smem:$0x3FFB];
	_ =	sdelay $0x3  }
0x98: {  	_ =	strace s17  }
0x99: {  	s4 =	sld [smem:$0x3FFC];
	_ =	sdelay $0x3  }
0x9a: {  	_ =	strace s4  }
0x9b: {  	s4 =	sld [smem:$0x3FFD];
	_ =	sdelay $0x3  }
0x9c: {  	_ =	strace s4  }
0x9d: {  	_ =	strace $0x8FFFFFFF  }
0x9e: {  	s18 =	sld [smem:$0x3FDB];
	_ =	sdelay $0x1  }
0x9f: {  	s19 =	simm.s32 $_scs_section_size  }
0xa0: {  	s6 =	simm.s32 $_size__tile_overlayer_lowered;
	s7 =	simm.s32 $_tile_overlayer_lowered  }
0xa1: {  	s22 =	simm.s32 $0x1BFF;
	s21 =	sshll.u32 s7, $0x1;
	s4 =	sadd.s32 s19, s18  }
0xa2: {  	s8 =	simm.s32 $0x0;
	s20 =	sshll.u32 s6, $0x1;
	s6 =	sadd.s32 s21, s4  }
0xa3: {  	[timem:s8], [sflag:s22] =	dma.local [hbm:s6], s20  }
0xa4: {  	_ =	swait.ge [sflag:s22], s20  }
0xa5: {  	s5 =	ssub.s32 $0x0, s20;
	[sflag:s22] =	ssyncset.done $0x0  }
0xa6: {  	[sflag:s22] =	ssyncadd.s32 s5;
	_ =	sdelay $0x1  }
0xa7: {  	s23 =	simm.s32 $0x1B8B  }
0xa8: {  	_ =	swait.ge [sflag:s23], $0x1  }
0xa9: {  	[sflag:s23] =	ssyncset.done $0x0  }
0xaa: {  	s25 =	simm.s32 $0x1B8E;
	s24 =	sld [smem:$0x3FFE];
	[sflag:s23] =	ssyncadd.s32 $0xFFFFFFFF  }
0xab: {  	s26 =	simm.s32 $execute0_lowered;
	[smem:$0x3FD2] =	sst s25  }
0xac: {  	s6 =	sshll.u32 s26, $0x1;
	_ =	strace $0x80000046;
	[dreg:$0x1] =	wrdreg $0xFFFFFFFF  }
0xad: {  	s28 =	simm.s32 $_size_execute0_lowered;
	s4 =	sadd.s32 s4, s6;
	[dreg:$0x0] =	wrdreg $0x0  }
0xae: {  	s6 =	sshll.u32 s28, $0x1;
	[dreg:$0x2] =	wrdreg s4  }
0xaf: {  	[dreg:$0x3] =	wrdreg s6  }
0xb0: {  	[dreg:$0x4] =	wrdreg $0xC0  }
0xb1: {  	_ =	task [dreg:s8], $0x5FFFF  }
0xb2: {  	[dreg:$0x1] =	wrdreg $0xFFFFFFFF  }
0xb3: {  	[dreg:$0x0] =	wrdreg $0x60  }
0xb4: {  	[dreg:$0x2] =	wrdreg s15  }
0xb5: {  	[dreg:$0x3] =	wrdreg s24  }
0xb6: {  	[dreg:$0x4] =	wrdreg s16  }
0xb7: {  	[dreg:$0x5] =	wrdreg $0x9  }
0xb8: {  	_ =	task.clear_ibuf [dreg:s8], $0x6FFFF;
	_ =	strace $0x90000046  }
0xb9: {  	s29 =	simm.s32 $0x9;
	_ =	strace $0x80000048  }
0xba: {  	_ =	swait.ge [sflag:s29], $0x1  }
0xbb: {  	[sflag:s29] =	ssyncadd.s32 $0xFFFFFFFF  }
0xbc: {  	_ =	strace $0x90000048  }
0xbd: {  	_ =	sfence  }
0xbe: {  	s30 =	sld [smem:$0x0];
	_ =	sdelay $0x2  }
0xbf: {  	s31 =	sshll.u32 s1, $0xD;
	s1 =	sshrl.u32 s1, $0x2  }
0xc0: {  	s3 =	sand.u32 $0x4000, s31;
	s1 =	sadd.s32 s1, s30  }
0xc1: {  	s0 =	sor.u32 s3, s0;
	s1 =	sshll.u32 s1, $0x11  }
0xc2: {  	s0 =	sor.u32 s1, s0  }
0xc3: {  	s0 =	sadd.s32 $0x8F2B, s0  }
0xc4: {  	[sflag:s0] =	ssyncadd.remote.s32 $0x1  }
0xc5: {  	_ =	sfence.sel $0xFFFF  }
0xc6: {  	[dreg:$0x0] =	wrdreg $0xFFFFFFFF;
	(pc) =	sbr.abs _section_cstart, $3  }
0xc7: {  	[dreg:$0x1] =	wrdreg $0xFFFFFFFF  }
0xc8: {  	_ =	task.clear_ibuf [dreg:s8], $0x2FFFF;
	_ =	strace $0x9FFFFFFF  }
0xc9: {  	(tm) =	ssettm $0x7FFFFFFF  }
tec
execute0_lowered:
.L_overlay_start_1:
0x0: {  	(tag) =	ssettag $0x1  }
0x1: {  	s0 =	srdreg.scid  }
0x2: {  	s3 =	stileid.u32;
	s1 =	rddreg [dreg:$0x0]  }
0x3: {  	s4 =	rddreg [dreg:$0x1];
	s0 =	sand.u32 $0x1, s0;
	s2 =	sshll.u32 s3, $0x1  }
0x4: {  	s6 =	rddreg [dreg:$0x2];
	s3 =	sshll.u32 s3, $0x7;
	s2 =	sor.u32 s0, s2  }
0x5: {  	s7 =	sand.u32 $0x700, s3;
	s3 =	simm.s32 $0x0;
	s5 =	sshll.u32 s2, $0x5  }
0x6: {  	[smem:$0x7FF] =	sst s3;
	s9 =	smul.u32 $0xC000, s2;
	s5 =	sand.u32 $0x60, s5  }
0x7: {  	s26 =	simm.s32 $0x100;
	_ =	strace $0x80000047;
	s5 =	sor.u32 s7, s5  }
0x8: {  	[dreg:$0x15] =	wrdreg s26;
	s4 =	sadd.s32 s5, s4;
	s5 =	sadd.s32 s6, s9  }
0x9: {  	s10 =	sadd.s32 $0xA00, s4;
	[dreg:$0x16] =	wrdreg s5  }
0xa: {  	s4 =	sadd.s32 $0xA10, s4;
	[dreg:$0x4] =	wrdreg s10  }
0xb: {  	s30 =	simm.s32 $0x1;
	s11 =	sadd.s32 $0xC00, s5;
	[dreg:$0x5] =	wrdreg s4  }
0xc: {  	s2 =	smul.u32 $0x60000, s2;
	s12 =	sadd.s32 $0x1800, s5;
	[dreg:$0x6] =	wrdreg s11  }
0xd: {  	s31 =	simm.s32 $0x6;
	s13 =	sadd.s32 $0x2400, s5;
	[dreg:$0x7] =	wrdreg s12  }
0xe: {  	s2 =	sshrl.u32 s2, $0x3;
	s14 =	sadd.s32 $0x3000, s5;
	[dreg:$0x8] =	wrdreg s13  }
0xf: {  	s2 =	sadd.s32 s6, s2;
	s15 =	sadd.s32 $0x3C00, s5;
	[dreg:$0x9] =	wrdreg s14  }
0x10: {  	s8 =	simm.s32 $0x3;
	s16 =	sadd.s32 $0x4800, s2;
	[dreg:$0xa] =	wrdreg s15  }
0x11: {  	s28 =	simm.s32 $0x9;
	s17 =	sadd.s32 $0x5400, s2;
	[dreg:$0xb] =	wrdreg s16  }
0x12: {  	s29 =	simm.s32 $0x5;
	s18 =	sadd.s32 $0x6000, s2;
	[dreg:$0xc] =	wrdreg s17  }
0x13: {  	s0 =	ssub.s32 $0x2, s0;
	s19 =	sadd.s32 $0x6C00, s2;
	[dreg:$0xd] =	wrdreg s18  }
0x14: {  	s23 =	sshrl.u32 s0, $0x1;
	s20 =	sadd.s32 $0x7800, s2;
	[dreg:$0xe] =	wrdreg s19  }
0x15: {  	s0 =	ssub.s32 s0, s23;
	s21 =	sadd.s32 $0x8400, s2;
	[dreg:$0xf] =	wrdreg s20  }
0x16: {  	s26 =	simm.s32 $0xAA00;
	s22 =	sadd.s32 $0x9000, s2;
	[dreg:$0x10] =	wrdreg s21  }
0x17: {  	s7 =	smax.u32 s0, $0x1;
	s24 =	sadd.s32 $0x9C00, s2;
	[dreg:$0x11] =	wrdreg s22  }
0x18: {  	s0 =	simm.s32 $0x7;
	s25 =	sadd.s32 $0xA800, s2;
	[dreg:$0x12] =	wrdreg s24  }
0x19: {  	s6 =	sadd.s32 $0x200, s1;
	s2 =	sadd.s32 $0xB400, s2;
	[dreg:$0x13] =	wrdreg s25  }
0x1a: {  	v2 =	vlaneseq.u32;
	s9 =	simm.s32 $0x8;
	s5 =	sadd.s32 $0x100, s1;
	[dreg:$0x14] =	wrdreg s2  }
0x1b: {  	vm0 =	vmmov $0xffff;
	v1 =	vshrl.u32 v2, $0x3;
	s24 =	simm.s32 $0x200;
	s2 =	simm.s32 $0x2;
	s25 =	simm.s32 $0x4  }
0x1c: {  	v0 =	vand.u32 $0x7, v2;
	v2 =	vor.u32 $0x8, v2;
	v1 =	vmul.u32 $0x8, v1;
	s12 =	simm.s32 $0xA;
	s11 =	simm.s32 $0xC200;
	s17 =	simm.s32 $0x18200  }
.LBB2_1:
0x1d: {  	s13 =	rddreg [dreg:$0x4]  }
0x1e: {  	s15 =	simm.s32 $0x80;
	s16 =	simm.s32 $0x400;
	s23 =	simm.s32 $0xB  }
0x1f: {  	[tilespmem:s3], [sflag:$0xB] =	stream.strided.gather [hbm4b:s13+s15], $0x100, s16, s15, $0x38;
	[tilespmem:$0x1E200] =	vst v63  }
0x20: {  	_ =	swait.ge [sflag:s23], $0x100  }
0x21: {  	[sflag:s23] =	ssyncset.done $0x0  }
0x22: {  	[sflag:s23] =	ssyncadd.s32 $0xFFFFFF00  }
0x23: {  	v3 =	vld [tilespmem:$0x0];
	_ =	sdelay $0x4  }
0x24: {  	v4 =	vshrl.u32 v3, $0x3  }
0x25: {  	v4 =	vmul.u32 $0x30, v4  }
0x26: {  	v3 =	vand.u32 $0x7, v3  }
0x27: {  	v3 =	vor.u32 v3, v4  }
0x28: {  	v4 =	vperm.xlane v3, v0;
	_ =	sdelay $0x1  }
0x29: {  	v4 =	vadd.s32 v1, v4;
	_ =	sdelay $0x3  }
0x2a: {  	v3 =	vperm.xlane v3, v2  }
0x2b: {  	[tilespmem:s24], [sflag:$0x1] =	stream.indirect_vreg.gather [hbm4b:s1+s3], $0x80, v4, vm0, $0xb8;
	[tilespmem:$0x1E200] =	vst v63  }
0x2c: {  	s4 =	simm.s32 $0xA00;
	v3 =	vadd.s32 v1, v3  }
0x2d: {  	[tilespmem:s4], [sflag:$0x1] =	stream.indirect_vreg.gather [hbm4b:s5+s3], $0x80, v4, vm0, $0xb8;
	[tilespmem:$0x1E200] =	vst v63  }
0x2e: {  	s14 =	simm.s32 $0x1200  }
0x2f: {  	[tilespmem:s14], [sflag:$0x1] =	stream.indirect_vreg.gather [hbm4b:s6+s3], $0x80, v4, vm0, $0xb8;
	[tilespmem:$0x1E200] =	vst v63  }
0x30: {  	s18 =	simm.s32 $0x1A00  }
0x31: {  	[tilespmem:s18], [sflag:$0x1] =	stream.indirect_vreg.gather [hbm4b:s1+s3], $0x80, v3, vm0, $0xb8;
	[tilespmem:$0x1E200] =	vst v63  }
0x32: {  	s19 =	simm.s32 $0x2200  }
0x33: {  	[tilespmem:s19], [sflag:$0x1] =	stream.indirect_vreg.gather [hbm4b:s5+s3], $0x80, v3, vm0, $0xb8;
	[tilespmem:$0x1E200] =	vst v63  }
0x34: {  	s20 =	simm.s32 $0x2A00  }
0x35: {  	[tilespmem:s20], [sflag:$0x1] =	stream.indirect_vreg.gather [hbm4b:s6+s3], $0x80, v3, vm0, $0xb8;
	[tilespmem:$0x1E200] =	vst v63  }
0x36: {  	v3 =	vld [tilespmem:$0x10];
	_ =	sdelay $0x4  }
0x37: {  	v33 =	vshrl.u32 v3, $0x3  }
0x38: {  	v4 =	vmul.u32 $0x30, v33  }
0x39: {  	v3 =	vand.u32 $0x7, v3  }
0x3a: {  	v3 =	vor.u32 v3, v4  }
0x3b: {  	v4 =	vperm.xlane v3, v0;
	_ =	sdelay $0x1  }
0x3c: {  	v4 =	vadd.s32 v1, v4;
	_ =	sdelay $0x3  }
0x3d: {  	s21 =	simm.s32 $0x3200;
	v3 =	vperm.xlane v3, v2  }
0x3e: {  	[tilespmem:s21], [sflag:$0x1] =	stream.indirect_vreg.gather [hbm4b:s1+s3], $0x80, v4, vm0, $0xb8;
	[tilespmem:$0x1E200] =	vst v63  }
0x3f: {  	s22 =	simm.s32 $0x3A00;
	v3 =	vadd.s32 v1, v3  }
0x40: {  	[tilespmem:s22], [sflag:$0x1] =	stream.indirect_vreg.gather [hbm4b:s5+s3], $0x80, v4, vm0, $0xb8;
	[tilespmem:$0x1E200] =	vst v63  }
0x41: {  	s10 =	simm.s32 $0x4200  }
0x42: {  	[tilespmem:s10], [sflag:$0x1] =	stream.indirect_vreg.gather [hbm4b:s6+s3], $0x80, v4, vm0, $0xb8;
	[tilespmem:$0x1E200] =	vst v63  }
0x43: {  	s13 =	simm.s32 $0x4A00  }
0x44: {  	[tilespmem:s13], [sflag:$0x1] =	stream.indirect_vreg.gather [hbm4b:s1+s3], $0x80, v3, vm0, $0xb8;
	[tilespmem:$0x1E200] =	vst v63  }
0x45: {  	s14 =	simm.s32 $0x5200  }
0x46: {  	[tilespmem:s14], [sflag:$0x1] =	stream.indirect_vreg.gather [hbm4b:s5+s3], $0x80, v3, vm0, $0xb8;
	[tilespmem:$0x1E200] =	vst v63  }
0x47: {  	s20 =	simm.s32 $0x5A00  }
0x48: {  	[tilespmem:s20], [sflag:$0x1] =	stream.indirect_vreg.gather [hbm4b:s6+s3], $0x80, v3, vm0, $0xb8;
	[tilespmem:$0x1E200] =	vst v63  }
0x49: {  	v3 =	vld [tilespmem:$0x20];
	_ =	sdelay $0x4  }
0x4a: {  	v34 =	vshrl.u32 v3, $0x3  }
0x4b: {  	v4 =	vmul.u32 $0x30, v34  }
0x4c: {  	v3 =	vand.u32 $0x7, v3  }
0x4d: {  	v3 =	vor.u32 v3, v4  }
0x4e: {  	v4 =	vperm.xlane v3, v0;
	_ =	sdelay $0x1  }
0x4f: {  	v4 =	vadd.s32 v1, v4;
	_ =	sdelay $0x3  }
0x50: {  	s4 =	simm.s32 $0x6200;
	v3 =	vperm.xlane v3, v2  }
0x51: {  	[tilespmem:s4], [sflag:$0x2] =	stream.indirect_vreg.gather [hbm4b:s1+s3], $0x80, v4, vm0, $0xb8;
	[tilespmem:$0x1E200] =	vst v63  }
0x52: {  	s10 =	simm.s32 $0x6A00;
	v3 =	vadd.s32 v1, v3  }
0x53: {  	[tilespmem:s10], [sflag:$0x2] =	stream.indirect_vreg.gather [hbm4b:s5+s3], $0x80, v4, vm0, $0xb8;
	[tilespmem:$0x1E200] =	vst v63  }
0x54: {  	s21 =	simm.s32 $0x7200  }
0x55: {  	[tilespmem:s21], [sflag:$0x2] =	stream.indirect_vreg.gather [hbm4b:s6+s3], $0x80, v4, vm0, $0xb8;
	[tilespmem:$0x1E200] =	vst v63  }
0x56: {  	s22 =	simm.s32 $0x7A00  }
0x57: {  	[tilespmem:s22], [sflag:$0x2] =	stream.indirect_vreg.gather [hbm4b:s1+s3], $0x80, v3, vm0, $0xb8;
	[tilespmem:$0x1E200] =	vst v63  }
0x58: {  	s13 =	simm.s32 $0x8200  }
0x59: {  	[tilespmem:s13], [sflag:$0x2] =	stream.indirect_vreg.gather [hbm4b:s5+s3], $0x80, v3, vm0, $0xb8;
	[tilespmem:$0x1E200] =	vst v63  }
0x5a: {  	s14 =	simm.s32 $0x8A00  }
0x5b: {  	[tilespmem:s14], [sflag:$0x2] =	stream.indirect_vreg.gather [hbm4b:s6+s3], $0x80, v3, vm0, $0xb8;
	[tilespmem:$0x1E200] =	vst v63  }
0x5c: {  	v3 =	vld [tilespmem:$0x30];
	_ =	sdelay $0x4  }
0x5d: {  	v35 =	vshrl.u32 v3, $0x3  }
0x5e: {  	v4 =	vmul.u32 $0x30, v35  }
0x5f: {  	v3 =	vand.u32 $0x7, v3  }
0x60: {  	v3 =	vor.u32 v3, v4  }
0x61: {  	v4 =	vperm.xlane v3, v0;
	_ =	sdelay $0x1  }
0x62: {  	v4 =	vadd.s32 v1, v4;
	_ =	sdelay $0x3  }
0x63: {  	s20 =	simm.s32 $0x9200;
	v3 =	vperm.xlane v3, v2  }
0x64: {  	[tilespmem:s20], [sflag:$0x2] =	stream.indirect_vreg.gather [hbm4b:s1+s3], $0x80, v4, vm0, $0xb8;
	[tilespmem:$0x1E200] =	vst v63  }
0x65: {  	s21 =	simm.s32 $0x9A00;
	v3 =	vadd.s32 v1, v3  }
0x66: {  	[tilespmem:s21], [sflag:$0x2] =	stream.indirect_vreg.gather [hbm4b:s5+s3], $0x80, v4, vm0, $0xb8;
	[tilespmem:$0x1E200] =	vst v63  }
0x67: {  	s22 =	simm.s32 $0xA200  }
0x68: {  	[tilespmem:s22], [sflag:$0x2] =	stream.indirect_vreg.gather [hbm4b:s6+s3], $0x80, v4, vm0, $0xb8;
	[tilespmem:$0x1E200] =	vst v63  }
0x69: {  	_ = 	snop  }
0x6a: {  	[tilespmem:s26], [sflag:$0x2] =	stream.indirect_vreg.gather [hbm4b:s1+s3], $0x80, v3, vm0, $0xb8;
	[tilespmem:$0x1E200] =	vst v63  }
0x6b: {  	s13 =	simm.s32 $0xB200  }
0x6c: {  	[tilespmem:s13], [sflag:$0x2] =	stream.indirect_vreg.gather [hbm4b:s5+s3], $0x80, v3, vm0, $0xb8;
	[tilespmem:$0x1E200] =	vst v63  }
0x6d: {  	s14 =	simm.s32 $0xBA00  }
0x6e: {  	[tilespmem:s14], [sflag:$0x2] =	stream.indirect_vreg.gather [hbm4b:s6+s3], $0x80, v3, vm0, $0xb8;
	[tilespmem:$0x1E200] =	vst v63  }
0x6f: {  	v3 =	vld [tilespmem:$0x40];
	_ =	sdelay $0x4  }
0x70: {  	v36 =	vshrl.u32 v3, $0x3  }
0x71: {  	v4 =	vmul.u32 $0x30, v36  }
0x72: {  	v3 =	vand.u32 $0x7, v3  }
0x73: {  	v3 =	vor.u32 v3, v4  }
0x74: {  	v4 =	vperm.xlane v3, v0;
	_ =	sdelay $0x1  }
0x75: {  	v4 =	vadd.s32 v1, v4;
	_ =	sdelay $0x3  }
0x76: {  	v3 =	vperm.xlane v3, v2  }
0x77: {  	[tilespmem:s11], [sflag:$0x3] =	stream.indirect_vreg.gather [hbm4b:s1+s3], $0x80, v4, vm0, $0xb8;
	[tilespmem:$0x1E200] =	vst v63  }
0x78: {  	s20 =	simm.s32 $0xCA00;
	v3 =	vadd.s32 v1, v3  }
0x79: {  	[tilespmem:s20], [sflag:$0x3] =	stream.indirect_vreg.gather [hbm4b:s5+s3], $0x80, v4, vm0, $0xb8;
	[tilespmem:$0x1E200] =	vst v63  }
0x7a: {  	s21 =	simm.s32 $0xD200  }
0x7b: {  	[tilespmem:s21], [sflag:$0x3] =	stream.indirect_vreg.gather [hbm4b:s6+s3], $0x80, v4, vm0, $0xb8;
	[tilespmem:$0x1E200] =	vst v63  }
0x7c: {  	s22 =	simm.s32 $0xDA00  }
0x7d: {  	[tilespmem:s22], [sflag:$0x3] =	stream.indirect_vreg.gather [hbm4b:s1+s3], $0x80, v3, vm0, $0xb8;
	[tilespmem:$0x1E200] =	vst v63  }
0x7e: {  	s13 =	simm.s32 $0xE200  }
0x7f: {  	[tilespmem:s13], [sflag:$0x3] =	stream.indirect_vreg.gather [hbm4b:s5+s3], $0x80, v3, vm0, $0xb8;
	[tilespmem:$0x1E200] =	vst v63  }
0x80: {  	s14 =	simm.s32 $0xEA00  }
0x81: {  	[tilespmem:s14], [sflag:$0x3] =	stream.indirect_vreg.gather [hbm4b:s6+s3], $0x80, v3, vm0, $0xb8;
	[tilespmem:$0x1E200] =	vst v63  }
0x82: {  	v3 =	vld [tilespmem:$0x50];
	_ =	sdelay $0x4  }
0x83: {  	v37 =	vshrl.u32 v3, $0x3  }
0x84: {  	v4 =	vmul.u32 $0x30, v37  }
0x85: {  	v3 =	vand.u32 $0x7, v3  }
0x86: {  	v3 =	vor.u32 v3, v4  }
0x87: {  	v4 =	vperm.xlane v3, v0;
	_ =	sdelay $0x1  }
0x88: {  	v4 =	vadd.s32 v1, v4;
	_ =	sdelay $0x3  }
0x89: {  	s20 =	simm.s32 $0xF200;
	v3 =	vperm.xlane v3, v2  }
0x8a: {  	[tilespmem:s20], [sflag:$0x3] =	stream.indirect_vreg.gather [hbm4b:s1+s3], $0x80, v4, vm0, $0xb8;
	[tilespmem:$0x1E200] =	vst v63  }
0x8b: {  	s21 =	simm.s32 $0xFA00;
	v3 =	vadd.s32 v1, v3  }
0x8c: {  	[tilespmem:s21], [sflag:$0x3] =	stream.indirect_vreg.gather [hbm4b:s5+s3], $0x80, v4, vm0, $0xb8;
	[tilespmem:$0x1E200] =	vst v63  }
0x8d: {  	s22 =	simm.s32 $0x10200  }
0x8e: {  	[tilespmem:s22], [sflag:$0x3] =	stream.indirect_vreg.gather [hbm4b:s6+s3], $0x80, v4, vm0, $0xb8;
	[tilespmem:$0x1E200] =	vst v63  }
0x8f: {  	s13 =	simm.s32 $0x10A00  }
0x90: {  	[tilespmem:s13], [sflag:$0x3] =	stream.indirect_vreg.gather [hbm4b:s1+s3], $0x80, v3, vm0, $0xb8;
	[tilespmem:$0x1E200] =	vst v63  }
0x91: {  	s14 =	simm.s32 $0x11200  }
0x92: {  	[tilespmem:s14], [sflag:$0x3] =	stream.indirect_vreg.gather [hbm4b:s5+s3], $0x80, v3, vm0, $0xb8;
	[tilespmem:$0x1E200] =	vst v63  }
0x93: {  	s20 =	simm.s32 $0x11A00  }
0x94: {  	[tilespmem:s20], [sflag:$0x3] =	stream.indirect_vreg.gather [hbm4b:s6+s3], $0x80, v3, vm0, $0xb8;
	[tilespmem:$0x1E200] =	vst v63  }
0x95: {  	v3 =	vld [tilespmem:$0x60];
	_ =	sdelay $0x4  }
0x96: {  	v38 =	vshrl.u32 v3, $0x3  }
0x97: {  	v4 =	vmul.u32 $0x30, v38  }
0x98: {  	v3 =	vand.u32 $0x7, v3  }
0x99: {  	v3 =	vor.u32 v3, v4  }
0x9a: {  	v4 =	vperm.xlane v3, v0;
	_ =	sdelay $0x1  }
0x9b: {  	v4 =	vadd.s32 v1, v4;
	_ =	sdelay $0x3  }
0x9c: {  	s10 =	simm.s32 $0x12200;
	v3 =	vperm.xlane v3, v2  }
0x9d: {  	[tilespmem:s10], [sflag:$0x4] =	stream.indirect_vreg.gather [hbm4b:s1+s3], $0x80, v4, vm0, $0xb8;
	[tilespmem:$0x1E200] =	vst v63  }
0x9e: {  	s21 =	simm.s32 $0x12A00;
	v3 =	vadd.s32 v1, v3  }
0x9f: {  	[tilespmem:s21], [sflag:$0x4] =	stream.indirect_vreg.gather [hbm4b:s5+s3], $0x80, v4, vm0, $0xb8;
	[tilespmem:$0x1E200] =	vst v63  }
0xa0: {  	s22 =	simm.s32 $0x13200  }
0xa1: {  	[tilespmem:s22], [sflag:$0x4] =	stream.indirect_vreg.gather [hbm4b:s6+s3], $0x80, v4, vm0, $0xb8;
	[tilespmem:$0x1E200] =	vst v63  }
0xa2: {  	s14 =	simm.s32 $0x13A00  }
0xa3: {  	[tilespmem:s14], [sflag:$0x4] =	stream.indirect_vreg.gather [hbm4b:s1+s3], $0x80, v3, vm0, $0xb8;
	[tilespmem:$0x1E200] =	vst v63  }
0xa4: {  	s20 =	simm.s32 $0x14200  }
0xa5: {  	[tilespmem:s20], [sflag:$0x4] =	stream.indirect_vreg.gather [hbm4b:s5+s3], $0x80, v3, vm0, $0xb8;
	[tilespmem:$0x1E200] =	vst v63  }
0xa6: {  	s21 =	simm.s32 $0x14A00  }
0xa7: {  	[tilespmem:s21], [sflag:$0x4] =	stream.indirect_vreg.gather [hbm4b:s6+s3], $0x80, v3, vm0, $0xb8;
	[tilespmem:$0x1E200] =	vst v63  }
0xa8: {  	v3 =	vld [tilespmem:$0x70];
	_ =	sdelay $0x4  }
0xa9: {  	v39 =	vshrl.u32 v3, $0x3  }
0xaa: {  	v4 =	vmul.u32 $0x30, v39  }
0xab: {  	v3 =	vand.u32 $0x7, v3  }
0xac: {  	v3 =	vor.u32 v3, v4  }
0xad: {  	v4 =	vperm.xlane v3, v0;
	_ =	sdelay $0x1  }
0xae: {  	v4 =	vadd.s32 v1, v4;
	_ =	sdelay $0x3  }
0xaf: {  	s22 =	simm.s32 $0x15200;
	v3 =	vperm.xlane v3, v2  }
0xb0: {  	[tilespmem:s22], [sflag:$0x4] =	stream.indirect_vreg.gather [hbm4b:s1+s3], $0x80, v4, vm0, $0xb8;
	[tilespmem:$0x1E200] =	vst v63  }
0xb1: {  	s14 =	simm.s32 $0x15A00;
	v3 =	vadd.s32 v1, v3  }
0xb2: {  	[tilespmem:s14], [sflag:$0x4] =	stream.indirect_vreg.gather [hbm4b:s5+s3], $0x80, v4, vm0, $0xb8;
	[tilespmem:$0x1E200] =	vst v63  }
0xb3: {  	s20 =	simm.s32 $0x16200  }
0xb4: {  	[tilespmem:s20], [sflag:$0x4] =	stream.indirect_vreg.gather [hbm4b:s6+s3], $0x80, v4, vm0, $0xb8;
	[tilespmem:$0x1E200] =	vst v63  }
0xb5: {  	s21 =	simm.s32 $0x16A00  }
0xb6: {  	[tilespmem:s21], [sflag:$0x4] =	stream.indirect_vreg.gather [hbm4b:s1+s3], $0x80, v3, vm0, $0xb8;
	[tilespmem:$0x1E200] =	vst v63  }
0xb7: {  	s22 =	simm.s32 $0x17200  }
0xb8: {  	[tilespmem:s22], [sflag:$0x4] =	stream.indirect_vreg.gather [hbm4b:s5+s3], $0x80, v3, vm0, $0xb8;
	[tilespmem:$0x1E200] =	vst v63  }
0xb9: {  	s14 =	simm.s32 $0x17A00  }
0xba: {  	[tilespmem:s14], [sflag:$0x4] =	stream.indirect_vreg.gather [hbm4b:s6+s3], $0x80, v3, vm0, $0xb8;
	[tilespmem:$0x1E200] =	vst v63  }
0xbb: {  	v3 =	vld [tilespmem:$0x80];
	_ =	sdelay $0x4  }
0xbc: {  	v40 =	vshrl.u32 v3, $0x3  }
0xbd: {  	v4 =	vmul.u32 $0x30, v40  }
0xbe: {  	v3 =	vand.u32 $0x7, v3  }
0xbf: {  	v3 =	vor.u32 v3, v4  }
0xc0: {  	v4 =	vperm.xlane v3, v0;
	_ =	sdelay $0x1  }
0xc1: {  	v4 =	vadd.s32 v1, v4;
	_ =	sdelay $0x3  }
0xc2: {  	v3 =	vperm.xlane v3, v2  }
0xc3: {  	[tilespmem:s17], [sflag:$0x5] =	stream.indirect_vreg.gather [hbm4b:s1+s3], $0x80, v4, vm0, $0xb8;
	[tilespmem:$0x1E200] =	vst v63  }
0xc4: {  	s20 =	simm.s32 $0x18A00;
	v3 =	vadd.s32 v1, v3  }
0xc5: {  	[tilespmem:s20], [sflag:$0x5] =	stream.indirect_vreg.gather [hbm4b:s5+s3], $0x80, v4, vm0, $0xb8;
	[tilespmem:$0x1E200] =	vst v63  }
0xc6: {  	s21 =	simm.s32 $0x19200  }
0xc7: {  	[tilespmem:s21], [sflag:$0x5] =	stream.indirect_vreg.gather [hbm4b:s6+s3], $0x80, v4, vm0, $0xb8;
	[tilespmem:$0x1E200] =	vst v63  }
0xc8: {  	s22 =	simm.s32 $0x19A00  }
0xc9: {  	[tilespmem:s22], [sflag:$0x5] =	stream.indirect_vreg.gather [hbm4b:s1+s3], $0x80, v3, vm0, $0xb8;
	[tilespmem:$0x1E200] =	vst v63  }
0xca: {  	s14 =	simm.s32 $0x1A200  }
0xcb: {  	[tilespmem:s14], [sflag:$0x5] =	stream.indirect_vreg.gather [hbm4b:s5+s3], $0x80, v3, vm0, $0xb8;
	[tilespmem:$0x1E200] =	vst v63  }
0xcc: {  	s20 =	simm.s32 $0x1AA00  }
0xcd: {  	[tilespmem:s20], [sflag:$0x5] =	stream.indirect_vreg.gather [hbm4b:s6+s3], $0x80, v3, vm0, $0xb8;
	[tilespmem:$0x1E200] =	vst v63  }
0xce: {  	v3 =	vld [tilespmem:$0x90];
	_ =	sdelay $0x4  }
0xcf: {  	v41 =	vshrl.u32 v3, $0x3  }
0xd0: {  	v4 =	vmul.u32 $0x30, v41  }
0xd1: {  	v3 =	vand.u32 $0x7, v3  }
0xd2: {  	v3 =	vor.u32 v3, v4  }
0xd3: {  	v4 =	vperm.xlane v3, v0;
	_ =	sdelay $0x1  }
0xd4: {  	v4 =	vadd.s32 v1, v4;
	_ =	sdelay $0x3  }
0xd5: {  	s21 =	simm.s32 $0x1B200;
	v3 =	vperm.xlane v3, v2  }
0xd6: {  	[tilespmem:s21], [sflag:$0x5] =	stream.indirect_vreg.gather [hbm4b:s1+s3], $0x80, v4, vm0, $0xb8;
	[tilespmem:$0x1E200] =	vst v63  }
0xd7: {  	s22 =	simm.s32 $0x1BA00;
	v3 =	vadd.s32 v1, v3  }
0xd8: {  	[tilespmem:s22], [sflag:$0x5] =	stream.indirect_vreg.gather [hbm4b:s5+s3], $0x80, v4, vm0, $0xb8;
	[tilespmem:$0x1E200] =	vst v63  }
0xd9: {  	s14 =	simm.s32 $0x1C200  }
0xda: {  	[tilespmem:s14], [sflag:$0x5] =	stream.indirect_vreg.gather [hbm4b:s6+s3], $0x80, v4, vm0, $0xb8;
	[tilespmem:$0x1E200] =	vst v63  }
0xdb: {  	s20 =	simm.s32 $0x1CA00  }
0xdc: {  	[tilespmem:s20], [sflag:$0x5] =	stream.indirect_vreg.gather [hbm4b:s1+s3], $0x80, v3, vm0, $0xb8;
	[tilespmem:$0x1E200] =	vst v63  }
0xdd: {  	s21 =	simm.s32 $0x1D200  }
0xde: {  	[tilespmem:s21], [sflag:$0x5] =	stream.indirect_vreg.gather [hbm4b:s5+s3], $0x80, v3, vm0, $0xb8;
	[tilespmem:$0x1E200] =	vst v63  }
0xdf: {  	s22 =	rddreg [dreg:$0x5];
	s20 =	simm.s32 $0x1DA00  }
0xe0: {  	[tilespmem:s20], [sflag:$0x5] =	stream.indirect_vreg.gather [hbm4b:s6+s3], $0x80, v3, vm0, $0xb8;
	[tilespmem:$0x1E200] =	vst v63  }
0xe1: {  	s14 =	rddreg [dreg:$0x15]  }
0xe2: {  	[tilespmem:s14], [sflag:$0xB] =	stream.strided.gather [hbm4b:s22+s15], $0x100, s16, s15, $0x38;
	[tilespmem:$0x1E200] =	vst v63  }
0xe3: {  	_ =	swait.ge [sflag:s23], $0x100  }
0xe4: {  	[sflag:s23] =	ssyncset.done $0x0  }
0xe5: {  	[sflag:s23] =	ssyncadd.s32 $0xFFFFFF00  }
0xe6: {  	_ =	swait.ge [sflag:s30], $0x6000  }
0xe7: {  	[sflag:s30] =	ssyncset.done $0x0  }
0xe8: {  	s14 =	rddreg [dreg:$0x16];
	[sflag:s30] =	ssyncadd.s32 $0xFFFFA000  }
0xe9: {  	[hbm4b:s14+s3] =	stream.linear.scatter [tilespmem:s24], [sflag:$0x6], $0x6000, $0x38;
	[tilespmem:$0x1E200] =	vst v63  }
0xea: {  	_ =	swait.ge [sflag:s31], $0x6000  }
0xeb: {  	[sflag:s31] =	ssyncset.done $0x0  }
0xec: {  	[sflag:s31] =	ssyncadd.s32 $0xFFFFA000  }
0xed: {  	v3 =	vld [tilespmem:$0xA0];
	_ =	sdelay $0x4  }
0xee: {  	v42 =	vshrl.u32 v3, $0x3  }
0xef: {  	v4 =	vmul.u32 $0x30, v42  }
0xf0: {  	v3 =	vand.u32 $0x7, v3  }
0xf1: {  	v3 =	vor.u32 v3, v4  }
0xf2: {  	v4 =	vperm.xlane v3, v0;
	_ =	sdelay $0x1  }
0xf3: {  	v4 =	vadd.s32 v1, v4;
	_ =	sdelay $0x3  }
0xf4: {  	v3 =	vperm.xlane v3, v2  }
0xf5: {  	[tilespmem:s24], [sflag:$0x1] =	stream.indirect_vreg.gather [hbm4b:s1+s3], $0x80, v4, vm0, $0xb8;
	[tilespmem:$0x1E200] =	vst v63  }
0xf6: {  	s14 =	simm.s32 $0xA00;
	v3 =	vadd.s32 v1, v3  }
0xf7: {  	[tilespmem:s14], [sflag:$0x1] =	stream.indirect_vreg.gather [hbm4b:s5+s3], $0x80, v4, vm0, $0xb8;
	[tilespmem:$0x1E200] =	vst v63  }
0xf8: {  	s15 =	simm.s32 $0x1200  }
0xf9: {  	[tilespmem:s15], [sflag:$0x1] =	stream.indirect_vreg.gather [hbm4b:s6+s3], $0x80, v4, vm0, $0xb8;
	[tilespmem:$0x1E200] =	vst v63  }
0xfa: {  	s16 =	simm.s32 $0x1A00  }
0xfb: {  	[tilespmem:s16], [sflag:$0x1] =	stream.indirect_vreg.gather [hbm4b:s1+s3], $0x80, v3, vm0, $0xb8;
	[tilespmem:$0x1E200] =	vst v63  }
0xfc: {  	s23 =	simm.s32 $0x2200  }
0xfd: {  	[tilespmem:s23], [sflag:$0x1] =	stream.indirect_vreg.gather [hbm4b:s5+s3], $0x80, v3, vm0, $0xb8;
	[tilespmem:$0x1E200] =	vst v63  }
0xfe: {  	s18 =	simm.s32 $0x2A00  }
0xff: {  	[tilespmem:s18], [sflag:$0x1] =	stream.indirect_vreg.gather [hbm4b:s6+s3], $0x80, v3, vm0, $0xb8;
	[tilespmem:$0x1E200] =	vst v63  }
0x100: {  	v3 =	vld [tilespmem:$0xB0];
	_ =	sdelay $0x4  }
0x101: {  	v43 =	vshrl.u32 v3, $0x3  }
0x102: {  	v4 =	vmul.u32 $0x30, v43  }
0x103: {  	v3 =	vand.u32 $0x7, v3  }
0x104: {  	v3 =	vor.u32 v3, v4  }
0x105: {  	v4 =	vperm.xlane v3, v0;
	_ =	sdelay $0x1  }
0x106: {  	v4 =	vadd.s32 v1, v4;
	_ =	sdelay $0x3  }
0x107: {  	s19 =	simm.s32 $0x3200;
	v3 =	vperm.xlane v3, v2  }
0x108: {  	[tilespmem:s19], [sflag:$0x1] =	stream.indirect_vreg.gather [hbm4b:s1+s3], $0x80, v4, vm0, $0xb8;
	[tilespmem:$0x1E200] =	vst v63  }
0x109: {  	s18 =	simm.s32 $0x3A00;
	v3 =	vadd.s32 v1, v3  }
0x10a: {  	[tilespmem:s18], [sflag:$0x1] =	stream.indirect_vreg.gather [hbm4b:s5+s3], $0x80, v4, vm0, $0xb8;
	[tilespmem:$0x1E200] =	vst v63  }
0x10b: {  	s19 =	simm.s32 $0x4200  }
0x10c: {  	[tilespmem:s19], [sflag:$0x1] =	stream.indirect_vreg.gather [hbm4b:s6+s3], $0x80, v4, vm0, $0xb8;
	[tilespmem:$0x1E200] =	vst v63  }
0x10d: {  	s20 =	simm.s32 $0x4A00  }
0x10e: {  	[tilespmem:s20], [sflag:$0x1] =	stream.indirect_vreg.gather [hbm4b:s1+s3], $0x80, v3, vm0, $0xb8;
	[tilespmem:$0x1E200] =	vst v63  }
0x10f: {  	s21 =	simm.s32 $0x5200  }
0x110: {  	[tilespmem:s21], [sflag:$0x1] =	stream.indirect_vreg.gather [hbm4b:s5+s3], $0x80, v3, vm0, $0xb8;
	[tilespmem:$0x1E200] =	vst v63  }
0x111: {  	s22 =	simm.s32 $0x5A00  }
0x112: {  	[tilespmem:s22], [sflag:$0x1] =	stream.indirect_vreg.gather [hbm4b:s6+s3], $0x80, v3, vm0, $0xb8;
	[tilespmem:$0x1E200] =	vst v63  }
0x113: {  	_ =	swait.ge [sflag:s2], $0x6000  }
0x114: {  	[sflag:s2] =	ssyncset.done $0x0  }
0x115: {  	s13 =	rddreg [dreg:$0x6];
	[sflag:s2] =	ssyncadd.s32 $0xFFFFA000  }
0x116: {  	[hbm4b:s13+s3] =	stream.linear.scatter [tilespmem:s4], [sflag:$0x7], $0x6000, $0x38;
	[tilespmem:$0x1E200] =	vst v63  }
0x117: {  	_ =	swait.ge [sflag:s0], $0x6000  }
0x118: {  	[sflag:s0] =	ssyncset.done $0x0  }
0x119: {  	[sflag:s0] =	ssyncadd.s32 $0xFFFFA000  }
0x11a: {  	v3 =	vld [tilespmem:$0xC0];
	_ =	sdelay $0x4  }
0x11b: {  	v44 =	vshrl.u32 v3, $0x3  }
0x11c: {  	v4 =	vmul.u32 $0x30, v44  }
0x11d: {  	v3 =	vand.u32 $0x7, v3  }
0x11e: {  	v3 =	vor.u32 v3, v4  }
0x11f: {  	v4 =	vperm.xlane v3, v0;
	_ =	sdelay $0x1  }
0x120: {  	v4 =	vadd.s32 v1, v4;
	_ =	sdelay $0x3  }
0x121: {  	v3 =	vperm.xlane v3, v2  }
0x122: {  	[tilespmem:s4], [sflag:$0x2] =	stream.indirect_vreg.gather [hbm4b:s1+s3], $0x80, v4, vm0, $0xb8;
	[tilespmem:$0x1E200] =	vst v63  }
0x123: {  	s13 =	simm.s32 $0x6A00;
	v3 =	vadd.s32 v1, v3  }
0x124: {  	[tilespmem:s13], [sflag:$0x2] =	stream.indirect_vreg.gather [hbm4b:s5+s3], $0x80, v4, vm0, $0xb8;
	[tilespmem:$0x1E200] =	vst v63  }
0x125: {  	s13 =	simm.s32 $0x7200  }
0x126: {  	[tilespmem:s13], [sflag:$0x2] =	stream.indirect_vreg.gather [hbm4b:s6+s3], $0x80, v4, vm0, $0xb8;
	[tilespmem:$0x1E200] =	vst v63  }
0x127: {  	s13 =	simm.s32 $0x7A00  }
0x128: {  	[tilespmem:s13], [sflag:$0x2] =	stream.indirect_vreg.gather [hbm4b:s1+s3], $0x80, v3, vm0, $0xb8;
	[tilespmem:$0x1E200] =	vst v63  }
0x129: {  	s13 =	simm.s32 $0x8200  }
0x12a: {  	[tilespmem:s13], [sflag:$0x2] =	stream.indirect_vreg.gather [hbm4b:s5+s3], $0x80, v3, vm0, $0xb8;
	[tilespmem:$0x1E200] =	vst v63  }
0x12b: {  	s13 =	simm.s32 $0x8A00  }
0x12c: {  	[tilespmem:s13], [sflag:$0x2] =	stream.indirect_vreg.gather [hbm4b:s6+s3], $0x80, v3, vm0, $0xb8;
	[tilespmem:$0x1E200] =	vst v63  }
0x12d: {  	v3 =	vld [tilespmem:$0xD0];
	_ =	sdelay $0x4  }
0x12e: {  	v45 =	vshrl.u32 v3, $0x3  }
0x12f: {  	v4 =	vmul.u32 $0x30, v45  }
0x130: {  	v3 =	vand.u32 $0x7, v3  }
0x131: {  	v3 =	vor.u32 v3, v4  }
0x132: {  	v4 =	vperm.xlane v3, v0;
	_ =	sdelay $0x1  }
0x133: {  	v4 =	vadd.s32 v1, v4;
	_ =	sdelay $0x3  }
0x134: {  	s13 =	simm.s32 $0x9200;
	v3 =	vperm.xlane v3, v2  }
0x135: {  	[tilespmem:s13], [sflag:$0x2] =	stream.indirect_vreg.gather [hbm4b:s1+s3], $0x80, v4, vm0, $0xb8;
	[tilespmem:$0x1E200] =	vst v63  }
0x136: {  	v3 =	vadd.s32 v1, v3;
	s13 =	simm.s32 $0x9A00  }
0x137: {  	[tilespmem:s13], [sflag:$0x2] =	stream.indirect_vreg.gather [hbm4b:s5+s3], $0x80, v4, vm0, $0xb8;
	[tilespmem:$0x1E200] =	vst v63  }
0x138: {  	s13 =	simm.s32 $0xA200  }
0x139: {  	[tilespmem:s13], [sflag:$0x2] =	stream.indirect_vreg.gather [hbm4b:s6+s3], $0x80, v4, vm0, $0xb8;
	[tilespmem:$0x1E200] =	vst v63  }
0x13a: {  	_ = 	snop  }
0x13b: {  	[tilespmem:s26], [sflag:$0x2] =	stream.indirect_vreg.gather [hbm4b:s1+s3], $0x80, v3, vm0, $0xb8;
	[tilespmem:$0x1E200] =	vst v63  }
0x13c: {  	s13 =	simm.s32 $0xB200  }
0x13d: {  	[tilespmem:s13], [sflag:$0x2] =	stream.indirect_vreg.gather [hbm4b:s5+s3], $0x80, v3, vm0, $0xb8;
	[tilespmem:$0x1E200] =	vst v63  }
0x13e: {  	s13 =	simm.s32 $0xBA00  }
0x13f: {  	[tilespmem:s13], [sflag:$0x2] =	stream.indirect_vreg.gather [hbm4b:s6+s3], $0x80, v3, vm0, $0xb8;
	[tilespmem:$0x1E200] =	vst v63  }
0x140: {  	_ =	swait.ge [sflag:s8], $0x6000  }
0x141: {  	[sflag:s8] =	ssyncset.done $0x0  }
0x142: {  	s13 =	rddreg [dreg:$0x7];
	[sflag:s8] =	ssyncadd.s32 $0xFFFFA000  }
0x143: {  	[hbm4b:s13+s3] =	stream.linear.scatter [tilespmem:s11], [sflag:$0x8], $0x6000, $0x38;
	[tilespmem:$0x1E200] =	vst v63  }
0x144: {  	_ =	swait.ge [sflag:s9], $0x6000  }
0x145: {  	[sflag:s9] =	ssyncset.done $0x0  }
0x146: {  	[sflag:s9] =	ssyncadd.s32 $0xFFFFA000  }
0x147: {  	v3 =	vld [tilespmem:$0xE0];
	_ =	sdelay $0x4  }
0x148: {  	v46 =	vshrl.u32 v3, $0x3  }
0x149: {  	v4 =	vmul.u32 $0x30, v46  }
0x14a: {  	v3 =	vand.u32 $0x7, v3  }
0x14b: {  	v3 =	vor.u32 v3, v4  }
0x14c: {  	v4 =	vperm.xlane v3, v0;
	_ =	sdelay $0x1  }
0x14d: {  	v4 =	vadd.s32 v1, v4;
	_ =	sdelay $0x3  }
0x14e: {  	v3 =	vperm.xlane v3, v2  }
0x14f: {  	[tilespmem:s11], [sflag:$0x3] =	stream.indirect_vreg.gather [hbm4b:s1+s3], $0x80, v4, vm0, $0xb8;
	[tilespmem:$0x1E200] =	vst v63  }
0x150: {  	s13 =	simm.s32 $0xCA00;
	v3 =	vadd.s32 v1, v3  }
0x151: {  	[tilespmem:s13], [sflag:$0x3] =	stream.indirect_vreg.gather [hbm4b:s5+s3], $0x80, v4, vm0, $0xb8;
	[tilespmem:$0x1E200] =	vst v63  }
0x152: {  	s13 =	simm.s32 $0xD200  }
0x153: {  	[tilespmem:s13], [sflag:$0x3] =	stream.indirect_vreg.gather [hbm4b:s6+s3], $0x80, v4, vm0, $0xb8;
	[tilespmem:$0x1E200] =	vst v63  }
0x154: {  	s13 =	simm.s32 $0xDA00  }
0x155: {  	[tilespmem:s13], [sflag:$0x3] =	stream.indirect_vreg.gather [hbm4b:s1+s3], $0x80, v3, vm0, $0xb8;
	[tilespmem:$0x1E200] =	vst v63  }
0x156: {  	s13 =	simm.s32 $0xE200  }
0x157: {  	[tilespmem:s13], [sflag:$0x3] =	stream.indirect_vreg.gather [hbm4b:s5+s3], $0x80, v3, vm0, $0xb8;
	[tilespmem:$0x1E200] =	vst v63  }
0x158: {  	s13 =	simm.s32 $0xEA00  }
0x159: {  	[tilespmem:s13], [sflag:$0x3] =	stream.indirect_vreg.gather [hbm4b:s6+s3], $0x80, v3, vm0, $0xb8;
	[tilespmem:$0x1E200] =	vst v63  }
0x15a: {  	v3 =	vld [tilespmem:$0xF0];
	_ =	sdelay $0x4  }
0x15b: {  	v47 =	vshrl.u32 v3, $0x3  }
0x15c: {  	v4 =	vmul.u32 $0x30, v47  }
0x15d: {  	v3 =	vand.u32 $0x7, v3  }
0x15e: {  	v3 =	vor.u32 v3, v4  }
0x15f: {  	v4 =	vperm.xlane v3, v0;
	_ =	sdelay $0x1  }
0x160: {  	v4 =	vadd.s32 v1, v4;
	_ =	sdelay $0x3  }
0x161: {  	s13 =	simm.s32 $0xF200;
	v3 =	vperm.xlane v3, v2  }
0x162: {  	[tilespmem:s13], [sflag:$0x3] =	stream.indirect_vreg.gather [hbm4b:s1+s3], $0x80, v4, vm0, $0xb8;
	[tilespmem:$0x1E200] =	vst v63  }
0x163: {  	v3 =	vadd.s32 v1, v3;
	s13 =	simm.s32 $0xFA00  }
0x164: {  	[tilespmem:s13], [sflag:$0x3] =	stream.indirect_vreg.gather [hbm4b:s5+s3], $0x80, v4, vm0, $0xb8;
	[tilespmem:$0x1E200] =	vst v63  }
0x165: {  	s13 =	simm.s32 $0x10200  }
0x166: {  	[tilespmem:s13], [sflag:$0x3] =	stream.indirect_vreg.gather [hbm4b:s6+s3], $0x80, v4, vm0, $0xb8;
	[tilespmem:$0x1E200] =	vst v63  }
0x167: {  	s13 =	simm.s32 $0x10A00  }
0x168: {  	[tilespmem:s13], [sflag:$0x3] =	stream.indirect_vreg.gather [hbm4b:s1+s3], $0x80, v3, vm0, $0xb8;
	[tilespmem:$0x1E200] =	vst v63  }
0x169: {  	s13 =	simm.s32 $0x11200  }
0x16a: {  	[tilespmem:s13], [sflag:$0x3] =	stream.indirect_vreg.gather [hbm4b:s5+s3], $0x80, v3, vm0, $0xb8;
	[tilespmem:$0x1E200] =	vst v63  }
0x16b: {  	s13 =	simm.s32 $0x11A00  }
0x16c: {  	[tilespmem:s13], [sflag:$0x3] =	stream.indirect_vreg.gather [hbm4b:s6+s3], $0x80, v3, vm0, $0xb8;
	[tilespmem:$0x1E200] =	vst v63  }
0x16d: {  	_ =	swait.ge [sflag:s25], $0x6000  }
0x16e: {  	[sflag:s25] =	ssyncset.done $0x0  }
0x16f: {  	s13 =	rddreg [dreg:$0x8];
	[sflag:s25] =	ssyncadd.s32 $0xFFFFA000  }
0x170: {  	[hbm4b:s13+s3] =	stream.linear.scatter [tilespmem:s10], [sflag:$0x9], $0x6000, $0x38;
	[tilespmem:$0x1E200] =	vst v63  }
0x171: {  	_ =	swait.ge [sflag:s28], $0x6000  }
0x172: {  	[sflag:s28] =	ssyncset.done $0x0  }
0x173: {  	[sflag:s28] =	ssyncadd.s32 $0xFFFFA000  }
0x174: {  	v3 =	vld [tilespmem:$0x100];
	_ =	sdelay $0x4  }
0x175: {  	v48 =	vshrl.u32 v3, $0x3  }
0x176: {  	v4 =	vmul.u32 $0x30, v48  }
0x177: {  	v3 =	vand.u32 $0x7, v3  }
0x178: {  	v3 =	vor.u32 v3, v4  }
0x179: {  	v4 =	vperm.xlane v3, v0;
	_ =	sdelay $0x1  }
0x17a: {  	v4 =	vadd.s32 v1, v4;
	_ =	sdelay $0x3  }
0x17b: {  	v3 =	vperm.xlane v3, v2  }
0x17c: {  	[tilespmem:s10], [sflag:$0x4] =	stream.indirect_vreg.gather [hbm4b:s1+s3], $0x80, v4, vm0, $0xb8;
	[tilespmem:$0x1E200] =	vst v63  }
0x17d: {  	s13 =	simm.s32 $0x12A00;
	v3 =	vadd.s32 v1, v3  }
0x17e: {  	[tilespmem:s13], [sflag:$0x4] =	stream.indirect_vreg.gather [hbm4b:s5+s3], $0x80, v4, vm0, $0xb8;
	[tilespmem:$0x1E200] =	vst v63  }
0x17f: {  	s13 =	simm.s32 $0x13200  }
0x180: {  	[tilespmem:s13], [sflag:$0x4] =	stream.indirect_vreg.gather [hbm4b:s6+s3], $0x80, v4, vm0, $0xb8;
	[tilespmem:$0x1E200] =	vst v63  }
0x181: {  	s13 =	simm.s32 $0x13A00  }
0x182: {  	[tilespmem:s13], [sflag:$0x4] =	stream.indirect_vreg.gather [hbm4b:s1+s3], $0x80, v3, vm0, $0xb8;
	[tilespmem:$0x1E200] =	vst v63  }
0x183: {  	s13 =	simm.s32 $0x14200  }
0x184: {  	[tilespmem:s13], [sflag:$0x4] =	stream.indirect_vreg.gather [hbm4b:s5+s3], $0x80, v3, vm0, $0xb8;
	[tilespmem:$0x1E200] =	vst v63  }
0x185: {  	s13 =	simm.s32 $0x14A00  }
0x186: {  	[tilespmem:s13], [sflag:$0x4] =	stream.indirect_vreg.gather [hbm4b:s6+s3], $0x80, v3, vm0, $0xb8;
	[tilespmem:$0x1E200] =	vst v63  }
0x187: {  	v3 =	vld [tilespmem:$0x110];
	_ =	sdelay $0x4  }
0x188: {  	v49 =	vshrl.u32 v3, $0x3  }
0x189: {  	v4 =	vmul.u32 $0x30, v49  }
0x18a: {  	v3 =	vand.u32 $0x7, v3  }
0x18b: {  	v3 =	vor.u32 v3, v4  }
0x18c: {  	v4 =	vperm.xlane v3, v0;
	_ =	sdelay $0x1  }
0x18d: {  	v4 =	vadd.s32 v1, v4;
	_ =	sdelay $0x3  }
0x18e: {  	s13 =	simm.s32 $0x15200;
	v3 =	vperm.xlane v3, v2  }
0x18f: {  	[tilespmem:s13], [sflag:$0x4] =	stream.indirect_vreg.gather [hbm4b:s1+s3], $0x80, v4, vm0, $0xb8;
	[tilespmem:$0x1E200] =	vst v63  }
0x190: {  	v3 =	vadd.s32 v1, v3;
	s13 =	simm.s32 $0x15A00  }
0x191: {  	[tilespmem:s13], [sflag:$0x4] =	stream.indirect_vreg.gather [hbm4b:s5+s3], $0x80, v4, vm0, $0xb8;
	[tilespmem:$0x1E200] =	vst v63  }
0x192: {  	s13 =	simm.s32 $0x16200  }
0x193: {  	[tilespmem:s13], [sflag:$0x4] =	stream.indirect_vreg.gather [hbm4b:s6+s3], $0x80, v4, vm0, $0xb8;
	[tilespmem:$0x1E200] =	vst v63  }
0x194: {  	s13 =	simm.s32 $0x16A00  }
0x195: {  	[tilespmem:s13], [sflag:$0x4] =	stream.indirect_vreg.gather [hbm4b:s1+s3], $0x80, v3, vm0, $0xb8;
	[tilespmem:$0x1E200] =	vst v63  }
0x196: {  	s13 =	simm.s32 $0x17200  }
0x197: {  	[tilespmem:s13], [sflag:$0x4] =	stream.indirect_vreg.gather [hbm4b:s5+s3], $0x80, v3, vm0, $0xb8;
	[tilespmem:$0x1E200] =	vst v63  }
0x198: {  	s13 =	simm.s32 $0x17A00  }
0x199: {  	[tilespmem:s13], [sflag:$0x4] =	stream.indirect_vreg.gather [hbm4b:s6+s3], $0x80, v3, vm0, $0xb8;
	[tilespmem:$0x1E200] =	vst v63  }
0x19a: {  	_ =	swait.ge [sflag:s29], $0x6000  }
0x19b: {  	[sflag:s29] =	ssyncset.done $0x0  }
0x19c: {  	s13 =	rddreg [dreg:$0x9];
	[sflag:s29] =	ssyncadd.s32 $0xFFFFA000  }
0x19d: {  	[hbm4b:s13+s3] =	stream.linear.scatter [tilespmem:s17], [sflag:$0xA], $0x6000, $0x38;
	[tilespmem:$0x1E200] =	vst v63  }
0x19e: {  	_ =	swait.ge [sflag:s12], $0x6000  }
0x19f: {  	[sflag:s12] =	ssyncset.done $0x0  }
0x1a0: {  	[sflag:s12] =	ssyncadd.s32 $0xFFFFA000  }
0x1a1: {  	v3 =	vld [tilespmem:$0x120];
	_ =	sdelay $0x4  }
0x1a2: {  	v50 =	vshrl.u32 v3, $0x3  }
0x1a3: {  	v4 =	vmul.u32 $0x30, v50  }
0x1a4: {  	v3 =	vand.u32 $0x7, v3  }
0x1a5: {  	v3 =	vor.u32 v3, v4  }
0x1a6: {  	v4 =	vperm.xlane v3, v0;
	_ =	sdelay $0x1  }
0x1a7: {  	v4 =	vadd.s32 v1, v4;
	_ =	sdelay $0x3  }
0x1a8: {  	v3 =	vperm.xlane v3, v2  }
0x1a9: {  	[tilespmem:s17], [sflag:$0x5] =	stream.indirect_vreg.gather [hbm4b:s1+s3], $0x80, v4, vm0, $0xb8;
	[tilespmem:$0x1E200] =	vst v63  }
0x1aa: {  	s13 =	simm.s32 $0x18A00;
	v3 =	vadd.s32 v1, v3  }
0x1ab: {  	[tilespmem:s13], [sflag:$0x5] =	stream.indirect_vreg.gather [hbm4b:s5+s3], $0x80, v4, vm0, $0xb8;
	[tilespmem:$0x1E200] =	vst v63  }
0x1ac: {  	s13 =	simm.s32 $0x19200  }
0x1ad: {  	[tilespmem:s13], [sflag:$0x5] =	stream.indirect_vreg.gather [hbm4b:s6+s3], $0x80, v4, vm0, $0xb8;
	[tilespmem:$0x1E200] =	vst v63  }
0x1ae: {  	s13 =	simm.s32 $0x19A00  }
0x1af: {  	[tilespmem:s13], [sflag:$0x5] =	stream.indirect_vreg.gather [hbm4b:s1+s3], $0x80, v3, vm0, $0xb8;
	[tilespmem:$0x1E200] =	vst v63  }
0x1b0: {  	s13 =	simm.s32 $0x1A200  }
0x1b1: {  	[tilespmem:s13], [sflag:$0x5] =	stream.indirect_vreg.gather [hbm4b:s5+s3], $0x80, v3, vm0, $0xb8;
	[tilespmem:$0x1E200] =	vst v63  }
0x1b2: {  	s13 =	simm.s32 $0x1AA00  }
0x1b3: {  	[tilespmem:s13], [sflag:$0x5] =	stream.indirect_vreg.gather [hbm4b:s6+s3], $0x80, v3, vm0, $0xb8;
	[tilespmem:$0x1E200] =	vst v63  }
0x1b4: {  	v3 =	vld [tilespmem:$0x130];
	_ =	sdelay $0x4  }
0x1b5: {  	v51 =	vshrl.u32 v3, $0x3  }
0x1b6: {  	v4 =	vmul.u32 $0x30, v51  }
0x1b7: {  	v3 =	vand.u32 $0x7, v3  }
0x1b8: {  	v3 =	vor.u32 v3, v4  }
0x1b9: {  	v4 =	vperm.xlane v3, v0;
	_ =	sdelay $0x1  }
0x1ba: {  	v4 =	vadd.s32 v1, v4;
	_ =	sdelay $0x3  }
0x1bb: {  	s13 =	simm.s32 $0x1B200;
	v3 =	vperm.xlane v3, v2  }
0x1bc: {  	[tilespmem:s13], [sflag:$0x5] =	stream.indirect_vreg.gather [hbm4b:s1+s3], $0x80, v4, vm0, $0xb8;
	[tilespmem:$0x1E200] =	vst v63  }
0x1bd: {  	v3 =	vadd.s32 v1, v3;
	s13 =	simm.s32 $0x1BA00  }
0x1be: {  	[tilespmem:s13], [sflag:$0x5] =	stream.indirect_vreg.gather [hbm4b:s5+s3], $0x80, v4, vm0, $0xb8;
	[tilespmem:$0x1E200] =	vst v63  }
0x1bf: {  	s13 =	simm.s32 $0x1C200  }
0x1c0: {  	[tilespmem:s13], [sflag:$0x5] =	stream.indirect_vreg.gather [hbm4b:s6+s3], $0x80, v4, vm0, $0xb8;
	[tilespmem:$0x1E200] =	vst v63  }
0x1c1: {  	s13 =	simm.s32 $0x1CA00  }
0x1c2: {  	[tilespmem:s13], [sflag:$0x5] =	stream.indirect_vreg.gather [hbm4b:s1+s3], $0x80, v3, vm0, $0xb8;
	[tilespmem:$0x1E200] =	vst v63  }
0x1c3: {  	s13 =	simm.s32 $0x1D200  }
0x1c4: {  	[tilespmem:s13], [sflag:$0x5] =	stream.indirect_vreg.gather [hbm4b:s5+s3], $0x80, v3, vm0, $0xb8;
	[tilespmem:$0x1E200] =	vst v63  }
0x1c5: {  	s13 =	simm.s32 $0x1DA00  }
0x1c6: {  	[tilespmem:s13], [sflag:$0x5] =	stream.indirect_vreg.gather [hbm4b:s6+s3], $0x80, v3, vm0, $0xb8;
	[tilespmem:$0x1E200] =	vst v63  }
0x1c7: {  	_ =	swait.ge [sflag:s30], $0x6000  }
0x1c8: {  	[sflag:s30] =	ssyncset.done $0x0  }
0x1c9: {  	s13 =	rddreg [dreg:$0xa];
	[sflag:s30] =	ssyncadd.s32 $0xFFFFA000  }
0x1ca: {  	[hbm4b:s13+s3] =	stream.linear.scatter [tilespmem:s24], [sflag:$0x6], $0x6000, $0x38;
	[tilespmem:$0x1E200] =	vst v63  }
0x1cb: {  	_ =	swait.ge [sflag:s31], $0x6000  }
0x1cc: {  	[sflag:s31] =	ssyncset.done $0x0  }
0x1cd: {  	[sflag:s31] =	ssyncadd.s32 $0xFFFFA000  }
0x1ce: {  	v3 =	vld [tilespmem:$0x140];
	_ =	sdelay $0x4  }
0x1cf: {  	v52 =	vshrl.u32 v3, $0x3  }
0x1d0: {  	v4 =	vmul.u32 $0x30, v52  }
0x1d1: {  	v3 =	vand.u32 $0x7, v3  }
0x1d2: {  	v3 =	vor.u32 v3, v4  }
0x1d3: {  	v4 =	vperm.xlane v3, v0;
	_ =	sdelay $0x1  }
0x1d4: {  	v4 =	vadd.s32 v1, v4;
	_ =	sdelay $0x3  }
0x1d5: {  	v3 =	vperm.xlane v3, v2  }
0x1d6: {  	[tilespmem:s24], [sflag:$0x1] =	stream.indirect_vreg.gather [hbm4b:s1+s3], $0x80, v4, vm0, $0xb8;
	[tilespmem:$0x1E200] =	vst v63  }
0x1d7: {  	v3 =	vadd.s32 v1, v3  }
0x1d8: {  	[tilespmem:s14], [sflag:$0x1] =	stream.indirect_vreg.gather [hbm4b:s5+s3], $0x80, v4, vm0, $0xb8;
	[tilespmem:$0x1E200] =	vst v63  }
0x1d9: {  	_ = 	snop  }
0x1da: {  	[tilespmem:s15], [sflag:$0x1] =	stream.indirect_vreg.gather [hbm4b:s6+s3], $0x80, v4, vm0, $0xb8;
	[tilespmem:$0x1E200] =	vst v63  }
0x1db: {  	_ = 	snop  }
0x1dc: {  	[tilespmem:s16], [sflag:$0x1] =	stream.indirect_vreg.gather [hbm4b:s1+s3], $0x80, v3, vm0, $0xb8;
	[tilespmem:$0x1E200] =	vst v63  }
0x1dd: {  	_ = 	snop  }
0x1de: {  	[tilespmem:s23], [sflag:$0x1] =	stream.indirect_vreg.gather [hbm4b:s5+s3], $0x80, v3, vm0, $0xb8;
	[tilespmem:$0x1E200] =	vst v63  }
0x1df: {  	s13 =	simm.s32 $0x2A00  }
0x1e0: {  	[tilespmem:s13], [sflag:$0x1] =	stream.indirect_vreg.gather [hbm4b:s6+s3], $0x80, v3, vm0, $0xb8;
	[tilespmem:$0x1E200] =	vst v63  }
0x1e1: {  	v3 =	vld [tilespmem:$0x150];
	_ =	sdelay $0x4  }
0x1e2: {  	v53 =	vshrl.u32 v3, $0x3  }
0x1e3: {  	v4 =	vmul.u32 $0x30, v53  }
0x1e4: {  	v3 =	vand.u32 $0x7, v3  }
0x1e5: {  	v3 =	vor.u32 v3, v4  }
0x1e6: {  	v4 =	vperm.xlane v3, v0;
	_ =	sdelay $0x1  }
0x1e7: {  	v4 =	vadd.s32 v1, v4;
	_ =	sdelay $0x3  }
0x1e8: {  	s13 =	simm.s32 $0x3200;
	v3 =	vperm.xlane v3, v2  }
0x1e9: {  	[tilespmem:s13], [sflag:$0x1] =	stream.indirect_vreg.gather [hbm4b:s1+s3], $0x80, v4, vm0, $0xb8;
	[tilespmem:$0x1E200] =	vst v63  }
0x1ea: {  	v3 =	vadd.s32 v1, v3  }
0x1eb: {  	[tilespmem:s18], [sflag:$0x1] =	stream.indirect_vreg.gather [hbm4b:s5+s3], $0x80, v4, vm0, $0xb8;
	[tilespmem:$0x1E200] =	vst v63  }
0x1ec: {  	_ = 	snop  }
0x1ed: {  	[tilespmem:s19], [sflag:$0x1] =	stream.indirect_vreg.gather [hbm4b:s6+s3], $0x80, v4, vm0, $0xb8;
	[tilespmem:$0x1E200] =	vst v63  }
0x1ee: {  	_ = 	snop  }
0x1ef: {  	[tilespmem:s20], [sflag:$0x1] =	stream.indirect_vreg.gather [hbm4b:s1+s3], $0x80, v3, vm0, $0xb8;
	[tilespmem:$0x1E200] =	vst v63  }
0x1f0: {  	_ = 	snop  }
0x1f1: {  	[tilespmem:s21], [sflag:$0x1] =	stream.indirect_vreg.gather [hbm4b:s5+s3], $0x80, v3, vm0, $0xb8;
	[tilespmem:$0x1E200] =	vst v63  }
0x1f2: {  	_ = 	snop  }
0x1f3: {  	[tilespmem:s22], [sflag:$0x1] =	stream.indirect_vreg.gather [hbm4b:s6+s3], $0x80, v3, vm0, $0xb8;
	[tilespmem:$0x1E200] =	vst v63  }
0x1f4: {  	_ =	swait.ge [sflag:s2], $0x6000  }
0x1f5: {  	[sflag:s2] =	ssyncset.done $0x0  }
0x1f6: {  	s13 =	rddreg [dreg:$0xb];
	[sflag:s2] =	ssyncadd.s32 $0xFFFFA000  }
0x1f7: {  	[hbm4b:s13+s3] =	stream.linear.scatter [tilespmem:s4], [sflag:$0x7], $0x6000, $0x38;
	[tilespmem:$0x1E200] =	vst v63  }
0x1f8: {  	_ =	swait.ge [sflag:s0], $0x6000  }
0x1f9: {  	[sflag:s0] =	ssyncset.done $0x0  }
0x1fa: {  	[sflag:s0] =	ssyncadd.s32 $0xFFFFA000  }
0x1fb: {  	v3 =	vld [tilespmem:$0x160];
	_ =	sdelay $0x4  }
0x1fc: {  	v54 =	vshrl.u32 v3, $0x3  }
0x1fd: {  	v4 =	vmul.u32 $0x30, v54  }
0x1fe: {  	v3 =	vand.u32 $0x7, v3  }
0x1ff: {  	v3 =	vor.u32 v3, v4  }
0x200: {  	v4 =	vperm.xlane v3, v0;
	_ =	sdelay $0x1  }
0x201: {  	v4 =	vadd.s32 v1, v4;
	_ =	sdelay $0x3  }
0x202: {  	v3 =	vperm.xlane v3, v2  }
0x203: {  	[tilespmem:s4], [sflag:$0x2] =	stream.indirect_vreg.gather [hbm4b:s1+s3], $0x80, v4, vm0, $0xb8;
	[tilespmem:$0x1E200] =	vst v63  }
0x204: {  	s13 =	simm.s32 $0x6A00;
	v3 =	vadd.s32 v1, v3  }
0x205: {  	[tilespmem:s13], [sflag:$0x2] =	stream.indirect_vreg.gather [hbm4b:s5+s3], $0x80, v4, vm0, $0xb8;
	[tilespmem:$0x1E200] =	vst v63  }
0x206: {  	s13 =	simm.s32 $0x7200  }
0x207: {  	[tilespmem:s13], [sflag:$0x2] =	stream.indirect_vreg.gather [hbm4b:s6+s3], $0x80, v4, vm0, $0xb8;
	[tilespmem:$0x1E200] =	vst v63  }
0x208: {  	s13 =	simm.s32 $0x7A00  }
0x209: {  	[tilespmem:s13], [sflag:$0x2] =	stream.indirect_vreg.gather [hbm4b:s1+s3], $0x80, v3, vm0, $0xb8;
	[tilespmem:$0x1E200] =	vst v63  }
0x20a: {  	s13 =	simm.s32 $0x8200  }
0x20b: {  	[tilespmem:s13], [sflag:$0x2] =	stream.indirect_vreg.gather [hbm4b:s5+s3], $0x80, v3, vm0, $0xb8;
	[tilespmem:$0x1E200] =	vst v63  }
0x20c: {  	s13 =	simm.s32 $0x8A00  }
0x20d: {  	[tilespmem:s13], [sflag:$0x2] =	stream.indirect_vreg.gather [hbm4b:s6+s3], $0x80, v3, vm0, $0xb8;
	[tilespmem:$0x1E200] =	vst v63  }
0x20e: {  	v3 =	vld [tilespmem:$0x170];
	_ =	sdelay $0x4  }
0x20f: {  	v55 =	vshrl.u32 v3, $0x3  }
0x210: {  	v4 =	vmul.u32 $0x30, v55  }
0x211: {  	v3 =	vand.u32 $0x7, v3  }
0x212: {  	v3 =	vor.u32 v3, v4  }
0x213: {  	v4 =	vperm.xlane v3, v0;
	_ =	sdelay $0x1  }
0x214: {  	v4 =	vadd.s32 v1, v4;
	_ =	sdelay $0x3  }
0x215: {  	s13 =	simm.s32 $0x9200;
	v3 =	vperm.xlane v3, v2  }
0x216: {  	[tilespmem:s13], [sflag:$0x2] =	stream.indirect_vreg.gather [hbm4b:s1+s3], $0x80, v4, vm0, $0xb8;
	[tilespmem:$0x1E200] =	vst v63  }
0x217: {  	v3 =	vadd.s32 v1, v3;
	s13 =	simm.s32 $0x9A00  }
0x218: {  	[tilespmem:s13], [sflag:$0x2] =	stream.indirect_vreg.gather [hbm4b:s5+s3], $0x80, v4, vm0, $0xb8;
	[tilespmem:$0x1E200] =	vst v63  }
0x219: {  	s13 =	simm.s32 $0xA200  }
0x21a: {  	[tilespmem:s13], [sflag:$0x2] =	stream.indirect_vreg.gather [hbm4b:s6+s3], $0x80, v4, vm0, $0xb8;
	[tilespmem:$0x1E200] =	vst v63  }
0x21b: {  	_ = 	snop  }
0x21c: {  	[tilespmem:s26], [sflag:$0x2] =	stream.indirect_vreg.gather [hbm4b:s1+s3], $0x80, v3, vm0, $0xb8;
	[tilespmem:$0x1E200] =	vst v63  }
0x21d: {  	s13 =	simm.s32 $0xB200  }
0x21e: {  	[tilespmem:s13], [sflag:$0x2] =	stream.indirect_vreg.gather [hbm4b:s5+s3], $0x80, v3, vm0, $0xb8;
	[tilespmem:$0x1E200] =	vst v63  }
0x21f: {  	s13 =	simm.s32 $0xBA00  }
0x220: {  	[tilespmem:s13], [sflag:$0x2] =	stream.indirect_vreg.gather [hbm4b:s6+s3], $0x80, v3, vm0, $0xb8;
	[tilespmem:$0x1E200] =	vst v63  }
0x221: {  	_ =	swait.ge [sflag:s8], $0x6000  }
0x222: {  	[sflag:s8] =	ssyncset.done $0x0  }
0x223: {  	s13 =	rddreg [dreg:$0xc];
	[sflag:s8] =	ssyncadd.s32 $0xFFFFA000  }
0x224: {  	[hbm4b:s13+s3] =	stream.linear.scatter [tilespmem:s11], [sflag:$0x8], $0x6000, $0x38;
	[tilespmem:$0x1E200] =	vst v63  }
0x225: {  	_ =	swait.ge [sflag:s9], $0x6000  }
0x226: {  	[sflag:s9] =	ssyncset.done $0x0  }
0x227: {  	[sflag:s9] =	ssyncadd.s32 $0xFFFFA000  }
0x228: {  	v3 =	vld [tilespmem:$0x180];
	_ =	sdelay $0x4  }
0x229: {  	v56 =	vshrl.u32 v3, $0x3  }
0x22a: {  	v4 =	vmul.u32 $0x30, v56  }
0x22b: {  	v3 =	vand.u32 $0x7, v3  }
0x22c: {  	v3 =	vor.u32 v3, v4  }
0x22d: {  	v4 =	vperm.xlane v3, v0;
	_ =	sdelay $0x1  }
0x22e: {  	v4 =	vadd.s32 v1, v4;
	_ =	sdelay $0x3  }
0x22f: {  	v3 =	vperm.xlane v3, v2  }
0x230: {  	[tilespmem:s11], [sflag:$0x3] =	stream.indirect_vreg.gather [hbm4b:s1+s3], $0x80, v4, vm0, $0xb8;
	[tilespmem:$0x1E200] =	vst v63  }
0x231: {  	s13 =	simm.s32 $0xCA00;
	v3 =	vadd.s32 v1, v3  }
0x232: {  	[tilespmem:s13], [sflag:$0x3] =	stream.indirect_vreg.gather [hbm4b:s5+s3], $0x80, v4, vm0, $0xb8;
	[tilespmem:$0x1E200] =	vst v63  }
0x233: {  	s13 =	simm.s32 $0xD200  }
0x234: {  	[tilespmem:s13], [sflag:$0x3] =	stream.indirect_vreg.gather [hbm4b:s6+s3], $0x80, v4, vm0, $0xb8;
	[tilespmem:$0x1E200] =	vst v63  }
0x235: {  	s13 =	simm.s32 $0xDA00  }
0x236: {  	[tilespmem:s13], [sflag:$0x3] =	stream.indirect_vreg.gather [hbm4b:s1+s3], $0x80, v3, vm0, $0xb8;
	[tilespmem:$0x1E200] =	vst v63  }
0x237: {  	s13 =	simm.s32 $0xE200  }
0x238: {  	[tilespmem:s13], [sflag:$0x3] =	stream.indirect_vreg.gather [hbm4b:s5+s3], $0x80, v3, vm0, $0xb8;
	[tilespmem:$0x1E200] =	vst v63  }
0x239: {  	s13 =	simm.s32 $0xEA00  }
0x23a: {  	[tilespmem:s13], [sflag:$0x3] =	stream.indirect_vreg.gather [hbm4b:s6+s3], $0x80, v3, vm0, $0xb8;
	[tilespmem:$0x1E200] =	vst v63  }
0x23b: {  	v3 =	vld [tilespmem:$0x190];
	_ =	sdelay $0x4  }
0x23c: {  	v57 =	vshrl.u32 v3, $0x3  }
0x23d: {  	v4 =	vmul.u32 $0x30, v57  }
0x23e: {  	v3 =	vand.u32 $0x7, v3  }
0x23f: {  	v3 =	vor.u32 v3, v4  }
0x240: {  	v4 =	vperm.xlane v3, v0;
	_ =	sdelay $0x1  }
0x241: {  	v4 =	vadd.s32 v1, v4;
	_ =	sdelay $0x3  }
0x242: {  	s13 =	simm.s32 $0xF200;
	v3 =	vperm.xlane v3, v2  }
0x243: {  	[tilespmem:s13], [sflag:$0x3] =	stream.indirect_vreg.gather [hbm4b:s1+s3], $0x80, v4, vm0, $0xb8;
	[tilespmem:$0x1E200] =	vst v63  }
0x244: {  	v3 =	vadd.s32 v1, v3;
	s13 =	simm.s32 $0xFA00  }
0x245: {  	[tilespmem:s13], [sflag:$0x3] =	stream.indirect_vreg.gather [hbm4b:s5+s3], $0x80, v4, vm0, $0xb8;
	[tilespmem:$0x1E200] =	vst v63  }
0x246: {  	s13 =	simm.s32 $0x10200  }
0x247: {  	[tilespmem:s13], [sflag:$0x3] =	stream.indirect_vreg.gather [hbm4b:s6+s3], $0x80, v4, vm0, $0xb8;
	[tilespmem:$0x1E200] =	vst v63  }
0x248: {  	s13 =	simm.s32 $0x10A00  }
0x249: {  	[tilespmem:s13], [sflag:$0x3] =	stream.indirect_vreg.gather [hbm4b:s1+s3], $0x80, v3, vm0, $0xb8;
	[tilespmem:$0x1E200] =	vst v63  }
0x24a: {  	s13 =	simm.s32 $0x11200  }
0x24b: {  	[tilespmem:s13], [sflag:$0x3] =	stream.indirect_vreg.gather [hbm4b:s5+s3], $0x80, v3, vm0, $0xb8;
	[tilespmem:$0x1E200] =	vst v63  }
0x24c: {  	s13 =	simm.s32 $0x11A00  }
0x24d: {  	[tilespmem:s13], [sflag:$0x3] =	stream.indirect_vreg.gather [hbm4b:s6+s3], $0x80, v3, vm0, $0xb8;
	[tilespmem:$0x1E200] =	vst v63  }
0x24e: {  	_ =	swait.ge [sflag:s25], $0x6000  }
0x24f: {  	[sflag:s25] =	ssyncset.done $0x0  }
0x250: {  	s13 =	rddreg [dreg:$0xd];
	[sflag:s25] =	ssyncadd.s32 $0xFFFFA000  }
0x251: {  	[hbm4b:s13+s3] =	stream.linear.scatter [tilespmem:s10], [sflag:$0x9], $0x6000, $0x38;
	[tilespmem:$0x1E200] =	vst v63  }
0x252: {  	_ =	swait.ge [sflag:s28], $0x6000  }
0x253: {  	[sflag:s28] =	ssyncset.done $0x0  }
0x254: {  	[sflag:s28] =	ssyncadd.s32 $0xFFFFA000  }
0x255: {  	v3 =	vld [tilespmem:$0x1A0];
	_ =	sdelay $0x4  }
0x256: {  	v58 =	vshrl.u32 v3, $0x3  }
0x257: {  	v4 =	vmul.u32 $0x30, v58  }
0x258: {  	v3 =	vand.u32 $0x7, v3  }
0x259: {  	v3 =	vor.u32 v3, v4  }
0x25a: {  	v4 =	vperm.xlane v3, v0;
	_ =	sdelay $0x1  }
0x25b: {  	v4 =	vadd.s32 v1, v4;
	_ =	sdelay $0x3  }
0x25c: {  	v3 =	vperm.xlane v3, v2  }
0x25d: {  	[tilespmem:s10], [sflag:$0x4] =	stream.indirect_vreg.gather [hbm4b:s1+s3], $0x80, v4, vm0, $0xb8;
	[tilespmem:$0x1E200] =	vst v63  }
0x25e: {  	s13 =	simm.s32 $0x12A00;
	v3 =	vadd.s32 v1, v3  }
0x25f: {  	[tilespmem:s13], [sflag:$0x4] =	stream.indirect_vreg.gather [hbm4b:s5+s3], $0x80, v4, vm0, $0xb8;
	[tilespmem:$0x1E200] =	vst v63  }
0x260: {  	s13 =	simm.s32 $0x13200  }
0x261: {  	[tilespmem:s13], [sflag:$0x4] =	stream.indirect_vreg.gather [hbm4b:s6+s3], $0x80, v4, vm0, $0xb8;
	[tilespmem:$0x1E200] =	vst v63  }
0x262: {  	s13 =	simm.s32 $0x13A00  }
0x263: {  	[tilespmem:s13], [sflag:$0x4] =	stream.indirect_vreg.gather [hbm4b:s1+s3], $0x80, v3, vm0, $0xb8;
	[tilespmem:$0x1E200] =	vst v63  }
0x264: {  	s13 =	simm.s32 $0x14200  }
0x265: {  	[tilespmem:s13], [sflag:$0x4] =	stream.indirect_vreg.gather [hbm4b:s5+s3], $0x80, v3, vm0, $0xb8;
	[tilespmem:$0x1E200] =	vst v63  }
0x266: {  	s13 =	simm.s32 $0x14A00  }
0x267: {  	[tilespmem:s13], [sflag:$0x4] =	stream.indirect_vreg.gather [hbm4b:s6+s3], $0x80, v3, vm0, $0xb8;
	[tilespmem:$0x1E200] =	vst v63  }
0x268: {  	v3 =	vld [tilespmem:$0x1B0];
	_ =	sdelay $0x4  }
0x269: {  	v59 =	vshrl.u32 v3, $0x3  }
0x26a: {  	v4 =	vmul.u32 $0x30, v59  }
0x26b: {  	v3 =	vand.u32 $0x7, v3  }
0x26c: {  	v3 =	vor.u32 v3, v4  }
0x26d: {  	v4 =	vperm.xlane v3, v0;
	_ =	sdelay $0x1  }
0x26e: {  	v4 =	vadd.s32 v1, v4;
	_ =	sdelay $0x3  }
0x26f: {  	s13 =	simm.s32 $0x15200;
	v3 =	vperm.xlane v3, v2  }
0x270: {  	[tilespmem:s13], [sflag:$0x4] =	stream.indirect_vreg.gather [hbm4b:s1+s3], $0x80, v4, vm0, $0xb8;
	[tilespmem:$0x1E200] =	vst v63  }
0x271: {  	v3 =	vadd.s32 v1, v3;
	s13 =	simm.s32 $0x15A00  }
0x272: {  	[tilespmem:s13], [sflag:$0x4] =	stream.indirect_vreg.gather [hbm4b:s5+s3], $0x80, v4, vm0, $0xb8;
	[tilespmem:$0x1E200] =	vst v63  }
0x273: {  	s13 =	simm.s32 $0x16200  }
0x274: {  	[tilespmem:s13], [sflag:$0x4] =	stream.indirect_vreg.gather [hbm4b:s6+s3], $0x80, v4, vm0, $0xb8;
	[tilespmem:$0x1E200] =	vst v63  }
0x275: {  	s13 =	simm.s32 $0x16A00  }
0x276: {  	[tilespmem:s13], [sflag:$0x4] =	stream.indirect_vreg.gather [hbm4b:s1+s3], $0x80, v3, vm0, $0xb8;
	[tilespmem:$0x1E200] =	vst v63  }
0x277: {  	s13 =	simm.s32 $0x17200  }
0x278: {  	[tilespmem:s13], [sflag:$0x4] =	stream.indirect_vreg.gather [hbm4b:s5+s3], $0x80, v3, vm0, $0xb8;
	[tilespmem:$0x1E200] =	vst v63  }
0x279: {  	s13 =	simm.s32 $0x17A00  }
0x27a: {  	[tilespmem:s13], [sflag:$0x4] =	stream.indirect_vreg.gather [hbm4b:s6+s3], $0x80, v3, vm0, $0xb8;
	[tilespmem:$0x1E200] =	vst v63  }
0x27b: {  	_ =	swait.ge [sflag:s29], $0x6000  }
0x27c: {  	[sflag:s29] =	ssyncset.done $0x0  }
0x27d: {  	s13 =	rddreg [dreg:$0xe];
	[sflag:s29] =	ssyncadd.s32 $0xFFFFA000  }
0x27e: {  	[hbm4b:s13+s3] =	stream.linear.scatter [tilespmem:s17], [sflag:$0xA], $0x6000, $0x38;
	[tilespmem:$0x1E200] =	vst v63  }
0x27f: {  	_ =	swait.ge [sflag:s12], $0x6000  }
0x280: {  	[sflag:s12] =	ssyncset.done $0x0  }
0x281: {  	[sflag:s12] =	ssyncadd.s32 $0xFFFFA000  }
0x282: {  	v3 =	vld [tilespmem:$0x1C0];
	_ =	sdelay $0x4  }
0x283: {  	v60 =	vshrl.u32 v3, $0x3  }
0x284: {  	v4 =	vmul.u32 $0x30, v60  }
0x285: {  	v3 =	vand.u32 $0x7, v3  }
0x286: {  	v3 =	vor.u32 v3, v4  }
0x287: {  	v4 =	vperm.xlane v3, v0;
	_ =	sdelay $0x1  }
0x288: {  	v4 =	vadd.s32 v1, v4;
	_ =	sdelay $0x3  }
0x289: {  	v3 =	vperm.xlane v3, v2  }
0x28a: {  	[tilespmem:s17], [sflag:$0x5] =	stream.indirect_vreg.gather [hbm4b:s1+s3], $0x80, v4, vm0, $0xb8;
	[tilespmem:$0x1E200] =	vst v63  }
0x28b: {  	s13 =	simm.s32 $0x18A00;
	v3 =	vadd.s32 v1, v3  }
0x28c: {  	[tilespmem:s13], [sflag:$0x5] =	stream.indirect_vreg.gather [hbm4b:s5+s3], $0x80, v4, vm0, $0xb8;
	[tilespmem:$0x1E200] =	vst v63  }
0x28d: {  	s13 =	simm.s32 $0x19200  }
0x28e: {  	[tilespmem:s13], [sflag:$0x5] =	stream.indirect_vreg.gather [hbm4b:s6+s3], $0x80, v4, vm0, $0xb8;
	[tilespmem:$0x1E200] =	vst v63  }
0x28f: {  	s13 =	simm.s32 $0x19A00  }
0x290: {  	[tilespmem:s13], [sflag:$0x5] =	stream.indirect_vreg.gather [hbm4b:s1+s3], $0x80, v3, vm0, $0xb8;
	[tilespmem:$0x1E200] =	vst v63  }
0x291: {  	s13 =	simm.s32 $0x1A200  }
0x292: {  	[tilespmem:s13], [sflag:$0x5] =	stream.indirect_vreg.gather [hbm4b:s5+s3], $0x80, v3, vm0, $0xb8;
	[tilespmem:$0x1E200] =	vst v63  }
0x293: {  	s13 =	simm.s32 $0x1AA00  }
0x294: {  	[tilespmem:s13], [sflag:$0x5] =	stream.indirect_vreg.gather [hbm4b:s6+s3], $0x80, v3, vm0, $0xb8;
	[tilespmem:$0x1E200] =	vst v63  }
0x295: {  	v3 =	vld [tilespmem:$0x1D0];
	_ =	sdelay $0x4  }
0x296: {  	v61 =	vshrl.u32 v3, $0x3  }
0x297: {  	v4 =	vmul.u32 $0x30, v61  }
0x298: {  	v3 =	vand.u32 $0x7, v3  }
0x299: {  	v3 =	vor.u32 v3, v4  }
0x29a: {  	v4 =	vperm.xlane v3, v0;
	_ =	sdelay $0x1  }
0x29b: {  	v4 =	vadd.s32 v1, v4;
	_ =	sdelay $0x3  }
0x29c: {  	s13 =	simm.s32 $0x1B200;
	v3 =	vperm.xlane v3, v2  }
0x29d: {  	[tilespmem:s13], [sflag:$0x5] =	stream.indirect_vreg.gather [hbm4b:s1+s3], $0x80, v4, vm0, $0xb8;
	[tilespmem:$0x1E200] =	vst v63  }
0x29e: {  	v3 =	vadd.s32 v1, v3;
	s13 =	simm.s32 $0x1BA00  }
0x29f: {  	[tilespmem:s13], [sflag:$0x5] =	stream.indirect_vreg.gather [hbm4b:s5+s3], $0x80, v4, vm0, $0xb8;
	[tilespmem:$0x1E200] =	vst v63  }
0x2a0: {  	s13 =	simm.s32 $0x1C200  }
0x2a1: {  	[tilespmem:s13], [sflag:$0x5] =	stream.indirect_vreg.gather [hbm4b:s6+s3], $0x80, v4, vm0, $0xb8;
	[tilespmem:$0x1E200] =	vst v63  }
0x2a2: {  	s13 =	simm.s32 $0x1CA00  }
0x2a3: {  	[tilespmem:s13], [sflag:$0x5] =	stream.indirect_vreg.gather [hbm4b:s1+s3], $0x80, v3, vm0, $0xb8;
	[tilespmem:$0x1E200] =	vst v63  }
0x2a4: {  	s13 =	simm.s32 $0x1D200  }
0x2a5: {  	[tilespmem:s13], [sflag:$0x5] =	stream.indirect_vreg.gather [hbm4b:s5+s3], $0x80, v3, vm0, $0xb8;
	[tilespmem:$0x1E200] =	vst v63  }
0x2a6: {  	s13 =	simm.s32 $0x1DA00  }
0x2a7: {  	[tilespmem:s13], [sflag:$0x5] =	stream.indirect_vreg.gather [hbm4b:s6+s3], $0x80, v3, vm0, $0xb8;
	[tilespmem:$0x1E200] =	vst v63  }
0x2a8: {  	_ =	swait.ge [sflag:s30], $0x6000  }
0x2a9: {  	[sflag:s30] =	ssyncset.done $0x0  }
0x2aa: {  	s13 =	rddreg [dreg:$0xf];
	[sflag:s30] =	ssyncadd.s32 $0xFFFFA000  }
0x2ab: {  	[hbm4b:s13+s3] =	stream.linear.scatter [tilespmem:s24], [sflag:$0x6], $0x6000, $0x38;
	[tilespmem:$0x1E200] =	vst v63  }
0x2ac: {  	_ =	swait.ge [sflag:s31], $0x6000  }
0x2ad: {  	[sflag:s31] =	ssyncset.done $0x0  }
0x2ae: {  	[sflag:s31] =	ssyncadd.s32 $0xFFFFA000  }
0x2af: {  	v3 =	vld [tilespmem:$0x1E0];
	_ =	sdelay $0x4  }
0x2b0: {  	v62 =	vshrl.u32 v3, $0x3  }
0x2b1: {  	v4 =	vmul.u32 $0x30, v62  }
0x2b2: {  	v3 =	vand.u32 $0x7, v3  }
0x2b3: {  	v3 =	vor.u32 v3, v4  }
0x2b4: {  	v4 =	vperm.xlane v3, v0;
	_ =	sdelay $0x1  }
0x2b5: {  	v4 =	vadd.s32 v1, v4;
	_ =	sdelay $0x3  }
0x2b6: {  	v3 =	vperm.xlane v3, v2  }
0x2b7: {  	[tilespmem:s24], [sflag:$0x1] =	stream.indirect_vreg.gather [hbm4b:s1+s3], $0x80, v4, vm0, $0xb8;
	[tilespmem:$0x1E200] =	vst v63  }
0x2b8: {  	s14 =	simm.s32 $0xA00;
	v3 =	vadd.s32 v1, v3  }
0x2b9: {  	[tilespmem:s14], [sflag:$0x1] =	stream.indirect_vreg.gather [hbm4b:s5+s3], $0x80, v4, vm0, $0xb8;
	[tilespmem:$0x1E200] =	vst v63  }
0x2ba: {  	s15 =	simm.s32 $0x1200  }
0x2bb: {  	[tilespmem:s15], [sflag:$0x1] =	stream.indirect_vreg.gather [hbm4b:s6+s3], $0x80, v4, vm0, $0xb8;
	[tilespmem:$0x1E200] =	vst v63  }
0x2bc: {  	s16 =	simm.s32 $0x1A00  }
0x2bd: {  	[tilespmem:s16], [sflag:$0x1] =	stream.indirect_vreg.gather [hbm4b:s1+s3], $0x80, v3, vm0, $0xb8;
	[tilespmem:$0x1E200] =	vst v63  }
0x2be: {  	s23 =	simm.s32 $0x2200  }
0x2bf: {  	[tilespmem:s23], [sflag:$0x1] =	stream.indirect_vreg.gather [hbm4b:s5+s3], $0x80, v3, vm0, $0xb8;
	[tilespmem:$0x1E200] =	vst v63  }
0x2c0: {  	s15 =	simm.s32 $0x2A00  }
0x2c1: {  	[tilespmem:s15], [sflag:$0x1] =	stream.indirect_vreg.gather [hbm4b:s6+s3], $0x80, v3, vm0, $0xb8;
	[tilespmem:$0x1E200] =	vst v63  }
0x2c2: {  	v3 =	vld [tilespmem:$0x1F0];
	_ =	sdelay $0x4  }
0x2c3: {  	v63 =	vshrl.u32 v3, $0x3  }
0x2c4: {  	v4 =	vmul.u32 $0x30, v63  }
0x2c5: {  	v3 =	vand.u32 $0x7, v3  }
0x2c6: {  	v3 =	vor.u32 v3, v4  }
0x2c7: {  	v4 =	vperm.xlane v3, v0;
	_ =	sdelay $0x1  }
0x2c8: {  	v4 =	vadd.s32 v1, v4;
	_ =	sdelay $0x3  }
0x2c9: {  	s16 =	simm.s32 $0x3200;
	v3 =	vperm.xlane v3, v2  }
0x2ca: {  	[tilespmem:s16], [sflag:$0x1] =	stream.indirect_vreg.gather [hbm4b:s1+s3], $0x80, v4, vm0, $0xb8;
	[tilespmem:$0x1E200] =	vst v63  }
0x2cb: {  	s18 =	simm.s32 $0x3A00;
	v3 =	vadd.s32 v1, v3  }
0x2cc: {  	[tilespmem:s18], [sflag:$0x1] =	stream.indirect_vreg.gather [hbm4b:s5+s3], $0x80, v4, vm0, $0xb8;
	[tilespmem:$0x1E200] =	vst v63  }
0x2cd: {  	s19 =	simm.s32 $0x4200  }
0x2ce: {  	[tilespmem:s19], [sflag:$0x1] =	stream.indirect_vreg.gather [hbm4b:s6+s3], $0x80, v4, vm0, $0xb8;
	[tilespmem:$0x1E200] =	vst v63  }
0x2cf: {  	s20 =	simm.s32 $0x4A00  }
0x2d0: {  	[tilespmem:s20], [sflag:$0x1] =	stream.indirect_vreg.gather [hbm4b:s1+s3], $0x80, v3, vm0, $0xb8;
	[tilespmem:$0x1E200] =	vst v63  }
0x2d1: {  	s21 =	simm.s32 $0x5200  }
0x2d2: {  	[tilespmem:s21], [sflag:$0x1] =	stream.indirect_vreg.gather [hbm4b:s5+s3], $0x80, v3, vm0, $0xb8;
	[tilespmem:$0x1E200] =	vst v63  }
0x2d3: {  	s22 =	simm.s32 $0x5A00  }
0x2d4: {  	[tilespmem:s22], [sflag:$0x1] =	stream.indirect_vreg.gather [hbm4b:s6+s3], $0x80, v3, vm0, $0xb8;
	[tilespmem:$0x1E200] =	vst v63  }
0x2d5: {  	_ =	swait.ge [sflag:s2], $0x6000  }
0x2d6: {  	[sflag:s2] =	ssyncset.done $0x0  }
0x2d7: {  	s19 =	rddreg [dreg:$0x10];
	[sflag:s2] =	ssyncadd.s32 $0xFFFFA000  }
0x2d8: {  	[hbm4b:s19+s3] =	stream.linear.scatter [tilespmem:s4], [sflag:$0x7], $0x6000, $0x38;
	[tilespmem:$0x1E200] =	vst v63  }
0x2d9: {  	_ =	swait.ge [sflag:s8], $0x6000  }
0x2da: {  	[sflag:s8] =	ssyncset.done $0x0  }
0x2db: {  	s20 =	rddreg [dreg:$0x11];
	[sflag:s8] =	ssyncadd.s32 $0xFFFFA000  }
0x2dc: {  	[hbm4b:s20+s3] =	stream.linear.scatter [tilespmem:s11], [sflag:$0x8], $0x6000, $0x38;
	[tilespmem:$0x1E200] =	vst v63  }
0x2dd: {  	_ =	swait.ge [sflag:s25], $0x6000  }
0x2de: {  	[sflag:s25] =	ssyncset.done $0x0  }
0x2df: {  	s21 =	rddreg [dreg:$0x12];
	[sflag:s25] =	ssyncadd.s32 $0xFFFFA000  }
0x2e0: {  	[hbm4b:s21+s3] =	stream.linear.scatter [tilespmem:s10], [sflag:$0x9], $0x6000, $0x38;
	[tilespmem:$0x1E200] =	vst v63  }
0x2e1: {  	_ =	swait.ge [sflag:s29], $0x6000  }
0x2e2: {  	[sflag:s29] =	ssyncset.done $0x0  }
0x2e3: {  	s22 =	rddreg [dreg:$0x13];
	[sflag:s29] =	ssyncadd.s32 $0xFFFFA000  }
0x2e4: {  	[hbm4b:s22+s3] =	stream.linear.scatter [tilespmem:s17], [sflag:$0xA], $0x6000, $0x38;
	[tilespmem:$0x1E200] =	vst v63  }
0x2e5: {  	_ =	swait.ge [sflag:s30], $0x6000  }
0x2e6: {  	[sflag:s30] =	ssyncset.done $0x0  }
0x2e7: {  	s23 =	rddreg [dreg:$0x14];
	[sflag:s30] =	ssyncadd.s32 $0xFFFFA000  }
0x2e8: {  	[hbm4b:s23+s3] =	stream.linear.scatter [tilespmem:s24], [sflag:$0x6], $0x6000, $0x38;
	[tilespmem:$0x1E200] =	vst v63  }
0x2e9: {  	_ =	swait.ge [sflag:s0], $0x6000  }
0x2ea: {  	[sflag:s0] =	ssyncset.done $0x0  }
0x2eb: {  	[sflag:s0] =	ssyncadd.s32 $0xFFFFA000  }
0x2ec: {  	_ =	swait.ge [sflag:s9], $0x6000  }
0x2ed: {  	[sflag:s9] =	ssyncset.done $0x0  }
0x2ee: {  	[sflag:s9] =	ssyncadd.s32 $0xFFFFA000  }
0x2ef: {  	_ =	swait.ge [sflag:s28], $0x6000  }
0x2f0: {  	[sflag:s28] =	ssyncset.done $0x0  }
0x2f1: {  	[sflag:s28] =	ssyncadd.s32 $0xFFFFA000  }
0x2f2: {  	p0 =	sne.s32 s7, $0x1;
	_ =	swait.ge [sflag:s12], $0x6000  }
.Ltmp0:
0x2f3: {  	[sflag:s12] =	ssyncset.done $0x0;
	(pc) =	sbr.rel @p0 .LBB2_1-.Ltmp0, $4  }
0x2f4: {  	[sflag:s12] =	ssyncadd.s32 $0xFFFFA000  }
0x2f5: {  	_ =	swait.ge [sflag:s31], $0x6000  }
0x2f6: {  	[sflag:s31] =	ssyncset.done $0x0  }
0x2f7: {  	s7 =	sadd.s32 $0xFFFFFFFF, s7;
	[sflag:s31] =	ssyncadd.s32 $0xFFFFA000  }
0x2f8: {  	_ =	sfence.sel $0x180000  }
0x2f9: {  	[bflag:$0x0] =	sbarrier.arrive $0xFFFF  }
0x2fa: {  	_ =	strace $0x90000047  }
0x2fb: {  	s0 =	stileid.u32;
	[bflag:$0x2] =	sbarrier.arrive $0xFFFF  }
0x2fc: {  	p0 =	sne.s32 s0, $0x0;
	s0 =	rddreg [dreg:$0x3]  }
0x2fd: {  	s0 =	sadd.s32 @!p0 $0x100000, s0  }
0x2fe: {  	[sflag:s0] =	ssyncadd.tile.s32 @!p0 $0x1;
	_ =	shalt  }
.Lfunc_end2:
_tile_overlayer_lowered:
.L_overlay_start_2:
0x2ff: {  	(tag) =	ssettag $0x2  }
0x300: {  	s0 =	rddreg [dreg:$0x0];
	s2 =	stileid.u32  }
0x301: {  	s1 =	rddreg [dreg:$0x1];
	p0 =	sne.s32 s2, $0x0  }
0x302: {  	s3 =	rddreg [dreg:$0x2];
	[bflag:$0x3] =	sbarrier.arrive $0xFFFF;
	s2 =	simm.s32 @!p0 $0x1C0B  }
0x303: {  	[timem:s3], [sflag:s2] =	dma.local @!p0 [hbm:s0], s1  }
0x304: {  	s0 =	simm.s32 @!p0 $0xB  }
0x305: {  	_ =	swait.ge @!p0 [sflag:s0], s1  }
0x306: {  	s1 =	ssub.s32 @!p0 $0x0, s1;
	[sflag:s0] =	ssyncset.done @!p0 $0x0  }
0x307: {  	[sflag:s0] =	ssyncadd.s32 @!p0 s1  }
0x308: {  	[bflag:$0x3] =	sbarrier.arrive $0xFFFF  }
0x309: {  	_ =	shalt  }

</sc_bundles>
